<compile_context>
chip_gen: v7x
topology: tpu7x:2x2x1
jax: 0.10.2.dev20260603
libtpu: 0.0.44.dev20260713+nightly
codegen_flags: <defaults>
</compile_context>

<pallas_src>
import functools

import jax
import jax.numpy as jnp
from jax import lax
from jax.experimental import pallas as pl
from jax.experimental.pallas import tpu as pltpu
from jax.experimental.pallas import tpu_sc as plsc

N = 10000
E = 320000
D = 128
L = 3

NC = 2
NS = 16
NW = NC * NS
K = 128
EPAD = 327680
NCH = EPAD // K
CPT = NCH // NS
NR = 5000
NPH = 5376
RPT = NPH // NS

_HI = jax.lax.Precision.HIGHEST
_mesh = plsc.VectorSubcoreMesh(core_axis_name="c", subcore_axis_name="s")


def _sc_scatter(row2, col_loc, meta, g, zk):

  nb = 2

  @functools.partial(
      pl.kernel,
      mesh=_mesh,
      out_type=jax.ShapeDtypeStruct((NC, NPH, D), jnp.float32),
      scratch_types=[
          pltpu.VMEM((CPT, K), jnp.int32),
          pltpu.VMEM((CPT, K), jnp.int32),
          pltpu.VMEM((128,), jnp.int32),
          [pltpu.VMEM((K, D), jnp.float32) for _ in range(nb)],
          [pltpu.SemaphoreType.DMA for _ in range(nb)],
          [pltpu.SemaphoreType.DMA for _ in range(nb)],
          pltpu.VMEM_SHARED((NPH, D), jnp.float32),
      ],
  )
  def body(row_hbm, col_hbm, meta_hbm, g_hbm, zero_hbm, out_hbm,
           ridx, cidx, metav, bufs, gsem, ssem, acc):
    cid = lax.axis_index("c")
    sid = lax.axis_index("s")

    pltpu.sync_copy(meta_hbm.at[cid, sid, 0], metav)
    mv = metav[pl.ds(0, 16)]
    start = mv[0]
    nch = mv[1]
    base = pl.multiple_of(jnp.minimum(start, NCH - CPT), 8)
    off = start - base
    pltpu.sync_copy(row_hbm.at[pl.ds(base, CPT)], ridx)
    pltpu.sync_copy(col_hbm.at[cid, pl.ds(base, CPT)], cidx)

    pltpu.sync_copy(zero_hbm, bufs[0])
    r0 = sid * RPT
    pltpu.sync_copy(bufs[0], acc.at[pl.ds(r0, K)])
    pltpu.sync_copy(bufs[0], acc.at[pl.ds(r0 + K, K)])
    pltpu.sync_copy(bufs[0].at[pl.ds(0, RPT - 2 * K)],
                    acc.at[pl.ds(r0 + 2 * K, RPT - 2 * K)])
    plsc.subcore_barrier()

    @pl.when(nch > 0)
    def _():
      for b in range(nb):
        pltpu.async_copy(g_hbm.at[ridx.at[off + b]], bufs[b], gsem[b])

    def step(t, carry):
      for b in range(nb):
        j = nb * t + b
        pltpu.make_async_copy(g_hbm.at[ridx.at[off + j]], bufs[b],
                              gsem[b]).wait()
        pltpu.sync_copy(bufs[b], acc.at[cidx.at[off + j]], add=True)

        @pl.when(t < nch // nb - 1)
        def _():
          pltpu.async_copy(g_hbm.at[ridx.at[off + j + nb]], bufs[b], gsem[b])
      return carry

    lax.fori_loop(0, nch // nb, step, 0)
    plsc.subcore_barrier()

    pltpu.sync_copy(acc.at[pl.ds(r0, RPT)], out_hbm.at[cid, pl.ds(r0, RPT)])

  return body(row2, col_loc, meta, g, zk)


_BN = 1000


def _acc_spec():
  return pl.BlockSpec((1, _BN, D), lambda i: (i // 5, i % 5, 0))


def _dinv_of(deg_ref, shape):
  return jnp.broadcast_to(jax.lax.rsqrt(deg_ref[0, :, 0:1] + 1.0), shape)


def _h_body(x_ref, w_ref, o_ref):
  o_ref[...] = jnp.dot(x_ref[...], w_ref[...],
                       preferred_element_type=jnp.float32, precision=_HI)


def _hcall(x, w):
  row = pl.BlockSpec((_BN, D), lambda i: (i, 0))
  return pl.pallas_call(
      _h_body,
      grid=(N // _BN,),
      in_specs=[row, pl.BlockSpec((D, D), lambda i: (0, 0))],
      out_specs=row,
      out_shape=jax.ShapeDtypeStruct((N, D), jnp.float32),
  )(x, w)


def _scale_body(h_ref, deg_ref, o_ref):
  o_ref[...] = _dinv_of(deg_ref, h_ref.shape) * h_ref[...]


def _scale(h, deg_acc):
  row = pl.BlockSpec((_BN, D), lambda i: (i, 0))
  return pl.pallas_call(
      _scale_body,
      grid=(N // _BN,),
      in_specs=[row, _acc_spec()],
      out_specs=row,
      out_shape=jax.ShapeDtypeStruct((N, D), jnp.float32),
  )(h, deg_acc)


def _ep_body(x_ref, g_ref, acc_ref, deg_ref, cb_ref, w1_ref, b1_ref,
             w2_ref, b2_ref, o_ref):
  z = _dinv_of(deg_ref, g_ref.shape) * (acc_ref[0] + g_ref[...]) + cb_ref[...]
  z = jnp.maximum(z, 0.0)
  t = jnp.dot(z, w1_ref[...], preferred_element_type=jnp.float32,
              precision=_HI) + b1_ref[...]
  t = jnp.maximum(t, 0.0)
  r = jnp.dot(t, w2_ref[...], preferred_element_type=jnp.float32,
              precision=_HI) + b2_ref[...]
  o_ref[...] = x_ref[...] + r


def _epilogue(x, g, acc, deg_acc, cb, w1, b1, w2, b2):
  mat = pl.BlockSpec((D, D), lambda i: (0, 0))
  vec = pl.BlockSpec((1, D), lambda i: (0, 0))
  row = pl.BlockSpec((_BN, D), lambda i: (i, 0))
  return pl.pallas_call(
      _ep_body,
      grid=(N // _BN,),
      in_specs=[row, row, _acc_spec(), _acc_spec(), vec, mat, vec, mat, vec],
      out_specs=row,
      out_shape=jax.ShapeDtypeStruct((N, D), jnp.float32),
  )(x, g, acc, deg_acc, cb, w1, b1, w2, b2)


def _epf_body(x_ref, g_ref, acc_ref, deg_ref, cb_ref, w1_ref, b1_ref,
              w2_ref, b2_ref, wn_ref, ox_ref, og_ref):
  dinv = _dinv_of(deg_ref, g_ref.shape)
  z = dinv * (acc_ref[0] + g_ref[...]) + cb_ref[...]
  z = jnp.maximum(z, 0.0)
  t = jnp.dot(z, w1_ref[...], preferred_element_type=jnp.float32,
              precision=_HI) + b1_ref[...]
  t = jnp.maximum(t, 0.0)
  r = jnp.dot(t, w2_ref[...], preferred_element_type=jnp.float32,
              precision=_HI) + b2_ref[...]
  xo = x_ref[...] + r
  ox_ref[...] = xo
  og_ref[...] = dinv * jnp.dot(
      xo, wn_ref[...], preferred_element_type=jnp.float32, precision=_HI)


def _ep_fused(x, g, acc, deg_acc, cb, w1, b1, w2, b2, wn):
  mat = pl.BlockSpec((D, D), lambda i: (0, 0))
  vec = pl.BlockSpec((1, D), lambda i: (0, 0))
  row = pl.BlockSpec((_BN, D), lambda i: (i, 0))
  return pl.pallas_call(
      _epf_body,
      grid=(N // _BN,),
      in_specs=[row, row, _acc_spec(), _acc_spec(), vec, mat, vec, mat, vec,
                mat],
      out_specs=[row, row],
      out_shape=[jax.ShapeDtypeStruct((N, D), jnp.float32),
                 jax.ShapeDtypeStruct((N, D), jnp.float32)],
  )(x, g, acc, deg_acc, cb, w1, b1, w2, b2, wn)


def kernel(x, edge_index, convW, convB, refW1, refB1, refW2, refB2):
  row = edge_index[0]
  col = edge_index[1]
  pad = EPAD - E
  rowp = jnp.concatenate([row, jnp.zeros((pad,), jnp.int32)])
  colp = jnp.concatenate([col, jnp.full((pad,), N, jnp.int32)])
  keys = (colp >= NR).astype(jnp.int32) + (colp >= N).astype(jnp.int32)
  n0 = jnp.sum(keys == 0)
  n1 = jnp.sum(keys == 1)
  _, packed = jax.lax.sort([keys, (colp << 14) | rowp], num_keys=1,
                           is_stable=False)
  colp = packed >> 14
  rowp = packed & 16383
  dummy = NR + (colp & 255)
  loc0 = jnp.where(colp < NR, colp, dummy)
  loc1 = jnp.where((colp >= NR) & (colp < N), colp - NR, dummy)
  row2 = rowp.reshape(NCH, K)
  col_loc = jnp.stack([loc0, loc1]).reshape(NC, NCH, K)

  G = 8
  ghi0 = (n0 + K * G - 1) // (K * G)
  glo1 = n0 // (K * G)
  ghi1 = (n0 + n1 + K * G - 1) // (K * G)
  sidx = jnp.arange(NS + 1)

  def spans(glo, ghi):
    bounds = glo + (sidx * (ghi - glo)) // NS
    return bounds[:-1] * G, (bounds[1:] - bounds[:-1]) * G

  st0, ct0 = spans(0, ghi0)
  st1, ct1 = spans(glo1, ghi1)
  meta2 = jnp.stack([jnp.stack([st0, st1]), jnp.stack([ct0, ct1])],
                    axis=-1).astype(jnp.int32)
  meta = jnp.pad(meta2, ((0, 0), (0, 0), (0, 126)))[:, :, None, :]

  zk = jnp.zeros((K, D), jnp.float32)
  ones_g = jnp.ones((N, D), jnp.float32)

  h0 = _hcall(x, convW[0])
  deg_acc = _sc_scatter(row2, col_loc, meta, ones_g, zk)

  g = _scale(h0, deg_acc)
  for i in range(L):
    acc = _sc_scatter(row2, col_loc, meta, g, zk)
    args = (x, g, acc, deg_acc, convB[i].reshape(1, D), refW1[i],
            refB1[i].reshape(1, D), refW2[i], refB2[i].reshape(1, D))
    if i + 1 < L:
      x, g = _ep_fused(*args, convW[i + 1])
    else:
      x = _epilogue(*args)
  return x

# --- scband reference (transcript-rebuilt; emitter-appended) ---
"""Pipeline reference for scband-gcnbackbone-91250875171066 (READ-ONLY COPY).

The authoritative reference and input builder live on the scoring server;
editing this copy changes nothing except your own understanding.
"""

import jax, jax.numpy as jnp
import numpy as np

N = 10000
E = 320000
D = 128
L = 3


def setup_inputs(seed: int = 0) -> dict:
    key = jax.random.key(seed)
    ks = jax.random.split(key, 9)
    x = jax.random.normal(ks[0], (N, D), dtype=jnp.float32)
    edge_index = jax.random.randint(ks[1], (2, E), 0, N, dtype=jnp.int32)
    s = 1.0 / np.sqrt(D)
    convW = jax.random.normal(ks[2], (L, D, D), dtype=jnp.float32) * s
    convB = jnp.zeros((L, D), dtype=jnp.float32)
    refW1 = jax.random.normal(ks[3], (L, D, D), dtype=jnp.float32) * s
    refB1 = jnp.zeros((L, D), dtype=jnp.float32)
    refW2 = jax.random.normal(ks[4], (L, D, D), dtype=jnp.float32) * s
    refB2 = jnp.zeros((L, D), dtype=jnp.float32)
    return {"x": x, "edge_index": edge_index, "convW": convW, "convB": convB,
            "refW1": refW1, "refB1": refB1, "refW2": refW2, "refB2": refB2}


def _gcn_conv(x, edge_index, W, b):
    # PyG GCNConv: linear transform, add self-loops, symmetric normalization, scatter-add aggregate
    x = x @ W
    row, col = edge_index[0], edge_index[1]
    loop = jnp.arange(N, dtype=row.dtype)
    row = jnp.concatenate([row, loop])
    col = jnp.concatenate([col, loop])
    deg = jnp.zeros((N,), dtype=x.dtype).at[col].add(1.0)
    dinv = jnp.where(deg > 0, 1.0 / jnp.sqrt(deg), 0.0)
    norm = dinv[row] * dinv[col]
    msgs = norm[:, None] * x[row]
    out = jnp.zeros((N, x.shape[1]), dtype=x.dtype).at[col].add(msgs)
    return out + b


def reference(x, edge_index, convW, convB, refW1, refB1, refW2, refB2):
    for i in range(L):
        h = _gcn_conv(x, edge_index, convW[i], convB[i])
        h = jax.nn.relu(h)
        r = jax.nn.relu(h @ refW1[i] + refB1[i]) @ refW2[i] + refB2[i]
        x = x + r
    return x

if __name__ == "__main__":
    import jax
    _d = setup_inputs()
    print(jax.jit(kernel)(*tuple(_d.values())))

</pallas_src>

<mosaic_0001>
#map = affine_map<(d0, d1) -> (0, 0)>
#map1 = affine_map<(d0, d1) -> (0, 0, 0)>
#map2 = affine_map<(d0, d1) -> (0, 0, 0, 0)>
module attributes {stable_mosaic.version = 14 : i64} {
  func.func @body(%arg0: i32, %arg1: i32, %arg2: memref<2560x128xi32, #tpu.memory_space<hbm>>, %arg3: memref<2x2560x128xi32, #tpu.memory_space<hbm>>, %arg4: memref<2x16x1x128xi32, #tpu.memory_space<hbm>>, %arg5: memref<10000x128xf32, #tpu.memory_space<hbm>>, %arg6: memref<128x128xf32, #tpu.memory_space<hbm>>, %arg7: memref<2x5376x128xf32, #tpu.memory_space<hbm>>, %arg8: memref<160x128xi32, #tpu.memory_space<vmem>>, %arg9: memref<160x128xi32, #tpu.memory_space<vmem>>, %arg10: memref<128xi32, #tpu.memory_space<vmem>>, %arg11: memref<128x128xf32, #tpu.memory_space<vmem>>, %arg12: memref<128x128xf32, #tpu.memory_space<vmem>>, %arg13: memref<!tpu.dma_semaphore, #tpu.memory_space<semaphore_mem>>, %arg14: memref<!tpu.dma_semaphore, #tpu.memory_space<semaphore_mem>>, %arg15: memref<!tpu.dma_semaphore, #tpu.memory_space<semaphore_mem>>, %arg16: memref<!tpu.dma_semaphore, #tpu.memory_space<semaphore_mem>>, %arg17: memref<5376x128xf32, #tpu.memory_space<vmem_shared>>) attributes {dimension_semantics = [#tpu.dimension_semantics<core_parallel>, #tpu.dimension_semantics<subcore_parallel>], iteration_bounds = array<i64: 2, 16>, scalar_prefetch = 0 : i64, scratch_operands = 10 : i64, tpu.core_type = #tpu.core_type<sc_vector_subcore>, window_params = [{transform_indices = #map}, {transform_indices = #map1}, {transform_indices = #map2}, {transform_indices = #map}, {transform_indices = #map}, {transform_indices = #map1}]} {
    %run_scoped3A = arith.constant 0 : i32
    "tpu.region"() ({
      %run_scoped3A_38 = tpu.sem_alloc : memref<!tpu.dma_semaphore, #tpu.memory_space<semaphore_mem>>
      %dma_start3A = arith.constant 0 : i32
      %dma_start3A_39 = tpu.memref_slice %arg4[%arg0, %arg1, %run_scoped3A, %dma_start3A] : memref<2x16x1x128xi32, #tpu.memory_space<hbm>> -> memref<1x1x1x128xi32, #tpu.memory_space<hbm>>
      %dma_start3A_40 = tpu.memref_squeeze %dma_start3A_39 : memref<1x1x1x128xi32, #tpu.memory_space<hbm>> -> memref<128xi32, #tpu.memory_space<hbm>>
      %dma_start3A_41 = arith.constant 0 : i32
      %dma_start3A_42 = tpu.memref_slice %arg4[%arg0, %arg1, %run_scoped3A, %dma_start3A_41] : memref<2x16x1x128xi32, #tpu.memory_space<hbm>> -> memref<1x1x1x128xi32, #tpu.memory_space<hbm>>
      %dma_start3A_43 = tpu.memref_squeeze %dma_start3A_42 : memref<1x1x1x128xi32, #tpu.memory_space<hbm>> -> memref<128xi32, #tpu.memory_space<hbm>>
      tpu.enqueue_dma source(%dma_start3A_43 : memref<128xi32, #tpu.memory_space<hbm>>) target(%arg10 : memref<128xi32, #tpu.memory_space<vmem>>) target_semaphore(%run_scoped3A_38 : memref<!tpu.dma_semaphore, #tpu.memory_space<semaphore_mem>>)
      %dma_wait3A = arith.constant 0 : i32
      %dma_wait3A_44 = tpu.memref_slice %arg4[%arg0, %arg1, %run_scoped3A, %dma_wait3A] : memref<2x16x1x128xi32, #tpu.memory_space<hbm>> -> memref<1x1x1x128xi32, #tpu.memory_space<hbm>>
      %dma_wait3A_45 = tpu.memref_squeeze %dma_wait3A_44 : memref<1x1x1x128xi32, #tpu.memory_space<hbm>> -> memref<128xi32, #tpu.memory_space<hbm>>
      %dma_wait3A_46 = arith.constant 0 : i32
      %dma_wait3A_47 = tpu.memref_slice %arg4[%arg0, %arg1, %run_scoped3A, %dma_wait3A_46] : memref<2x16x1x128xi32, #tpu.memory_space<hbm>> -> memref<1x1x1x128xi32, #tpu.memory_space<hbm>>
      %dma_wait3A_48 = tpu.memref_squeeze %dma_wait3A_47 : memref<1x1x1x128xi32, #tpu.memory_space<hbm>> -> memref<128xi32, #tpu.memory_space<hbm>>
      tpu.wait_dma2 semaphore(%run_scoped3A_38 : memref<!tpu.dma_semaphore, #tpu.memory_space<semaphore_mem>>) src(%dma_wait3A_48 : memref<128xi32, #tpu.memory_space<hbm>>) dst(%arg10 : memref<128xi32, #tpu.memory_space<vmem>>)
      tpu.yield
    }) : () -> ()
    %get3A = arith.constant 0 : index
    %get3A_0 = tpu.vector_load %arg10[%get3A] {strides = array<i32>} : memref<128xi32, #tpu.memory_space<vmem>>, vector<16xi32>,
    %get3A_1 = vector.shape_cast %get3A_0 : vector<16xi32> to vector<16xi32>
    %slice3A = vector.extract_strided_slice %get3A_1 {offsets = [0], sizes = [1], strides = [1]} : vector<16xi32> to vector<1xi32>
    %squeeze3A = vector.extract %slice3A[0] : i32 from vector<1xi32>
    %slice3A_2 = vector.extract_strided_slice %get3A_1 {offsets = [1], sizes = [1], strides = [1]} : vector<16xi32> to vector<1xi32>
    %squeeze3A_3 = vector.extract %slice3A_2[0] : i32 from vector<1xi32>
    %min3A = arith.constant 2400 : i32
    %min3A_4 = arith.minsi %squeeze3A, %min3A : i32
    %multiple_of3A = tpu.assume_multiple %min3A_4, 8 : i32
    %sub3A = arith.subi %squeeze3A, %multiple_of3A : i32
    "tpu.region"() ({
      %run_scoped3A_38 = tpu.sem_alloc : memref<!tpu.dma_semaphore, #tpu.memory_space<semaphore_mem>>
      %dma_start3A = arith.constant 0 : i32
      %dma_start3A_39 = tpu.memref_slice %arg2[%multiple_of3A, %dma_start3A] : memref<2560x128xi32, #tpu.memory_space<hbm>> -> memref<160x128xi32, #tpu.memory_space<hbm>>
      %dma_start3A_40 = arith.constant 0 : i32
      %dma_start3A_41 = tpu.memref_slice %arg2[%multiple_of3A, %dma_start3A_40] : memref<2560x128xi32, #tpu.memory_space<hbm>> -> memref<160x128xi32, #tpu.memory_space<hbm>>
      tpu.enqueue_dma source(%dma_start3A_41 : memref<160x128xi32, #tpu.memory_space<hbm>>) target(%arg8 : memref<160x128xi32, #tpu.memory_space<vmem>>) target_semaphore(%run_scoped3A_38 : memref<!tpu.dma_semaphore, #tpu.memory_space<semaphore_mem>>)
      %dma_wait3A = arith.constant 0 : i32
      %dma_wait3A_42 = tpu.memref_slice %arg2[%multiple_of3A, %dma_wait3A] : memref<2560x128xi32, #tpu.memory_space<hbm>> -> memref<160x128xi32, #tpu.memory_space<hbm>>
      %dma_wait3A_43 = arith.constant 0 : i32
      %dma_wait3A_44 = tpu.memref_slice %arg2[%multiple_of3A, %dma_wait3A_43] : memref<2560x128xi32, #tpu.memory_space<hbm>> -> memref<160x128xi32, #tpu.memory_space<hbm>>
      tpu.wait_dma2 semaphore(%run_scoped3A_38 : memref<!tpu.dma_semaphore, #tpu.memory_space<semaphore_mem>>) src(%dma_wait3A_44 : memref<160x128xi32, #tpu.memory_space<hbm>>) dst(%arg8 : memref<160x128xi32, #tpu.memory_space<vmem>>)
      tpu.yield
    }) : () -> ()
    "tpu.region"() ({
      %run_scoped3A_38 = tpu.sem_alloc : memref<!tpu.dma_semaphore, #tpu.memory_space<semaphore_mem>>
      %dma_start3A = arith.constant 0 : i32
      %dma_start3A_39 = tpu.memref_slice %arg3[%arg0, %multiple_of3A, %dma_start3A] : memref<2x2560x128xi32, #tpu.memory_space<hbm>> -> memref<1x160x128xi32, #tpu.memory_space<hbm>>
      %dma_start3A_40 = tpu.memref_squeeze %dma_start3A_39 : memref<1x160x128xi32, #tpu.memory_space<hbm>> -> memref<160x128xi32, #tpu.memory_space<hbm>>
      %dma_start3A_41 = arith.constant 0 : i32
      %dma_start3A_42 = tpu.memref_slice %arg3[%arg0, %multiple_of3A, %dma_start3A_41] : memref<2x2560x128xi32, #tpu.memory_space<hbm>> -> memref<1x160x128xi32, #tpu.memory_space<hbm>>
      %dma_start3A_43 = tpu.memref_squeeze %dma_start3A_42 : memref<1x160x128xi32, #tpu.memory_space<hbm>> -> memref<160x128xi32, #tpu.memory_space<hbm>>
      tpu.enqueue_dma source(%dma_start3A_43 : memref<160x128xi32, #tpu.memory_space<hbm>>) target(%arg9 : memref<160x128xi32, #tpu.memory_space<vmem>>) target_semaphore(%run_scoped3A_38 : memref<!tpu.dma_semaphore, #tpu.memory_space<semaphore_mem>>)
      %dma_wait3A = arith.constant 0 : i32
      %dma_wait3A_44 = tpu.memref_slice %arg3[%arg0, %multiple_of3A, %dma_wait3A] : memref<2x2560x128xi32, #tpu.memory_space<hbm>> -> memref<1x160x128xi32, #tpu.memory_space<hbm>>
      %dma_wait3A_45 = tpu.memref_squeeze %dma_wait3A_44 : memref<1x160x128xi32, #tpu.memory_space<hbm>> -> memref<160x128xi32, #tpu.memory_space<hbm>>
      %dma_wait3A_46 = arith.constant 0 : i32
      %dma_wait3A_47 = tpu.memref_slice %arg3[%arg0, %multiple_of3A, %dma_wait3A_46] : memref<2x2560x128xi32, #tpu.memory_space<hbm>> -> memref<1x160x128xi32, #tpu.memory_space<hbm>>
      %dma_wait3A_48 = tpu.memref_squeeze %dma_wait3A_47 : memref<1x160x128xi32, #tpu.memory_space<hbm>> -> memref<160x128xi32, #tpu.memory_space<hbm>>
      tpu.wait_dma2 semaphore(%run_scoped3A_38 : memref<!tpu.dma_semaphore, #tpu.memory_space<semaphore_mem>>) src(%dma_wait3A_48 : memref<160x128xi32, #tpu.memory_space<hbm>>) dst(%arg9 : memref<160x128xi32, #tpu.memory_space<vmem>>)
      tpu.yield
    }) : () -> ()
    "tpu.region"() ({
      %run_scoped3A_38 = tpu.sem_alloc : memref<!tpu.dma_semaphore, #tpu.memory_space<semaphore_mem>>
      tpu.enqueue_dma source(%arg6 : memref<128x128xf32, #tpu.memory_space<hbm>>) target(%arg11 : memref<128x128xf32, #tpu.memory_space<vmem>>) target_semaphore(%run_scoped3A_38 : memref<!tpu.dma_semaphore, #tpu.memory_space<semaphore_mem>>)
      tpu.wait_dma2 semaphore(%run_scoped3A_38 : memref<!tpu.dma_semaphore, #tpu.memory_space<semaphore_mem>>) src(%arg6 : memref<128x128xf32, #tpu.memory_space<hbm>>) dst(%arg11 : memref<128x128xf32, #tpu.memory_space<vmem>>)
      tpu.yield
    }) : () -> ()
    %mul3A = arith.constant 336 : i32
    %mul3A_5 = arith.muli %arg1, %mul3A : i32
    "tpu.region"() ({
      %run_scoped3A_38 = tpu.sem_alloc : memref<!tpu.dma_semaphore, #tpu.memory_space<semaphore_mem>>
      %dma_start3A = arith.constant 0 : i32
      %dma_start3A_39 = tpu.memref_slice %arg17[%mul3A_5, %dma_start3A] : memref<5376x128xf32, #tpu.memory_space<vmem_shared>> -> memref<128x128xf32, #tpu.memory_space<vmem_shared>>
      %dma_start3A_40 = arith.constant 0 : i32
      %dma_start3A_41 = tpu.memref_slice %arg17[%mul3A_5, %dma_start3A_40] : memref<5376x128xf32, #tpu.memory_space<vmem_shared>> -> memref<128x128xf32, #tpu.memory_space<vmem_shared>>
      tpu.enqueue_dma source(%arg11 : memref<128x128xf32, #tpu.memory_space<vmem>>) target(%dma_start3A_41 : memref<128x128xf32, #tpu.memory_space<vmem_shared>>) target_semaphore(%run_scoped3A_38 : memref<!tpu.dma_semaphore, #tpu.memory_space<semaphore_mem>>)
      %dma_wait3A = arith.constant 0 : i32
      %dma_wait3A_42 = tpu.memref_slice %arg17[%mul3A_5, %dma_wait3A] : memref<5376x128xf32, #tpu.memory_space<vmem_shared>> -> memref<128x128xf32, #tpu.memory_space<vmem_shared>>
      %dma_wait3A_43 = arith.constant 0 : i32
      %dma_wait3A_44 = tpu.memref_slice %arg17[%mul3A_5, %dma_wait3A_43] : memref<5376x128xf32, #tpu.memory_space<vmem_shared>> -> memref<128x128xf32, #tpu.memory_space<vmem_shared>>
      tpu.wait_dma2 semaphore(%run_scoped3A_38 : memref<!tpu.dma_semaphore, #tpu.memory_space<semaphore_mem>>) src(%arg11 : memref<128x128xf32, #tpu.memory_space<vmem>>) dst(%dma_wait3A_44 : memref<128x128xf32, #tpu.memory_space<vmem_shared>>)
      tpu.yield
    }) : () -> ()
    %add3A = arith.constant 128 : i32
    %add3A_6 = arith.addi %mul3A_5, %add3A : i32
    "tpu.region"() ({
      %run_scoped3A_38 = tpu.sem_alloc : memref<!tpu.dma_semaphore, #tpu.memory_space<semaphore_mem>>
      %dma_start3A = arith.constant 0 : i32
      %dma_start3A_39 = tpu.memref_slice %arg17[%add3A_6, %dma_start3A] : memref<5376x128xf32, #tpu.memory_space<vmem_shared>> -> memref<128x128xf32, #tpu.memory_space<vmem_shared>>
      %dma_start3A_40 = arith.constant 0 : i32
      %dma_start3A_41 = tpu.memref_slice %arg17[%add3A_6, %dma_start3A_40] : memref<5376x128xf32, #tpu.memory_space<vmem_shared>> -> memref<128x128xf32, #tpu.memory_space<vmem_shared>>
      tpu.enqueue_dma source(%arg11 : memref<128x128xf32, #tpu.memory_space<vmem>>) target(%dma_start3A_41 : memref<128x128xf32, #tpu.memory_space<vmem_shared>>) target_semaphore(%run_scoped3A_38 : memref<!tpu.dma_semaphore, #tpu.memory_space<semaphore_mem>>)
      %dma_wait3A = arith.constant 0 : i32
      %dma_wait3A_42 = tpu.memref_slice %arg17[%add3A_6, %dma_wait3A] : memref<5376x128xf32, #tpu.memory_space<vmem_shared>> -> memref<128x128xf32, #tpu.memory_space<vmem_shared>>
      %dma_wait3A_43 = arith.constant 0 : i32
      %dma_wait3A_44 = tpu.memref_slice %arg17[%add3A_6, %dma_wait3A_43] : memref<5376x128xf32, #tpu.memory_space<vmem_shared>> -> memref<128x128xf32, #tpu.memory_space<vmem_shared>>
      tpu.wait_dma2 semaphore(%run_scoped3A_38 : memref<!tpu.dma_semaphore, #tpu.memory_space<semaphore_mem>>) src(%arg11 : memref<128x128xf32, #tpu.memory_space<vmem>>) dst(%dma_wait3A_44 : memref<128x128xf32, #tpu.memory_space<vmem_shared>>)
      tpu.yield
    }) : () -> ()
    %add3A_7 = arith.constant 256 : i32
    %add3A_8 = arith.addi %mul3A_5, %add3A_7 : i32
    "tpu.region"() ({
      %run_scoped3A_38 = tpu.sem_alloc : memref<!tpu.dma_semaphore, #tpu.memory_space<semaphore_mem>>
      %dma_start3A = arith.constant 0 : i32
      %dma_start3A_39 = arith.constant 0 : i32
      %dma_start3A_40 = tpu.memref_slice %arg11[%dma_start3A, %dma_start3A_39] : memref<128x128xf32, #tpu.memory_space<vmem>> -> memref<80x128xf32, #tpu.memory_space<vmem>>
      %dma_start3A_41 = arith.constant 0 : i32
      %dma_start3A_42 = tpu.memref_slice %arg17[%add3A_8, %dma_start3A_41] : memref<5376x128xf32, #tpu.memory_space<vmem_shared>> -> memref<80x128xf32, #tpu.memory_space<vmem_shared>>
      %dma_start3A_43 = arith.constant 0 : i32
      %dma_start3A_44 = tpu.memref_slice %arg17[%add3A_8, %dma_start3A_43] : memref<5376x128xf32, #tpu.memory_space<vmem_shared>> -> memref<80x128xf32, #tpu.memory_space<vmem_shared>>
      %dma_start3A_45 = arith.constant 0 : i32
      %dma_start3A_46 = arith.constant 0 : i32
      %dma_start3A_47 = tpu.memref_slice %arg11[%dma_start3A_45, %dma_start3A_46] : memref<128x128xf32, #tpu.memory_space<vmem>> -> memref<80x128xf32, #tpu.memory_space<vmem>>
      tpu.enqueue_dma source(%dma_start3A_47 : memref<80x128xf32, #tpu.memory_space<vmem>>) target(%dma_start3A_44 : memref<80x128xf32, #tpu.memory_space<vmem_shared>>) target_semaphore(%run_scoped3A_38 : memref<!tpu.dma_semaphore, #tpu.memory_space<semaphore_mem>>)
      %dma_wait3A = arith.constant 0 : i32
      %dma_wait3A_48 = arith.constant 0 : i32
      %dma_wait3A_49 = tpu.memref_slice %arg11[%dma_wait3A, %dma_wait3A_48] : memref<128x128xf32, #tpu.memory_space<vmem>> -> memref<80x128xf32, #tpu.memory_space<vmem>>
      %dma_wait3A_50 = arith.constant 0 : i32
      %dma_wait3A_51 = tpu.memref_slice %arg17[%add3A_8, %dma_wait3A_50] : memref<5376x128xf32, #tpu.memory_space<vmem_shared>> -> memref<80x128xf32, #tpu.memory_space<vmem_shared>>
      %dma_wait3A_52 = arith.constant 0 : i32
      %dma_wait3A_53 = tpu.memref_slice %arg17[%add3A_8, %dma_wait3A_52] : memref<5376x128xf32, #tpu.memory_space<vmem_shared>> -> memref<80x128xf32, #tpu.memory_space<vmem_shared>>
      %dma_wait3A_54 = arith.constant 0 : i32
      %dma_wait3A_55 = arith.constant 0 : i32
      %dma_wait3A_56 = tpu.memref_slice %arg11[%dma_wait3A_54, %dma_wait3A_55] : memref<128x128xf32, #tpu.memory_space<vmem>> -> memref<80x128xf32, #tpu.memory_space<vmem>>
      tpu.wait_dma2 semaphore(%run_scoped3A_38 : memref<!tpu.dma_semaphore, #tpu.memory_space<semaphore_mem>>) src(%dma_wait3A_56 : memref<80x128xf32, #tpu.memory_space<vmem>>) dst(%dma_wait3A_53 : memref<80x128xf32, #tpu.memory_space<vmem_shared>>)
      tpu.yield
    }) : () -> ()
    %barrier3A = arith.constant 0 : index
    tpu.barrier barrier_id(%barrier3A)
    %gt3A = arith.constant 0 : i32
    %gt3A_9 = arith.cmpi sgt, %squeeze3A_3, %gt3A : i32
    %convert_element_type3A = arith.extui %gt3A_9 : i1 to i32
    %cond3A = arith.constant 0 : i32
    %cond3A_10 = arith.cmpi ne, %convert_element_type3A, %cond3A : i32
    scf.if %cond3A_10 {
      %add3A_38 = arith.constant 0 : i32
      %add3A_39 = arith.addi %sub3A, %add3A_38 : i32
      %dma_start3A = arith.constant 0 : i32
      %dma_start3A_40 = tpu.memref_slice %arg8[%add3A_39, %dma_start3A] : memref<160x128xi32, #tpu.memory_space<vmem>> -> memref<1x128xi32, #tpu.memory_space<vmem>>
      %dma_start3A_41 = tpu.memref_squeeze %dma_start3A_40 : memref<1x128xi32, #tpu.memory_space<vmem>> -> memref<128xi32, #tpu.memory_space<vmem>>
      %dma_start3A_42 = arith.constant 0 : i32
      %dma_start3A_43 = arith.constant 0 : i32
      %dma_start3A_44 = tpu.memref_slice %arg5[%dma_start3A_42, %dma_start3A_43] : memref<10000x128xf32, #tpu.memory_space<hbm>> -> memref<10000x128xf32, #tpu.memory_space<hbm>>
      tpu.enqueue_indirect_dma source(%dma_start3A_44 : memref<10000x128xf32, #tpu.memory_space<hbm>>) target(%arg11 : memref<128x128xf32, #tpu.memory_space<vmem>>) offsets(%dma_start3A_41 : memref<128xi32, #tpu.memory_space<vmem>>) semaphore(%arg13 : memref<!tpu.dma_semaphore, #tpu.memory_space<semaphore_mem>>)
      %add3A_45 = arith.constant 1 : i32
      %add3A_46 = arith.addi %sub3A, %add3A_45 : i32
      %dma_start3A_47 = arith.constant 0 : i32
      %dma_start3A_48 = tpu.memref_slice %arg8[%add3A_46, %dma_start3A_47] : memref<160x128xi32, #tpu.memory_space<vmem>> -> memref<1x128xi32, #tpu.memory_space<vmem>>
      %dma_start3A_49 = tpu.memref_squeeze %dma_start3A_48 : memref<1x128xi32, #tpu.memory_space<vmem>> -> memref<128xi32, #tpu.memory_space<vmem>>
      %dma_start3A_50 = arith.constant 0 : i32
      %dma_start3A_51 = arith.constant 0 : i32
      %dma_start3A_52 = tpu.memref_slice %arg5[%dma_start3A_50, %dma_start3A_51] : memref<10000x128xf32, #tpu.memory_space<hbm>> -> memref<10000x128xf32, #tpu.memory_space<hbm>>
      tpu.enqueue_indirect_dma source(%dma_start3A_52 : memref<10000x128xf32, #tpu.memory_space<hbm>>) target(%arg12 : memref<128x128xf32, #tpu.memory_space<vmem>>) offsets(%dma_start3A_49 : memref<128xi32, #tpu.memory_space<vmem>>) semaphore(%arg14 : memref<!tpu.dma_semaphore, #tpu.memory_space<semaphore_mem>>)
    } else {
    }
    %jit3A = arith.constant 2 : i32
    %div3A = arith.divsi %squeeze3A_3, %jit3A : i32
    %sign3A = arith.constant 0 : i32
    %sign3A_11 = arith.cmpi sgt, %squeeze3A_3, %sign3A : i32
    %sign3A_12 = arith.extui %sign3A_11 : i1 to i32
    %sign3A_13 = arith.constant 0 : i32
    %sign3A_14 = arith.cmpi slt, %squeeze3A_3, %sign3A_13 : i32
    %sign3A_15 = arith.extui %sign3A_14 : i1 to i32
    %sign3A_16 = arith.subi %sign3A_12, %sign3A_15 : i32
    %sign3A_17 = arith.constant 0 : i32
    %sign3A_18 = arith.cmpi sgt, %jit3A, %sign3A_17 : i32
    %sign3A_19 = arith.extui %sign3A_18 : i1 to i32
    %sign3A_20 = arith.constant 0 : i32
    %sign3A_21 = arith.cmpi slt, %jit3A, %sign3A_20 : i32
    %sign3A_22 = arith.extui %sign3A_21 : i1 to i32
    %sign3A_23 = arith.subi %sign3A_19, %sign3A_22 : i32
    %ne3A = arith.cmpi ne, %sign3A_16, %sign3A_23 : i32
    %rem3A = arith.remsi %squeeze3A_3, %jit3A : i32
    %ne3A_24 = arith.constant 0 : i32
    %ne3A_25 = arith.cmpi ne, %rem3A, %ne3A_24 : i32
    %and3A = arith.andi %ne3A, %ne3A_25 : i1
    %sub3A_26 = arith.constant 1 : i32
    %sub3A_27 = arith.subi %div3A, %sub3A_26 : i32
    %select_n3A = arith.select %and3A, %sub3A_27, %div3A : i32
    %while3A = arith.constant 0 : i32
    %while3A_28 = arith.constant 0 : i32
    %while3A_29 = arith.subi %select_n3A, %while3A_28 : i32
    %while3A_30 = arith.addi %while3A_28, %while3A_29 : i32
    %while3A_31 = arith.constant 1 : i32
    %while3A_32 = arith.divsi %while3A_29, %while3A_31 : i32
    %while3A_33 = arith.muli %while3A_32, %while3A_31 : i32
    %while3A_34 = arith.addi %while3A_28, %while3A_33 : i32
    %while3A_35 = arith.constant 1 : i32
    scf.for %while3A_38 = %while3A_28 to %while3A_34 step %while3A_35  : i32 {
      %mul3A_39 = arith.constant 2 : i32
      %mul3A_40 = arith.muli %mul3A_39, %while3A_38 : i32
      %add3A_41 = arith.constant 0 : i32
      %add3A_42 = arith.addi %mul3A_40, %add3A_41 : i32
      %add3A_43 = arith.addi %sub3A, %add3A_42 : i32
      %dma_wait3A = arith.constant 0 : i32
      %dma_wait3A_44 = tpu.memref_slice %arg8[%add3A_43, %dma_wait3A] : memref<160x128xi32, #tpu.memory_space<vmem>> -> memref<1x128xi32, #tpu.memory_space<vmem>>
      %dma_wait3A_45 = tpu.memref_squeeze %dma_wait3A_44 : memref<1x128xi32, #tpu.memory_space<vmem>> -> memref<128xi32, #tpu.memory_space<vmem>>
      %dma_wait3A_46 = arith.constant 0 : i32
      %dma_wait3A_47 = arith.constant 0 : i32
      %dma_wait3A_48 = tpu.memref_slice %arg5[%dma_wait3A_46, %dma_wait3A_47] : memref<10000x128xf32, #tpu.memory_space<hbm>> -> memref<10000x128xf32, #tpu.memory_space<hbm>>
      tpu.wait_indirect_dma semaphore(%arg13 : memref<!tpu.dma_semaphore, #tpu.memory_space<semaphore_mem>>) src(%dma_wait3A_48 : memref<10000x128xf32, #tpu.memory_space<hbm>>) dst(%arg11 : memref<128x128xf32, #tpu.memory_space<vmem>>)
      %add3A_49 = arith.addi %sub3A, %add3A_42 : i32
      "tpu.region"() ({
        %run_scoped3A_121 = tpu.sem_alloc : memref<!tpu.dma_semaphore, #tpu.memory_space<semaphore_mem>>
        %dma_start3A = arith.constant 0 : i32
        %dma_start3A_122 = tpu.memref_slice %arg9[%add3A_49, %dma_start3A] : memref<160x128xi32, #tpu.memory_space<vmem>> -> memref<1x128xi32, #tpu.memory_space<vmem>>
        %dma_start3A_123 = tpu.memref_squeeze %dma_start3A_122 : memref<1x128xi32, #tpu.memory_space<vmem>> -> memref<128xi32, #tpu.memory_space<vmem>>
        %dma_start3A_124 = arith.constant 0 : i32
        %dma_start3A_125 = arith.constant 0 : i32
        %dma_start3A_126 = tpu.memref_slice %arg17[%dma_start3A_124, %dma_start3A_125] : memref<5376x128xf32, #tpu.memory_space<vmem_shared>> -> memref<5376x128xf32, #tpu.memory_space<vmem_shared>>
        tpu.enqueue_indirect_dma source(%arg11 : memref<128x128xf32, #tpu.memory_space<vmem>>) target(%dma_start3A_126 : memref<5376x128xf32, #tpu.memory_space<vmem_shared>>) offsets(%dma_start3A_123 : memref<128xi32, #tpu.memory_space<vmem>>) semaphore(%run_scoped3A_121 : memref<!tpu.dma_semaphore, #tpu.memory_space<semaphore_mem>>) {add = true}
        %dma_wait3A_127 = arith.constant 0 : i32
        %dma_wait3A_128 = tpu.memref_slice %arg9[%add3A_49, %dma_wait3A_127] : memref<160x128xi32, #tpu.memory_space<vmem>> -> memref<1x128xi32, #tpu.memory_space<vmem>>
        %dma_wait3A_129 = tpu.memref_squeeze %dma_wait3A_128 : memref<1x128xi32, #tpu.memory_space<vmem>> -> memref<128xi32, #tpu.memory_space<vmem>>
        %dma_wait3A_130 = arith.constant 0 : i32
        %dma_wait3A_131 = arith.constant 0 : i32
        %dma_wait3A_132 = tpu.memref_slice %arg17[%dma_wait3A_130, %dma_wait3A_131] : memref<5376x128xf32, #tpu.memory_space<vmem_shared>> -> memref<5376x128xf32, #tpu.memory_space<vmem_shared>>
        tpu.wait_indirect_dma semaphore(%run_scoped3A_121 : memref<!tpu.dma_semaphore, #tpu.memory_space<semaphore_mem>>) src(%arg11 : memref<128x128xf32, #tpu.memory_space<vmem>>) dst(%dma_wait3A_132 : memref<5376x128xf32, #tpu.memory_space<vmem_shared>>)
        tpu.yield
      }) : () -> ()
      %jit3A_50 = arith.constant 2 : i32
      %div3A_51 = arith.divsi %squeeze3A_3, %jit3A_50 : i32
      %sign3A_52 = arith.constant 0 : i32
      %sign3A_53 = arith.cmpi sgt, %squeeze3A_3, %sign3A_52 : i32
      %sign3A_54 = arith.extui %sign3A_53 : i1 to i32
      %sign3A_55 = arith.constant 0 : i32
      %sign3A_56 = arith.cmpi slt, %squeeze3A_3, %sign3A_55 : i32
      %sign3A_57 = arith.extui %sign3A_56 : i1 to i32
      %sign3A_58 = arith.subi %sign3A_54, %sign3A_57 : i32
      %sign3A_59 = arith.constant 0 : i32
      %sign3A_60 = arith.cmpi sgt, %jit3A_50, %sign3A_59 : i32
      %sign3A_61 = arith.extui %sign3A_60 : i1 to i32
      %sign3A_62 = arith.constant 0 : i32
      %sign3A_63 = arith.cmpi slt, %jit3A_50, %sign3A_62 : i32
      %sign3A_64 = arith.extui %sign3A_63 : i1 to i32
      %sign3A_65 = arith.subi %sign3A_61, %sign3A_64 : i32
      %ne3A_66 = arith.cmpi ne, %sign3A_58, %sign3A_65 : i32
      %rem3A_67 = arith.remsi %squeeze3A_3, %jit3A_50 : i32
      %ne3A_68 = arith.constant 0 : i32
      %ne3A_69 = arith.cmpi ne, %rem3A_67, %ne3A_68 : i32
      %and3A_70 = arith.andi %ne3A_66, %ne3A_69 : i1
      %sub3A_71 = arith.constant 1 : i32
      %sub3A_72 = arith.subi %div3A_51, %sub3A_71 : i32
      %select_n3A_73 = arith.select %and3A_70, %sub3A_72, %div3A_51 : i32
      %sub3A_74 = arith.constant 1 : i32
      %sub3A_75 = arith.subi %select_n3A_73, %sub3A_74 : i32
      %lt3A = arith.cmpi slt, %while3A_38, %sub3A_75 : i32
      %convert_element_type3A_76 = arith.extui %lt3A : i1 to i32
      %cond3A_77 = arith.constant 0 : i32
      %cond3A_78 = arith.cmpi ne, %convert_element_type3A_76, %cond3A_77 : i32
      scf.if %cond3A_78 {
        %add3A_121 = arith.addi %sub3A, %add3A_42 : i32
        %add3A_122 = arith.constant 2 : i32
        %add3A_123 = arith.addi %add3A_121, %add3A_122 : i32
        %dma_start3A = arith.constant 0 : i32
        %dma_start3A_124 = tpu.memref_slice %arg8[%add3A_123, %dma_start3A] : memref<160x128xi32, #tpu.memory_space<vmem>> -> memref<1x128xi32, #tpu.memory_space<vmem>>
        %dma_start3A_125 = tpu.memref_squeeze %dma_start3A_124 : memref<1x128xi32, #tpu.memory_space<vmem>> -> memref<128xi32, #tpu.memory_space<vmem>>
        %dma_start3A_126 = arith.constant 0 : i32
        %dma_start3A_127 = arith.constant 0 : i32
        %dma_start3A_128 = tpu.memref_slice %arg5[%dma_start3A_126, %dma_start3A_127] : memref<10000x128xf32, #tpu.memory_space<hbm>> -> memref<10000x128xf32, #tpu.memory_space<hbm>>
        tpu.enqueue_indirect_dma source(%dma_start3A_128 : memref<10000x128xf32, #tpu.memory_space<hbm>>) target(%arg11 : memref<128x128xf32, #tpu.memory_space<vmem>>) offsets(%dma_start3A_125 : memref<128xi32, #tpu.memory_space<vmem>>) semaphore(%arg13 : memref<!tpu.dma_semaphore, #tpu.memory_space<semaphore_mem>>)
      } else {
      }
      %mul3A_79 = arith.constant 2 : i32
      %mul3A_80 = arith.muli %mul3A_79, %while3A_38 : i32
      %add3A_81 = arith.constant 1 : i32
      %add3A_82 = arith.addi %mul3A_80, %add3A_81 : i32
      %add3A_83 = arith.addi %sub3A, %add3A_82 : i32
      %dma_wait3A_84 = arith.constant 0 : i32
      %dma_wait3A_85 = tpu.memref_slice %arg8[%add3A_83, %dma_wait3A_84] : memref<160x128xi32, #tpu.memory_space<vmem>> -> memref<1x128xi32, #tpu.memory_space<vmem>>
      %dma_wait3A_86 = tpu.memref_squeeze %dma_wait3A_85 : memref<1x128xi32, #tpu.memory_space<vmem>> -> memref<128xi32, #tpu.memory_space<vmem>>
      %dma_wait3A_87 = arith.constant 0 : i32
      %dma_wait3A_88 = arith.constant 0 : i32
      %dma_wait3A_89 = tpu.memref_slice %arg5[%dma_wait3A_87, %dma_wait3A_88] : memref<10000x128xf32, #tpu.memory_space<hbm>> -> memref<10000x128xf32, #tpu.memory_space<hbm>>
      tpu.wait_indirect_dma semaphore(%arg14 : memref<!tpu.dma_semaphore, #tpu.memory_space<semaphore_mem>>) src(%dma_wait3A_89 : memref<10000x128xf32, #tpu.memory_space<hbm>>) dst(%arg12 : memref<128x128xf32, #tpu.memory_space<vmem>>)
      %add3A_90 = arith.addi %sub3A, %add3A_82 : i32
      "tpu.region"() ({
        %run_scoped3A_121 = tpu.sem_alloc : memref<!tpu.dma_semaphore, #tpu.memory_space<semaphore_mem>>
        %dma_start3A = arith.constant 0 : i32
        %dma_start3A_122 = tpu.memref_slice %arg9[%add3A_90, %dma_start3A] : memref<160x128xi32, #tpu.memory_space<vmem>> -> memref<1x128xi32, #tpu.memory_space<vmem>>
        %dma_start3A_123 = tpu.memref_squeeze %dma_start3A_122 : memref<1x128xi32, #tpu.memory_space<vmem>> -> memref<128xi32, #tpu.memory_space<vmem>>
        %dma_start3A_124 = arith.constant 0 : i32
        %dma_start3A_125 = arith.constant 0 : i32
        %dma_start3A_126 = tpu.memref_slice %arg17[%dma_start3A_124, %dma_start3A_125] : memref<5376x128xf32, #tpu.memory_space<vmem_shared>> -> memref<5376x128xf32, #tpu.memory_space<vmem_shared>>
        tpu.enqueue_indirect_dma source(%arg12 : memref<128x128xf32, #tpu.memory_space<vmem>>) target(%dma_start3A_126 : memref<5376x128xf32, #tpu.memory_space<vmem_shared>>) offsets(%dma_start3A_123 : memref<128xi32, #tpu.memory_space<vmem>>) semaphore(%run_scoped3A_121 : memref<!tpu.dma_semaphore, #tpu.memory_space<semaphore_mem>>) {add = true}
        %dma_wait3A_127 = arith.constant 0 : i32
        %dma_wait3A_128 = tpu.memref_slice %arg9[%add3A_90, %dma_wait3A_127] : memref<160x128xi32, #tpu.memory_space<vmem>> -> memref<1x128xi32, #tpu.memory_space<vmem>>
        %dma_wait3A_129 = tpu.memref_squeeze %dma_wait3A_128 : memref<1x128xi32, #tpu.memory_space<vmem>> -> memref<128xi32, #tpu.memory_space<vmem>>
        %dma_wait3A_130 = arith.constant 0 : i32
        %dma_wait3A_131 = arith.constant 0 : i32
        %dma_wait3A_132 = tpu.memref_slice %arg17[%dma_wait3A_130, %dma_wait3A_131] : memref<5376x128xf32, #tpu.memory_space<vmem_shared>> -> memref<5376x128xf32, #tpu.memory_space<vmem_shared>>
        tpu.wait_indirect_dma semaphore(%run_scoped3A_121 : memref<!tpu.dma_semaphore, #tpu.memory_space<semaphore_mem>>) src(%arg12 : memref<128x128xf32, #tpu.memory_space<vmem>>) dst(%dma_wait3A_132 : memref<5376x128xf32, #tpu.memory_space<vmem_shared>>)
        tpu.yield
      }) : () -> ()
      %jit3A_91 = arith.constant 2 : i32
      %div3A_92 = arith.divsi %squeeze3A_3, %jit3A_91 : i32
      %sign3A_93 = arith.constant 0 : i32
      %sign3A_94 = arith.cmpi sgt, %squeeze3A_3, %sign3A_93 : i32
      %sign3A_95 = arith.extui %sign3A_94 : i1 to i32
      %sign3A_96 = arith.constant 0 : i32
      %sign3A_97 = arith.cmpi slt, %squeeze3A_3, %sign3A_96 : i32
      %sign3A_98 = arith.extui %sign3A_97 : i1 to i32
      %sign3A_99 = arith.subi %sign3A_95, %sign3A_98 : i32
      %sign3A_100 = arith.constant 0 : i32
      %sign3A_101 = arith.cmpi sgt, %jit3A_91, %sign3A_100 : i32
      %sign3A_102 = arith.extui %sign3A_101 : i1 to i32
      %sign3A_103 = arith.constant 0 : i32
      %sign3A_104 = arith.cmpi slt, %jit3A_91, %sign3A_103 : i32
      %sign3A_105 = arith.extui %sign3A_104 : i1 to i32
      %sign3A_106 = arith.subi %sign3A_102, %sign3A_105 : i32
      %ne3A_107 = arith.cmpi ne, %sign3A_99, %sign3A_106 : i32
      %rem3A_108 = arith.remsi %squeeze3A_3, %jit3A_91 : i32
      %ne3A_109 = arith.constant 0 : i32
      %ne3A_110 = arith.cmpi ne, %rem3A_108, %ne3A_109 : i32
      %and3A_111 = arith.andi %ne3A_107, %ne3A_110 : i1
      %sub3A_112 = arith.constant 1 : i32
      %sub3A_113 = arith.subi %div3A_92, %sub3A_112 : i32
      %select_n3A_114 = arith.select %and3A_111, %sub3A_113, %div3A_92 : i32
      %sub3A_115 = arith.constant 1 : i32
      %sub3A_116 = arith.subi %select_n3A_114, %sub3A_115 : i32
      %lt3A_117 = arith.cmpi slt, %while3A_38, %sub3A_116 : i32
      %convert_element_type3A_118 = arith.extui %lt3A_117 : i1 to i32
      %cond3A_119 = arith.constant 0 : i32
      %cond3A_120 = arith.cmpi ne, %convert_element_type3A_118, %cond3A_119 : i32
      scf.if %cond3A_120 {
        %add3A_121 = arith.addi %sub3A, %add3A_82 : i32
        %add3A_122 = arith.constant 2 : i32
        %add3A_123 = arith.addi %add3A_121, %add3A_122 : i32
        %dma_start3A = arith.constant 0 : i32
        %dma_start3A_124 = tpu.memref_slice %arg8[%add3A_123, %dma_start3A] : memref<160x128xi32, #tpu.memory_space<vmem>> -> memref<1x128xi32, #tpu.memory_space<vmem>>
        %dma_start3A_125 = tpu.memref_squeeze %dma_start3A_124 : memref<1x128xi32, #tpu.memory_space<vmem>> -> memref<128xi32, #tpu.memory_space<vmem>>
        %dma_start3A_126 = arith.constant 0 : i32
        %dma_start3A_127 = arith.constant 0 : i32
        %dma_start3A_128 = tpu.memref_slice %arg5[%dma_start3A_126, %dma_start3A_127] : memref<10000x128xf32, #tpu.memory_space<hbm>> -> memref<10000x128xf32, #tpu.memory_space<hbm>>
        tpu.enqueue_indirect_dma source(%dma_start3A_128 : memref<10000x128xf32, #tpu.memory_space<hbm>>) target(%arg12 : memref<128x128xf32, #tpu.memory_space<vmem>>) offsets(%dma_start3A_125 : memref<128xi32, #tpu.memory_space<vmem>>) semaphore(%arg14 : memref<!tpu.dma_semaphore, #tpu.memory_space<semaphore_mem>>)
      } else {
      }
    }
    %while3A_36 = arith.constant 1 : i32
    scf.for %while3A_38 = %while3A_34 to %while3A_30 step %while3A_36  : i32 {
      %mul3A_39 = arith.constant 2 : i32
      %mul3A_40 = arith.muli %mul3A_39, %while3A_38 : i32
      %add3A_41 = arith.constant 0 : i32
      %add3A_42 = arith.addi %mul3A_40, %add3A_41 : i32
      %add3A_43 = arith.addi %sub3A, %add3A_42 : i32
      %dma_wait3A = arith.constant 0 : i32
      %dma_wait3A_44 = tpu.memref_slice %arg8[%add3A_43, %dma_wait3A] : memref<160x128xi32, #tpu.memory_space<vmem>> -> memref<1x128xi32, #tpu.memory_space<vmem>>
      %dma_wait3A_45 = tpu.memref_squeeze %dma_wait3A_44 : memref<1x128xi32, #tpu.memory_space<vmem>> -> memref<128xi32, #tpu.memory_space<vmem>>
      %dma_wait3A_46 = arith.constant 0 : i32
      %dma_wait3A_47 = arith.constant 0 : i32
      %dma_wait3A_48 = tpu.memref_slice %arg5[%dma_wait3A_46, %dma_wait3A_47] : memref<10000x128xf32, #tpu.memory_space<hbm>> -> memref<10000x128xf32, #tpu.memory_space<hbm>>
      tpu.wait_indirect_dma semaphore(%arg13 : memref<!tpu.dma_semaphore, #tpu.memory_space<semaphore_mem>>) src(%dma_wait3A_48 : memref<10000x128xf32, #tpu.memory_space<hbm>>) dst(%arg11 : memref<128x128xf32, #tpu.memory_space<vmem>>)
      %add3A_49 = arith.addi %sub3A, %add3A_42 : i32
      "tpu.region"() ({
        %run_scoped3A_121 = tpu.sem_alloc : memref<!tpu.dma_semaphore, #tpu.memory_space<semaphore_mem>>
        %dma_start3A = arith.constant 0 : i32
        %dma_start3A_122 = tpu.memref_slice %arg9[%add3A_49, %dma_start3A] : memref<160x128xi32, #tpu.memory_space<vmem>> -> memref<1x128xi32, #tpu.memory_space<vmem>>
        %dma_start3A_123 = tpu.memref_squeeze %dma_start3A_122 : memref<1x128xi32, #tpu.memory_space<vmem>> -> memref<128xi32, #tpu.memory_space<vmem>>
        %dma_start3A_124 = arith.constant 0 : i32
        %dma_start3A_125 = arith.constant 0 : i32
        %dma_start3A_126 = tpu.memref_slice %arg17[%dma_start3A_124, %dma_start3A_125] : memref<5376x128xf32, #tpu.memory_space<vmem_shared>> -> memref<5376x128xf32, #tpu.memory_space<vmem_shared>>
        tpu.enqueue_indirect_dma source(%arg11 : memref<128x128xf32, #tpu.memory_space<vmem>>) target(%dma_start3A_126 : memref<5376x128xf32, #tpu.memory_space<vmem_shared>>) offsets(%dma_start3A_123 : memref<128xi32, #tpu.memory_space<vmem>>) semaphore(%run_scoped3A_121 : memref<!tpu.dma_semaphore, #tpu.memory_space<semaphore_mem>>) {add = true}
        %dma_wait3A_127 = arith.constant 0 : i32
        %dma_wait3A_128 = tpu.memref_slice %arg9[%add3A_49, %dma_wait3A_127] : memref<160x128xi32, #tpu.memory_space<vmem>> -> memref<1x128xi32, #tpu.memory_space<vmem>>
        %dma_wait3A_129 = tpu.memref_squeeze %dma_wait3A_128 : memref<1x128xi32, #tpu.memory_space<vmem>> -> memref<128xi32, #tpu.memory_space<vmem>>
        %dma_wait3A_130 = arith.constant 0 : i32
        %dma_wait3A_131 = arith.constant 0 : i32
        %dma_wait3A_132 = tpu.memref_slice %arg17[%dma_wait3A_130, %dma_wait3A_131] : memref<5376x128xf32, #tpu.memory_space<vmem_shared>> -> memref<5376x128xf32, #tpu.memory_space<vmem_shared>>
        tpu.wait_indirect_dma semaphore(%run_scoped3A_121 : memref<!tpu.dma_semaphore, #tpu.memory_space<semaphore_mem>>) src(%arg11 : memref<128x128xf32, #tpu.memory_space<vmem>>) dst(%dma_wait3A_132 : memref<5376x128xf32, #tpu.memory_space<vmem_shared>>)
        tpu.yield
      }) : () -> ()
      %jit3A_50 = arith.constant 2 : i32
      %div3A_51 = arith.divsi %squeeze3A_3, %jit3A_50 : i32
      %sign3A_52 = arith.constant 0 : i32
      %sign3A_53 = arith.cmpi sgt, %squeeze3A_3, %sign3A_52 : i32
      %sign3A_54 = arith.extui %sign3A_53 : i1 to i32
      %sign3A_55 = arith.constant 0 : i32
      %sign3A_56 = arith.cmpi slt, %squeeze3A_3, %sign3A_55 : i32
      %sign3A_57 = arith.extui %sign3A_56 : i1 to i32
      %sign3A_58 = arith.subi %sign3A_54, %sign3A_57 : i32
      %sign3A_59 = arith.constant 0 : i32
      %sign3A_60 = arith.cmpi sgt, %jit3A_50, %sign3A_59 : i32
      %sign3A_61 = arith.extui %sign3A_60 : i1 to i32
      %sign3A_62 = arith.constant 0 : i32
      %sign3A_63 = arith.cmpi slt, %jit3A_50, %sign3A_62 : i32
      %sign3A_64 = arith.extui %sign3A_63 : i1 to i32
      %sign3A_65 = arith.subi %sign3A_61, %sign3A_64 : i32
      %ne3A_66 = arith.cmpi ne, %sign3A_58, %sign3A_65 : i32
      %rem3A_67 = arith.remsi %squeeze3A_3, %jit3A_50 : i32
      %ne3A_68 = arith.constant 0 : i32
      %ne3A_69 = arith.cmpi ne, %rem3A_67, %ne3A_68 : i32
      %and3A_70 = arith.andi %ne3A_66, %ne3A_69 : i1
      %sub3A_71 = arith.constant 1 : i32
      %sub3A_72 = arith.subi %div3A_51, %sub3A_71 : i32
      %select_n3A_73 = arith.select %and3A_70, %sub3A_72, %div3A_51 : i32
      %sub3A_74 = arith.constant 1 : i32
      %sub3A_75 = arith.subi %select_n3A_73, %sub3A_74 : i32
      %lt3A = arith.cmpi slt, %while3A_38, %sub3A_75 : i32
      %convert_element_type3A_76 = arith.extui %lt3A : i1 to i32
      %cond3A_77 = arith.constant 0 : i32
      %cond3A_78 = arith.cmpi ne, %convert_element_type3A_76, %cond3A_77 : i32
      scf.if %cond3A_78 {
        %add3A_121 = arith.addi %sub3A, %add3A_42 : i32
        %add3A_122 = arith.constant 2 : i32
        %add3A_123 = arith.addi %add3A_121, %add3A_122 : i32
        %dma_start3A = arith.constant 0 : i32
        %dma_start3A_124 = tpu.memref_slice %arg8[%add3A_123, %dma_start3A] : memref<160x128xi32, #tpu.memory_space<vmem>> -> memref<1x128xi32, #tpu.memory_space<vmem>>
        %dma_start3A_125 = tpu.memref_squeeze %dma_start3A_124 : memref<1x128xi32, #tpu.memory_space<vmem>> -> memref<128xi32, #tpu.memory_space<vmem>>
        %dma_start3A_126 = arith.constant 0 : i32
        %dma_start3A_127 = arith.constant 0 : i32
        %dma_start3A_128 = tpu.memref_slice %arg5[%dma_start3A_126, %dma_start3A_127] : memref<10000x128xf32, #tpu.memory_space<hbm>> -> memref<10000x128xf32, #tpu.memory_space<hbm>>
        tpu.enqueue_indirect_dma source(%dma_start3A_128 : memref<10000x128xf32, #tpu.memory_space<hbm>>) target(%arg11 : memref<128x128xf32, #tpu.memory_space<vmem>>) offsets(%dma_start3A_125 : memref<128xi32, #tpu.memory_space<vmem>>) semaphore(%arg13 : memref<!tpu.dma_semaphore, #tpu.memory_space<semaphore_mem>>)
      } else {
      }
      %mul3A_79 = arith.constant 2 : i32
      %mul3A_80 = arith.muli %mul3A_79, %while3A_38 : i32
      %add3A_81 = arith.constant 1 : i32
      %add3A_82 = arith.addi %mul3A_80, %add3A_81 : i32
      %add3A_83 = arith.addi %sub3A, %add3A_82 : i32
      %dma_wait3A_84 = arith.constant 0 : i32
      %dma_wait3A_85 = tpu.memref_slice %arg8[%add3A_83, %dma_wait3A_84] : memref<160x128xi32, #tpu.memory_space<vmem>> -> memref<1x128xi32, #tpu.memory_space<vmem>>
      %dma_wait3A_86 = tpu.memref_squeeze %dma_wait3A_85 : memref<1x128xi32, #tpu.memory_space<vmem>> -> memref<128xi32, #tpu.memory_space<vmem>>
      %dma_wait3A_87 = arith.constant 0 : i32
      %dma_wait3A_88 = arith.constant 0 : i32
      %dma_wait3A_89 = tpu.memref_slice %arg5[%dma_wait3A_87, %dma_wait3A_88] : memref<10000x128xf32, #tpu.memory_space<hbm>> -> memref<10000x128xf32, #tpu.memory_space<hbm>>
      tpu.wait_indirect_dma semaphore(%arg14 : memref<!tpu.dma_semaphore, #tpu.memory_space<semaphore_mem>>) src(%dma_wait3A_89 : memref<10000x128xf32, #tpu.memory_space<hbm>>) dst(%arg12 : memref<128x128xf32, #tpu.memory_space<vmem>>)
      %add3A_90 = arith.addi %sub3A, %add3A_82 : i32
      "tpu.region"() ({
        %run_scoped3A_121 = tpu.sem_alloc : memref<!tpu.dma_semaphore, #tpu.memory_space<semaphore_mem>>
        %dma_start3A = arith.constant 0 : i32
        %dma_start3A_122 = tpu.memref_slice %arg9[%add3A_90, %dma_start3A] : memref<160x128xi32, #tpu.memory_space<vmem>> -> memref<1x128xi32, #tpu.memory_space<vmem>>
        %dma_start3A_123 = tpu.memref_squeeze %dma_start3A_122 : memref<1x128xi32, #tpu.memory_space<vmem>> -> memref<128xi32, #tpu.memory_space<vmem>>
        %dma_start3A_124 = arith.constant 0 : i32
        %dma_start3A_125 = arith.constant 0 : i32
        %dma_start3A_126 = tpu.memref_slice %arg17[%dma_start3A_124, %dma_start3A_125] : memref<5376x128xf32, #tpu.memory_space<vmem_shared>> -> memref<5376x128xf32, #tpu.memory_space<vmem_shared>>
        tpu.enqueue_indirect_dma source(%arg12 : memref<128x128xf32, #tpu.memory_space<vmem>>) target(%dma_start3A_126 : memref<5376x128xf32, #tpu.memory_space<vmem_shared>>) offsets(%dma_start3A_123 : memref<128xi32, #tpu.memory_space<vmem>>) semaphore(%run_scoped3A_121 : memref<!tpu.dma_semaphore, #tpu.memory_space<semaphore_mem>>) {add = true}
        %dma_wait3A_127 = arith.constant 0 : i32
        %dma_wait3A_128 = tpu.memref_slice %arg9[%add3A_90, %dma_wait3A_127] : memref<160x128xi32, #tpu.memory_space<vmem>> -> memref<1x128xi32, #tpu.memory_space<vmem>>
        %dma_wait3A_129 = tpu.memref_squeeze %dma_wait3A_128 : memref<1x128xi32, #tpu.memory_space<vmem>> -> memref<128xi32, #tpu.memory_space<vmem>>
        %dma_wait3A_130 = arith.constant 0 : i32
        %dma_wait3A_131 = arith.constant 0 : i32
        %dma_wait3A_132 = tpu.memref_slice %arg17[%dma_wait3A_130, %dma_wait3A_131] : memref<5376x128xf32, #tpu.memory_space<vmem_shared>> -> memref<5376x128xf32, #tpu.memory_space<vmem_shared>>
        tpu.wait_indirect_dma semaphore(%run_scoped3A_121 : memref<!tpu.dma_semaphore, #tpu.memory_space<semaphore_mem>>) src(%arg12 : memref<128x128xf32, #tpu.memory_space<vmem>>) dst(%dma_wait3A_132 : memref<5376x128xf32, #tpu.memory_space<vmem_shared>>)
        tpu.yield
      }) : () -> ()
      %jit3A_91 = arith.constant 2 : i32
      %div3A_92 = arith.divsi %squeeze3A_3, %jit3A_91 : i32
      %sign3A_93 = arith.constant 0 : i32
      %sign3A_94 = arith.cmpi sgt, %squeeze3A_3, %sign3A_93 : i32
      %sign3A_95 = arith.extui %sign3A_94 : i1 to i32
      %sign3A_96 = arith.constant 0 : i32
      %sign3A_97 = arith.cmpi slt, %squeeze3A_3, %sign3A_96 : i32
      %sign3A_98 = arith.extui %sign3A_97 : i1 to i32
      %sign3A_99 = arith.subi %sign3A_95, %sign3A_98 : i32
      %sign3A_100 = arith.constant 0 : i32
      %sign3A_101 = arith.cmpi sgt, %jit3A_91, %sign3A_100 : i32
      %sign3A_102 = arith.extui %sign3A_101 : i1 to i32
      %sign3A_103 = arith.constant 0 : i32
      %sign3A_104 = arith.cmpi slt, %jit3A_91, %sign3A_103 : i32
      %sign3A_105 = arith.extui %sign3A_104 : i1 to i32
      %sign3A_106 = arith.subi %sign3A_102, %sign3A_105 : i32
      %ne3A_107 = arith.cmpi ne, %sign3A_99, %sign3A_106 : i32
      %rem3A_108 = arith.remsi %squeeze3A_3, %jit3A_91 : i32
      %ne3A_109 = arith.constant 0 : i32
      %ne3A_110 = arith.cmpi ne, %rem3A_108, %ne3A_109 : i32
      %and3A_111 = arith.andi %ne3A_107, %ne3A_110 : i1
      %sub3A_112 = arith.constant 1 : i32
      %sub3A_113 = arith.subi %div3A_92, %sub3A_112 : i32
      %select_n3A_114 = arith.select %and3A_111, %sub3A_113, %div3A_92 : i32
      %sub3A_115 = arith.constant 1 : i32
      %sub3A_116 = arith.subi %select_n3A_114, %sub3A_115 : i32
      %lt3A_117 = arith.cmpi slt, %while3A_38, %sub3A_116 : i32
      %convert_element_type3A_118 = arith.extui %lt3A_117 : i1 to i32
      %cond3A_119 = arith.constant 0 : i32
      %cond3A_120 = arith.cmpi ne, %convert_element_type3A_118, %cond3A_119 : i32
      scf.if %cond3A_120 {
        %add3A_121 = arith.addi %sub3A, %add3A_82 : i32
        %add3A_122 = arith.constant 2 : i32
        %add3A_123 = arith.addi %add3A_121, %add3A_122 : i32
        %dma_start3A = arith.constant 0 : i32
        %dma_start3A_124 = tpu.memref_slice %arg8[%add3A_123, %dma_start3A] : memref<160x128xi32, #tpu.memory_space<vmem>> -> memref<1x128xi32, #tpu.memory_space<vmem>>
        %dma_start3A_125 = tpu.memref_squeeze %dma_start3A_124 : memref<1x128xi32, #tpu.memory_space<vmem>> -> memref<128xi32, #tpu.memory_space<vmem>>
        %dma_start3A_126 = arith.constant 0 : i32
        %dma_start3A_127 = arith.constant 0 : i32
        %dma_start3A_128 = tpu.memref_slice %arg5[%dma_start3A_126, %dma_start3A_127] : memref<10000x128xf32, #tpu.memory_space<hbm>> -> memref<10000x128xf32, #tpu.memory_space<hbm>>
        tpu.enqueue_indirect_dma source(%dma_start3A_128 : memref<10000x128xf32, #tpu.memory_space<hbm>>) target(%arg12 : memref<128x128xf32, #tpu.memory_space<vmem>>) offsets(%dma_start3A_125 : memref<128xi32, #tpu.memory_space<vmem>>) semaphore(%arg14 : memref<!tpu.dma_semaphore, #tpu.memory_space<semaphore_mem>>)
      } else {
      }
    }
    %barrier3A_37 = arith.constant 0 : index
    tpu.barrier barrier_id(%barrier3A_37)
    "tpu.region"() ({
      %run_scoped3A_38 = tpu.sem_alloc : memref<!tpu.dma_semaphore, #tpu.memory_space<semaphore_mem>>
      %dma_start3A = arith.constant 0 : i32
      %dma_start3A_39 = tpu.memref_slice %arg7[%arg0, %mul3A_5, %dma_start3A] : memref<2x5376x128xf32, #tpu.memory_space<hbm>> -> memref<1x336x128xf32, #tpu.memory_space<hbm>>
      %dma_start3A_40 = tpu.memref_squeeze %dma_start3A_39 : memref<1x336x128xf32, #tpu.memory_space<hbm>> -> memref<336x128xf32, #tpu.memory_space<hbm>>
      %dma_start3A_41 = arith.constant 0 : i32
      %dma_start3A_42 = tpu.memref_slice %arg17[%mul3A_5, %dma_start3A_41] : memref<5376x128xf32, #tpu.memory_space<vmem_shared>> -> memref<336x128xf32, #tpu.memory_space<vmem_shared>>
      tpu.enqueue_dma source(%dma_start3A_42 : memref<336x128xf32, #tpu.memory_space<vmem_shared>>) target(%dma_start3A_40 : memref<336x128xf32, #tpu.memory_space<hbm>>) target_semaphore(%run_scoped3A_38 : memref<!tpu.dma_semaphore, #tpu.memory_space<semaphore_mem>>)
      %dma_wait3A = arith.constant 0 : i32
      %dma_wait3A_43 = tpu.memref_slice %arg7[%arg0, %mul3A_5, %dma_wait3A] : memref<2x5376x128xf32, #tpu.memory_space<hbm>> -> memref<1x336x128xf32, #tpu.memory_space<hbm>>
      %dma_wait3A_44 = tpu.memref_squeeze %dma_wait3A_43 : memref<1x336x128xf32, #tpu.memory_space<hbm>> -> memref<336x128xf32, #tpu.memory_space<hbm>>
      %dma_wait3A_45 = arith.constant 0 : i32
      %dma_wait3A_46 = tpu.memref_slice %arg17[%mul3A_5, %dma_wait3A_45] : memref<5376x128xf32, #tpu.memory_space<vmem_shared>> -> memref<336x128xf32, #tpu.memory_space<vmem_shared>>
      tpu.wait_dma2 semaphore(%run_scoped3A_38 : memref<!tpu.dma_semaphore, #tpu.memory_space<semaphore_mem>>) src(%dma_wait3A_46 : memref<336x128xf32, #tpu.memory_space<vmem_shared>>) dst(%dma_wait3A_44 : memref<336x128xf32, #tpu.memory_space<hbm>>)
      tpu.yield
    }) : () -> ()
    return
  }
}

#map = affine_map<(d0, d1) -> (0, 0)>
#map1 = affine_map<(d0, d1) -> (0, 0, 0)>
#map2 = affine_map<(d0, d1) -> (0, 0, 0, 0)>
module attributes {stable_mosaic.version = 14 : i64} {
  func.func @body(%arg0: i32, %arg1: i32, %arg2: memref<2560x128xi32, #tpu.memory_space<hbm>>, %arg3: memref<2x2560x128xi32, #tpu.memory_space<hbm>>, %arg4: memref<2x16x1x128xi32, #tpu.memory_space<hbm>>, %arg5: memref<10000x128xf32, #tpu.memory_space<hbm>>, %arg6: memref<128x128xf32, #tpu.memory_space<hbm>>, %arg7: memref<2x5376x128xf32, #tpu.memory_space<hbm>>, %arg8: memref<160x128xi32, #tpu.memory_space<vmem>>, %arg9: memref<160x128xi32, #tpu.memory_space<vmem>>, %arg10: memref<128xi32, #tpu.memory_space<vmem>>, %arg11: memref<128x128xf32, #tpu.memory_space<vmem>>, %arg12: memref<128x128xf32, #tpu.memory_space<vmem>>, %arg13: memref<!tpu.dma_semaphore, #tpu.memory_space<semaphore_mem>>, %arg14: memref<!tpu.dma_semaphore, #tpu.memory_space<semaphore_mem>>, %arg15: memref<!tpu.dma_semaphore, #tpu.memory_space<semaphore_mem>>, %arg16: memref<!tpu.dma_semaphore, #tpu.memory_space<semaphore_mem>>, %arg17: memref<5376x128xf32, #tpu.memory_space<vmem_shared>>) attributes {dimension_semantics = [#tpu.dimension_semantics<core_parallel>, #tpu.dimension_semantics<subcore_parallel>], iteration_bounds = array<i64: 2, 16>, scalar_prefetch = 0 : i64, scratch_operands = 10 : i64, tpu.core_type = #tpu.core_type<sc_vector_subcore>, window_params = [{transform_indices = #map}, {transform_indices = #map1}, {transform_indices = #map2}, {transform_indices = #map}, {transform_indices = #map}, {transform_indices = #map1}]} {
    %run_scoped3A = arith.constant 0 : i32
    "tpu.region"() ({
      %run_scoped3A_38 = tpu.sem_alloc : memref<!tpu.dma_semaphore, #tpu.memory_space<semaphore_mem>>
      %dma_start3A = arith.constant 0 : i32
      %dma_start3A_39 = tpu.memref_slice %arg4[%arg0, %arg1, %run_scoped3A, %dma_start3A] : memref<2x16x1x128xi32, #tpu.memory_space<hbm>> -> memref<1x1x1x128xi32, #tpu.memory_space<hbm>>
      %dma_start3A_40 = tpu.memref_squeeze %dma_start3A_39 : memref<1x1x1x128xi32, #tpu.memory_space<hbm>> -> memref<128xi32, #tpu.memory_space<hbm>>
      %dma_start3A_41 = arith.constant 0 : i32
      %dma_start3A_42 = tpu.memref_slice %arg4[%arg0, %arg1, %run_scoped3A, %dma_start3A_41] : memref<2x16x1x128xi32, #tpu.memory_space<hbm>> -> memref<1x1x1x128xi32, #tpu.memory_space<hbm>>
      %dma_start3A_43 = tpu.memref_squeeze %dma_start3A_42 : memref<1x1x1x128xi32, #tpu.memory_space<hbm>> -> memref<128xi32, #tpu.memory_space<hbm>>
      tpu.enqueue_dma source(%dma_start3A_43 : memref<128xi32, #tpu.memory_space<hbm>>) target(%arg10 : memref<128xi32, #tpu.memory_space<vmem>>) target_semaphore(%run_scoped3A_38 : memref<!tpu.dma_semaphore, #tpu.memory_space<semaphore_mem>>)
      %dma_wait3A = arith.constant 0 : i32
      %dma_wait3A_44 = tpu.memref_slice %arg4[%arg0, %arg1, %run_scoped3A, %dma_wait3A] : memref<2x16x1x128xi32, #tpu.memory_space<hbm>> -> memref<1x1x1x128xi32, #tpu.memory_space<hbm>>
      %dma_wait3A_45 = tpu.memref_squeeze %dma_wait3A_44 : memref<1x1x1x128xi32, #tpu.memory_space<hbm>> -> memref<128xi32, #tpu.memory_space<hbm>>
      %dma_wait3A_46 = arith.constant 0 : i32
      %dma_wait3A_47 = tpu.memref_slice %arg4[%arg0, %arg1, %run_scoped3A, %dma_wait3A_46] : memref<2x16x1x128xi32, #tpu.memory_space<hbm>> -> memref<1x1x1x128xi32, #tpu.memory_space<hbm>>
      %dma_wait3A_48 = tpu.memref_squeeze %dma_wait3A_47 : memref<1x1x1x128xi32, #tpu.memory_space<hbm>> -> memref<128xi32, #tpu.memory_space<hbm>>
      tpu.wait_dma2 semaphore(%run_scoped3A_38 : memref<!tpu.dma_semaphore, #tpu.memory_space<semaphore_mem>>) src(%dma_wait3A_48 : memref<128xi32, #tpu.memory_space<hbm>>) dst(%arg10 : memref<128xi32, #tpu.memory_space<vmem>>)
      tpu.yield
    }) : () -> ()
    %get3A = arith.constant 0 : index
    %get3A_0 = tpu.vector_load %arg10[%get3A] {strides = array<i32>} : memref<128xi32, #tpu.memory_space<vmem>>, vector<16xi32>,
    %get3A_1 = vector.shape_cast %get3A_0 : vector<16xi32> to vector<16xi32>
    %slice3A = vector.extract_strided_slice %get3A_1 {offsets = [0], sizes = [1], strides = [1]} : vector<16xi32> to vector<1xi32>
    %squeeze3A = vector.extract %slice3A[0] : i32 from vector<1xi32>
    %slice3A_2 = vector.extract_strided_slice %get3A_1 {offsets = [1], sizes = [1], strides = [1]} : vector<16xi32> to vector<1xi32>
    %squeeze3A_3 = vector.extract %slice3A_2[0] : i32 from vector<1xi32>
    %min3A = arith.constant 2400 : i32
    %min3A_4 = arith.minsi %squeeze3A, %min3A : i32
    %multiple_of3A = tpu.assume_multiple %min3A_4, 8 : i32
    %sub3A = arith.subi %squeeze3A, %multiple_of3A : i32
    "tpu.region"() ({
      %run_scoped3A_38 = tpu.sem_alloc : memref<!tpu.dma_semaphore, #tpu.memory_space<semaphore_mem>>
      %dma_start3A = arith.constant 0 : i32
      %dma_start3A_39 = tpu.memref_slice %arg2[%multiple_of3A, %dma_start3A] : memref<2560x128xi32, #tpu.memory_space<hbm>> -> memref<160x128xi32, #tpu.memory_space<hbm>>
      %dma_start3A_40 = arith.constant 0 : i32
      %dma_start3A_41 = tpu.memref_slice %arg2[%multiple_of3A, %dma_start3A_40] : memref<2560x128xi32, #tpu.memory_space<hbm>> -> memref<160x128xi32, #tpu.memory_space<hbm>>
      tpu.enqueue_dma source(%dma_start3A_41 : memref<160x128xi32, #tpu.memory_space<hbm>>) target(%arg8 : memref<160x128xi32, #tpu.memory_space<vmem>>) target_semaphore(%run_scoped3A_38 : memref<!tpu.dma_semaphore, #tpu.memory_space<semaphore_mem>>)
      %dma_wait3A = arith.constant 0 : i32
      %dma_wait3A_42 = tpu.memref_slice %arg2[%multiple_of3A, %dma_wait3A] : memref<2560x128xi32, #tpu.memory_space<hbm>> -> memref<160x128xi32, #tpu.memory_space<hbm>>
      %dma_wait3A_43 = arith.constant 0 : i32
      %dma_wait3A_44 = tpu.memref_slice %arg2[%multiple_of3A, %dma_wait3A_43] : memref<2560x128xi32, #tpu.memory_space<hbm>> -> memref<160x128xi32, #tpu.memory_space<hbm>>
      tpu.wait_dma2 semaphore(%run_scoped3A_38 : memref<!tpu.dma_semaphore, #tpu.memory_space<semaphore_mem>>) src(%dma_wait3A_44 : memref<160x128xi32, #tpu.memory_space<hbm>>) dst(%arg8 : memref<160x128xi32, #tpu.memory_space<vmem>>)
      tpu.yield
    }) : () -> ()
    "tpu.region"() ({
      %run_scoped3A_38 = tpu.sem_alloc : memref<!tpu.dma_semaphore, #tpu.memory_space<semaphore_mem>>
      %dma_start3A = arith.constant 0 : i32
      %dma_start3A_39 = tpu.memref_slice %arg3[%arg0, %multiple_of3A, %dma_start3A] : memref<2x2560x128xi32, #tpu.memory_space<hbm>> -> memref<1x160x128xi32, #tpu.memory_space<hbm>>
      %dma_start3A_40 = tpu.memref_squeeze %dma_start3A_39 : memref<1x160x128xi32, #tpu.memory_space<hbm>> -> memref<160x128xi32, #tpu.memory_space<hbm>>
      %dma_start3A_41 = arith.constant 0 : i32
      %dma_start3A_42 = tpu.memref_slice %arg3[%arg0, %multiple_of3A, %dma_start3A_41] : memref<2x2560x128xi32, #tpu.memory_space<hbm>> -> memref<1x160x128xi32, #tpu.memory_space<hbm>>
      %dma_start3A_43 = tpu.memref_squeeze %dma_start3A_42 : memref<1x160x128xi32, #tpu.memory_space<hbm>> -> memref<160x128xi32, #tpu.memory_space<hbm>>
      tpu.enqueue_dma source(%dma_start3A_43 : memref<160x128xi32, #tpu.memory_space<hbm>>) target(%arg9 : memref<160x128xi32, #tpu.memory_space<vmem>>) target_semaphore(%run_scoped3A_38 : memref<!tpu.dma_semaphore, #tpu.memory_space<semaphore_mem>>)
      %dma_wait3A = arith.constant 0 : i32
      %dma_wait3A_44 = tpu.memref_slice %arg3[%arg0, %multiple_of3A, %dma_wait3A] : memref<2x2560x128xi32, #tpu.memory_space<hbm>> -> memref<1x160x128xi32, #tpu.memory_space<hbm>>
      %dma_wait3A_45 = tpu.memref_squeeze %dma_wait3A_44 : memref<1x160x128xi32, #tpu.memory_space<hbm>> -> memref<160x128xi32, #tpu.memory_space<hbm>>
      %dma_wait3A_46 = arith.constant 0 : i32
      %dma_wait3A_47 = tpu.memref_slice %arg3[%arg0, %multiple_of3A, %dma_wait3A_46] : memref<2x2560x128xi32, #tpu.memory_space<hbm>> -> memref<1x160x128xi32, #tpu.memory_space<hbm>>
      %dma_wait3A_48 = tpu.memref_squeeze %dma_wait3A_47 : memref<1x160x128xi32, #tpu.memory_space<hbm>> -> memref<160x128xi32, #tpu.memory_space<hbm>>
      tpu.wait_dma2 semaphore(%run_scoped3A_38 : memref<!tpu.dma_semaphore, #tpu.memory_space<semaphore_mem>>) src(%dma_wait3A_48 : memref<160x128xi32, #tpu.memory_space<hbm>>) dst(%arg9 : memref<160x128xi32, #tpu.memory_space<vmem>>)
      tpu.yield
    }) : () -> ()
    "tpu.region"() ({
      %run_scoped3A_38 = tpu.sem_alloc : memref<!tpu.dma_semaphore, #tpu.memory_space<semaphore_mem>>
      tpu.enqueue_dma source(%arg6 : memref<128x128xf32, #tpu.memory_space<hbm>>) target(%arg11 : memref<128x128xf32, #tpu.memory_space<vmem>>) target_semaphore(%run_scoped3A_38 : memref<!tpu.dma_semaphore, #tpu.memory_space<semaphore_mem>>)
      tpu.wait_dma2 semaphore(%run_scoped3A_38 : memref<!tpu.dma_semaphore, #tpu.memory_space<semaphore_mem>>) src(%arg6 : memref<128x128xf32, #tpu.memory_space<hbm>>) dst(%arg11 : memref<128x128xf32, #tpu.memory_space<vmem>>)
      tpu.yield
    }) : () -> ()
    %mul3A = arith.constant 336 : i32
    %mul3A_5 = arith.muli %arg1, %mul3A : i32
    "tpu.region"() ({
      %run_scoped3A_38 = tpu.sem_alloc : memref<!tpu.dma_semaphore, #tpu.memory_space<semaphore_mem>>
      %dma_start3A = arith.constant 0 : i32
      %dma_start3A_39 = tpu.memref_slice %arg17[%mul3A_5, %dma_start3A] : memref<5376x128xf32, #tpu.memory_space<vmem_shared>> -> memref<128x128xf32, #tpu.memory_space<vmem_shared>>
      %dma_start3A_40 = arith.constant 0 : i32
      %dma_start3A_41 = tpu.memref_slice %arg17[%mul3A_5, %dma_start3A_40] : memref<5376x128xf32, #tpu.memory_space<vmem_shared>> -> memref<128x128xf32, #tpu.memory_space<vmem_shared>>
      tpu.enqueue_dma source(%arg11 : memref<128x128xf32, #tpu.memory_space<vmem>>) target(%dma_start3A_41 : memref<128x128xf32, #tpu.memory_space<vmem_shared>>) target_semaphore(%run_scoped3A_38 : memref<!tpu.dma_semaphore, #tpu.memory_space<semaphore_mem>>)
      %dma_wait3A = arith.constant 0 : i32
      %dma_wait3A_42 = tpu.memref_slice %arg17[%mul3A_5, %dma_wait3A] : memref<5376x128xf32, #tpu.memory_space<vmem_shared>> -> memref<128x128xf32, #tpu.memory_space<vmem_shared>>
      %dma_wait3A_43 = arith.constant 0 : i32
      %dma_wait3A_44 = tpu.memref_slice %arg17[%mul3A_5, %dma_wait3A_43] : memref<5376x128xf32, #tpu.memory_space<vmem_shared>> -> memref<128x128xf32, #tpu.memory_space<vmem_shared>>
      tpu.wait_dma2 semaphore(%run_scoped3A_38 : memref<!tpu.dma_semaphore, #tpu.memory_space<semaphore_mem>>) src(%arg11 : memref<128x128xf32, #tpu.memory_space<vmem>>) dst(%dma_wait3A_44 : memref<128x128xf32, #tpu.memory_space<vmem_shared>>)
      tpu.yield
    }) : () -> ()
    %add3A = arith.constant 128 : i32
    %add3A_6 = arith.addi %mul3A_5, %add3A : i32
    "tpu.region"() ({
      %run_scoped3A_38 = tpu.sem_alloc : memref<!tpu.dma_semaphore, #tpu.memory_space<semaphore_mem>>
      %dma_start3A = arith.constant 0 : i32
      %dma_start3A_39 = tpu.memref_slice %arg17[%add3A_6, %dma_start3A] : memref<5376x128xf32, #tpu.memory_space<vmem_shared>> -> memref<128x128xf32, #tpu.memory_space<vmem_shared>>
      %dma_start3A_40 = arith.constant 0 : i32
      %dma_start3A_41 = tpu.memref_slice %arg17[%add3A_6, %dma_start3A_40] : memref<5376x128xf32, #tpu.memory_space<vmem_shared>> -> memref<128x128xf32, #tpu.memory_space<vmem_shared>>
      tpu.enqueue_dma source(%arg11 : memref<128x128xf32, #tpu.memory_space<vmem>>) target(%dma_start3A_41 : memref<128x128xf32, #tpu.memory_space<vmem_shared>>) target_semaphore(%run_scoped3A_38 : memref<!tpu.dma_semaphore, #tpu.memory_space<semaphore_mem>>)
      %dma_wait3A = arith.constant 0 : i32
      %dma_wait3A_42 = tpu.memref_slice %arg17[%add3A_6, %dma_wait3A] : memref<5376x128xf32, #tpu.memory_space<vmem_shared>> -> memref<128x128xf32, #tpu.memory_space<vmem_shared>>
      %dma_wait3A_43 = arith.constant 0 : i32
      %dma_wait3A_44 = tpu.memref_slice %arg17[%add3A_6, %dma_wait3A_43] : memref<5376x128xf32, #tpu.memory_space<vmem_shared>> -> memref<128x128xf32, #tpu.memory_space<vmem_shared>>
      tpu.wait_dma2 semaphore(%run_scoped3A_38 : memref<!tpu.dma_semaphore, #tpu.memory_space<semaphore_mem>>) src(%arg11 : memref<128x128xf32, #tpu.memory_space<vmem>>) dst(%dma_wait3A_44 : memref<128x128xf32, #tpu.memory_space<vmem_shared>>)
      tpu.yield
    }) : () -> ()
    %add3A_7 = arith.constant 256 : i32
    %add3A_8 = arith.addi %mul3A_5, %add3A_7 : i32
    "tpu.region"() ({
      %run_scoped3A_38 = tpu.sem_alloc : memref<!tpu.dma_semaphore, #tpu.memory_space<semaphore_mem>>
      %dma_start3A = arith.constant 0 : i32
      %dma_start3A_39 = arith.constant 0 : i32
      %dma_start3A_40 = tpu.memref_slice %arg11[%dma_start3A, %dma_start3A_39] : memref<128x128xf32, #tpu.memory_space<vmem>> -> memref<80x128xf32, #tpu.memory_space<vmem>>
      %dma_start3A_41 = arith.constant 0 : i32
      %dma_start3A_42 = tpu.memref_slice %arg17[%add3A_8, %dma_start3A_41] : memref<5376x128xf32, #tpu.memory_space<vmem_shared>> -> memref<80x128xf32, #tpu.memory_space<vmem_shared>>
      %dma_start3A_43 = arith.constant 0 : i32
      %dma_start3A_44 = tpu.memref_slice %arg17[%add3A_8, %dma_start3A_43] : memref<5376x128xf32, #tpu.memory_space<vmem_shared>> -> memref<80x128xf32, #tpu.memory_space<vmem_shared>>
      %dma_start3A_45 = arith.constant 0 : i32
      %dma_start3A_46 = arith.constant 0 : i32
      %dma_start3A_47 = tpu.memref_slice %arg11[%dma_start3A_45, %dma_start3A_46] : memref<128x128xf32, #tpu.memory_space<vmem>> -> memref<80x128xf32, #tpu.memory_space<vmem>>
      tpu.enqueue_dma source(%dma_start3A_47 : memref<80x128xf32, #tpu.memory_space<vmem>>) target(%dma_start3A_44 : memref<80x128xf32, #tpu.memory_space<vmem_shared>>) target_semaphore(%run_scoped3A_38 : memref<!tpu.dma_semaphore, #tpu.memory_space<semaphore_mem>>)
      %dma_wait3A = arith.constant 0 : i32
      %dma_wait3A_48 = arith.constant 0 : i32
      %dma_wait3A_49 = tpu.memref_slice %arg11[%dma_wait3A, %dma_wait3A_48] : memref<128x128xf32, #tpu.memory_space<vmem>> -> memref<80x128xf32, #tpu.memory_space<vmem>>
      %dma_wait3A_50 = arith.constant 0 : i32
      %dma_wait3A_51 = tpu.memref_slice %arg17[%add3A_8, %dma_wait3A_50] : memref<5376x128xf32, #tpu.memory_space<vmem_shared>> -> memref<80x128xf32, #tpu.memory_space<vmem_shared>>
      %dma_wait3A_52 = arith.constant 0 : i32
      %dma_wait3A_53 = tpu.memref_slice %arg17[%add3A_8, %dma_wait3A_52] : memref<5376x128xf32, #tpu.memory_space<vmem_shared>> -> memref<80x128xf32, #tpu.memory_space<vmem_shared>>
      %dma_wait3A_54 = arith.constant 0 : i32
      %dma_wait3A_55 = arith.constant 0 : i32
      %dma_wait3A_56 = tpu.memref_slice %arg11[%dma_wait3A_54, %dma_wait3A_55] : memref<128x128xf32, #tpu.memory_space<vmem>> -> memref<80x128xf32, #tpu.memory_space<vmem>>
      tpu.wait_dma2 semaphore(%run_scoped3A_38 : memref<!tpu.dma_semaphore, #tpu.memory_space<semaphore_mem>>) src(%dma_wait3A_56 : memref<80x128xf32, #tpu.memory_space<vmem>>) dst(%dma_wait3A_53 : memref<80x128xf32, #tpu.memory_space<vmem_shared>>)
      tpu.yield
    }) : () -> ()
    %barrier3A = arith.constant 0 : index
    tpu.barrier barrier_id(%barrier3A)
    %gt3A = arith.constant 0 : i32
    %gt3A_9 = arith.cmpi sgt, %squeeze3A_3, %gt3A : i32
    %convert_element_type3A = arith.extui %gt3A_9 : i1 to i32
    %cond3A = arith.constant 0 : i32
    %cond3A_10 = arith.cmpi ne, %convert_element_type3A, %cond3A : i32
    scf.if %cond3A_10 {
      %add3A_38 = arith.constant 0 : i32
      %add3A_39 = arith.addi %sub3A, %add3A_38 : i32
      %dma_start3A = arith.constant 0 : i32
      %dma_start3A_40 = tpu.memref_slice %arg8[%add3A_39, %dma_start3A] : memref<160x128xi32, #tpu.memory_space<vmem>> -> memref<1x128xi32, #tpu.memory_space<vmem>>
      %dma_start3A_41 = tpu.memref_squeeze %dma_start3A_40 : memref<1x128xi32, #tpu.memory_space<vmem>> -> memref<128xi32, #tpu.memory_space<vmem>>
      %dma_start3A_42 = arith.constant 0 : i32
      %dma_start3A_43 = arith.constant 0 : i32
      %dma_start3A_44 = tpu.memref_slice %arg5[%dma_start3A_42, %dma_start3A_43] : memref<10000x128xf32, #tpu.memory_space<hbm>> -> memref<10000x128xf32, #tpu.memory_space<hbm>>
      tpu.enqueue_indirect_dma source(%dma_start3A_44 : memref<10000x128xf32, #tpu.memory_space<hbm>>) target(%arg11 : memref<128x128xf32, #tpu.memory_space<vmem>>) offsets(%dma_start3A_41 : memref<128xi32, #tpu.memory_space<vmem>>) semaphore(%arg13 : memref<!tpu.dma_semaphore, #tpu.memory_space<semaphore_mem>>)
      %add3A_45 = arith.constant 1 : i32
      %add3A_46 = arith.addi %sub3A, %add3A_45 : i32
      %dma_start3A_47 = arith.constant 0 : i32
      %dma_start3A_48 = tpu.memref_slice %arg8[%add3A_46, %dma_start3A_47] : memref<160x128xi32, #tpu.memory_space<vmem>> -> memref<1x128xi32, #tpu.memory_space<vmem>>
      %dma_start3A_49 = tpu.memref_squeeze %dma_start3A_48 : memref<1x128xi32, #tpu.memory_space<vmem>> -> memref<128xi32, #tpu.memory_space<vmem>>
      %dma_start3A_50 = arith.constant 0 : i32
      %dma_start3A_51 = arith.constant 0 : i32
      %dma_start3A_52 = tpu.memref_slice %arg5[%dma_start3A_50, %dma_start3A_51] : memref<10000x128xf32, #tpu.memory_space<hbm>> -> memref<10000x128xf32, #tpu.memory_space<hbm>>
      tpu.enqueue_indirect_dma source(%dma_start3A_52 : memref<10000x128xf32, #tpu.memory_space<hbm>>) target(%arg12 : memref<128x128xf32, #tpu.memory_space<vmem>>) offsets(%dma_start3A_49 : memref<128xi32, #tpu.memory_space<vmem>>) semaphore(%arg14 : memref<!tpu.dma_semaphore, #tpu.memory_space<semaphore_mem>>)
    } else {
    }
    %jit3A = arith.constant 2 : i32
    %div3A = arith.divsi %squeeze3A_3, %jit3A : i32
    %sign3A = arith.constant 0 : i32
    %sign3A_11 = arith.cmpi sgt, %squeeze3A_3, %sign3A : i32
    %sign3A_12 = arith.extui %sign3A_11 : i1 to i32
    %sign3A_13 = arith.constant 0 : i32
    %sign3A_14 = arith.cmpi slt, %squeeze3A_3, %sign3A_13 : i32
    %sign3A_15 = arith.extui %sign3A_14 : i1 to i32
    %sign3A_16 = arith.subi %sign3A_12, %sign3A_15 : i32
    %sign3A_17 = arith.constant 0 : i32
    %sign3A_18 = arith.cmpi sgt, %jit3A, %sign3A_17 : i32
    %sign3A_19 = arith.extui %sign3A_18 : i1 to i32
    %sign3A_20 = arith.constant 0 : i32
    %sign3A_21 = arith.cmpi slt, %jit3A, %sign3A_20 : i32
    %sign3A_22 = arith.extui %sign3A_21 : i1 to i32
    %sign3A_23 = arith.subi %sign3A_19, %sign3A_22 : i32
    %ne3A = arith.cmpi ne, %sign3A_16, %sign3A_23 : i32
    %rem3A = arith.remsi %squeeze3A_3, %jit3A : i32
    %ne3A_24 = arith.constant 0 : i32
    %ne3A_25 = arith.cmpi ne, %rem3A, %ne3A_24 : i32
    %and3A = arith.andi %ne3A, %ne3A_25 : i1
    %sub3A_26 = arith.constant 1 : i32
    %sub3A_27 = arith.subi %div3A, %sub3A_26 : i32
    %select_n3A = arith.select %and3A, %sub3A_27, %div3A : i32
    %while3A = arith.constant 0 : i32
    %while3A_28 = arith.constant 0 : i32
    %while3A_29 = arith.subi %select_n3A, %while3A_28 : i32
    %while3A_30 = arith.addi %while3A_28, %while3A_29 : i32
    %while3A_31 = arith.constant 1 : i32
    %while3A_32 = arith.divsi %while3A_29, %while3A_31 : i32
    %while3A_33 = arith.muli %while3A_32, %while3A_31 : i32
    %while3A_34 = arith.addi %while3A_28, %while3A_33 : i32
    %while3A_35 = arith.constant 1 : i32
    scf.for %while3A_38 = %while3A_28 to %while3A_34 step %while3A_35  : i32 {
      %mul3A_39 = arith.constant 2 : i32
      %mul3A_40 = arith.muli %mul3A_39, %while3A_38 : i32
      %add3A_41 = arith.constant 0 : i32
      %add3A_42 = arith.addi %mul3A_40, %add3A_41 : i32
      %add3A_43 = arith.addi %sub3A, %add3A_42 : i32
      %dma_wait3A = arith.constant 0 : i32
      %dma_wait3A_44 = tpu.memref_slice %arg8[%add3A_43, %dma_wait3A] : memref<160x128xi32, #tpu.memory_space<vmem>> -> memref<1x128xi32, #tpu.memory_space<vmem>>
      %dma_wait3A_45 = tpu.memref_squeeze %dma_wait3A_44 : memref<1x128xi32, #tpu.memory_space<vmem>> -> memref<128xi32, #tpu.memory_space<vmem>>
      %dma_wait3A_46 = arith.constant 0 : i32
      %dma_wait3A_47 = arith.constant 0 : i32
      %dma_wait3A_48 = tpu.memref_slice %arg5[%dma_wait3A_46, %dma_wait3A_47] : memref<10000x128xf32, #tpu.memory_space<hbm>> -> memref<10000x128xf32, #tpu.memory_space<hbm>>
      tpu.wait_indirect_dma semaphore(%arg13 : memref<!tpu.dma_semaphore, #tpu.memory_space<semaphore_mem>>) src(%dma_wait3A_48 : memref<10000x128xf32, #tpu.memory_space<hbm>>) dst(%arg11 : memref<128x128xf32, #tpu.memory_space<vmem>>)
      %add3A_49 = arith.addi %sub3A, %add3A_42 : i32
      "tpu.region"() ({
        %run_scoped3A_121 = tpu.sem_alloc : memref<!tpu.dma_semaphore, #tpu.memory_space<semaphore_mem>>
        %dma_start3A = arith.constant 0 : i32
        %dma_start3A_122 = tpu.memref_slice %arg9[%add3A_49, %dma_start3A] : memref<160x128xi32, #tpu.memory_space<vmem>> -> memref<1x128xi32, #tpu.memory_space<vmem>>
        %dma_start3A_123 = tpu.memref_squeeze %dma_start3A_122 : memref<1x128xi32, #tpu.memory_space<vmem>> -> memref<128xi32, #tpu.memory_space<vmem>>
        %dma_start3A_124 = arith.constant 0 : i32
        %dma_start3A_125 = arith.constant 0 : i32
        %dma_start3A_126 = tpu.memref_slice %arg17[%dma_start3A_124, %dma_start3A_125] : memref<5376x128xf32, #tpu.memory_space<vmem_shared>> -> memref<5376x128xf32, #tpu.memory_space<vmem_shared>>
        tpu.enqueue_indirect_dma source(%arg11 : memref<128x128xf32, #tpu.memory_space<vmem>>) target(%dma_start3A_126 : memref<5376x128xf32, #tpu.memory_space<vmem_shared>>) offsets(%dma_start3A_123 : memref<128xi32, #tpu.memory_space<vmem>>) semaphore(%run_scoped3A_121 : memref<!tpu.dma_semaphore, #tpu.memory_space<semaphore_mem>>) {add = true}
        %dma_wait3A_127 = arith.constant 0 : i32
        %dma_wait3A_128 = tpu.memref_slice %arg9[%add3A_49, %dma_wait3A_127] : memref<160x128xi32, #tpu.memory_space<vmem>> -> memref<1x128xi32, #tpu.memory_space<vmem>>
        %dma_wait3A_129 = tpu.memref_squeeze %dma_wait3A_128 : memref<1x128xi32, #tpu.memory_space<vmem>> -> memref<128xi32, #tpu.memory_space<vmem>>
        %dma_wait3A_130 = arith.constant 0 : i32
        %dma_wait3A_131 = arith.constant 0 : i32
        %dma_wait3A_132 = tpu.memref_slice %arg17[%dma_wait3A_130, %dma_wait3A_131] : memref<5376x128xf32, #tpu.memory_space<vmem_shared>> -> memref<5376x128xf32, #tpu.memory_space<vmem_shared>>
        tpu.wait_indirect_dma semaphore(%run_scoped3A_121 : memref<!tpu.dma_semaphore, #tpu.memory_space<semaphore_mem>>) src(%arg11 : memref<128x128xf32, #tpu.memory_space<vmem>>) dst(%dma_wait3A_132 : memref<5376x128xf32, #tpu.memory_space<vmem_shared>>)
        tpu.yield
      }) : () -> ()
      %jit3A_50 = arith.constant 2 : i32
      %div3A_51 = arith.divsi %squeeze3A_3, %jit3A_50 : i32
      %sign3A_52 = arith.constant 0 : i32
      %sign3A_53 = arith.cmpi sgt, %squeeze3A_3, %sign3A_52 : i32
      %sign3A_54 = arith.extui %sign3A_53 : i1 to i32
      %sign3A_55 = arith.constant 0 : i32
      %sign3A_56 = arith.cmpi slt, %squeeze3A_3, %sign3A_55 : i32
      %sign3A_57 = arith.extui %sign3A_56 : i1 to i32
      %sign3A_58 = arith.subi %sign3A_54, %sign3A_57 : i32
      %sign3A_59 = arith.constant 0 : i32
      %sign3A_60 = arith.cmpi sgt, %jit3A_50, %sign3A_59 : i32
      %sign3A_61 = arith.extui %sign3A_60 : i1 to i32
      %sign3A_62 = arith.constant 0 : i32
      %sign3A_63 = arith.cmpi slt, %jit3A_50, %sign3A_62 : i32
      %sign3A_64 = arith.extui %sign3A_63 : i1 to i32
      %sign3A_65 = arith.subi %sign3A_61, %sign3A_64 : i32
      %ne3A_66 = arith.cmpi ne, %sign3A_58, %sign3A_65 : i32
      %rem3A_67 = arith.remsi %squeeze3A_3, %jit3A_50 : i32
      %ne3A_68 = arith.constant 0 : i32
      %ne3A_69 = arith.cmpi ne, %rem3A_67, %ne3A_68 : i32
      %and3A_70 = arith.andi %ne3A_66, %ne3A_69 : i1
      %sub3A_71 = arith.constant 1 : i32
      %sub3A_72 = arith.subi %div3A_51, %sub3A_71 : i32
      %select_n3A_73 = arith.select %and3A_70, %sub3A_72, %div3A_51 : i32
      %sub3A_74 = arith.constant 1 : i32
      %sub3A_75 = arith.subi %select_n3A_73, %sub3A_74 : i32
      %lt3A = arith.cmpi slt, %while3A_38, %sub3A_75 : i32
      %convert_element_type3A_76 = arith.extui %lt3A : i1 to i32
      %cond3A_77 = arith.constant 0 : i32
      %cond3A_78 = arith.cmpi ne, %convert_element_type3A_76, %cond3A_77 : i32
      scf.if %cond3A_78 {
        %add3A_121 = arith.addi %sub3A, %add3A_42 : i32
        %add3A_122 = arith.constant 2 : i32
        %add3A_123 = arith.addi %add3A_121, %add3A_122 : i32
        %dma_start3A = arith.constant 0 : i32
        %dma_start3A_124 = tpu.memref_slice %arg8[%add3A_123, %dma_start3A] : memref<160x128xi32, #tpu.memory_space<vmem>> -> memref<1x128xi32, #tpu.memory_space<vmem>>
        %dma_start3A_125 = tpu.memref_squeeze %dma_start3A_124 : memref<1x128xi32, #tpu.memory_space<vmem>> -> memref<128xi32, #tpu.memory_space<vmem>>
        %dma_start3A_126 = arith.constant 0 : i32
        %dma_start3A_127 = arith.constant 0 : i32
        %dma_start3A_128 = tpu.memref_slice %arg5[%dma_start3A_126, %dma_start3A_127] : memref<10000x128xf32, #tpu.memory_space<hbm>> -> memref<10000x128xf32, #tpu.memory_space<hbm>>
        tpu.enqueue_indirect_dma source(%dma_start3A_128 : memref<10000x128xf32, #tpu.memory_space<hbm>>) target(%arg11 : memref<128x128xf32, #tpu.memory_space<vmem>>) offsets(%dma_start3A_125 : memref<128xi32, #tpu.memory_space<vmem>>) semaphore(%arg13 : memref<!tpu.dma_semaphore, #tpu.memory_space<semaphore_mem>>)
      } else {
      }
      %mul3A_79 = arith.constant 2 : i32
      %mul3A_80 = arith.muli %mul3A_79, %while3A_38 : i32
      %add3A_81 = arith.constant 1 : i32
      %add3A_82 = arith.addi %mul3A_80, %add3A_81 : i32
      %add3A_83 = arith.addi %sub3A, %add3A_82 : i32
      %dma_wait3A_84 = arith.constant 0 : i32
      %dma_wait3A_85 = tpu.memref_slice %arg8[%add3A_83, %dma_wait3A_84] : memref<160x128xi32, #tpu.memory_space<vmem>> -> memref<1x128xi32, #tpu.memory_space<vmem>>
      %dma_wait3A_86 = tpu.memref_squeeze %dma_wait3A_85 : memref<1x128xi32, #tpu.memory_space<vmem>> -> memref<128xi32, #tpu.memory_space<vmem>>
      %dma_wait3A_87 = arith.constant 0 : i32
      %dma_wait3A_88 = arith.constant 0 : i32
      %dma_wait3A_89 = tpu.memref_slice %arg5[%dma_wait3A_87, %dma_wait3A_88] : memref<10000x128xf32, #tpu.memory_space<hbm>> -> memref<10000x128xf32, #tpu.memory_space<hbm>>
      tpu.wait_indirect_dma semaphore(%arg14 : memref<!tpu.dma_semaphore, #tpu.memory_space<semaphore_mem>>) src(%dma_wait3A_89 : memref<10000x128xf32, #tpu.memory_space<hbm>>) dst(%arg12 : memref<128x128xf32, #tpu.memory_space<vmem>>)
      %add3A_90 = arith.addi %sub3A, %add3A_82 : i32
      "tpu.region"() ({
        %run_scoped3A_121 = tpu.sem_alloc : memref<!tpu.dma_semaphore, #tpu.memory_space<semaphore_mem>>
        %dma_start3A = arith.constant 0 : i32
        %dma_start3A_122 = tpu.memref_slice %arg9[%add3A_90, %dma_start3A] : memref<160x128xi32, #tpu.memory_space<vmem>> -> memref<1x128xi32, #tpu.memory_space<vmem>>
        %dma_start3A_123 = tpu.memref_squeeze %dma_start3A_122 : memref<1x128xi32, #tpu.memory_space<vmem>> -> memref<128xi32, #tpu.memory_space<vmem>>
        %dma_start3A_124 = arith.constant 0 : i32
        %dma_start3A_125 = arith.constant 0 : i32
        %dma_start3A_126 = tpu.memref_slice %arg17[%dma_start3A_124, %dma_start3A_125] : memref<5376x128xf32, #tpu.memory_space<vmem_shared>> -> memref<5376x128xf32, #tpu.memory_space<vmem_shared>>
        tpu.enqueue_indirect_dma source(%arg12 : memref<128x128xf32, #tpu.memory_space<vmem>>) target(%dma_start3A_126 : memref<5376x128xf32, #tpu.memory_space<vmem_shared>>) offsets(%dma_start3A_123 : memref<128xi32, #tpu.memory_space<vmem>>) semaphore(%run_scoped3A_121 : memref<!tpu.dma_semaphore, #tpu.memory_space<semaphore_mem>>) {add = true}
        %dma_wait3A_127 = arith.constant 0 : i32
        %dma_wait3A_128 = tpu.memref_slice %arg9[%add3A_90, %dma_wait3A_127] : memref<160x128xi32, #tpu.memory_space<vmem>> -> memref<1x128xi32, #tpu.memory_space<vmem>>
        %dma_wait3A_129 = tpu.memref_squeeze %dma_wait3A_128 : memref<1x128xi32, #tpu.memory_space<vmem>> -> memref<128xi32, #tpu.memory_space<vmem>>
        %dma_wait3A_130 = arith.constant 0 : i32
        %dma_wait3A_131 = arith.constant 0 : i32
        %dma_wait3A_132 = tpu.memref_slice %arg17[%dma_wait3A_130, %dma_wait3A_131] : memref<5376x128xf32, #tpu.memory_space<vmem_shared>> -> memref<5376x128xf32, #tpu.memory_space<vmem_shared>>
        tpu.wait_indirect_dma semaphore(%run_scoped3A_121 : memref<!tpu.dma_semaphore, #tpu.memory_space<semaphore_mem>>) src(%arg12 : memref<128x128xf32, #tpu.memory_space<vmem>>) dst(%dma_wait3A_132 : memref<5376x128xf32, #tpu.memory_space<vmem_shared>>)
        tpu.yield
      }) : () -> ()
      %jit3A_91 = arith.constant 2 : i32
      %div3A_92 = arith.divsi %squeeze3A_3, %jit3A_91 : i32
      %sign3A_93 = arith.constant 0 : i32
      %sign3A_94 = arith.cmpi sgt, %squeeze3A_3, %sign3A_93 : i32
      %sign3A_95 = arith.extui %sign3A_94 : i1 to i32
      %sign3A_96 = arith.constant 0 : i32
      %sign3A_97 = arith.cmpi slt, %squeeze3A_3, %sign3A_96 : i32
      %sign3A_98 = arith.extui %sign3A_97 : i1 to i32
      %sign3A_99 = arith.subi %sign3A_95, %sign3A_98 : i32
      %sign3A_100 = arith.constant 0 : i32
      %sign3A_101 = arith.cmpi sgt, %jit3A_91, %sign3A_100 : i32
      %sign3A_102 = arith.extui %sign3A_101 : i1 to i32
      %sign3A_103 = arith.constant 0 : i32
      %sign3A_104 = arith.cmpi slt, %jit3A_91, %sign3A_103 : i32
      %sign3A_105 = arith.extui %sign3A_104 : i1 to i32
      %sign3A_106 = arith.subi %sign3A_102, %sign3A_105 : i32
      %ne3A_107 = arith.cmpi ne, %sign3A_99, %sign3A_106 : i32
      %rem3A_108 = arith.remsi %squeeze3A_3, %jit3A_91 : i32
      %ne3A_109 = arith.constant 0 : i32
      %ne3A_110 = arith.cmpi ne, %rem3A_108, %ne3A_109 : i32
      %and3A_111 = arith.andi %ne3A_107, %ne3A_110 : i1
      %sub3A_112 = arith.constant 1 : i32
      %sub3A_113 = arith.subi %div3A_92, %sub3A_112 : i32
      %select_n3A_114 = arith.select %and3A_111, %sub3A_113, %div3A_92 : i32
      %sub3A_115 = arith.constant 1 : i32
      %sub3A_116 = arith.subi %select_n3A_114, %sub3A_115 : i32
      %lt3A_117 = arith.cmpi slt, %while3A_38, %sub3A_116 : i32
      %convert_element_type3A_118 = arith.extui %lt3A_117 : i1 to i32
      %cond3A_119 = arith.constant 0 : i32
      %cond3A_120 = arith.cmpi ne, %convert_element_type3A_118, %cond3A_119 : i32
      scf.if %cond3A_120 {
        %add3A_121 = arith.addi %sub3A, %add3A_82 : i32
        %add3A_122 = arith.constant 2 : i32
        %add3A_123 = arith.addi %add3A_121, %add3A_122 : i32
        %dma_start3A = arith.constant 0 : i32
        %dma_start3A_124 = tpu.memref_slice %arg8[%add3A_123, %dma_start3A] : memref<160x128xi32, #tpu.memory_space<vmem>> -> memref<1x128xi32, #tpu.memory_space<vmem>>
        %dma_start3A_125 = tpu.memref_squeeze %dma_start3A_124 : memref<1x128xi32, #tpu.memory_space<vmem>> -> memref<128xi32, #tpu.memory_space<vmem>>
        %dma_start3A_126 = arith.constant 0 : i32
        %dma_start3A_127 = arith.constant 0 : i32
        %dma_start3A_128 = tpu.memref_slice %arg5[%dma_start3A_126, %dma_start3A_127] : memref<10000x128xf32, #tpu.memory_space<hbm>> -> memref<10000x128xf32, #tpu.memory_space<hbm>>
        tpu.enqueue_indirect_dma source(%dma_start3A_128 : memref<10000x128xf32, #tpu.memory_space<hbm>>) target(%arg12 : memref<128x128xf32, #tpu.memory_space<vmem>>) offsets(%dma_start3A_125 : memref<128xi32, #tpu.memory_space<vmem>>) semaphore(%arg14 : memref<!tpu.dma_semaphore, #tpu.memory_space<semaphore_mem>>)
      } else {
      }
    }
    %while3A_36 = arith.constant 1 : i32
    scf.for %while3A_38 = %while3A_34 to %while3A_30 step %while3A_36  : i32 {
      %mul3A_39 = arith.constant 2 : i32
      %mul3A_40 = arith.muli %mul3A_39, %while3A_38 : i32
      %add3A_41 = arith.constant 0 : i32
      %add3A_42 = arith.addi %mul3A_40, %add3A_41 : i32
      %add3A_43 = arith.addi %sub3A, %add3A_42 : i32
      %dma_wait3A = arith.constant 0 : i32
      %dma_wait3A_44 = tpu.memref_slice %arg8[%add3A_43, %dma_wait3A] : memref<160x128xi32, #tpu.memory_space<vmem>> -> memref<1x128xi32, #tpu.memory_space<vmem>>
      %dma_wait3A_45 = tpu.memref_squeeze %dma_wait3A_44 : memref<1x128xi32, #tpu.memory_space<vmem>> -> memref<128xi32, #tpu.memory_space<vmem>>
      %dma_wait3A_46 = arith.constant 0 : i32
      %dma_wait3A_47 = arith.constant 0 : i32
      %dma_wait3A_48 = tpu.memref_slice %arg5[%dma_wait3A_46, %dma_wait3A_47] : memref<10000x128xf32, #tpu.memory_space<hbm>> -> memref<10000x128xf32, #tpu.memory_space<hbm>>
      tpu.wait_indirect_dma semaphore(%arg13 : memref<!tpu.dma_semaphore, #tpu.memory_space<semaphore_mem>>) src(%dma_wait3A_48 : memref<10000x128xf32, #tpu.memory_space<hbm>>) dst(%arg11 : memref<128x128xf32, #tpu.memory_space<vmem>>)
      %add3A_49 = arith.addi %sub3A, %add3A_42 : i32
      "tpu.region"() ({
        %run_scoped3A_121 = tpu.sem_alloc : memref<!tpu.dma_semaphore, #tpu.memory_space<semaphore_mem>>
        %dma_start3A = arith.constant 0 : i32
        %dma_start3A_122 = tpu.memref_slice %arg9[%add3A_49, %dma_start3A] : memref<160x128xi32, #tpu.memory_space<vmem>> -> memref<1x128xi32, #tpu.memory_space<vmem>>
        %dma_start3A_123 = tpu.memref_squeeze %dma_start3A_122 : memref<1x128xi32, #tpu.memory_space<vmem>> -> memref<128xi32, #tpu.memory_space<vmem>>
        %dma_start3A_124 = arith.constant 0 : i32
        %dma_start3A_125 = arith.constant 0 : i32
        %dma_start3A_126 = tpu.memref_slice %arg17[%dma_start3A_124, %dma_start3A_125] : memref<5376x128xf32, #tpu.memory_space<vmem_shared>> -> memref<5376x128xf32, #tpu.memory_space<vmem_shared>>
        tpu.enqueue_indirect_dma source(%arg11 : memref<128x128xf32, #tpu.memory_space<vmem>>) target(%dma_start3A_126 : memref<5376x128xf32, #tpu.memory_space<vmem_shared>>) offsets(%dma_start3A_123 : memref<128xi32, #tpu.memory_space<vmem>>) semaphore(%run_scoped3A_121 : memref<!tpu.dma_semaphore, #tpu.memory_space<semaphore_mem>>) {add = true}
        %dma_wait3A_127 = arith.constant 0 : i32
        %dma_wait3A_128 = tpu.memref_slice %arg9[%add3A_49, %dma_wait3A_127] : memref<160x128xi32, #tpu.memory_space<vmem>> -> memref<1x128xi32, #tpu.memory_space<vmem>>
        %dma_wait3A_129 = tpu.memref_squeeze %dma_wait3A_128 : memref<1x128xi32, #tpu.memory_space<vmem>> -> memref<128xi32, #tpu.memory_space<vmem>>
        %dma_wait3A_130 = arith.constant 0 : i32
        %dma_wait3A_131 = arith.constant 0 : i32
        %dma_wait3A_132 = tpu.memref_slice %arg17[%dma_wait3A_130, %dma_wait3A_131] : memref<5376x128xf32, #tpu.memory_space<vmem_shared>> -> memref<5376x128xf32, #tpu.memory_space<vmem_shared>>
        tpu.wait_indirect_dma semaphore(%run_scoped3A_121 : memref<!tpu.dma_semaphore, #tpu.memory_space<semaphore_mem>>) src(%arg11 : memref<128x128xf32, #tpu.memory_space<vmem>>) dst(%dma_wait3A_132 : memref<5376x128xf32, #tpu.memory_space<vmem_shared>>)
        tpu.yield
      }) : () -> ()
      %jit3A_50 = arith.constant 2 : i32
      %div3A_51 = arith.divsi %squeeze3A_3, %jit3A_50 : i32
      %sign3A_52 = arith.constant 0 : i32
      %sign3A_53 = arith.cmpi sgt, %squeeze3A_3, %sign3A_52 : i32
      %sign3A_54 = arith.extui %sign3A_53 : i1 to i32
      %sign3A_55 = arith.constant 0 : i32
      %sign3A_56 = arith.cmpi slt, %squeeze3A_3, %sign3A_55 : i32
      %sign3A_57 = arith.extui %sign3A_56 : i1 to i32
      %sign3A_58 = arith.subi %sign3A_54, %sign3A_57 : i32
      %sign3A_59 = arith.constant 0 : i32
      %sign3A_60 = arith.cmpi sgt, %jit3A_50, %sign3A_59 : i32
      %sign3A_61 = arith.extui %sign3A_60 : i1 to i32
      %sign3A_62 = arith.constant 0 : i32
      %sign3A_63 = arith.cmpi slt, %jit3A_50, %sign3A_62 : i32
      %sign3A_64 = arith.extui %sign3A_63 : i1 to i32
      %sign3A_65 = arith.subi %sign3A_61, %sign3A_64 : i32
      %ne3A_66 = arith.cmpi ne, %sign3A_58, %sign3A_65 : i32
      %rem3A_67 = arith.remsi %squeeze3A_3, %jit3A_50 : i32
      %ne3A_68 = arith.constant 0 : i32
      %ne3A_69 = arith.cmpi ne, %rem3A_67, %ne3A_68 : i32
      %and3A_70 = arith.andi %ne3A_66, %ne3A_69 : i1
      %sub3A_71 = arith.constant 1 : i32
      %sub3A_72 = arith.subi %div3A_51, %sub3A_71 : i32
      %select_n3A_73 = arith.select %and3A_70, %sub3A_72, %div3A_51 : i32
      %sub3A_74 = arith.constant 1 : i32
      %sub3A_75 = arith.subi %select_n3A_73, %sub3A_74 : i32
      %lt3A = arith.cmpi slt, %while3A_38, %sub3A_75 : i32
      %convert_element_type3A_76 = arith.extui %lt3A : i1 to i32
      %cond3A_77 = arith.constant 0 : i32
      %cond3A_78 = arith.cmpi ne, %convert_element_type3A_76, %cond3A_77 : i32
      scf.if %cond3A_78 {
        %add3A_121 = arith.addi %sub3A, %add3A_42 : i32
        %add3A_122 = arith.constant 2 : i32
        %add3A_123 = arith.addi %add3A_121, %add3A_122 : i32
        %dma_start3A = arith.constant 0 : i32
        %dma_start3A_124 = tpu.memref_slice %arg8[%add3A_123, %dma_start3A] : memref<160x128xi32, #tpu.memory_space<vmem>> -> memref<1x128xi32, #tpu.memory_space<vmem>>
        %dma_start3A_125 = tpu.memref_squeeze %dma_start3A_124 : memref<1x128xi32, #tpu.memory_space<vmem>> -> memref<128xi32, #tpu.memory_space<vmem>>
        %dma_start3A_126 = arith.constant 0 : i32
        %dma_start3A_127 = arith.constant 0 : i32
        %dma_start3A_128 = tpu.memref_slice %arg5[%dma_start3A_126, %dma_start3A_127] : memref<10000x128xf32, #tpu.memory_space<hbm>> -> memref<10000x128xf32, #tpu.memory_space<hbm>>
        tpu.enqueue_indirect_dma source(%dma_start3A_128 : memref<10000x128xf32, #tpu.memory_space<hbm>>) target(%arg11 : memref<128x128xf32, #tpu.memory_space<vmem>>) offsets(%dma_start3A_125 : memref<128xi32, #tpu.memory_space<vmem>>) semaphore(%arg13 : memref<!tpu.dma_semaphore, #tpu.memory_space<semaphore_mem>>)
      } else {
      }
      %mul3A_79 = arith.constant 2 : i32
      %mul3A_80 = arith.muli %mul3A_79, %while3A_38 : i32
      %add3A_81 = arith.constant 1 : i32
      %add3A_82 = arith.addi %mul3A_80, %add3A_81 : i32
      %add3A_83 = arith.addi %sub3A, %add3A_82 : i32
      %dma_wait3A_84 = arith.constant 0 : i32
      %dma_wait3A_85 = tpu.memref_slice %arg8[%add3A_83, %dma_wait3A_84] : memref<160x128xi32, #tpu.memory_space<vmem>> -> memref<1x128xi32, #tpu.memory_space<vmem>>
      %dma_wait3A_86 = tpu.memref_squeeze %dma_wait3A_85 : memref<1x128xi32, #tpu.memory_space<vmem>> -> memref<128xi32, #tpu.memory_space<vmem>>
      %dma_wait3A_87 = arith.constant 0 : i32
      %dma_wait3A_88 = arith.constant 0 : i32
      %dma_wait3A_89 = tpu.memref_slice %arg5[%dma_wait3A_87, %dma_wait3A_88] : memref<10000x128xf32, #tpu.memory_space<hbm>> -> memref<10000x128xf32, #tpu.memory_space<hbm>>
      tpu.wait_indirect_dma semaphore(%arg14 : memref<!tpu.dma_semaphore, #tpu.memory_space<semaphore_mem>>) src(%dma_wait3A_89 : memref<10000x128xf32, #tpu.memory_space<hbm>>) dst(%arg12 : memref<128x128xf32, #tpu.memory_space<vmem>>)
      %add3A_90 = arith.addi %sub3A, %add3A_82 : i32
      "tpu.region"() ({
        %run_scoped3A_121 = tpu.sem_alloc : memref<!tpu.dma_semaphore, #tpu.memory_space<semaphore_mem>>
        %dma_start3A = arith.constant 0 : i32
        %dma_start3A_122 = tpu.memref_slice %arg9[%add3A_90, %dma_start3A] : memref<160x128xi32, #tpu.memory_space<vmem>> -> memref<1x128xi32, #tpu.memory_space<vmem>>
        %dma_start3A_123 = tpu.memref_squeeze %dma_start3A_122 : memref<1x128xi32, #tpu.memory_space<vmem>> -> memref<128xi32, #tpu.memory_space<vmem>>
        %dma_start3A_124 = arith.constant 0 : i32
        %dma_start3A_125 = arith.constant 0 : i32
        %dma_start3A_126 = tpu.memref_slice %arg17[%dma_start3A_124, %dma_start3A_125] : memref<5376x128xf32, #tpu.memory_space<vmem_shared>> -> memref<5376x128xf32, #tpu.memory_space<vmem_shared>>
        tpu.enqueue_indirect_dma source(%arg12 : memref<128x128xf32, #tpu.memory_space<vmem>>) target(%dma_start3A_126 : memref<5376x128xf32, #tpu.memory_space<vmem_shared>>) offsets(%dma_start3A_123 : memref<128xi32, #tpu.memory_space<vmem>>) semaphore(%run_scoped3A_121 : memref<!tpu.dma_semaphore, #tpu.memory_space<semaphore_mem>>) {add = true}
        %dma_wait3A_127 = arith.constant 0 : i32
        %dma_wait3A_128 = tpu.memref_slice %arg9[%add3A_90, %dma_wait3A_127] : memref<160x128xi32, #tpu.memory_space<vmem>> -> memref<1x128xi32, #tpu.memory_space<vmem>>
        %dma_wait3A_129 = tpu.memref_squeeze %dma_wait3A_128 : memref<1x128xi32, #tpu.memory_space<vmem>> -> memref<128xi32, #tpu.memory_space<vmem>>
        %dma_wait3A_130 = arith.constant 0 : i32
        %dma_wait3A_131 = arith.constant 0 : i32
        %dma_wait3A_132 = tpu.memref_slice %arg17[%dma_wait3A_130, %dma_wait3A_131] : memref<5376x128xf32, #tpu.memory_space<vmem_shared>> -> memref<5376x128xf32, #tpu.memory_space<vmem_shared>>
        tpu.wait_indirect_dma semaphore(%run_scoped3A_121 : memref<!tpu.dma_semaphore, #tpu.memory_space<semaphore_mem>>) src(%arg12 : memref<128x128xf32, #tpu.memory_space<vmem>>) dst(%dma_wait3A_132 : memref<5376x128xf32, #tpu.memory_space<vmem_shared>>)
        tpu.yield
      }) : () -> ()
      %jit3A_91 = arith.constant 2 : i32
      %div3A_92 = arith.divsi %squeeze3A_3, %jit3A_91 : i32
      %sign3A_93 = arith.constant 0 : i32
      %sign3A_94 = arith.cmpi sgt, %squeeze3A_3, %sign3A_93 : i32
      %sign3A_95 = arith.extui %sign3A_94 : i1 to i32
      %sign3A_96 = arith.constant 0 : i32
      %sign3A_97 = arith.cmpi slt, %squeeze3A_3, %sign3A_96 : i32
      %sign3A_98 = arith.extui %sign3A_97 : i1 to i32
      %sign3A_99 = arith.subi %sign3A_95, %sign3A_98 : i32
      %sign3A_100 = arith.constant 0 : i32
      %sign3A_101 = arith.cmpi sgt, %jit3A_91, %sign3A_100 : i32
      %sign3A_102 = arith.extui %sign3A_101 : i1 to i32
      %sign3A_103 = arith.constant 0 : i32
      %sign3A_104 = arith.cmpi slt, %jit3A_91, %sign3A_103 : i32
      %sign3A_105 = arith.extui %sign3A_104 : i1 to i32
      %sign3A_106 = arith.subi %sign3A_102, %sign3A_105 : i32
      %ne3A_107 = arith.cmpi ne, %sign3A_99, %sign3A_106 : i32
      %rem3A_108 = arith.remsi %squeeze3A_3, %jit3A_91 : i32
      %ne3A_109 = arith.constant 0 : i32
      %ne3A_110 = arith.cmpi ne, %rem3A_108, %ne3A_109 : i32
      %and3A_111 = arith.andi %ne3A_107, %ne3A_110 : i1
      %sub3A_112 = arith.constant 1 : i32
      %sub3A_113 = arith.subi %div3A_92, %sub3A_112 : i32
      %select_n3A_114 = arith.select %and3A_111, %sub3A_113, %div3A_92 : i32
      %sub3A_115 = arith.constant 1 : i32
      %sub3A_116 = arith.subi %select_n3A_114, %sub3A_115 : i32
      %lt3A_117 = arith.cmpi slt, %while3A_38, %sub3A_116 : i32
      %convert_element_type3A_118 = arith.extui %lt3A_117 : i1 to i32
      %cond3A_119 = arith.constant 0 : i32
      %cond3A_120 = arith.cmpi ne, %convert_element_type3A_118, %cond3A_119 : i32
      scf.if %cond3A_120 {
        %add3A_121 = arith.addi %sub3A, %add3A_82 : i32
        %add3A_122 = arith.constant 2 : i32
        %add3A_123 = arith.addi %add3A_121, %add3A_122 : i32
        %dma_start3A = arith.constant 0 : i32
        %dma_start3A_124 = tpu.memref_slice %arg8[%add3A_123, %dma_start3A] : memref<160x128xi32, #tpu.memory_space<vmem>> -> memref<1x128xi32, #tpu.memory_space<vmem>>
        %dma_start3A_125 = tpu.memref_squeeze %dma_start3A_124 : memref<1x128xi32, #tpu.memory_space<vmem>> -> memref<128xi32, #tpu.memory_space<vmem>>
        %dma_start3A_126 = arith.constant 0 : i32
        %dma_start3A_127 = arith.constant 0 : i32
        %dma_start3A_128 = tpu.memref_slice %arg5[%dma_start3A_126, %dma_start3A_127] : memref<10000x128xf32, #tpu.memory_space<hbm>> -> memref<10000x128xf32, #tpu.memory_space<hbm>>
        tpu.enqueue_indirect_dma source(%dma_start3A_128 : memref<10000x128xf32, #tpu.memory_space<hbm>>) target(%arg12 : memref<128x128xf32, #tpu.memory_space<vmem>>) offsets(%dma_start3A_125 : memref<128xi32, #tpu.memory_space<vmem>>) semaphore(%arg14 : memref<!tpu.dma_semaphore, #tpu.memory_space<semaphore_mem>>)
      } else {
      }
    }
    %barrier3A_37 = arith.constant 0 : index
    tpu.barrier barrier_id(%barrier3A_37)
    "tpu.region"() ({
      %run_scoped3A_38 = tpu.sem_alloc : memref<!tpu.dma_semaphore, #tpu.memory_space<semaphore_mem>>
      %dma_start3A = arith.constant 0 : i32
      %dma_start3A_39 = tpu.memref_slice %arg7[%arg0, %mul3A_5, %dma_start3A] : memref<2x5376x128xf32, #tpu.memory_space<hbm>> -> memref<1x336x128xf32, #tpu.memory_space<hbm>>
      %dma_start3A_40 = tpu.memref_squeeze %dma_start3A_39 : memref<1x336x128xf32, #tpu.memory_space<hbm>> -> memref<336x128xf32, #tpu.memory_space<hbm>>
      %dma_start3A_41 = arith.constant 0 : i32
      %dma_start3A_42 = tpu.memref_slice %arg17[%mul3A_5, %dma_start3A_41] : memref<5376x128xf32, #tpu.memory_space<vmem_shared>> -> memref<336x128xf32, #tpu.memory_space<vmem_shared>>
      tpu.enqueue_dma source(%dma_start3A_42 : memref<336x128xf32, #tpu.memory_space<vmem_shared>>) target(%dma_start3A_40 : memref<336x128xf32, #tpu.memory_space<hbm>>) target_semaphore(%run_scoped3A_38 : memref<!tpu.dma_semaphore, #tpu.memory_space<semaphore_mem>>)
      %dma_wait3A = arith.constant 0 : i32
      %dma_wait3A_43 = tpu.memref_slice %arg7[%arg0, %mul3A_5, %dma_wait3A] : memref<2x5376x128xf32, #tpu.memory_space<hbm>> -> memref<1x336x128xf32, #tpu.memory_space<hbm>>
      %dma_wait3A_44 = tpu.memref_squeeze %dma_wait3A_43 : memref<1x336x128xf32, #tpu.memory_space<hbm>> -> memref<336x128xf32, #tpu.memory_space<hbm>>
      %dma_wait3A_45 = arith.constant 0 : i32
      %dma_wait3A_46 = tpu.memref_slice %arg17[%mul3A_5, %dma_wait3A_45] : memref<5376x128xf32, #tpu.memory_space<vmem_shared>> -> memref<336x128xf32, #tpu.memory_space<vmem_shared>>
      tpu.wait_dma2 semaphore(%run_scoped3A_38 : memref<!tpu.dma_semaphore, #tpu.memory_space<semaphore_mem>>) src(%dma_wait3A_46 : memref<336x128xf32, #tpu.memory_space<vmem_shared>>) dst(%dma_wait3A_44 : memref<336x128xf32, #tpu.memory_space<hbm>>)
      tpu.yield
    }) : () -> ()
    return
  }
}

#map = affine_map<(d0, d1) -> (0, 0)>
#map1 = affine_map<(d0, d1) -> (0, 0, 0)>
#map2 = affine_map<(d0, d1) -> (0, 0, 0, 0)>
module attributes {stable_mosaic.version = 14 : i64} {
  func.func @body(%arg0: i32, %arg1: i32, %arg2: memref<2560x128xi32, #tpu.memory_space<hbm>>, %arg3: memref<2x2560x128xi32, #tpu.memory_space<hbm>>, %arg4: memref<2x16x1x128xi32, #tpu.memory_space<hbm>>, %arg5: memref<10000x128xf32, #tpu.memory_space<hbm>>, %arg6: memref<128x128xf32, #tpu.memory_space<hbm>>, %arg7: memref<2x5376x128xf32, #tpu.memory_space<hbm>>, %arg8: memref<160x128xi32, #tpu.memory_space<vmem>>, %arg9: memref<160x128xi32, #tpu.memory_space<vmem>>, %arg10: memref<128xi32, #tpu.memory_space<vmem>>, %arg11: memref<128x128xf32, #tpu.memory_space<vmem>>, %arg12: memref<128x128xf32, #tpu.memory_space<vmem>>, %arg13: memref<!tpu.dma_semaphore, #tpu.memory_space<semaphore_mem>>, %arg14: memref<!tpu.dma_semaphore, #tpu.memory_space<semaphore_mem>>, %arg15: memref<!tpu.dma_semaphore, #tpu.memory_space<semaphore_mem>>, %arg16: memref<!tpu.dma_semaphore, #tpu.memory_space<semaphore_mem>>, %arg17: memref<5376x128xf32, #tpu.memory_space<vmem_shared>>) attributes {dimension_semantics = [#tpu.dimension_semantics<core_parallel>, #tpu.dimension_semantics<subcore_parallel>], iteration_bounds = array<i64: 2, 16>, scalar_prefetch = 0 : i64, scratch_operands = 10 : i64, tpu.core_type = #tpu.core_type<sc_vector_subcore>, window_params = [{transform_indices = #map}, {transform_indices = #map1}, {transform_indices = #map2}, {transform_indices = #map}, {transform_indices = #map}, {transform_indices = #map1}]} {
    %run_scoped3A = arith.constant 0 : i32
    "tpu.region"() ({
      %run_scoped3A_38 = tpu.sem_alloc : memref<!tpu.dma_semaphore, #tpu.memory_space<semaphore_mem>>
      %dma_start3A = arith.constant 0 : i32
      %dma_start3A_39 = tpu.memref_slice %arg4[%arg0, %arg1, %run_scoped3A, %dma_start3A] : memref<2x16x1x128xi32, #tpu.memory_space<hbm>> -> memref<1x1x1x128xi32, #tpu.memory_space<hbm>>
      %dma_start3A_40 = tpu.memref_squeeze %dma_start3A_39 : memref<1x1x1x128xi32, #tpu.memory_space<hbm>> -> memref<128xi32, #tpu.memory_space<hbm>>
      %dma_start3A_41 = arith.constant 0 : i32
      %dma_start3A_42 = tpu.memref_slice %arg4[%arg0, %arg1, %run_scoped3A, %dma_start3A_41] : memref<2x16x1x128xi32, #tpu.memory_space<hbm>> -> memref<1x1x1x128xi32, #tpu.memory_space<hbm>>
      %dma_start3A_43 = tpu.memref_squeeze %dma_start3A_42 : memref<1x1x1x128xi32, #tpu.memory_space<hbm>> -> memref<128xi32, #tpu.memory_space<hbm>>
      tpu.enqueue_dma source(%dma_start3A_43 : memref<128xi32, #tpu.memory_space<hbm>>) target(%arg10 : memref<128xi32, #tpu.memory_space<vmem>>) target_semaphore(%run_scoped3A_38 : memref<!tpu.dma_semaphore, #tpu.memory_space<semaphore_mem>>)
      %dma_wait3A = arith.constant 0 : i32
      %dma_wait3A_44 = tpu.memref_slice %arg4[%arg0, %arg1, %run_scoped3A, %dma_wait3A] : memref<2x16x1x128xi32, #tpu.memory_space<hbm>> -> memref<1x1x1x128xi32, #tpu.memory_space<hbm>>
      %dma_wait3A_45 = tpu.memref_squeeze %dma_wait3A_44 : memref<1x1x1x128xi32, #tpu.memory_space<hbm>> -> memref<128xi32, #tpu.memory_space<hbm>>
      %dma_wait3A_46 = arith.constant 0 : i32
      %dma_wait3A_47 = tpu.memref_slice %arg4[%arg0, %arg1, %run_scoped3A, %dma_wait3A_46] : memref<2x16x1x128xi32, #tpu.memory_space<hbm>> -> memref<1x1x1x128xi32, #tpu.memory_space<hbm>>
      %dma_wait3A_48 = tpu.memref_squeeze %dma_wait3A_47 : memref<1x1x1x128xi32, #tpu.memory_space<hbm>> -> memref<128xi32, #tpu.memory_space<hbm>>
      tpu.wait_dma2 semaphore(%run_scoped3A_38 : memref<!tpu.dma_semaphore, #tpu.memory_space<semaphore_mem>>) src(%dma_wait3A_48 : memref<128xi32, #tpu.memory_space<hbm>>) dst(%arg10 : memref<128xi32, #tpu.memory_space<vmem>>)
      tpu.yield
    }) : () -> ()
    %get3A = arith.constant 0 : index
    %get3A_0 = tpu.vector_load %arg10[%get3A] {strides = array<i32>} : memref<128xi32, #tpu.memory_space<vmem>>, vector<16xi32>,
    %get3A_1 = vector.shape_cast %get3A_0 : vector<16xi32> to vector<16xi32>
    %slice3A = vector.extract_strided_slice %get3A_1 {offsets = [0], sizes = [1], strides = [1]} : vector<16xi32> to vector<1xi32>
    %squeeze3A = vector.extract %slice3A[0] : i32 from vector<1xi32>
    %slice3A_2 = vector.extract_strided_slice %get3A_1 {offsets = [1], sizes = [1], strides = [1]} : vector<16xi32> to vector<1xi32>
    %squeeze3A_3 = vector.extract %slice3A_2[0] : i32 from vector<1xi32>
    %min3A = arith.constant 2400 : i32
    %min3A_4 = arith.minsi %squeeze3A, %min3A : i32
    %multiple_of3A = tpu.assume_multiple %min3A_4, 8 : i32
    %sub3A = arith.subi %squeeze3A, %multiple_of3A : i32
    "tpu.region"() ({
      %run_scoped3A_38 = tpu.sem_alloc : memref<!tpu.dma_semaphore, #tpu.memory_space<semaphore_mem>>
      %dma_start3A = arith.constant 0 : i32
      %dma_start3A_39 = tpu.memref_slice %arg2[%multiple_of3A, %dma_start3A] : memref<2560x128xi32, #tpu.memory_space<hbm>> -> memref<160x128xi32, #tpu.memory_space<hbm>>
      %dma_start3A_40 = arith.constant 0 : i32
      %dma_start3A_41 = tpu.memref_slice %arg2[%multiple_of3A, %dma_start3A_40] : memref<2560x128xi32, #tpu.memory_space<hbm>> -> memref<160x128xi32, #tpu.memory_space<hbm>>
      tpu.enqueue_dma source(%dma_start3A_41 : memref<160x128xi32, #tpu.memory_space<hbm>>) target(%arg8 : memref<160x128xi32, #tpu.memory_space<vmem>>) target_semaphore(%run_scoped3A_38 : memref<!tpu.dma_semaphore, #tpu.memory_space<semaphore_mem>>)
      %dma_wait3A = arith.constant 0 : i32
      %dma_wait3A_42 = tpu.memref_slice %arg2[%multiple_of3A, %dma_wait3A] : memref<2560x128xi32, #tpu.memory_space<hbm>> -> memref<160x128xi32, #tpu.memory_space<hbm>>
      %dma_wait3A_43 = arith.constant 0 : i32
      %dma_wait3A_44 = tpu.memref_slice %arg2[%multiple_of3A, %dma_wait3A_43] : memref<2560x128xi32, #tpu.memory_space<hbm>> -> memref<160x128xi32, #tpu.memory_space<hbm>>
      tpu.wait_dma2 semaphore(%run_scoped3A_38 : memref<!tpu.dma_semaphore, #tpu.memory_space<semaphore_mem>>) src(%dma_wait3A_44 : memref<160x128xi32, #tpu.memory_space<hbm>>) dst(%arg8 : memref<160x128xi32, #tpu.memory_space<vmem>>)
      tpu.yield
    }) : () -> ()
    "tpu.region"() ({
      %run_scoped3A_38 = tpu.sem_alloc : memref<!tpu.dma_semaphore, #tpu.memory_space<semaphore_mem>>
      %dma_start3A = arith.constant 0 : i32
      %dma_start3A_39 = tpu.memref_slice %arg3[%arg0, %multiple_of3A, %dma_start3A] : memref<2x2560x128xi32, #tpu.memory_space<hbm>> -> memref<1x160x128xi32, #tpu.memory_space<hbm>>
      %dma_start3A_40 = tpu.memref_squeeze %dma_start3A_39 : memref<1x160x128xi32, #tpu.memory_space<hbm>> -> memref<160x128xi32, #tpu.memory_space<hbm>>
      %dma_start3A_41 = arith.constant 0 : i32
      %dma_start3A_42 = tpu.memref_slice %arg3[%arg0, %multiple_of3A, %dma_start3A_41] : memref<2x2560x128xi32, #tpu.memory_space<hbm>> -> memref<1x160x128xi32, #tpu.memory_space<hbm>>
      %dma_start3A_43 = tpu.memref_squeeze %dma_start3A_42 : memref<1x160x128xi32, #tpu.memory_space<hbm>> -> memref<160x128xi32, #tpu.memory_space<hbm>>
      tpu.enqueue_dma source(%dma_start3A_43 : memref<160x128xi32, #tpu.memory_space<hbm>>) target(%arg9 : memref<160x128xi32, #tpu.memory_space<vmem>>) target_semaphore(%run_scoped3A_38 : memref<!tpu.dma_semaphore, #tpu.memory_space<semaphore_mem>>)
      %dma_wait3A = arith.constant 0 : i32
      %dma_wait3A_44 = tpu.memref_slice %arg3[%arg0, %multiple_of3A, %dma_wait3A] : memref<2x2560x128xi32, #tpu.memory_space<hbm>> -> memref<1x160x128xi32, #tpu.memory_space<hbm>>
      %dma_wait3A_45 = tpu.memref_squeeze %dma_wait3A_44 : memref<1x160x128xi32, #tpu.memory_space<hbm>> -> memref<160x128xi32, #tpu.memory_space<hbm>>
      %dma_wait3A_46 = arith.constant 0 : i32
      %dma_wait3A_47 = tpu.memref_slice %arg3[%arg0, %multiple_of3A, %dma_wait3A_46] : memref<2x2560x128xi32, #tpu.memory_space<hbm>> -> memref<1x160x128xi32, #tpu.memory_space<hbm>>
      %dma_wait3A_48 = tpu.memref_squeeze %dma_wait3A_47 : memref<1x160x128xi32, #tpu.memory_space<hbm>> -> memref<160x128xi32, #tpu.memory_space<hbm>>
      tpu.wait_dma2 semaphore(%run_scoped3A_38 : memref<!tpu.dma_semaphore, #tpu.memory_space<semaphore_mem>>) src(%dma_wait3A_48 : memref<160x128xi32, #tpu.memory_space<hbm>>) dst(%arg9 : memref<160x128xi32, #tpu.memory_space<vmem>>)
      tpu.yield
    }) : () -> ()
    "tpu.region"() ({
      %run_scoped3A_38 = tpu.sem_alloc : memref<!tpu.dma_semaphore, #tpu.memory_space<semaphore_mem>>
      tpu.enqueue_dma source(%arg6 : memref<128x128xf32, #tpu.memory_space<hbm>>) target(%arg11 : memref<128x128xf32, #tpu.memory_space<vmem>>) target_semaphore(%run_scoped3A_38 : memref<!tpu.dma_semaphore, #tpu.memory_space<semaphore_mem>>)
      tpu.wait_dma2 semaphore(%run_scoped3A_38 : memref<!tpu.dma_semaphore, #tpu.memory_space<semaphore_mem>>) src(%arg6 : memref<128x128xf32, #tpu.memory_space<hbm>>) dst(%arg11 : memref<128x128xf32, #tpu.memory_space<vmem>>)
      tpu.yield
    }) : () -> ()
    %mul3A = arith.constant 336 : i32
    %mul3A_5 = arith.muli %arg1, %mul3A : i32
    "tpu.region"() ({
      %run_scoped3A_38 = tpu.sem_alloc : memref<!tpu.dma_semaphore, #tpu.memory_space<semaphore_mem>>
      %dma_start3A = arith.constant 0 : i32
      %dma_start3A_39 = tpu.memref_slice %arg17[%mul3A_5, %dma_start3A] : memref<5376x128xf32, #tpu.memory_space<vmem_shared>> -> memref<128x128xf32, #tpu.memory_space<vmem_shared>>
      %dma_start3A_40 = arith.constant 0 : i32
      %dma_start3A_41 = tpu.memref_slice %arg17[%mul3A_5, %dma_start3A_40] : memref<5376x128xf32, #tpu.memory_space<vmem_shared>> -> memref<128x128xf32, #tpu.memory_space<vmem_shared>>
      tpu.enqueue_dma source(%arg11 : memref<128x128xf32, #tpu.memory_space<vmem>>) target(%dma_start3A_41 : memref<128x128xf32, #tpu.memory_space<vmem_shared>>) target_semaphore(%run_scoped3A_38 : memref<!tpu.dma_semaphore, #tpu.memory_space<semaphore_mem>>)
      %dma_wait3A = arith.constant 0 : i32
      %dma_wait3A_42 = tpu.memref_slice %arg17[%mul3A_5, %dma_wait3A] : memref<5376x128xf32, #tpu.memory_space<vmem_shared>> -> memref<128x128xf32, #tpu.memory_space<vmem_shared>>
      %dma_wait3A_43 = arith.constant 0 : i32
      %dma_wait3A_44 = tpu.memref_slice %arg17[%mul3A_5, %dma_wait3A_43] : memref<5376x128xf32, #tpu.memory_space<vmem_shared>> -> memref<128x128xf32, #tpu.memory_space<vmem_shared>>
      tpu.wait_dma2 semaphore(%run_scoped3A_38 : memref<!tpu.dma_semaphore, #tpu.memory_space<semaphore_mem>>) src(%arg11 : memref<128x128xf32, #tpu.memory_space<vmem>>) dst(%dma_wait3A_44 : memref<128x128xf32, #tpu.memory_space<vmem_shared>>)
      tpu.yield
    }) : () -> ()
    %add3A = arith.constant 128 : i32
    %add3A_6 = arith.addi %mul3A_5, %add3A : i32
    "tpu.region"() ({
      %run_scoped3A_38 = tpu.sem_alloc : memref<!tpu.dma_semaphore, #tpu.memory_space<semaphore_mem>>
      %dma_start3A = arith.constant 0 : i32
      %dma_start3A_39 = tpu.memref_slice %arg17[%add3A_6, %dma_start3A] : memref<5376x128xf32, #tpu.memory_space<vmem_shared>> -> memref<128x128xf32, #tpu.memory_space<vmem_shared>>
      %dma_start3A_40 = arith.constant 0 : i32
      %dma_start3A_41 = tpu.memref_slice %arg17[%add3A_6, %dma_start3A_40] : memref<5376x128xf32, #tpu.memory_space<vmem_shared>> -> memref<128x128xf32, #tpu.memory_space<vmem_shared>>
      tpu.enqueue_dma source(%arg11 : memref<128x128xf32, #tpu.memory_space<vmem>>) target(%dma_start3A_41 : memref<128x128xf32, #tpu.memory_space<vmem_shared>>) target_semaphore(%run_scoped3A_38 : memref<!tpu.dma_semaphore, #tpu.memory_space<semaphore_mem>>)
      %dma_wait3A = arith.constant 0 : i32
      %dma_wait3A_42 = tpu.memref_slice %arg17[%add3A_6, %dma_wait3A] : memref<5376x128xf32, #tpu.memory_space<vmem_shared>> -> memref<128x128xf32, #tpu.memory_space<vmem_shared>>
      %dma_wait3A_43 = arith.constant 0 : i32
      %dma_wait3A_44 = tpu.memref_slice %arg17[%add3A_6, %dma_wait3A_43] : memref<5376x128xf32, #tpu.memory_space<vmem_shared>> -> memref<128x128xf32, #tpu.memory_space<vmem_shared>>
      tpu.wait_dma2 semaphore(%run_scoped3A_38 : memref<!tpu.dma_semaphore, #tpu.memory_space<semaphore_mem>>) src(%arg11 : memref<128x128xf32, #tpu.memory_space<vmem>>) dst(%dma_wait3A_44 : memref<128x128xf32, #tpu.memory_space<vmem_shared>>)
      tpu.yield
    }) : () -> ()
    %add3A_7 = arith.constant 256 : i32
    %add3A_8 = arith.addi %mul3A_5, %add3A_7 : i32
    "tpu.region"() ({
      %run_scoped3A_38 = tpu.sem_alloc : memref<!tpu.dma_semaphore, #tpu.memory_space<semaphore_mem>>
      %dma_start3A = arith.constant 0 : i32
      %dma_start3A_39 = arith.constant 0 : i32
      %dma_start3A_40 = tpu.memref_slice %arg11[%dma_start3A, %dma_start3A_39] : memref<128x128xf32, #tpu.memory_space<vmem>> -> memref<80x128xf32, #tpu.memory_space<vmem>>
      %dma_start3A_41 = arith.constant 0 : i32
      %dma_start3A_42 = tpu.memref_slice %arg17[%add3A_8, %dma_start3A_41] : memref<5376x128xf32, #tpu.memory_space<vmem_shared>> -> memref<80x128xf32, #tpu.memory_space<vmem_shared>>
      %dma_start3A_43 = arith.constant 0 : i32
      %dma_start3A_44 = tpu.memref_slice %arg17[%add3A_8, %dma_start3A_43] : memref<5376x128xf32, #tpu.memory_space<vmem_shared>> -> memref<80x128xf32, #tpu.memory_space<vmem_shared>>
      %dma_start3A_45 = arith.constant 0 : i32
      %dma_start3A_46 = arith.constant 0 : i32
      %dma_start3A_47 = tpu.memref_slice %arg11[%dma_start3A_45, %dma_start3A_46] : memref<128x128xf32, #tpu.memory_space<vmem>> -> memref<80x128xf32, #tpu.memory_space<vmem>>
      tpu.enqueue_dma source(%dma_start3A_47 : memref<80x128xf32, #tpu.memory_space<vmem>>) target(%dma_start3A_44 : memref<80x128xf32, #tpu.memory_space<vmem_shared>>) target_semaphore(%run_scoped3A_38 : memref<!tpu.dma_semaphore, #tpu.memory_space<semaphore_mem>>)
      %dma_wait3A = arith.constant 0 : i32
      %dma_wait3A_48 = arith.constant 0 : i32
      %dma_wait3A_49 = tpu.memref_slice %arg11[%dma_wait3A, %dma_wait3A_48] : memref<128x128xf32, #tpu.memory_space<vmem>> -> memref<80x128xf32, #tpu.memory_space<vmem>>
      %dma_wait3A_50 = arith.constant 0 : i32
      %dma_wait3A_51 = tpu.memref_slice %arg17[%add3A_8, %dma_wait3A_50] : memref<5376x128xf32, #tpu.memory_space<vmem_shared>> -> memref<80x128xf32, #tpu.memory_space<vmem_shared>>
      %dma_wait3A_52 = arith.constant 0 : i32
      %dma_wait3A_53 = tpu.memref_slice %arg17[%add3A_8, %dma_wait3A_52] : memref<5376x128xf32, #tpu.memory_space<vmem_shared>> -> memref<80x128xf32, #tpu.memory_space<vmem_shared>>
      %dma_wait3A_54 = arith.constant 0 : i32
      %dma_wait3A_55 = arith.constant 0 : i32
      %dma_wait3A_56 = tpu.memref_slice %arg11[%dma_wait3A_54, %dma_wait3A_55] : memref<128x128xf32, #tpu.memory_space<vmem>> -> memref<80x128xf32, #tpu.memory_space<vmem>>
      tpu.wait_dma2 semaphore(%run_scoped3A_38 : memref<!tpu.dma_semaphore, #tpu.memory_space<semaphore_mem>>) src(%dma_wait3A_56 : memref<80x128xf32, #tpu.memory_space<vmem>>) dst(%dma_wait3A_53 : memref<80x128xf32, #tpu.memory_space<vmem_shared>>)
      tpu.yield
    }) : () -> ()
    %barrier3A = arith.constant 0 : index
    tpu.barrier barrier_id(%barrier3A)
    %gt3A = arith.constant 0 : i32
    %gt3A_9 = arith.cmpi sgt, %squeeze3A_3, %gt3A : i32
    %convert_element_type3A = arith.extui %gt3A_9 : i1 to i32
    %cond3A = arith.constant 0 : i32
    %cond3A_10 = arith.cmpi ne, %convert_element_type3A, %cond3A : i32
    scf.if %cond3A_10 {
      %add3A_38 = arith.constant 0 : i32
      %add3A_39 = arith.addi %sub3A, %add3A_38 : i32
      %dma_start3A = arith.constant 0 : i32
      %dma_start3A_40 = tpu.memref_slice %arg8[%add3A_39, %dma_start3A] : memref<160x128xi32, #tpu.memory_space<vmem>> -> memref<1x128xi32, #tpu.memory_space<vmem>>
      %dma_start3A_41 = tpu.memref_squeeze %dma_start3A_40 : memref<1x128xi32, #tpu.memory_space<vmem>> -> memref<128xi32, #tpu.memory_space<vmem>>
      %dma_start3A_42 = arith.constant 0 : i32
      %dma_start3A_43 = arith.constant 0 : i32
      %dma_start3A_44 = tpu.memref_slice %arg5[%dma_start3A_42, %dma_start3A_43] : memref<10000x128xf32, #tpu.memory_space<hbm>> -> memref<10000x128xf32, #tpu.memory_space<hbm>>
      tpu.enqueue_indirect_dma source(%dma_start3A_44 : memref<10000x128xf32, #tpu.memory_space<hbm>>) target(%arg11 : memref<128x128xf32, #tpu.memory_space<vmem>>) offsets(%dma_start3A_41 : memref<128xi32, #tpu.memory_space<vmem>>) semaphore(%arg13 : memref<!tpu.dma_semaphore, #tpu.memory_space<semaphore_mem>>)
      %add3A_45 = arith.constant 1 : i32
      %add3A_46 = arith.addi %sub3A, %add3A_45 : i32
      %dma_start3A_47 = arith.constant 0 : i32
      %dma_start3A_48 = tpu.memref_slice %arg8[%add3A_46, %dma_start3A_47] : memref<160x128xi32, #tpu.memory_space<vmem>> -> memref<1x128xi32, #tpu.memory_space<vmem>>
      %dma_start3A_49 = tpu.memref_squeeze %dma_start3A_48 : memref<1x128xi32, #tpu.memory_space<vmem>> -> memref<128xi32, #tpu.memory_space<vmem>>
      %dma_start3A_50 = arith.constant 0 : i32
      %dma_start3A_51 = arith.constant 0 : i32
      %dma_start3A_52 = tpu.memref_slice %arg5[%dma_start3A_50, %dma_start3A_51] : memref<10000x128xf32, #tpu.memory_space<hbm>> -> memref<10000x128xf32, #tpu.memory_space<hbm>>
      tpu.enqueue_indirect_dma source(%dma_start3A_52 : memref<10000x128xf32, #tpu.memory_space<hbm>>) target(%arg12 : memref<128x128xf32, #tpu.memory_space<vmem>>) offsets(%dma_start3A_49 : memref<128xi32, #tpu.memory_space<vmem>>) semaphore(%arg14 : memref<!tpu.dma_semaphore, #tpu.memory_space<semaphore_mem>>)
    } else {
    }
    %jit3A = arith.constant 2 : i32
    %div3A = arith.divsi %squeeze3A_3, %jit3A : i32
    %sign3A = arith.constant 0 : i32
    %sign3A_11 = arith.cmpi sgt, %squeeze3A_3, %sign3A : i32
    %sign3A_12 = arith.extui %sign3A_11 : i1 to i32
    %sign3A_13 = arith.constant 0 : i32
    %sign3A_14 = arith.cmpi slt, %squeeze3A_3, %sign3A_13 : i32
    %sign3A_15 = arith.extui %sign3A_14 : i1 to i32
    %sign3A_16 = arith.subi %sign3A_12, %sign3A_15 : i32
    %sign3A_17 = arith.constant 0 : i32
    %sign3A_18 = arith.cmpi sgt, %jit3A, %sign3A_17 : i32
    %sign3A_19 = arith.extui %sign3A_18 : i1 to i32
    %sign3A_20 = arith.constant 0 : i32
    %sign3A_21 = arith.cmpi slt, %jit3A, %sign3A_20 : i32
    %sign3A_22 = arith.extui %sign3A_21 : i1 to i32
    %sign3A_23 = arith.subi %sign3A_19, %sign3A_22 : i32
    %ne3A = arith.cmpi ne, %sign3A_16, %sign3A_23 : i32
    %rem3A = arith.remsi %squeeze3A_3, %jit3A : i32
    %ne3A_24 = arith.constant 0 : i32
    %ne3A_25 = arith.cmpi ne, %rem3A, %ne3A_24 : i32
    %and3A = arith.andi %ne3A, %ne3A_25 : i1
    %sub3A_26 = arith.constant 1 : i32
    %sub3A_27 = arith.subi %div3A, %sub3A_26 : i32
    %select_n3A = arith.select %and3A, %sub3A_27, %div3A : i32
    %while3A = arith.constant 0 : i32
    %while3A_28 = arith.constant 0 : i32
    %while3A_29 = arith.subi %select_n3A, %while3A_28 : i32
    %while3A_30 = arith.addi %while3A_28, %while3A_29 : i32
    %while3A_31 = arith.constant 1 : i32
    %while3A_32 = arith.divsi %while3A_29, %while3A_31 : i32
    %while3A_33 = arith.muli %while3A_32, %while3A_31 : i32
    %while3A_34 = arith.addi %while3A_28, %while3A_33 : i32
    %while3A_35 = arith.constant 1 : i32
    scf.for %while3A_38 = %while3A_28 to %while3A_34 step %while3A_35  : i32 {
      %mul3A_39 = arith.constant 2 : i32
      %mul3A_40 = arith.muli %mul3A_39, %while3A_38 : i32
      %add3A_41 = arith.constant 0 : i32
      %add3A_42 = arith.addi %mul3A_40, %add3A_41 : i32
      %add3A_43 = arith.addi %sub3A, %add3A_42 : i32
      %dma_wait3A = arith.constant 0 : i32
      %dma_wait3A_44 = tpu.memref_slice %arg8[%add3A_43, %dma_wait3A] : memref<160x128xi32, #tpu.memory_space<vmem>> -> memref<1x128xi32, #tpu.memory_space<vmem>>
      %dma_wait3A_45 = tpu.memref_squeeze %dma_wait3A_44 : memref<1x128xi32, #tpu.memory_space<vmem>> -> memref<128xi32, #tpu.memory_space<vmem>>
      %dma_wait3A_46 = arith.constant 0 : i32
      %dma_wait3A_47 = arith.constant 0 : i32
      %dma_wait3A_48 = tpu.memref_slice %arg5[%dma_wait3A_46, %dma_wait3A_47] : memref<10000x128xf32, #tpu.memory_space<hbm>> -> memref<10000x128xf32, #tpu.memory_space<hbm>>
      tpu.wait_indirect_dma semaphore(%arg13 : memref<!tpu.dma_semaphore, #tpu.memory_space<semaphore_mem>>) src(%dma_wait3A_48 : memref<10000x128xf32, #tpu.memory_space<hbm>>) dst(%arg11 : memref<128x128xf32, #tpu.memory_space<vmem>>)
      %add3A_49 = arith.addi %sub3A, %add3A_42 : i32
      "tpu.region"() ({
        %run_scoped3A_121 = tpu.sem_alloc : memref<!tpu.dma_semaphore, #tpu.memory_space<semaphore_mem>>
        %dma_start3A = arith.constant 0 : i32
        %dma_start3A_122 = tpu.memref_slice %arg9[%add3A_49, %dma_start3A] : memref<160x128xi32, #tpu.memory_space<vmem>> -> memref<1x128xi32, #tpu.memory_space<vmem>>
        %dma_start3A_123 = tpu.memref_squeeze %dma_start3A_122 : memref<1x128xi32, #tpu.memory_space<vmem>> -> memref<128xi32, #tpu.memory_space<vmem>>
        %dma_start3A_124 = arith.constant 0 : i32
        %dma_start3A_125 = arith.constant 0 : i32
        %dma_start3A_126 = tpu.memref_slice %arg17[%dma_start3A_124, %dma_start3A_125] : memref<5376x128xf32, #tpu.memory_space<vmem_shared>> -> memref<5376x128xf32, #tpu.memory_space<vmem_shared>>
        tpu.enqueue_indirect_dma source(%arg11 : memref<128x128xf32, #tpu.memory_space<vmem>>) target(%dma_start3A_126 : memref<5376x128xf32, #tpu.memory_space<vmem_shared>>) offsets(%dma_start3A_123 : memref<128xi32, #tpu.memory_space<vmem>>) semaphore(%run_scoped3A_121 : memref<!tpu.dma_semaphore, #tpu.memory_space<semaphore_mem>>) {add = true}
        %dma_wait3A_127 = arith.constant 0 : i32
        %dma_wait3A_128 = tpu.memref_slice %arg9[%add3A_49, %dma_wait3A_127] : memref<160x128xi32, #tpu.memory_space<vmem>> -> memref<1x128xi32, #tpu.memory_space<vmem>>
        %dma_wait3A_129 = tpu.memref_squeeze %dma_wait3A_128 : memref<1x128xi32, #tpu.memory_space<vmem>> -> memref<128xi32, #tpu.memory_space<vmem>>
        %dma_wait3A_130 = arith.constant 0 : i32
        %dma_wait3A_131 = arith.constant 0 : i32
        %dma_wait3A_132 = tpu.memref_slice %arg17[%dma_wait3A_130, %dma_wait3A_131] : memref<5376x128xf32, #tpu.memory_space<vmem_shared>> -> memref<5376x128xf32, #tpu.memory_space<vmem_shared>>
        tpu.wait_indirect_dma semaphore(%run_scoped3A_121 : memref<!tpu.dma_semaphore, #tpu.memory_space<semaphore_mem>>) src(%arg11 : memref<128x128xf32, #tpu.memory_space<vmem>>) dst(%dma_wait3A_132 : memref<5376x128xf32, #tpu.memory_space<vmem_shared>>)
        tpu.yield
      }) : () -> ()
      %jit3A_50 = arith.constant 2 : i32
      %div3A_51 = arith.divsi %squeeze3A_3, %jit3A_50 : i32
      %sign3A_52 = arith.constant 0 : i32
      %sign3A_53 = arith.cmpi sgt, %squeeze3A_3, %sign3A_52 : i32
      %sign3A_54 = arith.extui %sign3A_53 : i1 to i32
      %sign3A_55 = arith.constant 0 : i32
      %sign3A_56 = arith.cmpi slt, %squeeze3A_3, %sign3A_55 : i32
      %sign3A_57 = arith.extui %sign3A_56 : i1 to i32
      %sign3A_58 = arith.subi %sign3A_54, %sign3A_57 : i32
      %sign3A_59 = arith.constant 0 : i32
      %sign3A_60 = arith.cmpi sgt, %jit3A_50, %sign3A_59 : i32
      %sign3A_61 = arith.extui %sign3A_60 : i1 to i32
      %sign3A_62 = arith.constant 0 : i32
      %sign3A_63 = arith.cmpi slt, %jit3A_50, %sign3A_62 : i32
      %sign3A_64 = arith.extui %sign3A_63 : i1 to i32
      %sign3A_65 = arith.subi %sign3A_61, %sign3A_64 : i32
      %ne3A_66 = arith.cmpi ne, %sign3A_58, %sign3A_65 : i32
      %rem3A_67 = arith.remsi %squeeze3A_3, %jit3A_50 : i32
      %ne3A_68 = arith.constant 0 : i32
      %ne3A_69 = arith.cmpi ne, %rem3A_67, %ne3A_68 : i32
      %and3A_70 = arith.andi %ne3A_66, %ne3A_69 : i1
      %sub3A_71 = arith.constant 1 : i32
      %sub3A_72 = arith.subi %div3A_51, %sub3A_71 : i32
      %select_n3A_73 = arith.select %and3A_70, %sub3A_72, %div3A_51 : i32
      %sub3A_74 = arith.constant 1 : i32
      %sub3A_75 = arith.subi %select_n3A_73, %sub3A_74 : i32
      %lt3A = arith.cmpi slt, %while3A_38, %sub3A_75 : i32
      %convert_element_type3A_76 = arith.extui %lt3A : i1 to i32
      %cond3A_77 = arith.constant 0 : i32
      %cond3A_78 = arith.cmpi ne, %convert_element_type3A_76, %cond3A_77 : i32
      scf.if %cond3A_78 {
        %add3A_121 = arith.addi %sub3A, %add3A_42 : i32
        %add3A_122 = arith.constant 2 : i32
        %add3A_123 = arith.addi %add3A_121, %add3A_122 : i32
        %dma_start3A = arith.constant 0 : i32
        %dma_start3A_124 = tpu.memref_slice %arg8[%add3A_123, %dma_start3A] : memref<160x128xi32, #tpu.memory_space<vmem>> -> memref<1x128xi32, #tpu.memory_space<vmem>>
        %dma_start3A_125 = tpu.memref_squeeze %dma_start3A_124 : memref<1x128xi32, #tpu.memory_space<vmem>> -> memref<128xi32, #tpu.memory_space<vmem>>
        %dma_start3A_126 = arith.constant 0 : i32
        %dma_start3A_127 = arith.constant 0 : i32
        %dma_start3A_128 = tpu.memref_slice %arg5[%dma_start3A_126, %dma_start3A_127] : memref<10000x128xf32, #tpu.memory_space<hbm>> -> memref<10000x128xf32, #tpu.memory_space<hbm>>
        tpu.enqueue_indirect_dma source(%dma_start3A_128 : memref<10000x128xf32, #tpu.memory_space<hbm>>) target(%arg11 : memref<128x128xf32, #tpu.memory_space<vmem>>) offsets(%dma_start3A_125 : memref<128xi32, #tpu.memory_space<vmem>>) semaphore(%arg13 : memref<!tpu.dma_semaphore, #tpu.memory_space<semaphore_mem>>)
      } else {
      }
      %mul3A_79 = arith.constant 2 : i32
      %mul3A_80 = arith.muli %mul3A_79, %while3A_38 : i32
      %add3A_81 = arith.constant 1 : i32
      %add3A_82 = arith.addi %mul3A_80, %add3A_81 : i32
      %add3A_83 = arith.addi %sub3A, %add3A_82 : i32
      %dma_wait3A_84 = arith.constant 0 : i32
      %dma_wait3A_85 = tpu.memref_slice %arg8[%add3A_83, %dma_wait3A_84] : memref<160x128xi32, #tpu.memory_space<vmem>> -> memref<1x128xi32, #tpu.memory_space<vmem>>
      %dma_wait3A_86 = tpu.memref_squeeze %dma_wait3A_85 : memref<1x128xi32, #tpu.memory_space<vmem>> -> memref<128xi32, #tpu.memory_space<vmem>>
      %dma_wait3A_87 = arith.constant 0 : i32
      %dma_wait3A_88 = arith.constant 0 : i32
      %dma_wait3A_89 = tpu.memref_slice %arg5[%dma_wait3A_87, %dma_wait3A_88] : memref<10000x128xf32, #tpu.memory_space<hbm>> -> memref<10000x128xf32, #tpu.memory_space<hbm>>
      tpu.wait_indirect_dma semaphore(%arg14 : memref<!tpu.dma_semaphore, #tpu.memory_space<semaphore_mem>>) src(%dma_wait3A_89 : memref<10000x128xf32, #tpu.memory_space<hbm>>) dst(%arg12 : memref<128x128xf32, #tpu.memory_space<vmem>>)
      %add3A_90 = arith.addi %sub3A, %add3A_82 : i32
      "tpu.region"() ({
        %run_scoped3A_121 = tpu.sem_alloc : memref<!tpu.dma_semaphore, #tpu.memory_space<semaphore_mem>>
        %dma_start3A = arith.constant 0 : i32
        %dma_start3A_122 = tpu.memref_slice %arg9[%add3A_90, %dma_start3A] : memref<160x128xi32, #tpu.memory_space<vmem>> -> memref<1x128xi32, #tpu.memory_space<vmem>>
        %dma_start3A_123 = tpu.memref_squeeze %dma_start3A_122 : memref<1x128xi32, #tpu.memory_space<vmem>> -> memref<128xi32, #tpu.memory_space<vmem>>
        %dma_start3A_124 = arith.constant 0 : i32
        %dma_start3A_125 = arith.constant 0 : i32
        %dma_start3A_126 = tpu.memref_slice %arg17[%dma_start3A_124, %dma_start3A_125] : memref<5376x128xf32, #tpu.memory_space<vmem_shared>> -> memref<5376x128xf32, #tpu.memory_space<vmem_shared>>
        tpu.enqueue_indirect_dma source(%arg12 : memref<128x128xf32, #tpu.memory_space<vmem>>) target(%dma_start3A_126 : memref<5376x128xf32, #tpu.memory_space<vmem_shared>>) offsets(%dma_start3A_123 : memref<128xi32, #tpu.memory_space<vmem>>) semaphore(%run_scoped3A_121 : memref<!tpu.dma_semaphore, #tpu.memory_space<semaphore_mem>>) {add = true}
        %dma_wait3A_127 = arith.constant 0 : i32
        %dma_wait3A_128 = tpu.memref_slice %arg9[%add3A_90, %dma_wait3A_127] : memref<160x128xi32, #tpu.memory_space<vmem>> -> memref<1x128xi32, #tpu.memory_space<vmem>>
        %dma_wait3A_129 = tpu.memref_squeeze %dma_wait3A_128 : memref<1x128xi32, #tpu.memory_space<vmem>> -> memref<128xi32, #tpu.memory_space<vmem>>
        %dma_wait3A_130 = arith.constant 0 : i32
        %dma_wait3A_131 = arith.constant 0 : i32
        %dma_wait3A_132 = tpu.memref_slice %arg17[%dma_wait3A_130, %dma_wait3A_131] : memref<5376x128xf32, #tpu.memory_space<vmem_shared>> -> memref<5376x128xf32, #tpu.memory_space<vmem_shared>>
        tpu.wait_indirect_dma semaphore(%run_scoped3A_121 : memref<!tpu.dma_semaphore, #tpu.memory_space<semaphore_mem>>) src(%arg12 : memref<128x128xf32, #tpu.memory_space<vmem>>) dst(%dma_wait3A_132 : memref<5376x128xf32, #tpu.memory_space<vmem_shared>>)
        tpu.yield
      }) : () -> ()
      %jit3A_91 = arith.constant 2 : i32
      %div3A_92 = arith.divsi %squeeze3A_3, %jit3A_91 : i32
      %sign3A_93 = arith.constant 0 : i32
      %sign3A_94 = arith.cmpi sgt, %squeeze3A_3, %sign3A_93 : i32
      %sign3A_95 = arith.extui %sign3A_94 : i1 to i32
      %sign3A_96 = arith.constant 0 : i32
      %sign3A_97 = arith.cmpi slt, %squeeze3A_3, %sign3A_96 : i32
      %sign3A_98 = arith.extui %sign3A_97 : i1 to i32
      %sign3A_99 = arith.subi %sign3A_95, %sign3A_98 : i32
      %sign3A_100 = arith.constant 0 : i32
      %sign3A_101 = arith.cmpi sgt, %jit3A_91, %sign3A_100 : i32
      %sign3A_102 = arith.extui %sign3A_101 : i1 to i32
      %sign3A_103 = arith.constant 0 : i32
      %sign3A_104 = arith.cmpi slt, %jit3A_91, %sign3A_103 : i32
      %sign3A_105 = arith.extui %sign3A_104 : i1 to i32
      %sign3A_106 = arith.subi %sign3A_102, %sign3A_105 : i32
      %ne3A_107 = arith.cmpi ne, %sign3A_99, %sign3A_106 : i32
      %rem3A_108 = arith.remsi %squeeze3A_3, %jit3A_91 : i32
      %ne3A_109 = arith.constant 0 : i32
      %ne3A_110 = arith.cmpi ne, %rem3A_108, %ne3A_109 : i32
      %and3A_111 = arith.andi %ne3A_107, %ne3A_110 : i1
      %sub3A_112 = arith.constant 1 : i32
      %sub3A_113 = arith.subi %div3A_92, %sub3A_112 : i32
      %select_n3A_114 = arith.select %and3A_111, %sub3A_113, %div3A_92 : i32
      %sub3A_115 = arith.constant 1 : i32
      %sub3A_116 = arith.subi %select_n3A_114, %sub3A_115 : i32
      %lt3A_117 = arith.cmpi slt, %while3A_38, %sub3A_116 : i32
      %convert_element_type3A_118 = arith.extui %lt3A_117 : i1 to i32
      %cond3A_119 = arith.constant 0 : i32
      %cond3A_120 = arith.cmpi ne, %convert_element_type3A_118, %cond3A_119 : i32
      scf.if %cond3A_120 {
        %add3A_121 = arith.addi %sub3A, %add3A_82 : i32
        %add3A_122 = arith.constant 2 : i32
        %add3A_123 = arith.addi %add3A_121, %add3A_122 : i32
        %dma_start3A = arith.constant 0 : i32
        %dma_start3A_124 = tpu.memref_slice %arg8[%add3A_123, %dma_start3A] : memref<160x128xi32, #tpu.memory_space<vmem>> -> memref<1x128xi32, #tpu.memory_space<vmem>>
        %dma_start3A_125 = tpu.memref_squeeze %dma_start3A_124 : memref<1x128xi32, #tpu.memory_space<vmem>> -> memref<128xi32, #tpu.memory_space<vmem>>
        %dma_start3A_126 = arith.constant 0 : i32
        %dma_start3A_127 = arith.constant 0 : i32
        %dma_start3A_128 = tpu.memref_slice %arg5[%dma_start3A_126, %dma_start3A_127] : memref<10000x128xf32, #tpu.memory_space<hbm>> -> memref<10000x128xf32, #tpu.memory_space<hbm>>
        tpu.enqueue_indirect_dma source(%dma_start3A_128 : memref<10000x128xf32, #tpu.memory_space<hbm>>) target(%arg12 : memref<128x128xf32, #tpu.memory_space<vmem>>) offsets(%dma_start3A_125 : memref<128xi32, #tpu.memory_space<vmem>>) semaphore(%arg14 : memref<!tpu.dma_semaphore, #tpu.memory_space<semaphore_mem>>)
      } else {
      }
    }
    %while3A_36 = arith.constant 1 : i32
    scf.for %while3A_38 = %while3A_34 to %while3A_30 step %while3A_36  : i32 {
      %mul3A_39 = arith.constant 2 : i32
      %mul3A_40 = arith.muli %mul3A_39, %while3A_38 : i32
      %add3A_41 = arith.constant 0 : i32
      %add3A_42 = arith.addi %mul3A_40, %add3A_41 : i32
      %add3A_43 = arith.addi %sub3A, %add3A_42 : i32
      %dma_wait3A = arith.constant 0 : i32
      %dma_wait3A_44 = tpu.memref_slice %arg8[%add3A_43, %dma_wait3A] : memref<160x128xi32, #tpu.memory_space<vmem>> -> memref<1x128xi32, #tpu.memory_space<vmem>>
      %dma_wait3A_45 = tpu.memref_squeeze %dma_wait3A_44 : memref<1x128xi32, #tpu.memory_space<vmem>> -> memref<128xi32, #tpu.memory_space<vmem>>
      %dma_wait3A_46 = arith.constant 0 : i32
      %dma_wait3A_47 = arith.constant 0 : i32
      %dma_wait3A_48 = tpu.memref_slice %arg5[%dma_wait3A_46, %dma_wait3A_47] : memref<10000x128xf32, #tpu.memory_space<hbm>> -> memref<10000x128xf32, #tpu.memory_space<hbm>>
      tpu.wait_indirect_dma semaphore(%arg13 : memref<!tpu.dma_semaphore, #tpu.memory_space<semaphore_mem>>) src(%dma_wait3A_48 : memref<10000x128xf32, #tpu.memory_space<hbm>>) dst(%arg11 : memref<128x128xf32, #tpu.memory_space<vmem>>)
      %add3A_49 = arith.addi %sub3A, %add3A_42 : i32
      "tpu.region"() ({
        %run_scoped3A_121 = tpu.sem_alloc : memref<!tpu.dma_semaphore, #tpu.memory_space<semaphore_mem>>
        %dma_start3A = arith.constant 0 : i32
        %dma_start3A_122 = tpu.memref_slice %arg9[%add3A_49, %dma_start3A] : memref<160x128xi32, #tpu.memory_space<vmem>> -> memref<1x128xi32, #tpu.memory_space<vmem>>
        %dma_start3A_123 = tpu.memref_squeeze %dma_start3A_122 : memref<1x128xi32, #tpu.memory_space<vmem>> -> memref<128xi32, #tpu.memory_space<vmem>>
        %dma_start3A_124 = arith.constant 0 : i32
        %dma_start3A_125 = arith.constant 0 : i32
        %dma_start3A_126 = tpu.memref_slice %arg17[%dma_start3A_124, %dma_start3A_125] : memref<5376x128xf32, #tpu.memory_space<vmem_shared>> -> memref<5376x128xf32, #tpu.memory_space<vmem_shared>>
        tpu.enqueue_indirect_dma source(%arg11 : memref<128x128xf32, #tpu.memory_space<vmem>>) target(%dma_start3A_126 : memref<5376x128xf32, #tpu.memory_space<vmem_shared>>) offsets(%dma_start3A_123 : memref<128xi32, #tpu.memory_space<vmem>>) semaphore(%run_scoped3A_121 : memref<!tpu.dma_semaphore, #tpu.memory_space<semaphore_mem>>) {add = true}
        %dma_wait3A_127 = arith.constant 0 : i32
        %dma_wait3A_128 = tpu.memref_slice %arg9[%add3A_49, %dma_wait3A_127] : memref<160x128xi32, #tpu.memory_space<vmem>> -> memref<1x128xi32, #tpu.memory_space<vmem>>
        %dma_wait3A_129 = tpu.memref_squeeze %dma_wait3A_128 : memref<1x128xi32, #tpu.memory_space<vmem>> -> memref<128xi32, #tpu.memory_space<vmem>>
        %dma_wait3A_130 = arith.constant 0 : i32
        %dma_wait3A_131 = arith.constant 0 : i32
        %dma_wait3A_132 = tpu.memref_slice %arg17[%dma_wait3A_130, %dma_wait3A_131] : memref<5376x128xf32, #tpu.memory_space<vmem_shared>> -> memref<5376x128xf32, #tpu.memory_space<vmem_shared>>
        tpu.wait_indirect_dma semaphore(%run_scoped3A_121 : memref<!tpu.dma_semaphore, #tpu.memory_space<semaphore_mem>>) src(%arg11 : memref<128x128xf32, #tpu.memory_space<vmem>>) dst(%dma_wait3A_132 : memref<5376x128xf32, #tpu.memory_space<vmem_shared>>)
        tpu.yield
      }) : () -> ()
      %jit3A_50 = arith.constant 2 : i32
      %div3A_51 = arith.divsi %squeeze3A_3, %jit3A_50 : i32
      %sign3A_52 = arith.constant 0 : i32
      %sign3A_53 = arith.cmpi sgt, %squeeze3A_3, %sign3A_52 : i32
      %sign3A_54 = arith.extui %sign3A_53 : i1 to i32
      %sign3A_55 = arith.constant 0 : i32
      %sign3A_56 = arith.cmpi slt, %squeeze3A_3, %sign3A_55 : i32
      %sign3A_57 = arith.extui %sign3A_56 : i1 to i32
      %sign3A_58 = arith.subi %sign3A_54, %sign3A_57 : i32
      %sign3A_59 = arith.constant 0 : i32
      %sign3A_60 = arith.cmpi sgt, %jit3A_50, %sign3A_59 : i32
      %sign3A_61 = arith.extui %sign3A_60 : i1 to i32
      %sign3A_62 = arith.constant 0 : i32
      %sign3A_63 = arith.cmpi slt, %jit3A_50, %sign3A_62 : i32
      %sign3A_64 = arith.extui %sign3A_63 : i1 to i32
      %sign3A_65 = arith.subi %sign3A_61, %sign3A_64 : i32
      %ne3A_66 = arith.cmpi ne, %sign3A_58, %sign3A_65 : i32
      %rem3A_67 = arith.remsi %squeeze3A_3, %jit3A_50 : i32
      %ne3A_68 = arith.constant 0 : i32
      %ne3A_69 = arith.cmpi ne, %rem3A_67, %ne3A_68 : i32
      %and3A_70 = arith.andi %ne3A_66, %ne3A_69 : i1
      %sub3A_71 = arith.constant 1 : i32
      %sub3A_72 = arith.subi %div3A_51, %sub3A_71 : i32
      %select_n3A_73 = arith.select %and3A_70, %sub3A_72, %div3A_51 : i32
      %sub3A_74 = arith.constant 1 : i32
      %sub3A_75 = arith.subi %select_n3A_73, %sub3A_74 : i32
      %lt3A = arith.cmpi slt, %while3A_38, %sub3A_75 : i32
      %convert_element_type3A_76 = arith.extui %lt3A : i1 to i32
      %cond3A_77 = arith.constant 0 : i32
      %cond3A_78 = arith.cmpi ne, %convert_element_type3A_76, %cond3A_77 : i32
      scf.if %cond3A_78 {
        %add3A_121 = arith.addi %sub3A, %add3A_42 : i32
        %add3A_122 = arith.constant 2 : i32
        %add3A_123 = arith.addi %add3A_121, %add3A_122 : i32
        %dma_start3A = arith.constant 0 : i32
        %dma_start3A_124 = tpu.memref_slice %arg8[%add3A_123, %dma_start3A] : memref<160x128xi32, #tpu.memory_space<vmem>> -> memref<1x128xi32, #tpu.memory_space<vmem>>
        %dma_start3A_125 = tpu.memref_squeeze %dma_start3A_124 : memref<1x128xi32, #tpu.memory_space<vmem>> -> memref<128xi32, #tpu.memory_space<vmem>>
        %dma_start3A_126 = arith.constant 0 : i32
        %dma_start3A_127 = arith.constant 0 : i32
        %dma_start3A_128 = tpu.memref_slice %arg5[%dma_start3A_126, %dma_start3A_127] : memref<10000x128xf32, #tpu.memory_space<hbm>> -> memref<10000x128xf32, #tpu.memory_space<hbm>>
        tpu.enqueue_indirect_dma source(%dma_start3A_128 : memref<10000x128xf32, #tpu.memory_space<hbm>>) target(%arg11 : memref<128x128xf32, #tpu.memory_space<vmem>>) offsets(%dma_start3A_125 : memref<128xi32, #tpu.memory_space<vmem>>) semaphore(%arg13 : memref<!tpu.dma_semaphore, #tpu.memory_space<semaphore_mem>>)
      } else {
      }
      %mul3A_79 = arith.constant 2 : i32
      %mul3A_80 = arith.muli %mul3A_79, %while3A_38 : i32
      %add3A_81 = arith.constant 1 : i32
      %add3A_82 = arith.addi %mul3A_80, %add3A_81 : i32
      %add3A_83 = arith.addi %sub3A, %add3A_82 : i32
      %dma_wait3A_84 = arith.constant 0 : i32
      %dma_wait3A_85 = tpu.memref_slice %arg8[%add3A_83, %dma_wait3A_84] : memref<160x128xi32, #tpu.memory_space<vmem>> -> memref<1x128xi32, #tpu.memory_space<vmem>>
      %dma_wait3A_86 = tpu.memref_squeeze %dma_wait3A_85 : memref<1x128xi32, #tpu.memory_space<vmem>> -> memref<128xi32, #tpu.memory_space<vmem>>
      %dma_wait3A_87 = arith.constant 0 : i32
      %dma_wait3A_88 = arith.constant 0 : i32
      %dma_wait3A_89 = tpu.memref_slice %arg5[%dma_wait3A_87, %dma_wait3A_88] : memref<10000x128xf32, #tpu.memory_space<hbm>> -> memref<10000x128xf32, #tpu.memory_space<hbm>>
      tpu.wait_indirect_dma semaphore(%arg14 : memref<!tpu.dma_semaphore, #tpu.memory_space<semaphore_mem>>) src(%dma_wait3A_89 : memref<10000x128xf32, #tpu.memory_space<hbm>>) dst(%arg12 : memref<128x128xf32, #tpu.memory_space<vmem>>)
      %add3A_90 = arith.addi %sub3A, %add3A_82 : i32
      "tpu.region"() ({
        %run_scoped3A_121 = tpu.sem_alloc : memref<!tpu.dma_semaphore, #tpu.memory_space<semaphore_mem>>
        %dma_start3A = arith.constant 0 : i32
        %dma_start3A_122 = tpu.memref_slice %arg9[%add3A_90, %dma_start3A] : memref<160x128xi32, #tpu.memory_space<vmem>> -> memref<1x128xi32, #tpu.memory_space<vmem>>
        %dma_start3A_123 = tpu.memref_squeeze %dma_start3A_122 : memref<1x128xi32, #tpu.memory_space<vmem>> -> memref<128xi32, #tpu.memory_space<vmem>>
        %dma_start3A_124 = arith.constant 0 : i32
        %dma_start3A_125 = arith.constant 0 : i32
        %dma_start3A_126 = tpu.memref_slice %arg17[%dma_start3A_124, %dma_start3A_125] : memref<5376x128xf32, #tpu.memory_space<vmem_shared>> -> memref<5376x128xf32, #tpu.memory_space<vmem_shared>>
        tpu.enqueue_indirect_dma source(%arg12 : memref<128x128xf32, #tpu.memory_space<vmem>>) target(%dma_start3A_126 : memref<5376x128xf32, #tpu.memory_space<vmem_shared>>) offsets(%dma_start3A_123 : memref<128xi32, #tpu.memory_space<vmem>>) semaphore(%run_scoped3A_121 : memref<!tpu.dma_semaphore, #tpu.memory_space<semaphore_mem>>) {add = true}
        %dma_wait3A_127 = arith.constant 0 : i32
        %dma_wait3A_128 = tpu.memref_slice %arg9[%add3A_90, %dma_wait3A_127] : memref<160x128xi32, #tpu.memory_space<vmem>> -> memref<1x128xi32, #tpu.memory_space<vmem>>
        %dma_wait3A_129 = tpu.memref_squeeze %dma_wait3A_128 : memref<1x128xi32, #tpu.memory_space<vmem>> -> memref<128xi32, #tpu.memory_space<vmem>>
        %dma_wait3A_130 = arith.constant 0 : i32
        %dma_wait3A_131 = arith.constant 0 : i32
        %dma_wait3A_132 = tpu.memref_slice %arg17[%dma_wait3A_130, %dma_wait3A_131] : memref<5376x128xf32, #tpu.memory_space<vmem_shared>> -> memref<5376x128xf32, #tpu.memory_space<vmem_shared>>
        tpu.wait_indirect_dma semaphore(%run_scoped3A_121 : memref<!tpu.dma_semaphore, #tpu.memory_space<semaphore_mem>>) src(%arg12 : memref<128x128xf32, #tpu.memory_space<vmem>>) dst(%dma_wait3A_132 : memref<5376x128xf32, #tpu.memory_space<vmem_shared>>)
        tpu.yield
      }) : () -> ()
      %jit3A_91 = arith.constant 2 : i32
      %div3A_92 = arith.divsi %squeeze3A_3, %jit3A_91 : i32
      %sign3A_93 = arith.constant 0 : i32
      %sign3A_94 = arith.cmpi sgt, %squeeze3A_3, %sign3A_93 : i32
      %sign3A_95 = arith.extui %sign3A_94 : i1 to i32
      %sign3A_96 = arith.constant 0 : i32
      %sign3A_97 = arith.cmpi slt, %squeeze3A_3, %sign3A_96 : i32
      %sign3A_98 = arith.extui %sign3A_97 : i1 to i32
      %sign3A_99 = arith.subi %sign3A_95, %sign3A_98 : i32
      %sign3A_100 = arith.constant 0 : i32
      %sign3A_101 = arith.cmpi sgt, %jit3A_91, %sign3A_100 : i32
      %sign3A_102 = arith.extui %sign3A_101 : i1 to i32
      %sign3A_103 = arith.constant 0 : i32
      %sign3A_104 = arith.cmpi slt, %jit3A_91, %sign3A_103 : i32
      %sign3A_105 = arith.extui %sign3A_104 : i1 to i32
      %sign3A_106 = arith.subi %sign3A_102, %sign3A_105 : i32
      %ne3A_107 = arith.cmpi ne, %sign3A_99, %sign3A_106 : i32
      %rem3A_108 = arith.remsi %squeeze3A_3, %jit3A_91 : i32
      %ne3A_109 = arith.constant 0 : i32
      %ne3A_110 = arith.cmpi ne, %rem3A_108, %ne3A_109 : i32
      %and3A_111 = arith.andi %ne3A_107, %ne3A_110 : i1
      %sub3A_112 = arith.constant 1 : i32
      %sub3A_113 = arith.subi %div3A_92, %sub3A_112 : i32
      %select_n3A_114 = arith.select %and3A_111, %sub3A_113, %div3A_92 : i32
      %sub3A_115 = arith.constant 1 : i32
      %sub3A_116 = arith.subi %select_n3A_114, %sub3A_115 : i32
      %lt3A_117 = arith.cmpi slt, %while3A_38, %sub3A_116 : i32
      %convert_element_type3A_118 = arith.extui %lt3A_117 : i1 to i32
      %cond3A_119 = arith.constant 0 : i32
      %cond3A_120 = arith.cmpi ne, %convert_element_type3A_118, %cond3A_119 : i32
      scf.if %cond3A_120 {
        %add3A_121 = arith.addi %sub3A, %add3A_82 : i32
        %add3A_122 = arith.constant 2 : i32
        %add3A_123 = arith.addi %add3A_121, %add3A_122 : i32
        %dma_start3A = arith.constant 0 : i32
        %dma_start3A_124 = tpu.memref_slice %arg8[%add3A_123, %dma_start3A] : memref<160x128xi32, #tpu.memory_space<vmem>> -> memref<1x128xi32, #tpu.memory_space<vmem>>
        %dma_start3A_125 = tpu.memref_squeeze %dma_start3A_124 : memref<1x128xi32, #tpu.memory_space<vmem>> -> memref<128xi32, #tpu.memory_space<vmem>>
        %dma_start3A_126 = arith.constant 0 : i32
        %dma_start3A_127 = arith.constant 0 : i32
        %dma_start3A_128 = tpu.memref_slice %arg5[%dma_start3A_126, %dma_start3A_127] : memref<10000x128xf32, #tpu.memory_space<hbm>> -> memref<10000x128xf32, #tpu.memory_space<hbm>>
        tpu.enqueue_indirect_dma source(%dma_start3A_128 : memref<10000x128xf32, #tpu.memory_space<hbm>>) target(%arg12 : memref<128x128xf32, #tpu.memory_space<vmem>>) offsets(%dma_start3A_125 : memref<128xi32, #tpu.memory_space<vmem>>) semaphore(%arg14 : memref<!tpu.dma_semaphore, #tpu.memory_space<semaphore_mem>>)
      } else {
      }
    }
    %barrier3A_37 = arith.constant 0 : index
    tpu.barrier barrier_id(%barrier3A_37)
    "tpu.region"() ({
      %run_scoped3A_38 = tpu.sem_alloc : memref<!tpu.dma_semaphore, #tpu.memory_space<semaphore_mem>>
      %dma_start3A = arith.constant 0 : i32
      %dma_start3A_39 = tpu.memref_slice %arg7[%arg0, %mul3A_5, %dma_start3A] : memref<2x5376x128xf32, #tpu.memory_space<hbm>> -> memref<1x336x128xf32, #tpu.memory_space<hbm>>
      %dma_start3A_40 = tpu.memref_squeeze %dma_start3A_39 : memref<1x336x128xf32, #tpu.memory_space<hbm>> -> memref<336x128xf32, #tpu.memory_space<hbm>>
      %dma_start3A_41 = arith.constant 0 : i32
      %dma_start3A_42 = tpu.memref_slice %arg17[%mul3A_5, %dma_start3A_41] : memref<5376x128xf32, #tpu.memory_space<vmem_shared>> -> memref<336x128xf32, #tpu.memory_space<vmem_shared>>
      tpu.enqueue_dma source(%dma_start3A_42 : memref<336x128xf32, #tpu.memory_space<vmem_shared>>) target(%dma_start3A_40 : memref<336x128xf32, #tpu.memory_space<hbm>>) target_semaphore(%run_scoped3A_38 : memref<!tpu.dma_semaphore, #tpu.memory_space<semaphore_mem>>)
      %dma_wait3A = arith.constant 0 : i32
      %dma_wait3A_43 = tpu.memref_slice %arg7[%arg0, %mul3A_5, %dma_wait3A] : memref<2x5376x128xf32, #tpu.memory_space<hbm>> -> memref<1x336x128xf32, #tpu.memory_space<hbm>>
      %dma_wait3A_44 = tpu.memref_squeeze %dma_wait3A_43 : memref<1x336x128xf32, #tpu.memory_space<hbm>> -> memref<336x128xf32, #tpu.memory_space<hbm>>
      %dma_wait3A_45 = arith.constant 0 : i32
      %dma_wait3A_46 = tpu.memref_slice %arg17[%mul3A_5, %dma_wait3A_45] : memref<5376x128xf32, #tpu.memory_space<vmem_shared>> -> memref<336x128xf32, #tpu.memory_space<vmem_shared>>
      tpu.wait_dma2 semaphore(%run_scoped3A_38 : memref<!tpu.dma_semaphore, #tpu.memory_space<semaphore_mem>>) src(%dma_wait3A_46 : memref<336x128xf32, #tpu.memory_space<vmem_shared>>) dst(%dma_wait3A_44 : memref<336x128xf32, #tpu.memory_space<hbm>>)
      tpu.yield
    }) : () -> ()
    return
  }
}

#map = affine_map<(d0, d1) -> (0, 0)>
#map1 = affine_map<(d0, d1) -> (0, 0, 0)>
#map2 = affine_map<(d0, d1) -> (0, 0, 0, 0)>
module attributes {stable_mosaic.version = 14 : i64} {
  func.func @body(%arg0: i32, %arg1: i32, %arg2: memref<2560x128xi32, #tpu.memory_space<hbm>>, %arg3: memref<2x2560x128xi32, #tpu.memory_space<hbm>>, %arg4: memref<2x16x1x128xi32, #tpu.memory_space<hbm>>, %arg5: memref<10000x128xf32, #tpu.memory_space<hbm>>, %arg6: memref<128x128xf32, #tpu.memory_space<hbm>>, %arg7: memref<2x5376x128xf32, #tpu.memory_space<hbm>>, %arg8: memref<160x128xi32, #tpu.memory_space<vmem>>, %arg9: memref<160x128xi32, #tpu.memory_space<vmem>>, %arg10: memref<128xi32, #tpu.memory_space<vmem>>, %arg11: memref<128x128xf32, #tpu.memory_space<vmem>>, %arg12: memref<128x128xf32, #tpu.memory_space<vmem>>, %arg13: memref<!tpu.dma_semaphore, #tpu.memory_space<semaphore_mem>>, %arg14: memref<!tpu.dma_semaphore, #tpu.memory_space<semaphore_mem>>, %arg15: memref<!tpu.dma_semaphore, #tpu.memory_space<semaphore_mem>>, %arg16: memref<!tpu.dma_semaphore, #tpu.memory_space<semaphore_mem>>, %arg17: memref<5376x128xf32, #tpu.memory_space<vmem_shared>>) attributes {dimension_semantics = [#tpu.dimension_semantics<core_parallel>, #tpu.dimension_semantics<subcore_parallel>], iteration_bounds = array<i64: 2, 16>, scalar_prefetch = 0 : i64, scratch_operands = 10 : i64, tpu.core_type = #tpu.core_type<sc_vector_subcore>, window_params = [{transform_indices = #map}, {transform_indices = #map1}, {transform_indices = #map2}, {transform_indices = #map}, {transform_indices = #map}, {transform_indices = #map1}]} {
    %run_scoped3A = arith.constant 0 : i32
    "tpu.region"() ({
      %run_scoped3A_38 = tpu.sem_alloc : memref<!tpu.dma_semaphore, #tpu.memory_space<semaphore_mem>>
      %dma_start3A = arith.constant 0 : i32
      %dma_start3A_39 = tpu.memref_slice %arg4[%arg0, %arg1, %run_scoped3A, %dma_start3A] : memref<2x16x1x128xi32, #tpu.memory_space<hbm>> -> memref<1x1x1x128xi32, #tpu.memory_space<hbm>>
      %dma_start3A_40 = tpu.memref_squeeze %dma_start3A_39 : memref<1x1x1x128xi32, #tpu.memory_space<hbm>> -> memref<128xi32, #tpu.memory_space<hbm>>
      %dma_start3A_41 = arith.constant 0 : i32
      %dma_start3A_42 = tpu.memref_slice %arg4[%arg0, %arg1, %run_scoped3A, %dma_start3A_41] : memref<2x16x1x128xi32, #tpu.memory_space<hbm>> -> memref<1x1x1x128xi32, #tpu.memory_space<hbm>>
      %dma_start3A_43 = tpu.memref_squeeze %dma_start3A_42 : memref<1x1x1x128xi32, #tpu.memory_space<hbm>> -> memref<128xi32, #tpu.memory_space<hbm>>
      tpu.enqueue_dma source(%dma_start3A_43 : memref<128xi32, #tpu.memory_space<hbm>>) target(%arg10 : memref<128xi32, #tpu.memory_space<vmem>>) target_semaphore(%run_scoped3A_38 : memref<!tpu.dma_semaphore, #tpu.memory_space<semaphore_mem>>)
      %dma_wait3A = arith.constant 0 : i32
      %dma_wait3A_44 = tpu.memref_slice %arg4[%arg0, %arg1, %run_scoped3A, %dma_wait3A] : memref<2x16x1x128xi32, #tpu.memory_space<hbm>> -> memref<1x1x1x128xi32, #tpu.memory_space<hbm>>
      %dma_wait3A_45 = tpu.memref_squeeze %dma_wait3A_44 : memref<1x1x1x128xi32, #tpu.memory_space<hbm>> -> memref<128xi32, #tpu.memory_space<hbm>>
      %dma_wait3A_46 = arith.constant 0 : i32
      %dma_wait3A_47 = tpu.memref_slice %arg4[%arg0, %arg1, %run_scoped3A, %dma_wait3A_46] : memref<2x16x1x128xi32, #tpu.memory_space<hbm>> -> memref<1x1x1x128xi32, #tpu.memory_space<hbm>>
      %dma_wait3A_48 = tpu.memref_squeeze %dma_wait3A_47 : memref<1x1x1x128xi32, #tpu.memory_space<hbm>> -> memref<128xi32, #tpu.memory_space<hbm>>
      tpu.wait_dma2 semaphore(%run_scoped3A_38 : memref<!tpu.dma_semaphore, #tpu.memory_space<semaphore_mem>>) src(%dma_wait3A_48 : memref<128xi32, #tpu.memory_space<hbm>>) dst(%arg10 : memref<128xi32, #tpu.memory_space<vmem>>)
      tpu.yield
    }) : () -> ()
    %get3A = arith.constant 0 : index
    %get3A_0 = tpu.vector_load %arg10[%get3A] {strides = array<i32>} : memref<128xi32, #tpu.memory_space<vmem>>, vector<16xi32>,
    %get3A_1 = vector.shape_cast %get3A_0 : vector<16xi32> to vector<16xi32>
    %slice3A = vector.extract_strided_slice %get3A_1 {offsets = [0], sizes = [1], strides = [1]} : vector<16xi32> to vector<1xi32>
    %squeeze3A = vector.extract %slice3A[0] : i32 from vector<1xi32>
    %slice3A_2 = vector.extract_strided_slice %get3A_1 {offsets = [1], sizes = [1], strides = [1]} : vector<16xi32> to vector<1xi32>
    %squeeze3A_3 = vector.extract %slice3A_2[0] : i32 from vector<1xi32>
    %min3A = arith.constant 2400 : i32
    %min3A_4 = arith.minsi %squeeze3A, %min3A : i32
    %multiple_of3A = tpu.assume_multiple %min3A_4, 8 : i32
    %sub3A = arith.subi %squeeze3A, %multiple_of3A : i32
    "tpu.region"() ({
      %run_scoped3A_38 = tpu.sem_alloc : memref<!tpu.dma_semaphore, #tpu.memory_space<semaphore_mem>>
      %dma_start3A = arith.constant 0 : i32
      %dma_start3A_39 = tpu.memref_slice %arg2[%multiple_of3A, %dma_start3A] : memref<2560x128xi32, #tpu.memory_space<hbm>> -> memref<160x128xi32, #tpu.memory_space<hbm>>
      %dma_start3A_40 = arith.constant 0 : i32
      %dma_start3A_41 = tpu.memref_slice %arg2[%multiple_of3A, %dma_start3A_40] : memref<2560x128xi32, #tpu.memory_space<hbm>> -> memref<160x128xi32, #tpu.memory_space<hbm>>
      tpu.enqueue_dma source(%dma_start3A_41 : memref<160x128xi32, #tpu.memory_space<hbm>>) target(%arg8 : memref<160x128xi32, #tpu.memory_space<vmem>>) target_semaphore(%run_scoped3A_38 : memref<!tpu.dma_semaphore, #tpu.memory_space<semaphore_mem>>)
      %dma_wait3A = arith.constant 0 : i32
      %dma_wait3A_42 = tpu.memref_slice %arg2[%multiple_of3A, %dma_wait3A] : memref<2560x128xi32, #tpu.memory_space<hbm>> -> memref<160x128xi32, #tpu.memory_space<hbm>>
      %dma_wait3A_43 = arith.constant 0 : i32
      %dma_wait3A_44 = tpu.memref_slice %arg2[%multiple_of3A, %dma_wait3A_43] : memref<2560x128xi32, #tpu.memory_space<hbm>> -> memref<160x128xi32, #tpu.memory_space<hbm>>
      tpu.wait_dma2 semaphore(%run_scoped3A_38 : memref<!tpu.dma_semaphore, #tpu.memory_space<semaphore_mem>>) src(%dma_wait3A_44 : memref<160x128xi32, #tpu.memory_space<hbm>>) dst(%arg8 : memref<160x128xi32, #tpu.memory_space<vmem>>)
      tpu.yield
    }) : () -> ()
    "tpu.region"() ({
      %run_scoped3A_38 = tpu.sem_alloc : memref<!tpu.dma_semaphore, #tpu.memory_space<semaphore_mem>>
      %dma_start3A = arith.constant 0 : i32
      %dma_start3A_39 = tpu.memref_slice %arg3[%arg0, %multiple_of3A, %dma_start3A] : memref<2x2560x128xi32, #tpu.memory_space<hbm>> -> memref<1x160x128xi32, #tpu.memory_space<hbm>>
      %dma_start3A_40 = tpu.memref_squeeze %dma_start3A_39 : memref<1x160x128xi32, #tpu.memory_space<hbm>> -> memref<160x128xi32, #tpu.memory_space<hbm>>
      %dma_start3A_41 = arith.constant 0 : i32
      %dma_start3A_42 = tpu.memref_slice %arg3[%arg0, %multiple_of3A, %dma_start3A_41] : memref<2x2560x128xi32, #tpu.memory_space<hbm>> -> memref<1x160x128xi32, #tpu.memory_space<hbm>>
      %dma_start3A_43 = tpu.memref_squeeze %dma_start3A_42 : memref<1x160x128xi32, #tpu.memory_space<hbm>> -> memref<160x128xi32, #tpu.memory_space<hbm>>
      tpu.enqueue_dma source(%dma_start3A_43 : memref<160x128xi32, #tpu.memory_space<hbm>>) target(%arg9 : memref<160x128xi32, #tpu.memory_space<vmem>>) target_semaphore(%run_scoped3A_38 : memref<!tpu.dma_semaphore, #tpu.memory_space<semaphore_mem>>)
      %dma_wait3A = arith.constant 0 : i32
      %dma_wait3A_44 = tpu.memref_slice %arg3[%arg0, %multiple_of3A, %dma_wait3A] : memref<2x2560x128xi32, #tpu.memory_space<hbm>> -> memref<1x160x128xi32, #tpu.memory_space<hbm>>
      %dma_wait3A_45 = tpu.memref_squeeze %dma_wait3A_44 : memref<1x160x128xi32, #tpu.memory_space<hbm>> -> memref<160x128xi32, #tpu.memory_space<hbm>>
      %dma_wait3A_46 = arith.constant 0 : i32
      %dma_wait3A_47 = tpu.memref_slice %arg3[%arg0, %multiple_of3A, %dma_wait3A_46] : memref<2x2560x128xi32, #tpu.memory_space<hbm>> -> memref<1x160x128xi32, #tpu.memory_space<hbm>>
      %dma_wait3A_48 = tpu.memref_squeeze %dma_wait3A_47 : memref<1x160x128xi32, #tpu.memory_space<hbm>> -> memref<160x128xi32, #tpu.memory_space<hbm>>
      tpu.wait_dma2 semaphore(%run_scoped3A_38 : memref<!tpu.dma_semaphore, #tpu.memory_space<semaphore_mem>>) src(%dma_wait3A_48 : memref<160x128xi32, #tpu.memory_space<hbm>>) dst(%arg9 : memref<160x128xi32, #tpu.memory_space<vmem>>)
      tpu.yield
    }) : () -> ()
    "tpu.region"() ({
      %run_scoped3A_38 = tpu.sem_alloc : memref<!tpu.dma_semaphore, #tpu.memory_space<semaphore_mem>>
      tpu.enqueue_dma source(%arg6 : memref<128x128xf32, #tpu.memory_space<hbm>>) target(%arg11 : memref<128x128xf32, #tpu.memory_space<vmem>>) target_semaphore(%run_scoped3A_38 : memref<!tpu.dma_semaphore, #tpu.memory_space<semaphore_mem>>)
      tpu.wait_dma2 semaphore(%run_scoped3A_38 : memref<!tpu.dma_semaphore, #tpu.memory_space<semaphore_mem>>) src(%arg6 : memref<128x128xf32, #tpu.memory_space<hbm>>) dst(%arg11 : memref<128x128xf32, #tpu.memory_space<vmem>>)
      tpu.yield
    }) : () -> ()
    %mul3A = arith.constant 336 : i32
    %mul3A_5 = arith.muli %arg1, %mul3A : i32
    "tpu.region"() ({
      %run_scoped3A_38 = tpu.sem_alloc : memref<!tpu.dma_semaphore, #tpu.memory_space<semaphore_mem>>
      %dma_start3A = arith.constant 0 : i32
      %dma_start3A_39 = tpu.memref_slice %arg17[%mul3A_5, %dma_start3A] : memref<5376x128xf32, #tpu.memory_space<vmem_shared>> -> memref<128x128xf32, #tpu.memory_space<vmem_shared>>
      %dma_start3A_40 = arith.constant 0 : i32
      %dma_start3A_41 = tpu.memref_slice %arg17[%mul3A_5, %dma_start3A_40] : memref<5376x128xf32, #tpu.memory_space<vmem_shared>> -> memref<128x128xf32, #tpu.memory_space<vmem_shared>>
      tpu.enqueue_dma source(%arg11 : memref<128x128xf32, #tpu.memory_space<vmem>>) target(%dma_start3A_41 : memref<128x128xf32, #tpu.memory_space<vmem_shared>>) target_semaphore(%run_scoped3A_38 : memref<!tpu.dma_semaphore, #tpu.memory_space<semaphore_mem>>)
      %dma_wait3A = arith.constant 0 : i32
      %dma_wait3A_42 = tpu.memref_slice %arg17[%mul3A_5, %dma_wait3A] : memref<5376x128xf32, #tpu.memory_space<vmem_shared>> -> memref<128x128xf32, #tpu.memory_space<vmem_shared>>
      %dma_wait3A_43 = arith.constant 0 : i32
      %dma_wait3A_44 = tpu.memref_slice %arg17[%mul3A_5, %dma_wait3A_43] : memref<5376x128xf32, #tpu.memory_space<vmem_shared>> -> memref<128x128xf32, #tpu.memory_space<vmem_shared>>
      tpu.wait_dma2 semaphore(%run_scoped3A_38 : memref<!tpu.dma_semaphore, #tpu.memory_space<semaphore_mem>>) src(%arg11 : memref<128x128xf32, #tpu.memory_space<vmem>>) dst(%dma_wait3A_44 : memref<128x128xf32, #tpu.memory_space<vmem_shared>>)
      tpu.yield
    }) : () -> ()
    %add3A = arith.constant 128 : i32
    %add3A_6 = arith.addi %mul3A_5, %add3A : i32
    "tpu.region"() ({
      %run_scoped3A_38 = tpu.sem_alloc : memref<!tpu.dma_semaphore, #tpu.memory_space<semaphore_mem>>
      %dma_start3A = arith.constant 0 : i32
      %dma_start3A_39 = tpu.memref_slice %arg17[%add3A_6, %dma_start3A] : memref<5376x128xf32, #tpu.memory_space<vmem_shared>> -> memref<128x128xf32, #tpu.memory_space<vmem_shared>>
      %dma_start3A_40 = arith.constant 0 : i32
      %dma_start3A_41 = tpu.memref_slice %arg17[%add3A_6, %dma_start3A_40] : memref<5376x128xf32, #tpu.memory_space<vmem_shared>> -> memref<128x128xf32, #tpu.memory_space<vmem_shared>>
      tpu.enqueue_dma source(%arg11 : memref<128x128xf32, #tpu.memory_space<vmem>>) target(%dma_start3A_41 : memref<128x128xf32, #tpu.memory_space<vmem_shared>>) target_semaphore(%run_scoped3A_38 : memref<!tpu.dma_semaphore, #tpu.memory_space<semaphore_mem>>)
      %dma_wait3A = arith.constant 0 : i32
      %dma_wait3A_42 = tpu.memref_slice %arg17[%add3A_6, %dma_wait3A] : memref<5376x128xf32, #tpu.memory_space<vmem_shared>> -> memref<128x128xf32, #tpu.memory_space<vmem_shared>>
      %dma_wait3A_43 = arith.constant 0 : i32
      %dma_wait3A_44 = tpu.memref_slice %arg17[%add3A_6, %dma_wait3A_43] : memref<5376x128xf32, #tpu.memory_space<vmem_shared>> -> memref<128x128xf32, #tpu.memory_space<vmem_shared>>
      tpu.wait_dma2 semaphore(%run_scoped3A_38 : memref<!tpu.dma_semaphore, #tpu.memory_space<semaphore_mem>>) src(%arg11 : memref<128x128xf32, #tpu.memory_space<vmem>>) dst(%dma_wait3A_44 : memref<128x128xf32, #tpu.memory_space<vmem_shared>>)
      tpu.yield
    }) : () -> ()
    %add3A_7 = arith.constant 256 : i32
    %add3A_8 = arith.addi %mul3A_5, %add3A_7 : i32
    "tpu.region"() ({
      %run_scoped3A_38 = tpu.sem_alloc : memref<!tpu.dma_semaphore, #tpu.memory_space<semaphore_mem>>
      %dma_start3A = arith.constant 0 : i32
      %dma_start3A_39 = arith.constant 0 : i32
      %dma_start3A_40 = tpu.memref_slice %arg11[%dma_start3A, %dma_start3A_39] : memref<128x128xf32, #tpu.memory_space<vmem>> -> memref<80x128xf32, #tpu.memory_space<vmem>>
      %dma_start3A_41 = arith.constant 0 : i32
      %dma_start3A_42 = tpu.memref_slice %arg17[%add3A_8, %dma_start3A_41] : memref<5376x128xf32, #tpu.memory_space<vmem_shared>> -> memref<80x128xf32, #tpu.memory_space<vmem_shared>>
      %dma_start3A_43 = arith.constant 0 : i32
      %dma_start3A_44 = tpu.memref_slice %arg17[%add3A_8, %dma_start3A_43] : memref<5376x128xf32, #tpu.memory_space<vmem_shared>> -> memref<80x128xf32, #tpu.memory_space<vmem_shared>>
      %dma_start3A_45 = arith.constant 0 : i32
      %dma_start3A_46 = arith.constant 0 : i32
      %dma_start3A_47 = tpu.memref_slice %arg11[%dma_start3A_45, %dma_start3A_46] : memref<128x128xf32, #tpu.memory_space<vmem>> -> memref<80x128xf32, #tpu.memory_space<vmem>>
      tpu.enqueue_dma source(%dma_start3A_47 : memref<80x128xf32, #tpu.memory_space<vmem>>) target(%dma_start3A_44 : memref<80x128xf32, #tpu.memory_space<vmem_shared>>) target_semaphore(%run_scoped3A_38 : memref<!tpu.dma_semaphore, #tpu.memory_space<semaphore_mem>>)
      %dma_wait3A = arith.constant 0 : i32
      %dma_wait3A_48 = arith.constant 0 : i32
      %dma_wait3A_49 = tpu.memref_slice %arg11[%dma_wait3A, %dma_wait3A_48] : memref<128x128xf32, #tpu.memory_space<vmem>> -> memref<80x128xf32, #tpu.memory_space<vmem>>
      %dma_wait3A_50 = arith.constant 0 : i32
      %dma_wait3A_51 = tpu.memref_slice %arg17[%add3A_8, %dma_wait3A_50] : memref<5376x128xf32, #tpu.memory_space<vmem_shared>> -> memref<80x128xf32, #tpu.memory_space<vmem_shared>>
      %dma_wait3A_52 = arith.constant 0 : i32
      %dma_wait3A_53 = tpu.memref_slice %arg17[%add3A_8, %dma_wait3A_52] : memref<5376x128xf32, #tpu.memory_space<vmem_shared>> -> memref<80x128xf32, #tpu.memory_space<vmem_shared>>
      %dma_wait3A_54 = arith.constant 0 : i32
      %dma_wait3A_55 = arith.constant 0 : i32
      %dma_wait3A_56 = tpu.memref_slice %arg11[%dma_wait3A_54, %dma_wait3A_55] : memref<128x128xf32, #tpu.memory_space<vmem>> -> memref<80x128xf32, #tpu.memory_space<vmem>>
      tpu.wait_dma2 semaphore(%run_scoped3A_38 : memref<!tpu.dma_semaphore, #tpu.memory_space<semaphore_mem>>) src(%dma_wait3A_56 : memref<80x128xf32, #tpu.memory_space<vmem>>) dst(%dma_wait3A_53 : memref<80x128xf32, #tpu.memory_space<vmem_shared>>)
      tpu.yield
    }) : () -> ()
    %barrier3A = arith.constant 0 : index
    tpu.barrier barrier_id(%barrier3A)
    %gt3A = arith.constant 0 : i32
    %gt3A_9 = arith.cmpi sgt, %squeeze3A_3, %gt3A : i32
    %convert_element_type3A = arith.extui %gt3A_9 : i1 to i32
    %cond3A = arith.constant 0 : i32
    %cond3A_10 = arith.cmpi ne, %convert_element_type3A, %cond3A : i32
    scf.if %cond3A_10 {
      %add3A_38 = arith.constant 0 : i32
      %add3A_39 = arith.addi %sub3A, %add3A_38 : i32
      %dma_start3A = arith.constant 0 : i32
      %dma_start3A_40 = tpu.memref_slice %arg8[%add3A_39, %dma_start3A] : memref<160x128xi32, #tpu.memory_space<vmem>> -> memref<1x128xi32, #tpu.memory_space<vmem>>
      %dma_start3A_41 = tpu.memref_squeeze %dma_start3A_40 : memref<1x128xi32, #tpu.memory_space<vmem>> -> memref<128xi32, #tpu.memory_space<vmem>>
      %dma_start3A_42 = arith.constant 0 : i32
      %dma_start3A_43 = arith.constant 0 : i32
      %dma_start3A_44 = tpu.memref_slice %arg5[%dma_start3A_42, %dma_start3A_43] : memref<10000x128xf32, #tpu.memory_space<hbm>> -> memref<10000x128xf32, #tpu.memory_space<hbm>>
      tpu.enqueue_indirect_dma source(%dma_start3A_44 : memref<10000x128xf32, #tpu.memory_space<hbm>>) target(%arg11 : memref<128x128xf32, #tpu.memory_space<vmem>>) offsets(%dma_start3A_41 : memref<128xi32, #tpu.memory_space<vmem>>) semaphore(%arg13 : memref<!tpu.dma_semaphore, #tpu.memory_space<semaphore_mem>>)
      %add3A_45 = arith.constant 1 : i32
      %add3A_46 = arith.addi %sub3A, %add3A_45 : i32
      %dma_start3A_47 = arith.constant 0 : i32
      %dma_start3A_48 = tpu.memref_slice %arg8[%add3A_46, %dma_start3A_47] : memref<160x128xi32, #tpu.memory_space<vmem>> -> memref<1x128xi32, #tpu.memory_space<vmem>>
      %dma_start3A_49 = tpu.memref_squeeze %dma_start3A_48 : memref<1x128xi32, #tpu.memory_space<vmem>> -> memref<128xi32, #tpu.memory_space<vmem>>
      %dma_start3A_50 = arith.constant 0 : i32
      %dma_start3A_51 = arith.constant 0 : i32
      %dma_start3A_52 = tpu.memref_slice %arg5[%dma_start3A_50, %dma_start3A_51] : memref<10000x128xf32, #tpu.memory_space<hbm>> -> memref<10000x128xf32, #tpu.memory_space<hbm>>
      tpu.enqueue_indirect_dma source(%dma_start3A_52 : memref<10000x128xf32, #tpu.memory_space<hbm>>) target(%arg12 : memref<128x128xf32, #tpu.memory_space<vmem>>) offsets(%dma_start3A_49 : memref<128xi32, #tpu.memory_space<vmem>>) semaphore(%arg14 : memref<!tpu.dma_semaphore, #tpu.memory_space<semaphore_mem>>)
    } else {
    }
    %jit3A = arith.constant 2 : i32
    %div3A = arith.divsi %squeeze3A_3, %jit3A : i32
    %sign3A = arith.constant 0 : i32
    %sign3A_11 = arith.cmpi sgt, %squeeze3A_3, %sign3A : i32
    %sign3A_12 = arith.extui %sign3A_11 : i1 to i32
    %sign3A_13 = arith.constant 0 : i32
    %sign3A_14 = arith.cmpi slt, %squeeze3A_3, %sign3A_13 : i32
    %sign3A_15 = arith.extui %sign3A_14 : i1 to i32
    %sign3A_16 = arith.subi %sign3A_12, %sign3A_15 : i32
    %sign3A_17 = arith.constant 0 : i32
    %sign3A_18 = arith.cmpi sgt, %jit3A, %sign3A_17 : i32
    %sign3A_19 = arith.extui %sign3A_18 : i1 to i32
    %sign3A_20 = arith.constant 0 : i32
    %sign3A_21 = arith.cmpi slt, %jit3A, %sign3A_20 : i32
    %sign3A_22 = arith.extui %sign3A_21 : i1 to i32
    %sign3A_23 = arith.subi %sign3A_19, %sign3A_22 : i32
    %ne3A = arith.cmpi ne, %sign3A_16, %sign3A_23 : i32
    %rem3A = arith.remsi %squeeze3A_3, %jit3A : i32
    %ne3A_24 = arith.constant 0 : i32
    %ne3A_25 = arith.cmpi ne, %rem3A, %ne3A_24 : i32
    %and3A = arith.andi %ne3A, %ne3A_25 : i1
    %sub3A_26 = arith.constant 1 : i32
    %sub3A_27 = arith.subi %div3A, %sub3A_26 : i32
    %select_n3A = arith.select %and3A, %sub3A_27, %div3A : i32
    %while3A = arith.constant 0 : i32
    %while3A_28 = arith.constant 0 : i32
    %while3A_29 = arith.subi %select_n3A, %while3A_28 : i32
    %while3A_30 = arith.addi %while3A_28, %while3A_29 : i32
    %while3A_31 = arith.constant 1 : i32
    %while3A_32 = arith.divsi %while3A_29, %while3A_31 : i32
    %while3A_33 = arith.muli %while3A_32, %while3A_31 : i32
    %while3A_34 = arith.addi %while3A_28, %while3A_33 : i32
    %while3A_35 = arith.constant 1 : i32
    scf.for %while3A_38 = %while3A_28 to %while3A_34 step %while3A_35  : i32 {
      %mul3A_39 = arith.constant 2 : i32
      %mul3A_40 = arith.muli %mul3A_39, %while3A_38 : i32
      %add3A_41 = arith.constant 0 : i32
      %add3A_42 = arith.addi %mul3A_40, %add3A_41 : i32
      %add3A_43 = arith.addi %sub3A, %add3A_42 : i32
      %dma_wait3A = arith.constant 0 : i32
      %dma_wait3A_44 = tpu.memref_slice %arg8[%add3A_43, %dma_wait3A] : memref<160x128xi32, #tpu.memory_space<vmem>> -> memref<1x128xi32, #tpu.memory_space<vmem>>
      %dma_wait3A_45 = tpu.memref_squeeze %dma_wait3A_44 : memref<1x128xi32, #tpu.memory_space<vmem>> -> memref<128xi32, #tpu.memory_space<vmem>>
      %dma_wait3A_46 = arith.constant 0 : i32
      %dma_wait3A_47 = arith.constant 0 : i32
      %dma_wait3A_48 = tpu.memref_slice %arg5[%dma_wait3A_46, %dma_wait3A_47] : memref<10000x128xf32, #tpu.memory_space<hbm>> -> memref<10000x128xf32, #tpu.memory_space<hbm>>
      tpu.wait_indirect_dma semaphore(%arg13 : memref<!tpu.dma_semaphore, #tpu.memory_space<semaphore_mem>>) src(%dma_wait3A_48 : memref<10000x128xf32, #tpu.memory_space<hbm>>) dst(%arg11 : memref<128x128xf32, #tpu.memory_space<vmem>>)
      %add3A_49 = arith.addi %sub3A, %add3A_42 : i32
      "tpu.region"() ({
        %run_scoped3A_121 = tpu.sem_alloc : memref<!tpu.dma_semaphore, #tpu.memory_space<semaphore_mem>>
        %dma_start3A = arith.constant 0 : i32
        %dma_start3A_122 = tpu.memref_slice %arg9[%add3A_49, %dma_start3A] : memref<160x128xi32, #tpu.memory_space<vmem>> -> memref<1x128xi32, #tpu.memory_space<vmem>>
        %dma_start3A_123 = tpu.memref_squeeze %dma_start3A_122 : memref<1x128xi32, #tpu.memory_space<vmem>> -> memref<128xi32, #tpu.memory_space<vmem>>
        %dma_start3A_124 = arith.constant 0 : i32
        %dma_start3A_125 = arith.constant 0 : i32
        %dma_start3A_126 = tpu.memref_slice %arg17[%dma_start3A_124, %dma_start3A_125] : memref<5376x128xf32, #tpu.memory_space<vmem_shared>> -> memref<5376x128xf32, #tpu.memory_space<vmem_shared>>
        tpu.enqueue_indirect_dma source(%arg11 : memref<128x128xf32, #tpu.memory_space<vmem>>) target(%dma_start3A_126 : memref<5376x128xf32, #tpu.memory_space<vmem_shared>>) offsets(%dma_start3A_123 : memref<128xi32, #tpu.memory_space<vmem>>) semaphore(%run_scoped3A_121 : memref<!tpu.dma_semaphore, #tpu.memory_space<semaphore_mem>>) {add = true}
        %dma_wait3A_127 = arith.constant 0 : i32
        %dma_wait3A_128 = tpu.memref_slice %arg9[%add3A_49, %dma_wait3A_127] : memref<160x128xi32, #tpu.memory_space<vmem>> -> memref<1x128xi32, #tpu.memory_space<vmem>>
        %dma_wait3A_129 = tpu.memref_squeeze %dma_wait3A_128 : memref<1x128xi32, #tpu.memory_space<vmem>> -> memref<128xi32, #tpu.memory_space<vmem>>
        %dma_wait3A_130 = arith.constant 0 : i32
        %dma_wait3A_131 = arith.constant 0 : i32
        %dma_wait3A_132 = tpu.memref_slice %arg17[%dma_wait3A_130, %dma_wait3A_131] : memref<5376x128xf32, #tpu.memory_space<vmem_shared>> -> memref<5376x128xf32, #tpu.memory_space<vmem_shared>>
        tpu.wait_indirect_dma semaphore(%run_scoped3A_121 : memref<!tpu.dma_semaphore, #tpu.memory_space<semaphore_mem>>) src(%arg11 : memref<128x128xf32, #tpu.memory_space<vmem>>) dst(%dma_wait3A_132 : memref<5376x128xf32, #tpu.memory_space<vmem_shared>>)
        tpu.yield
      }) : () -> ()
      %jit3A_50 = arith.constant 2 : i32
      %div3A_51 = arith.divsi %squeeze3A_3, %jit3A_50 : i32
      %sign3A_52 = arith.constant 0 : i32
      %sign3A_53 = arith.cmpi sgt, %squeeze3A_3, %sign3A_52 : i32
      %sign3A_54 = arith.extui %sign3A_53 : i1 to i32
      %sign3A_55 = arith.constant 0 : i32
      %sign3A_56 = arith.cmpi slt, %squeeze3A_3, %sign3A_55 : i32
      %sign3A_57 = arith.extui %sign3A_56 : i1 to i32
      %sign3A_58 = arith.subi %sign3A_54, %sign3A_57 : i32
      %sign3A_59 = arith.constant 0 : i32
      %sign3A_60 = arith.cmpi sgt, %jit3A_50, %sign3A_59 : i32
      %sign3A_61 = arith.extui %sign3A_60 : i1 to i32
      %sign3A_62 = arith.constant 0 : i32
      %sign3A_63 = arith.cmpi slt, %jit3A_50, %sign3A_62 : i32
      %sign3A_64 = arith.extui %sign3A_63 : i1 to i32
      %sign3A_65 = arith.subi %sign3A_61, %sign3A_64 : i32
      %ne3A_66 = arith.cmpi ne, %sign3A_58, %sign3A_65 : i32
      %rem3A_67 = arith.remsi %squeeze3A_3, %jit3A_50 : i32
      %ne3A_68 = arith.constant 0 : i32
      %ne3A_69 = arith.cmpi ne, %rem3A_67, %ne3A_68 : i32
      %and3A_70 = arith.andi %ne3A_66, %ne3A_69 : i1
      %sub3A_71 = arith.constant 1 : i32
      %sub3A_72 = arith.subi %div3A_51, %sub3A_71 : i32
      %select_n3A_73 = arith.select %and3A_70, %sub3A_72, %div3A_51 : i32
      %sub3A_74 = arith.constant 1 : i32
      %sub3A_75 = arith.subi %select_n3A_73, %sub3A_74 : i32
      %lt3A = arith.cmpi slt, %while3A_38, %sub3A_75 : i32
      %convert_element_type3A_76 = arith.extui %lt3A : i1 to i32
      %cond3A_77 = arith.constant 0 : i32
      %cond3A_78 = arith.cmpi ne, %convert_element_type3A_76, %cond3A_77 : i32
      scf.if %cond3A_78 {
        %add3A_121 = arith.addi %sub3A, %add3A_42 : i32
        %add3A_122 = arith.constant 2 : i32
        %add3A_123 = arith.addi %add3A_121, %add3A_122 : i32
        %dma_start3A = arith.constant 0 : i32
        %dma_start3A_124 = tpu.memref_slice %arg8[%add3A_123, %dma_start3A] : memref<160x128xi32, #tpu.memory_space<vmem>> -> memref<1x128xi32, #tpu.memory_space<vmem>>
        %dma_start3A_125 = tpu.memref_squeeze %dma_start3A_124 : memref<1x128xi32, #tpu.memory_space<vmem>> -> memref<128xi32, #tpu.memory_space<vmem>>
        %dma_start3A_126 = arith.constant 0 : i32
        %dma_start3A_127 = arith.constant 0 : i32
        %dma_start3A_128 = tpu.memref_slice %arg5[%dma_start3A_126, %dma_start3A_127] : memref<10000x128xf32, #tpu.memory_space<hbm>> -> memref<10000x128xf32, #tpu.memory_space<hbm>>
        tpu.enqueue_indirect_dma source(%dma_start3A_128 : memref<10000x128xf32, #tpu.memory_space<hbm>>) target(%arg11 : memref<128x128xf32, #tpu.memory_space<vmem>>) offsets(%dma_start3A_125 : memref<128xi32, #tpu.memory_space<vmem>>) semaphore(%arg13 : memref<!tpu.dma_semaphore, #tpu.memory_space<semaphore_mem>>)
      } else {
      }
      %mul3A_79 = arith.constant 2 : i32
      %mul3A_80 = arith.muli %mul3A_79, %while3A_38 : i32
      %add3A_81 = arith.constant 1 : i32
      %add3A_82 = arith.addi %mul3A_80, %add3A_81 : i32
      %add3A_83 = arith.addi %sub3A, %add3A_82 : i32
      %dma_wait3A_84 = arith.constant 0 : i32
      %dma_wait3A_85 = tpu.memref_slice %arg8[%add3A_83, %dma_wait3A_84] : memref<160x128xi32, #tpu.memory_space<vmem>> -> memref<1x128xi32, #tpu.memory_space<vmem>>
      %dma_wait3A_86 = tpu.memref_squeeze %dma_wait3A_85 : memref<1x128xi32, #tpu.memory_space<vmem>> -> memref<128xi32, #tpu.memory_space<vmem>>
      %dma_wait3A_87 = arith.constant 0 : i32
      %dma_wait3A_88 = arith.constant 0 : i32
      %dma_wait3A_89 = tpu.memref_slice %arg5[%dma_wait3A_87, %dma_wait3A_88] : memref<10000x128xf32, #tpu.memory_space<hbm>> -> memref<10000x128xf32, #tpu.memory_space<hbm>>
      tpu.wait_indirect_dma semaphore(%arg14 : memref<!tpu.dma_semaphore, #tpu.memory_space<semaphore_mem>>) src(%dma_wait3A_89 : memref<10000x128xf32, #tpu.memory_space<hbm>>) dst(%arg12 : memref<128x128xf32, #tpu.memory_space<vmem>>)
      %add3A_90 = arith.addi %sub3A, %add3A_82 : i32
      "tpu.region"() ({
        %run_scoped3A_121 = tpu.sem_alloc : memref<!tpu.dma_semaphore, #tpu.memory_space<semaphore_mem>>
        %dma_start3A = arith.constant 0 : i32
        %dma_start3A_122 = tpu.memref_slice %arg9[%add3A_90, %dma_start3A] : memref<160x128xi32, #tpu.memory_space<vmem>> -> memref<1x128xi32, #tpu.memory_space<vmem>>
        %dma_start3A_123 = tpu.memref_squeeze %dma_start3A_122 : memref<1x128xi32, #tpu.memory_space<vmem>> -> memref<128xi32, #tpu.memory_space<vmem>>
        %dma_start3A_124 = arith.constant 0 : i32
        %dma_start3A_125 = arith.constant 0 : i32
        %dma_start3A_126 = tpu.memref_slice %arg17[%dma_start3A_124, %dma_start3A_125] : memref<5376x128xf32, #tpu.memory_space<vmem_shared>> -> memref<5376x128xf32, #tpu.memory_space<vmem_shared>>
        tpu.enqueue_indirect_dma source(%arg12 : memref<128x128xf32, #tpu.memory_space<vmem>>) target(%dma_start3A_126 : memref<5376x128xf32, #tpu.memory_space<vmem_shared>>) offsets(%dma_start3A_123 : memref<128xi32, #tpu.memory_space<vmem>>) semaphore(%run_scoped3A_121 : memref<!tpu.dma_semaphore, #tpu.memory_space<semaphore_mem>>) {add = true}
        %dma_wait3A_127 = arith.constant 0 : i32
        %dma_wait3A_128 = tpu.memref_slice %arg9[%add3A_90, %dma_wait3A_127] : memref<160x128xi32, #tpu.memory_space<vmem>> -> memref<1x128xi32, #tpu.memory_space<vmem>>
        %dma_wait3A_129 = tpu.memref_squeeze %dma_wait3A_128 : memref<1x128xi32, #tpu.memory_space<vmem>> -> memref<128xi32, #tpu.memory_space<vmem>>
        %dma_wait3A_130 = arith.constant 0 : i32
        %dma_wait3A_131 = arith.constant 0 : i32
        %dma_wait3A_132 = tpu.memref_slice %arg17[%dma_wait3A_130, %dma_wait3A_131] : memref<5376x128xf32, #tpu.memory_space<vmem_shared>> -> memref<5376x128xf32, #tpu.memory_space<vmem_shared>>
        tpu.wait_indirect_dma semaphore(%run_scoped3A_121 : memref<!tpu.dma_semaphore, #tpu.memory_space<semaphore_mem>>) src(%arg12 : memref<128x128xf32, #tpu.memory_space<vmem>>) dst(%dma_wait3A_132 : memref<5376x128xf32, #tpu.memory_space<vmem_shared>>)
        tpu.yield
      }) : () -> ()
      %jit3A_91 = arith.constant 2 : i32
      %div3A_92 = arith.divsi %squeeze3A_3, %jit3A_91 : i32
      %sign3A_93 = arith.constant 0 : i32
      %sign3A_94 = arith.cmpi sgt, %squeeze3A_3, %sign3A_93 : i32
      %sign3A_95 = arith.extui %sign3A_94 : i1 to i32
      %sign3A_96 = arith.constant 0 : i32
      %sign3A_97 = arith.cmpi slt, %squeeze3A_3, %sign3A_96 : i32
      %sign3A_98 = arith.extui %sign3A_97 : i1 to i32
      %sign3A_99 = arith.subi %sign3A_95, %sign3A_98 : i32
      %sign3A_100 = arith.constant 0 : i32
      %sign3A_101 = arith.cmpi sgt, %jit3A_91, %sign3A_100 : i32
      %sign3A_102 = arith.extui %sign3A_101 : i1 to i32
      %sign3A_103 = arith.constant 0 : i32
      %sign3A_104 = arith.cmpi slt, %jit3A_91, %sign3A_103 : i32
      %sign3A_105 = arith.extui %sign3A_104 : i1 to i32
      %sign3A_106 = arith.subi %sign3A_102, %sign3A_105 : i32
      %ne3A_107 = arith.cmpi ne, %sign3A_99, %sign3A_106 : i32
      %rem3A_108 = arith.remsi %squeeze3A_3, %jit3A_91 : i32
      %ne3A_109 = arith.constant 0 : i32
      %ne3A_110 = arith.cmpi ne, %rem3A_108, %ne3A_109 : i32
      %and3A_111 = arith.andi %ne3A_107, %ne3A_110 : i1
      %sub3A_112 = arith.constant 1 : i32
      %sub3A_113 = arith.subi %div3A_92, %sub3A_112 : i32
      %select_n3A_114 = arith.select %and3A_111, %sub3A_113, %div3A_92 : i32
      %sub3A_115 = arith.constant 1 : i32
      %sub3A_116 = arith.subi %select_n3A_114, %sub3A_115 : i32
      %lt3A_117 = arith.cmpi slt, %while3A_38, %sub3A_116 : i32
      %convert_element_type3A_118 = arith.extui %lt3A_117 : i1 to i32
      %cond3A_119 = arith.constant 0 : i32
      %cond3A_120 = arith.cmpi ne, %convert_element_type3A_118, %cond3A_119 : i32
      scf.if %cond3A_120 {
        %add3A_121 = arith.addi %sub3A, %add3A_82 : i32
        %add3A_122 = arith.constant 2 : i32
        %add3A_123 = arith.addi %add3A_121, %add3A_122 : i32
        %dma_start3A = arith.constant 0 : i32
        %dma_start3A_124 = tpu.memref_slice %arg8[%add3A_123, %dma_start3A] : memref<160x128xi32, #tpu.memory_space<vmem>> -> memref<1x128xi32, #tpu.memory_space<vmem>>
        %dma_start3A_125 = tpu.memref_squeeze %dma_start3A_124 : memref<1x128xi32, #tpu.memory_space<vmem>> -> memref<128xi32, #tpu.memory_space<vmem>>
        %dma_start3A_126 = arith.constant 0 : i32
        %dma_start3A_127 = arith.constant 0 : i32
        %dma_start3A_128 = tpu.memref_slice %arg5[%dma_start3A_126, %dma_start3A_127] : memref<10000x128xf32, #tpu.memory_space<hbm>> -> memref<10000x128xf32, #tpu.memory_space<hbm>>
        tpu.enqueue_indirect_dma source(%dma_start3A_128 : memref<10000x128xf32, #tpu.memory_space<hbm>>) target(%arg12 : memref<128x128xf32, #tpu.memory_space<vmem>>) offsets(%dma_start3A_125 : memref<128xi32, #tpu.memory_space<vmem>>) semaphore(%arg14 : memref<!tpu.dma_semaphore, #tpu.memory_space<semaphore_mem>>)
      } else {
      }
    }
    %while3A_36 = arith.constant 1 : i32
    scf.for %while3A_38 = %while3A_34 to %while3A_30 step %while3A_36  : i32 {
      %mul3A_39 = arith.constant 2 : i32
      %mul3A_40 = arith.muli %mul3A_39, %while3A_38 : i32
      %add3A_41 = arith.constant 0 : i32
      %add3A_42 = arith.addi %mul3A_40, %add3A_41 : i32
      %add3A_43 = arith.addi %sub3A, %add3A_42 : i32
      %dma_wait3A = arith.constant 0 : i32
      %dma_wait3A_44 = tpu.memref_slice %arg8[%add3A_43, %dma_wait3A] : memref<160x128xi32, #tpu.memory_space<vmem>> -> memref<1x128xi32, #tpu.memory_space<vmem>>
      %dma_wait3A_45 = tpu.memref_squeeze %dma_wait3A_44 : memref<1x128xi32, #tpu.memory_space<vmem>> -> memref<128xi32, #tpu.memory_space<vmem>>
      %dma_wait3A_46 = arith.constant 0 : i32
      %dma_wait3A_47 = arith.constant 0 : i32
      %dma_wait3A_48 = tpu.memref_slice %arg5[%dma_wait3A_46, %dma_wait3A_47] : memref<10000x128xf32, #tpu.memory_space<hbm>> -> memref<10000x128xf32, #tpu.memory_space<hbm>>
      tpu.wait_indirect_dma semaphore(%arg13 : memref<!tpu.dma_semaphore, #tpu.memory_space<semaphore_mem>>) src(%dma_wait3A_48 : memref<10000x128xf32, #tpu.memory_space<hbm>>) dst(%arg11 : memref<128x128xf32, #tpu.memory_space<vmem>>)
      %add3A_49 = arith.addi %sub3A, %add3A_42 : i32
      "tpu.region"() ({
        %run_scoped3A_121 = tpu.sem_alloc : memref<!tpu.dma_semaphore, #tpu.memory_space<semaphore_mem>>
        %dma_start3A = arith.constant 0 : i32
        %dma_start3A_122 = tpu.memref_slice %arg9[%add3A_49, %dma_start3A] : memref<160x128xi32, #tpu.memory_space<vmem>> -> memref<1x128xi32, #tpu.memory_space<vmem>>
        %dma_start3A_123 = tpu.memref_squeeze %dma_start3A_122 : memref<1x128xi32, #tpu.memory_space<vmem>> -> memref<128xi32, #tpu.memory_space<vmem>>
        %dma_start3A_124 = arith.constant 0 : i32
        %dma_start3A_125 = arith.constant 0 : i32
        %dma_start3A_126 = tpu.memref_slice %arg17[%dma_start3A_124, %dma_start3A_125] : memref<5376x128xf32, #tpu.memory_space<vmem_shared>> -> memref<5376x128xf32, #tpu.memory_space<vmem_shared>>
        tpu.enqueue_indirect_dma source(%arg11 : memref<128x128xf32, #tpu.memory_space<vmem>>) target(%dma_start3A_126 : memref<5376x128xf32, #tpu.memory_space<vmem_shared>>) offsets(%dma_start3A_123 : memref<128xi32, #tpu.memory_space<vmem>>) semaphore(%run_scoped3A_121 : memref<!tpu.dma_semaphore, #tpu.memory_space<semaphore_mem>>) {add = true}
        %dma_wait3A_127 = arith.constant 0 : i32
        %dma_wait3A_128 = tpu.memref_slice %arg9[%add3A_49, %dma_wait3A_127] : memref<160x128xi32, #tpu.memory_space<vmem>> -> memref<1x128xi32, #tpu.memory_space<vmem>>
        %dma_wait3A_129 = tpu.memref_squeeze %dma_wait3A_128 : memref<1x128xi32, #tpu.memory_space<vmem>> -> memref<128xi32, #tpu.memory_space<vmem>>
        %dma_wait3A_130 = arith.constant 0 : i32
        %dma_wait3A_131 = arith.constant 0 : i32
        %dma_wait3A_132 = tpu.memref_slice %arg17[%dma_wait3A_130, %dma_wait3A_131] : memref<5376x128xf32, #tpu.memory_space<vmem_shared>> -> memref<5376x128xf32, #tpu.memory_space<vmem_shared>>
        tpu.wait_indirect_dma semaphore(%run_scoped3A_121 : memref<!tpu.dma_semaphore, #tpu.memory_space<semaphore_mem>>) src(%arg11 : memref<128x128xf32, #tpu.memory_space<vmem>>) dst(%dma_wait3A_132 : memref<5376x128xf32, #tpu.memory_space<vmem_shared>>)
        tpu.yield
      }) : () -> ()
      %jit3A_50 = arith.constant 2 : i32
      %div3A_51 = arith.divsi %squeeze3A_3, %jit3A_50 : i32
      %sign3A_52 = arith.constant 0 : i32
      %sign3A_53 = arith.cmpi sgt, %squeeze3A_3, %sign3A_52 : i32
      %sign3A_54 = arith.extui %sign3A_53 : i1 to i32
      %sign3A_55 = arith.constant 0 : i32
      %sign3A_56 = arith.cmpi slt, %squeeze3A_3, %sign3A_55 : i32
      %sign3A_57 = arith.extui %sign3A_56 : i1 to i32
      %sign3A_58 = arith.subi %sign3A_54, %sign3A_57 : i32
      %sign3A_59 = arith.constant 0 : i32
      %sign3A_60 = arith.cmpi sgt, %jit3A_50, %sign3A_59 : i32
      %sign3A_61 = arith.extui %sign3A_60 : i1 to i32
      %sign3A_62 = arith.constant 0 : i32
      %sign3A_63 = arith.cmpi slt, %jit3A_50, %sign3A_62 : i32
      %sign3A_64 = arith.extui %sign3A_63 : i1 to i32
      %sign3A_65 = arith.subi %sign3A_61, %sign3A_64 : i32
      %ne3A_66 = arith.cmpi ne, %sign3A_58, %sign3A_65 : i32
      %rem3A_67 = arith.remsi %squeeze3A_3, %jit3A_50 : i32
      %ne3A_68 = arith.constant 0 : i32
      %ne3A_69 = arith.cmpi ne, %rem3A_67, %ne3A_68 : i32
      %and3A_70 = arith.andi %ne3A_66, %ne3A_69 : i1
      %sub3A_71 = arith.constant 1 : i32
      %sub3A_72 = arith.subi %div3A_51, %sub3A_71 : i32
      %select_n3A_73 = arith.select %and3A_70, %sub3A_72, %div3A_51 : i32
      %sub3A_74 = arith.constant 1 : i32
      %sub3A_75 = arith.subi %select_n3A_73, %sub3A_74 : i32
      %lt3A = arith.cmpi slt, %while3A_38, %sub3A_75 : i32
      %convert_element_type3A_76 = arith.extui %lt3A : i1 to i32
      %cond3A_77 = arith.constant 0 : i32
      %cond3A_78 = arith.cmpi ne, %convert_element_type3A_76, %cond3A_77 : i32
      scf.if %cond3A_78 {
        %add3A_121 = arith.addi %sub3A, %add3A_42 : i32
        %add3A_122 = arith.constant 2 : i32
        %add3A_123 = arith.addi %add3A_121, %add3A_122 : i32
        %dma_start3A = arith.constant 0 : i32
        %dma_start3A_124 = tpu.memref_slice %arg8[%add3A_123, %dma_start3A] : memref<160x128xi32, #tpu.memory_space<vmem>> -> memref<1x128xi32, #tpu.memory_space<vmem>>
        %dma_start3A_125 = tpu.memref_squeeze %dma_start3A_124 : memref<1x128xi32, #tpu.memory_space<vmem>> -> memref<128xi32, #tpu.memory_space<vmem>>
        %dma_start3A_126 = arith.constant 0 : i32
        %dma_start3A_127 = arith.constant 0 : i32
        %dma_start3A_128 = tpu.memref_slice %arg5[%dma_start3A_126, %dma_start3A_127] : memref<10000x128xf32, #tpu.memory_space<hbm>> -> memref<10000x128xf32, #tpu.memory_space<hbm>>
        tpu.enqueue_indirect_dma source(%dma_start3A_128 : memref<10000x128xf32, #tpu.memory_space<hbm>>) target(%arg11 : memref<128x128xf32, #tpu.memory_space<vmem>>) offsets(%dma_start3A_125 : memref<128xi32, #tpu.memory_space<vmem>>) semaphore(%arg13 : memref<!tpu.dma_semaphore, #tpu.memory_space<semaphore_mem>>)
      } else {
      }
      %mul3A_79 = arith.constant 2 : i32
      %mul3A_80 = arith.muli %mul3A_79, %while3A_38 : i32
      %add3A_81 = arith.constant 1 : i32
      %add3A_82 = arith.addi %mul3A_80, %add3A_81 : i32
      %add3A_83 = arith.addi %sub3A, %add3A_82 : i32
      %dma_wait3A_84 = arith.constant 0 : i32
      %dma_wait3A_85 = tpu.memref_slice %arg8[%add3A_83, %dma_wait3A_84] : memref<160x128xi32, #tpu.memory_space<vmem>> -> memref<1x128xi32, #tpu.memory_space<vmem>>
      %dma_wait3A_86 = tpu.memref_squeeze %dma_wait3A_85 : memref<1x128xi32, #tpu.memory_space<vmem>> -> memref<128xi32, #tpu.memory_space<vmem>>
      %dma_wait3A_87 = arith.constant 0 : i32
      %dma_wait3A_88 = arith.constant 0 : i32
      %dma_wait3A_89 = tpu.memref_slice %arg5[%dma_wait3A_87, %dma_wait3A_88] : memref<10000x128xf32, #tpu.memory_space<hbm>> -> memref<10000x128xf32, #tpu.memory_space<hbm>>
      tpu.wait_indirect_dma semaphore(%arg14 : memref<!tpu.dma_semaphore, #tpu.memory_space<semaphore_mem>>) src(%dma_wait3A_89 : memref<10000x128xf32, #tpu.memory_space<hbm>>) dst(%arg12 : memref<128x128xf32, #tpu.memory_space<vmem>>)
      %add3A_90 = arith.addi %sub3A, %add3A_82 : i32
      "tpu.region"() ({
        %run_scoped3A_121 = tpu.sem_alloc : memref<!tpu.dma_semaphore, #tpu.memory_space<semaphore_mem>>
        %dma_start3A = arith.constant 0 : i32
        %dma_start3A_122 = tpu.memref_slice %arg9[%add3A_90, %dma_start3A] : memref<160x128xi32, #tpu.memory_space<vmem>> -> memref<1x128xi32, #tpu.memory_space<vmem>>
        %dma_start3A_123 = tpu.memref_squeeze %dma_start3A_122 : memref<1x128xi32, #tpu.memory_space<vmem>> -> memref<128xi32, #tpu.memory_space<vmem>>
        %dma_start3A_124 = arith.constant 0 : i32
        %dma_start3A_125 = arith.constant 0 : i32
        %dma_start3A_126 = tpu.memref_slice %arg17[%dma_start3A_124, %dma_start3A_125] : memref<5376x128xf32, #tpu.memory_space<vmem_shared>> -> memref<5376x128xf32, #tpu.memory_space<vmem_shared>>
        tpu.enqueue_indirect_dma source(%arg12 : memref<128x128xf32, #tpu.memory_space<vmem>>) target(%dma_start3A_126 : memref<5376x128xf32, #tpu.memory_space<vmem_shared>>) offsets(%dma_start3A_123 : memref<128xi32, #tpu.memory_space<vmem>>) semaphore(%run_scoped3A_121 : memref<!tpu.dma_semaphore, #tpu.memory_space<semaphore_mem>>) {add = true}
        %dma_wait3A_127 = arith.constant 0 : i32
        %dma_wait3A_128 = tpu.memref_slice %arg9[%add3A_90, %dma_wait3A_127] : memref<160x128xi32, #tpu.memory_space<vmem>> -> memref<1x128xi32, #tpu.memory_space<vmem>>
        %dma_wait3A_129 = tpu.memref_squeeze %dma_wait3A_128 : memref<1x128xi32, #tpu.memory_space<vmem>> -> memref<128xi32, #tpu.memory_space<vmem>>
        %dma_wait3A_130 = arith.constant 0 : i32
        %dma_wait3A_131 = arith.constant 0 : i32
        %dma_wait3A_132 = tpu.memref_slice %arg17[%dma_wait3A_130, %dma_wait3A_131] : memref<5376x128xf32, #tpu.memory_space<vmem_shared>> -> memref<5376x128xf32, #tpu.memory_space<vmem_shared>>
        tpu.wait_indirect_dma semaphore(%run_scoped3A_121 : memref<!tpu.dma_semaphore, #tpu.memory_space<semaphore_mem>>) src(%arg12 : memref<128x128xf32, #tpu.memory_space<vmem>>) dst(%dma_wait3A_132 : memref<5376x128xf32, #tpu.memory_space<vmem_shared>>)
        tpu.yield
      }) : () -> ()
      %jit3A_91 = arith.constant 2 : i32
      %div3A_92 = arith.divsi %squeeze3A_3, %jit3A_91 : i32
      %sign3A_93 = arith.constant 0 : i32
      %sign3A_94 = arith.cmpi sgt, %squeeze3A_3, %sign3A_93 : i32
      %sign3A_95 = arith.extui %sign3A_94 : i1 to i32
      %sign3A_96 = arith.constant 0 : i32
      %sign3A_97 = arith.cmpi slt, %squeeze3A_3, %sign3A_96 : i32
      %sign3A_98 = arith.extui %sign3A_97 : i1 to i32
      %sign3A_99 = arith.subi %sign3A_95, %sign3A_98 : i32
      %sign3A_100 = arith.constant 0 : i32
      %sign3A_101 = arith.cmpi sgt, %jit3A_91, %sign3A_100 : i32
      %sign3A_102 = arith.extui %sign3A_101 : i1 to i32
      %sign3A_103 = arith.constant 0 : i32
      %sign3A_104 = arith.cmpi slt, %jit3A_91, %sign3A_103 : i32
      %sign3A_105 = arith.extui %sign3A_104 : i1 to i32
      %sign3A_106 = arith.subi %sign3A_102, %sign3A_105 : i32
      %ne3A_107 = arith.cmpi ne, %sign3A_99, %sign3A_106 : i32
      %rem3A_108 = arith.remsi %squeeze3A_3, %jit3A_91 : i32
      %ne3A_109 = arith.constant 0 : i32
      %ne3A_110 = arith.cmpi ne, %rem3A_108, %ne3A_109 : i32
      %and3A_111 = arith.andi %ne3A_107, %ne3A_110 : i1
      %sub3A_112 = arith.constant 1 : i32
      %sub3A_113 = arith.subi %div3A_92, %sub3A_112 : i32
      %select_n3A_114 = arith.select %and3A_111, %sub3A_113, %div3A_92 : i32
      %sub3A_115 = arith.constant 1 : i32
      %sub3A_116 = arith.subi %select_n3A_114, %sub3A_115 : i32
      %lt3A_117 = arith.cmpi slt, %while3A_38, %sub3A_116 : i32
      %convert_element_type3A_118 = arith.extui %lt3A_117 : i1 to i32
      %cond3A_119 = arith.constant 0 : i32
      %cond3A_120 = arith.cmpi ne, %convert_element_type3A_118, %cond3A_119 : i32
      scf.if %cond3A_120 {
        %add3A_121 = arith.addi %sub3A, %add3A_82 : i32
        %add3A_122 = arith.constant 2 : i32
        %add3A_123 = arith.addi %add3A_121, %add3A_122 : i32
        %dma_start3A = arith.constant 0 : i32
        %dma_start3A_124 = tpu.memref_slice %arg8[%add3A_123, %dma_start3A] : memref<160x128xi32, #tpu.memory_space<vmem>> -> memref<1x128xi32, #tpu.memory_space<vmem>>
        %dma_start3A_125 = tpu.memref_squeeze %dma_start3A_124 : memref<1x128xi32, #tpu.memory_space<vmem>> -> memref<128xi32, #tpu.memory_space<vmem>>
        %dma_start3A_126 = arith.constant 0 : i32
        %dma_start3A_127 = arith.constant 0 : i32
        %dma_start3A_128 = tpu.memref_slice %arg5[%dma_start3A_126, %dma_start3A_127] : memref<10000x128xf32, #tpu.memory_space<hbm>> -> memref<10000x128xf32, #tpu.memory_space<hbm>>
        tpu.enqueue_indirect_dma source(%dma_start3A_128 : memref<10000x128xf32, #tpu.memory_space<hbm>>) target(%arg12 : memref<128x128xf32, #tpu.memory_space<vmem>>) offsets(%dma_start3A_125 : memref<128xi32, #tpu.memory_space<vmem>>) semaphore(%arg14 : memref<!tpu.dma_semaphore, #tpu.memory_space<semaphore_mem>>)
      } else {
      }
    }
    %barrier3A_37 = arith.constant 0 : index
    tpu.barrier barrier_id(%barrier3A_37)
    "tpu.region"() ({
      %run_scoped3A_38 = tpu.sem_alloc : memref<!tpu.dma_semaphore, #tpu.memory_space<semaphore_mem>>
      %dma_start3A = arith.constant 0 : i32
      %dma_start3A_39 = tpu.memref_slice %arg7[%arg0, %mul3A_5, %dma_start3A] : memref<2x5376x128xf32, #tpu.memory_space<hbm>> -> memref<1x336x128xf32, #tpu.memory_space<hbm>>
      %dma_start3A_40 = tpu.memref_squeeze %dma_start3A_39 : memref<1x336x128xf32, #tpu.memory_space<hbm>> -> memref<336x128xf32, #tpu.memory_space<hbm>>
      %dma_start3A_41 = arith.constant 0 : i32
      %dma_start3A_42 = tpu.memref_slice %arg17[%mul3A_5, %dma_start3A_41] : memref<5376x128xf32, #tpu.memory_space<vmem_shared>> -> memref<336x128xf32, #tpu.memory_space<vmem_shared>>
      tpu.enqueue_dma source(%dma_start3A_42 : memref<336x128xf32, #tpu.memory_space<vmem_shared>>) target(%dma_start3A_40 : memref<336x128xf32, #tpu.memory_space<hbm>>) target_semaphore(%run_scoped3A_38 : memref<!tpu.dma_semaphore, #tpu.memory_space<semaphore_mem>>)
      %dma_wait3A = arith.constant 0 : i32
      %dma_wait3A_43 = tpu.memref_slice %arg7[%arg0, %mul3A_5, %dma_wait3A] : memref<2x5376x128xf32, #tpu.memory_space<hbm>> -> memref<1x336x128xf32, #tpu.memory_space<hbm>>
      %dma_wait3A_44 = tpu.memref_squeeze %dma_wait3A_43 : memref<1x336x128xf32, #tpu.memory_space<hbm>> -> memref<336x128xf32, #tpu.memory_space<hbm>>
      %dma_wait3A_45 = arith.constant 0 : i32
      %dma_wait3A_46 = tpu.memref_slice %arg17[%mul3A_5, %dma_wait3A_45] : memref<5376x128xf32, #tpu.memory_space<vmem_shared>> -> memref<336x128xf32, #tpu.memory_space<vmem_shared>>
      tpu.wait_dma2 semaphore(%run_scoped3A_38 : memref<!tpu.dma_semaphore, #tpu.memory_space<semaphore_mem>>) src(%dma_wait3A_46 : memref<336x128xf32, #tpu.memory_space<vmem_shared>>) dst(%dma_wait3A_44 : memref<336x128xf32, #tpu.memory_space<hbm>>)
      tpu.yield
    }) : () -> ()
    return
  }
}

module attributes {stable_mosaic.version = 14 : i64} {
  func.func @_h_body(%arg0: i32, %arg1: memref<1000x128xf32, #tpu.memory_space<vmem>>, %arg2: memref<128x128xf32, #tpu.memory_space<vmem>>, %arg3: memref<1000x128xf32, #tpu.memory_space<vmem>>) attributes {dimension_semantics = [#tpu.dimension_semantics<arbitrary>], iteration_bounds = array<i64: 10>, scalar_prefetch = 0 : i64, scratch_operands = 0 : i64, tpu.core_type = #tpu.core_type<tc>, window_params = [{transform_indices = @transform_0, window_bounds = array<i64: 1000, 128>}, {pipeline_mode = #tpu.pipeline_mode<synchronous>, transform_indices = @transform_1, window_bounds = array<i64: 128, 128>}, {transform_indices = @transform_2, window_bounds = array<i64: 1000, 128>}]} {
    %get3A = arith.constant 0 : index
    %get3A_0 = arith.constant 0 : index
    %get3A_1 = vector.load %arg1[%get3A, %get3A_0] : memref<1000x128xf32, #tpu.memory_space<vmem>>, vector<1000x128xf32>
    %get3A_2 = arith.constant 0 : index
    %get3A_3 = arith.constant 0 : index
    %get3A_4 = vector.load %arg2[%get3A_2, %get3A_3] : memref<128x128xf32, #tpu.memory_space<vmem>>, vector<128x128xf32>
    %dot_general3A = arith.constant dense<0.000000e+00> : vector<1000x128xf32>
    %dot_general3A_5 = tpu.matmul %get3A_1, %get3A_4, %dot_general3A {dimension_numbers = #tpu.dot_dimension_numbers<[1], [0], [0], [1], [0, 0, 1, 1], [], []>, precision = #tpu.contract_precision<fp32>, transpose_lhs_hint = false} : vector<1000x128xf32>, vector<128x128xf32>, vector<1000x128xf32> -> vector<1000x128xf32>
    %swap3A = arith.constant 0 : index
    %swap3A_6 = arith.constant 0 : index
    %swap3A_7 = vector.load %arg3[%swap3A, %swap3A_6] : memref<1000x128xf32, #tpu.memory_space<vmem>>, vector<1000x128xf32>
    tpu.vector_store %arg3[%swap3A, %swap3A_6], %dot_general3A_5 {strides = array<i32>} : memref<1000x128xf32, #tpu.memory_space<vmem>>, vector<1000x128xf32>,
    return
  }
  func.func @transform_0(%arg0: i32) -> (i32, i32) {
    %c0_i32 = arith.constant 0 : i32
    %c0_i32_0 = arith.constant 0 : i32
    return %arg0, %c0_i32 : i32, i32
  }
  func.func @transform_1(%arg0: i32) -> (i32, i32) {
    %c0_i32 = arith.constant 0 : i32
    %c0_i32_0 = arith.constant 0 : i32
    %c0_i32_1 = arith.constant 0 : i32
    return %c0_i32, %c0_i32_0 : i32, i32
  }
  func.func @transform_2(%arg0: i32) -> (i32, i32) {
    %c0_i32 = arith.constant 0 : i32
    %c0_i32_0 = arith.constant 0 : i32
    return %arg0, %c0_i32 : i32, i32
  }
}

module attributes {stable_mosaic.version = 14 : i64} {
  func.func @_scale_body(%arg0: i32, %arg1: memref<1000x128xf32, #tpu.memory_space<vmem>>, %arg2: memref<1x1000x128xf32, #tpu.memory_space<vmem>>, %arg3: memref<1000x128xf32, #tpu.memory_space<vmem>>) attributes {dimension_semantics = [#tpu.dimension_semantics<arbitrary>], iteration_bounds = array<i64: 10>, scalar_prefetch = 0 : i64, scratch_operands = 0 : i64, tpu.core_type = #tpu.core_type<tc>, window_params = [{transform_indices = @transform_0, window_bounds = array<i64: 1000, 128>}, {transform_indices = @transform_1, window_bounds = array<i64: 1, 1000, 128>}, {transform_indices = @transform_2, window_bounds = array<i64: 1000, 128>}]} {
    %get3A = arith.constant 0 : index
    %get3A_0 = arith.constant 0 : index
    %get3A_1 = arith.constant 0 : index
    %get3A_2 = vector.load %arg2[%get3A, %get3A_0, %get3A_1] : memref<1x1000x128xf32, #tpu.memory_space<vmem>>, vector<1x1000x1xf32>
    %get3A_3 = vector.shape_cast %get3A_2 : vector<1x1000x1xf32> to vector<1000x1xf32>
    %add3A = arith.constant 1.000000e+00 : f32
    %add3A_4 = vector.broadcast %add3A : f32 to vector<1000x1xf32>
    %add3A_5 = arith.addf %get3A_3, %add3A_4 : vector<1000x1xf32>
    %rsqrt3A = math.rsqrt %add3A_5 : vector<1000x1xf32>
    %broadcast_in_dim3A = vector.shape_cast %rsqrt3A : vector<1000x1xf32> to vector<1000x1xf32>
    %broadcast_in_dim3A_6 = vector.broadcast %broadcast_in_dim3A : vector<1000x1xf32> to vector<1000x128xf32>
    %get3A_7 = arith.constant 0 : index
    %get3A_8 = arith.constant 0 : index
    %get3A_9 = vector.load %arg1[%get3A_7, %get3A_8] : memref<1000x128xf32, #tpu.memory_space<vmem>>, vector<1000x128xf32>
    %mul3A = arith.mulf %broadcast_in_dim3A_6, %get3A_9 : vector<1000x128xf32>
    %swap3A = arith.constant 0 : index
    %swap3A_10 = arith.constant 0 : index
    %swap3A_11 = vector.load %arg3[%swap3A, %swap3A_10] : memref<1000x128xf32, #tpu.memory_space<vmem>>, vector<1000x128xf32>
    tpu.vector_store %arg3[%swap3A, %swap3A_10], %mul3A {strides = array<i32>} : memref<1000x128xf32, #tpu.memory_space<vmem>>, vector<1000x128xf32>,
    return
  }
  func.func @transform_0(%arg0: i32) -> (i32, i32) {
    %c0_i32 = arith.constant 0 : i32
    %c0_i32_0 = arith.constant 0 : i32
    return %arg0, %c0_i32 : i32, i32
  }
  func.func @transform_1(%arg0: i32) -> (i32, i32, i32) {
    %jit3A = arith.constant 5 : i32
    %div3A = arith.divsi %arg0, %jit3A : i32
    %sign3A = arith.constant 0 : i32
    %sign3A_0 = arith.cmpi sgt, %arg0, %sign3A : i32
    %sign3A_1 = arith.extui %sign3A_0 : i1 to i32
    %sign3A_2 = arith.constant 0 : i32
    %sign3A_3 = arith.cmpi slt, %arg0, %sign3A_2 : i32
    %sign3A_4 = arith.extui %sign3A_3 : i1 to i32
    %sign3A_5 = arith.subi %sign3A_1, %sign3A_4 : i32
    %sign3A_6 = arith.constant 0 : i32
    %sign3A_7 = arith.cmpi sgt, %jit3A, %sign3A_6 : i32
    %sign3A_8 = arith.extui %sign3A_7 : i1 to i32
    %sign3A_9 = arith.constant 0 : i32
    %sign3A_10 = arith.cmpi slt, %jit3A, %sign3A_9 : i32
    %sign3A_11 = arith.extui %sign3A_10 : i1 to i32
    %sign3A_12 = arith.subi %sign3A_8, %sign3A_11 : i32
    %ne3A = arith.cmpi ne, %sign3A_5, %sign3A_12 : i32
    %rem3A = arith.remsi %arg0, %jit3A : i32
    %ne3A_13 = arith.constant 0 : i32
    %ne3A_14 = arith.cmpi ne, %rem3A, %ne3A_13 : i32
    %and3A = arith.andi %ne3A, %ne3A_14 : i1
    %sub3A = arith.constant 1 : i32
    %sub3A_15 = arith.subi %div3A, %sub3A : i32
    %select_n3A = arith.select %and3A, %sub3A_15, %div3A : i32
    %jit3A_16 = arith.constant 5 : i32
    %eq3A = arith.constant 0 : i32
    %eq3A_17 = arith.cmpi eq, %jit3A_16, %eq3A : i32
    %jit3A_18 = arith.constant 1 : i32
    %select_n3A_19 = arith.select %eq3A_17, %jit3A_18, %jit3A_16 : i32
    %rem3A_20 = arith.remsi %arg0, %select_n3A_19 : i32
    %ne3A_21 = arith.constant 0 : i32
    %ne3A_22 = arith.cmpi ne, %rem3A_20, %ne3A_21 : i32
    %lt3A = arith.constant 0 : i32
    %lt3A_23 = arith.cmpi slt, %rem3A_20, %lt3A : i32
    %lt3A_24 = arith.constant 0 : i32
    %lt3A_25 = arith.cmpi slt, %select_n3A_19, %lt3A_24 : i32
    %ne3A_26 = arith.xori %lt3A_23, %lt3A_25 : i1
    %and3A_27 = arith.andi %ne3A_26, %ne3A_22 : i1
    %add3A = arith.addi %rem3A_20, %select_n3A_19 : i32
    %select_n3A_28 = arith.select %and3A_27, %add3A, %rem3A_20 : i32
    %c0_i32 = arith.constant 0 : i32
    %c0_i32_29 = arith.constant 0 : i32
    return %select_n3A, %select_n3A_28, %c0_i32 : i32, i32, i32
  }
  func.func @transform_2(%arg0: i32) -> (i32, i32) {
    %c0_i32 = arith.constant 0 : i32
    %c0_i32_0 = arith.constant 0 : i32
    return %arg0, %c0_i32 : i32, i32
  }
}

module attributes {stable_mosaic.version = 14 : i64} {
  func.func @_epf_body(%arg0: i32, %arg1: memref<1000x128xf32, #tpu.memory_space<vmem>>, %arg2: memref<1000x128xf32, #tpu.memory_space<vmem>>, %arg3: memref<1x1000x128xf32, #tpu.memory_space<vmem>>, %arg4: memref<1x1000x128xf32, #tpu.memory_space<vmem>>, %arg5: memref<1x128xf32, #tpu.memory_space<vmem>>, %arg6: memref<128x128xf32, #tpu.memory_space<vmem>>, %arg7: memref<1x128xf32, #tpu.memory_space<vmem>>, %arg8: memref<128x128xf32, #tpu.memory_space<vmem>>, %arg9: memref<1x128xf32, #tpu.memory_space<vmem>>, %arg10: memref<128x128xf32, #tpu.memory_space<vmem>>, %arg11: memref<1000x128xf32, #tpu.memory_space<vmem>>, %arg12: memref<1000x128xf32, #tpu.memory_space<vmem>>) attributes {dimension_semantics = [#tpu.dimension_semantics<arbitrary>], iteration_bounds = array<i64: 10>, scalar_prefetch = 0 : i64, scratch_operands = 0 : i64, tpu.core_type = #tpu.core_type<tc>, window_params = [{transform_indices = @transform_0, window_bounds = array<i64: 1000, 128>}, {transform_indices = @transform_1, window_bounds = array<i64: 1000, 128>}, {transform_indices = @transform_2, window_bounds = array<i64: 1, 1000, 128>}, {transform_indices = @transform_3, window_bounds = array<i64: 1, 1000, 128>}, {pipeline_mode = #tpu.pipeline_mode<synchronous>, transform_indices = @transform_4, window_bounds = array<i64: 1, 128>}, {pipeline_mode = #tpu.pipeline_mode<synchronous>, transform_indices = @transform_5, window_bounds = array<i64: 128, 128>}, {pipeline_mode = #tpu.pipeline_mode<synchronous>, transform_indices = @transform_6, window_bounds = array<i64: 1, 128>}, {pipeline_mode = #tpu.pipeline_mode<synchronous>, transform_indices = @transform_7, window_bounds = array<i64: 128, 128>}, {pipeline_mode = #tpu.pipeline_mode<synchronous>, transform_indices = @transform_8, window_bounds = array<i64: 1, 128>}, {pipeline_mode = #tpu.pipeline_mode<synchronous>, transform_indices = @transform_9, window_bounds = array<i64: 128, 128>}, {transform_indices = @transform_10, window_bounds = array<i64: 1000, 128>}, {transform_indices = @transform_11, window_bounds = array<i64: 1000, 128>}]} {
    %get3A = arith.constant 0 : index
    %get3A_0 = arith.constant 0 : index
    %get3A_1 = arith.constant 0 : index
    %get3A_2 = vector.load %arg4[%get3A, %get3A_0, %get3A_1] : memref<1x1000x128xf32, #tpu.memory_space<vmem>>, vector<1x1000x1xf32>
    %get3A_3 = vector.shape_cast %get3A_2 : vector<1x1000x1xf32> to vector<1000x1xf32>
    %add3A = arith.constant 1.000000e+00 : f32
    %add3A_4 = vector.broadcast %add3A : f32 to vector<1000x1xf32>
    %add3A_5 = arith.addf %get3A_3, %add3A_4 : vector<1000x1xf32>
    %rsqrt3A = math.rsqrt %add3A_5 : vector<1000x1xf32>
    %broadcast_in_dim3A = vector.shape_cast %rsqrt3A : vector<1000x1xf32> to vector<1000x1xf32>
    %broadcast_in_dim3A_6 = vector.broadcast %broadcast_in_dim3A : vector<1000x1xf32> to vector<1000x128xf32>
    %get3A_7 = arith.constant 0 : index
    %get3A_8 = arith.constant 0 : index
    %get3A_9 = arith.constant 0 : index
    %get3A_10 = vector.load %arg3[%get3A_7, %get3A_8, %get3A_9] : memref<1x1000x128xf32, #tpu.memory_space<vmem>>, vector<1x1000x128xf32>
    %get3A_11 = vector.shape_cast %get3A_10 : vector<1x1000x128xf32> to vector<1000x128xf32>
    %get3A_12 = arith.constant 0 : index
    %get3A_13 = arith.constant 0 : index
    %get3A_14 = vector.load %arg2[%get3A_12, %get3A_13] : memref<1000x128xf32, #tpu.memory_space<vmem>>, vector<1000x128xf32>
    %add3A_15 = arith.addf %get3A_11, %get3A_14 : vector<1000x128xf32>
    %mul3A = arith.mulf %broadcast_in_dim3A_6, %add3A_15 : vector<1000x128xf32>
    %get3A_16 = arith.constant 0 : index
    %get3A_17 = arith.constant 0 : index
    %get3A_18 = vector.load %arg5[%get3A_16, %get3A_17] : memref<1x128xf32, #tpu.memory_space<vmem>>, vector<1x128xf32>
    %add3A_19 = vector.broadcast %get3A_18 : vector<1x128xf32> to vector<1000x128xf32>
    %add3A_20 = arith.addf %mul3A, %add3A_19 : vector<1000x128xf32>
    %max3A = arith.constant 0.000000e+00 : f32
    %max3A_21 = vector.broadcast %max3A : f32 to vector<1000x128xf32>
    %max3A_22 = arith.maximumf %add3A_20, %max3A_21 : vector<1000x128xf32>
    %get3A_23 = arith.constant 0 : index
    %get3A_24 = arith.constant 0 : index
    %get3A_25 = vector.load %arg6[%get3A_23, %get3A_24] : memref<128x128xf32, #tpu.memory_space<vmem>>, vector<128x128xf32>
    %dot_general3A = arith.constant dense<0.000000e+00> : vector<1000x128xf32>
    %dot_general3A_26 = tpu.matmul %max3A_22, %get3A_25, %dot_general3A {dimension_numbers = #tpu.dot_dimension_numbers<[1], [0], [0], [1], [0, 0, 1, 1], [], []>, precision = #tpu.contract_precision<fp32>, transpose_lhs_hint = false} : vector<1000x128xf32>, vector<128x128xf32>, vector<1000x128xf32> -> vector<1000x128xf32>
    %get3A_27 = arith.constant 0 : index
    %get3A_28 = arith.constant 0 : index
    %get3A_29 = vector.load %arg7[%get3A_27, %get3A_28] : memref<1x128xf32, #tpu.memory_space<vmem>>, vector<1x128xf32>
    %add3A_30 = vector.broadcast %get3A_29 : vector<1x128xf32> to vector<1000x128xf32>
    %add3A_31 = arith.addf %dot_general3A_26, %add3A_30 : vector<1000x128xf32>
    %max3A_32 = arith.constant 0.000000e+00 : f32
    %max3A_33 = vector.broadcast %max3A_32 : f32 to vector<1000x128xf32>
    %max3A_34 = arith.maximumf %add3A_31, %max3A_33 : vector<1000x128xf32>
    %get3A_35 = arith.constant 0 : index
    %get3A_36 = arith.constant 0 : index
    %get3A_37 = vector.load %arg8[%get3A_35, %get3A_36] : memref<128x128xf32, #tpu.memory_space<vmem>>, vector<128x128xf32>
    %dot_general3A_38 = arith.constant dense<0.000000e+00> : vector<1000x128xf32>
    %dot_general3A_39 = tpu.matmul %max3A_34, %get3A_37, %dot_general3A_38 {dimension_numbers = #tpu.dot_dimension_numbers<[1], [0], [0], [1], [0, 0, 1, 1], [], []>, precision = #tpu.contract_precision<fp32>, transpose_lhs_hint = false} : vector<1000x128xf32>, vector<128x128xf32>, vector<1000x128xf32> -> vector<1000x128xf32>
    %get3A_40 = arith.constant 0 : index
    %get3A_41 = arith.constant 0 : index
    %get3A_42 = vector.load %arg9[%get3A_40, %get3A_41] : memref<1x128xf32, #tpu.memory_space<vmem>>, vector<1x128xf32>
    %add3A_43 = vector.broadcast %get3A_42 : vector<1x128xf32> to vector<1000x128xf32>
    %add3A_44 = arith.addf %dot_general3A_39, %add3A_43 : vector<1000x128xf32>
    %get3A_45 = arith.constant 0 : index
    %get3A_46 = arith.constant 0 : index
    %get3A_47 = vector.load %arg1[%get3A_45, %get3A_46] : memref<1000x128xf32, #tpu.memory_space<vmem>>, vector<1000x128xf32>
    %add3A_48 = arith.addf %get3A_47, %add3A_44 : vector<1000x128xf32>
    %swap3A = arith.constant 0 : index
    %swap3A_49 = arith.constant 0 : index
    %swap3A_50 = vector.load %arg11[%swap3A, %swap3A_49] : memref<1000x128xf32, #tpu.memory_space<vmem>>, vector<1000x128xf32>
    tpu.vector_store %arg11[%swap3A, %swap3A_49], %add3A_48 {strides = array<i32>} : memref<1000x128xf32, #tpu.memory_space<vmem>>, vector<1000x128xf32>,
    %get3A_51 = arith.constant 0 : index
    %get3A_52 = arith.constant 0 : index
    %get3A_53 = vector.load %arg10[%get3A_51, %get3A_52] : memref<128x128xf32, #tpu.memory_space<vmem>>, vector<128x128xf32>
    %dot_general3A_54 = arith.constant dense<0.000000e+00> : vector<1000x128xf32>
    %dot_general3A_55 = tpu.matmul %add3A_48, %get3A_53, %dot_general3A_54 {dimension_numbers = #tpu.dot_dimension_numbers<[1], [0], [0], [1], [0, 0, 1, 1], [], []>, precision = #tpu.contract_precision<fp32>, transpose_lhs_hint = false} : vector<1000x128xf32>, vector<128x128xf32>, vector<1000x128xf32> -> vector<1000x128xf32>
    %mul3A_56 = arith.mulf %broadcast_in_dim3A_6, %dot_general3A_55 : vector<1000x128xf32>
    %swap3A_57 = arith.constant 0 : index
    %swap3A_58 = arith.constant 0 : index
    %swap3A_59 = vector.load %arg12[%swap3A_57, %swap3A_58] : memref<1000x128xf32, #tpu.memory_space<vmem>>, vector<1000x128xf32>
    tpu.vector_store %arg12[%swap3A_57, %swap3A_58], %mul3A_56 {strides = array<i32>} : memref<1000x128xf32, #tpu.memory_space<vmem>>, vector<1000x128xf32>,
    return
  }
  func.func @transform_0(%arg0: i32) -> (i32, i32) {
    %c0_i32 = arith.constant 0 : i32
    %c0_i32_0 = arith.constant 0 : i32
    return %arg0, %c0_i32 : i32, i32
  }
  func.func @transform_1(%arg0: i32) -> (i32, i32) {
    %c0_i32 = arith.constant 0 : i32
    %c0_i32_0 = arith.constant 0 : i32
    return %arg0, %c0_i32 : i32, i32
  }
  func.func @transform_2(%arg0: i32) -> (i32, i32, i32) {
    %jit3A = arith.constant 5 : i32
    %div3A = arith.divsi %arg0, %jit3A : i32
    %sign3A = arith.constant 0 : i32
    %sign3A_0 = arith.cmpi sgt, %arg0, %sign3A : i32
    %sign3A_1 = arith.extui %sign3A_0 : i1 to i32
    %sign3A_2 = arith.constant 0 : i32
    %sign3A_3 = arith.cmpi slt, %arg0, %sign3A_2 : i32
    %sign3A_4 = arith.extui %sign3A_3 : i1 to i32
    %sign3A_5 = arith.subi %sign3A_1, %sign3A_4 : i32
    %sign3A_6 = arith.constant 0 : i32
    %sign3A_7 = arith.cmpi sgt, %jit3A, %sign3A_6 : i32
    %sign3A_8 = arith.extui %sign3A_7 : i1 to i32
    %sign3A_9 = arith.constant 0 : i32
    %sign3A_10 = arith.cmpi slt, %jit3A, %sign3A_9 : i32
    %sign3A_11 = arith.extui %sign3A_10 : i1 to i32
    %sign3A_12 = arith.subi %sign3A_8, %sign3A_11 : i32
    %ne3A = arith.cmpi ne, %sign3A_5, %sign3A_12 : i32
    %rem3A = arith.remsi %arg0, %jit3A : i32
    %ne3A_13 = arith.constant 0 : i32
    %ne3A_14 = arith.cmpi ne, %rem3A, %ne3A_13 : i32
    %and3A = arith.andi %ne3A, %ne3A_14 : i1
    %sub3A = arith.constant 1 : i32
    %sub3A_15 = arith.subi %div3A, %sub3A : i32
    %select_n3A = arith.select %and3A, %sub3A_15, %div3A : i32
    %jit3A_16 = arith.constant 5 : i32
    %eq3A = arith.constant 0 : i32
    %eq3A_17 = arith.cmpi eq, %jit3A_16, %eq3A : i32
    %jit3A_18 = arith.constant 1 : i32
    %select_n3A_19 = arith.select %eq3A_17, %jit3A_18, %jit3A_16 : i32
    %rem3A_20 = arith.remsi %arg0, %select_n3A_19 : i32
    %ne3A_21 = arith.constant 0 : i32
    %ne3A_22 = arith.cmpi ne, %rem3A_20, %ne3A_21 : i32
    %lt3A = arith.constant 0 : i32
    %lt3A_23 = arith.cmpi slt, %rem3A_20, %lt3A : i32
    %lt3A_24 = arith.constant 0 : i32
    %lt3A_25 = arith.cmpi slt, %select_n3A_19, %lt3A_24 : i32
    %ne3A_26 = arith.xori %lt3A_23, %lt3A_25 : i1
    %and3A_27 = arith.andi %ne3A_26, %ne3A_22 : i1
    %add3A = arith.addi %rem3A_20, %select_n3A_19 : i32
    %select_n3A_28 = arith.select %and3A_27, %add3A, %rem3A_20 : i32
    %c0_i32 = arith.constant 0 : i32
    %c0_i32_29 = arith.constant 0 : i32
    return %select_n3A, %select_n3A_28, %c0_i32 : i32, i32, i32
  }
  func.func @transform_3(%arg0: i32) -> (i32, i32, i32) {
    %jit3A = arith.constant 5 : i32
    %div3A = arith.divsi %arg0, %jit3A : i32
    %sign3A = arith.constant 0 : i32
    %sign3A_0 = arith.cmpi sgt, %arg0, %sign3A : i32
    %sign3A_1 = arith.extui %sign3A_0 : i1 to i32
    %sign3A_2 = arith.constant 0 : i32
    %sign3A_3 = arith.cmpi slt, %arg0, %sign3A_2 : i32
    %sign3A_4 = arith.extui %sign3A_3 : i1 to i32
    %sign3A_5 = arith.subi %sign3A_1, %sign3A_4 : i32
    %sign3A_6 = arith.constant 0 : i32
    %sign3A_7 = arith.cmpi sgt, %jit3A, %sign3A_6 : i32
    %sign3A_8 = arith.extui %sign3A_7 : i1 to i32
    %sign3A_9 = arith.constant 0 : i32
    %sign3A_10 = arith.cmpi slt, %jit3A, %sign3A_9 : i32
    %sign3A_11 = arith.extui %sign3A_10 : i1 to i32
    %sign3A_12 = arith.subi %sign3A_8, %sign3A_11 : i32
    %ne3A = arith.cmpi ne, %sign3A_5, %sign3A_12 : i32
    %rem3A = arith.remsi %arg0, %jit3A : i32
    %ne3A_13 = arith.constant 0 : i32
    %ne3A_14 = arith.cmpi ne, %rem3A, %ne3A_13 : i32
    %and3A = arith.andi %ne3A, %ne3A_14 : i1
    %sub3A = arith.constant 1 : i32
    %sub3A_15 = arith.subi %div3A, %sub3A : i32
    %select_n3A = arith.select %and3A, %sub3A_15, %div3A : i32
    %jit3A_16 = arith.constant 5 : i32
    %eq3A = arith.constant 0 : i32
    %eq3A_17 = arith.cmpi eq, %jit3A_16, %eq3A : i32
    %jit3A_18 = arith.constant 1 : i32
    %select_n3A_19 = arith.select %eq3A_17, %jit3A_18, %jit3A_16 : i32
    %rem3A_20 = arith.remsi %arg0, %select_n3A_19 : i32
    %ne3A_21 = arith.constant 0 : i32
    %ne3A_22 = arith.cmpi ne, %rem3A_20, %ne3A_21 : i32
    %lt3A = arith.constant 0 : i32
    %lt3A_23 = arith.cmpi slt, %rem3A_20, %lt3A : i32
    %lt3A_24 = arith.constant 0 : i32
    %lt3A_25 = arith.cmpi slt, %select_n3A_19, %lt3A_24 : i32
    %ne3A_26 = arith.xori %lt3A_23, %lt3A_25 : i1
    %and3A_27 = arith.andi %ne3A_26, %ne3A_22 : i1
    %add3A = arith.addi %rem3A_20, %select_n3A_19 : i32
    %select_n3A_28 = arith.select %and3A_27, %add3A, %rem3A_20 : i32
    %c0_i32 = arith.constant 0 : i32
    %c0_i32_29 = arith.constant 0 : i32
    return %select_n3A, %select_n3A_28, %c0_i32 : i32, i32, i32
  }
  func.func @transform_4(%arg0: i32) -> (i32, i32) {
    %c0_i32 = arith.constant 0 : i32
    %c0_i32_0 = arith.constant 0 : i32
    %c0_i32_1 = arith.constant 0 : i32
    return %c0_i32, %c0_i32_0 : i32, i32
  }
  func.func @transform_5(%arg0: i32) -> (i32, i32) {
    %c0_i32 = arith.constant 0 : i32
    %c0_i32_0 = arith.constant 0 : i32
    %c0_i32_1 = arith.constant 0 : i32
    return %c0_i32, %c0_i32_0 : i32, i32
  }
  func.func @transform_6(%arg0: i32) -> (i32, i32) {
    %c0_i32 = arith.constant 0 : i32
    %c0_i32_0 = arith.constant 0 : i32
    %c0_i32_1 = arith.constant 0 : i32
    return %c0_i32, %c0_i32_0 : i32, i32
  }
  func.func @transform_7(%arg0: i32) -> (i32, i32) {
    %c0_i32 = arith.constant 0 : i32
    %c0_i32_0 = arith.constant 0 : i32
    %c0_i32_1 = arith.constant 0 : i32
    return %c0_i32, %c0_i32_0 : i32, i32
  }
  func.func @transform_8(%arg0: i32) -> (i32, i32) {
    %c0_i32 = arith.constant 0 : i32
    %c0_i32_0 = arith.constant 0 : i32
    %c0_i32_1 = arith.constant 0 : i32
    return %c0_i32, %c0_i32_0 : i32, i32
  }
  func.func @transform_9(%arg0: i32) -> (i32, i32) {
    %c0_i32 = arith.constant 0 : i32
    %c0_i32_0 = arith.constant 0 : i32
    %c0_i32_1 = arith.constant 0 : i32
    return %c0_i32, %c0_i32_0 : i32, i32
  }
  func.func @transform_10(%arg0: i32) -> (i32, i32) {
    %c0_i32 = arith.constant 0 : i32
    %c0_i32_0 = arith.constant 0 : i32
    return %arg0, %c0_i32 : i32, i32
  }
  func.func @transform_11(%arg0: i32) -> (i32, i32) {
    %c0_i32 = arith.constant 0 : i32
    %c0_i32_0 = arith.constant 0 : i32
    return %arg0, %c0_i32 : i32, i32
  }
}

module attributes {stable_mosaic.version = 14 : i64} {
  func.func @_ep_body(%arg0: i32, %arg1: memref<1000x128xf32, #tpu.memory_space<vmem>>, %arg2: memref<1000x128xf32, #tpu.memory_space<vmem>>, %arg3: memref<1x1000x128xf32, #tpu.memory_space<vmem>>, %arg4: memref<1x1000x128xf32, #tpu.memory_space<vmem>>, %arg5: memref<1x128xf32, #tpu.memory_space<vmem>>, %arg6: memref<128x128xf32, #tpu.memory_space<vmem>>, %arg7: memref<1x128xf32, #tpu.memory_space<vmem>>, %arg8: memref<128x128xf32, #tpu.memory_space<vmem>>, %arg9: memref<1x128xf32, #tpu.memory_space<vmem>>, %arg10: memref<1000x128xf32, #tpu.memory_space<vmem>>) attributes {dimension_semantics = [#tpu.dimension_semantics<arbitrary>], iteration_bounds = array<i64: 10>, scalar_prefetch = 0 : i64, scratch_operands = 0 : i64, tpu.core_type = #tpu.core_type<tc>, window_params = [{transform_indices = @transform_0, window_bounds = array<i64: 1000, 128>}, {transform_indices = @transform_1, window_bounds = array<i64: 1000, 128>}, {transform_indices = @transform_2, window_bounds = array<i64: 1, 1000, 128>}, {transform_indices = @transform_3, window_bounds = array<i64: 1, 1000, 128>}, {pipeline_mode = #tpu.pipeline_mode<synchronous>, transform_indices = @transform_4, window_bounds = array<i64: 1, 128>}, {pipeline_mode = #tpu.pipeline_mode<synchronous>, transform_indices = @transform_5, window_bounds = array<i64: 128, 128>}, {pipeline_mode = #tpu.pipeline_mode<synchronous>, transform_indices = @transform_6, window_bounds = array<i64: 1, 128>}, {pipeline_mode = #tpu.pipeline_mode<synchronous>, transform_indices = @transform_7, window_bounds = array<i64: 128, 128>}, {pipeline_mode = #tpu.pipeline_mode<synchronous>, transform_indices = @transform_8, window_bounds = array<i64: 1, 128>}, {transform_indices = @transform_9, window_bounds = array<i64: 1000, 128>}]} {
    %get3A = arith.constant 0 : index
    %get3A_0 = arith.constant 0 : index
    %get3A_1 = arith.constant 0 : index
    %get3A_2 = vector.load %arg4[%get3A, %get3A_0, %get3A_1] : memref<1x1000x128xf32, #tpu.memory_space<vmem>>, vector<1x1000x1xf32>
    %get3A_3 = vector.shape_cast %get3A_2 : vector<1x1000x1xf32> to vector<1000x1xf32>
    %add3A = arith.constant 1.000000e+00 : f32
    %add3A_4 = vector.broadcast %add3A : f32 to vector<1000x1xf32>
    %add3A_5 = arith.addf %get3A_3, %add3A_4 : vector<1000x1xf32>
    %rsqrt3A = math.rsqrt %add3A_5 : vector<1000x1xf32>
    %broadcast_in_dim3A = vector.shape_cast %rsqrt3A : vector<1000x1xf32> to vector<1000x1xf32>
    %broadcast_in_dim3A_6 = vector.broadcast %broadcast_in_dim3A : vector<1000x1xf32> to vector<1000x128xf32>
    %get3A_7 = arith.constant 0 : index
    %get3A_8 = arith.constant 0 : index
    %get3A_9 = arith.constant 0 : index
    %get3A_10 = vector.load %arg3[%get3A_7, %get3A_8, %get3A_9] : memref<1x1000x128xf32, #tpu.memory_space<vmem>>, vector<1x1000x128xf32>
    %get3A_11 = vector.shape_cast %get3A_10 : vector<1x1000x128xf32> to vector<1000x128xf32>
    %get3A_12 = arith.constant 0 : index
    %get3A_13 = arith.constant 0 : index
    %get3A_14 = vector.load %arg2[%get3A_12, %get3A_13] : memref<1000x128xf32, #tpu.memory_space<vmem>>, vector<1000x128xf32>
    %add3A_15 = arith.addf %get3A_11, %get3A_14 : vector<1000x128xf32>
    %mul3A = arith.mulf %broadcast_in_dim3A_6, %add3A_15 : vector<1000x128xf32>
    %get3A_16 = arith.constant 0 : index
    %get3A_17 = arith.constant 0 : index
    %get3A_18 = vector.load %arg5[%get3A_16, %get3A_17] : memref<1x128xf32, #tpu.memory_space<vmem>>, vector<1x128xf32>
    %add3A_19 = vector.broadcast %get3A_18 : vector<1x128xf32> to vector<1000x128xf32>
    %add3A_20 = arith.addf %mul3A, %add3A_19 : vector<1000x128xf32>
    %max3A = arith.constant 0.000000e+00 : f32
    %max3A_21 = vector.broadcast %max3A : f32 to vector<1000x128xf32>
    %max3A_22 = arith.maximumf %add3A_20, %max3A_21 : vector<1000x128xf32>
    %get3A_23 = arith.constant 0 : index
    %get3A_24 = arith.constant 0 : index
    %get3A_25 = vector.load %arg6[%get3A_23, %get3A_24] : memref<128x128xf32, #tpu.memory_space<vmem>>, vector<128x128xf32>
    %dot_general3A = arith.constant dense<0.000000e+00> : vector<1000x128xf32>
    %dot_general3A_26 = tpu.matmul %max3A_22, %get3A_25, %dot_general3A {dimension_numbers = #tpu.dot_dimension_numbers<[1], [0], [0], [1], [0, 0, 1, 1], [], []>, precision = #tpu.contract_precision<fp32>, transpose_lhs_hint = false} : vector<1000x128xf32>, vector<128x128xf32>, vector<1000x128xf32> -> vector<1000x128xf32>
    %get3A_27 = arith.constant 0 : index
    %get3A_28 = arith.constant 0 : index
    %get3A_29 = vector.load %arg7[%get3A_27, %get3A_28] : memref<1x128xf32, #tpu.memory_space<vmem>>, vector<1x128xf32>
    %add3A_30 = vector.broadcast %get3A_29 : vector<1x128xf32> to vector<1000x128xf32>
    %add3A_31 = arith.addf %dot_general3A_26, %add3A_30 : vector<1000x128xf32>
    %max3A_32 = arith.constant 0.000000e+00 : f32
    %max3A_33 = vector.broadcast %max3A_32 : f32 to vector<1000x128xf32>
    %max3A_34 = arith.maximumf %add3A_31, %max3A_33 : vector<1000x128xf32>
    %get3A_35 = arith.constant 0 : index
    %get3A_36 = arith.constant 0 : index
    %get3A_37 = vector.load %arg8[%get3A_35, %get3A_36] : memref<128x128xf32, #tpu.memory_space<vmem>>, vector<128x128xf32>
    %dot_general3A_38 = arith.constant dense<0.000000e+00> : vector<1000x128xf32>
    %dot_general3A_39 = tpu.matmul %max3A_34, %get3A_37, %dot_general3A_38 {dimension_numbers = #tpu.dot_dimension_numbers<[1], [0], [0], [1], [0, 0, 1, 1], [], []>, precision = #tpu.contract_precision<fp32>, transpose_lhs_hint = false} : vector<1000x128xf32>, vector<128x128xf32>, vector<1000x128xf32> -> vector<1000x128xf32>
    %get3A_40 = arith.constant 0 : index
    %get3A_41 = arith.constant 0 : index
    %get3A_42 = vector.load %arg9[%get3A_40, %get3A_41] : memref<1x128xf32, #tpu.memory_space<vmem>>, vector<1x128xf32>
    %add3A_43 = vector.broadcast %get3A_42 : vector<1x128xf32> to vector<1000x128xf32>
    %add3A_44 = arith.addf %dot_general3A_39, %add3A_43 : vector<1000x128xf32>
    %get3A_45 = arith.constant 0 : index
    %get3A_46 = arith.constant 0 : index
    %get3A_47 = vector.load %arg1[%get3A_45, %get3A_46] : memref<1000x128xf32, #tpu.memory_space<vmem>>, vector<1000x128xf32>
    %add3A_48 = arith.addf %get3A_47, %add3A_44 : vector<1000x128xf32>
    %swap3A = arith.constant 0 : index
    %swap3A_49 = arith.constant 0 : index
    %swap3A_50 = vector.load %arg10[%swap3A, %swap3A_49] : memref<1000x128xf32, #tpu.memory_space<vmem>>, vector<1000x128xf32>
    tpu.vector_store %arg10[%swap3A, %swap3A_49], %add3A_48 {strides = array<i32>} : memref<1000x128xf32, #tpu.memory_space<vmem>>, vector<1000x128xf32>,
    return
  }
  func.func @transform_0(%arg0: i32) -> (i32, i32) {
    %c0_i32 = arith.constant 0 : i32
    %c0_i32_0 = arith.constant 0 : i32
    return %arg0, %c0_i32 : i32, i32
  }
  func.func @transform_1(%arg0: i32) -> (i32, i32) {
    %c0_i32 = arith.constant 0 : i32
    %c0_i32_0 = arith.constant 0 : i32
    return %arg0, %c0_i32 : i32, i32
  }
  func.func @transform_2(%arg0: i32) -> (i32, i32, i32) {
    %jit3A = arith.constant 5 : i32
    %div3A = arith.divsi %arg0, %jit3A : i32
    %sign3A = arith.constant 0 : i32
    %sign3A_0 = arith.cmpi sgt, %arg0, %sign3A : i32
    %sign3A_1 = arith.extui %sign3A_0 : i1 to i32
    %sign3A_2 = arith.constant 0 : i32
    %sign3A_3 = arith.cmpi slt, %arg0, %sign3A_2 : i32
    %sign3A_4 = arith.extui %sign3A_3 : i1 to i32
    %sign3A_5 = arith.subi %sign3A_1, %sign3A_4 : i32
    %sign3A_6 = arith.constant 0 : i32
    %sign3A_7 = arith.cmpi sgt, %jit3A, %sign3A_6 : i32
    %sign3A_8 = arith.extui %sign3A_7 : i1 to i32
    %sign3A_9 = arith.constant 0 : i32
    %sign3A_10 = arith.cmpi slt, %jit3A, %sign3A_9 : i32
    %sign3A_11 = arith.extui %sign3A_10 : i1 to i32
    %sign3A_12 = arith.subi %sign3A_8, %sign3A_11 : i32
    %ne3A = arith.cmpi ne, %sign3A_5, %sign3A_12 : i32
    %rem3A = arith.remsi %arg0, %jit3A : i32
    %ne3A_13 = arith.constant 0 : i32
    %ne3A_14 = arith.cmpi ne, %rem3A, %ne3A_13 : i32
    %and3A = arith.andi %ne3A, %ne3A_14 : i1
    %sub3A = arith.constant 1 : i32
    %sub3A_15 = arith.subi %div3A, %sub3A : i32
    %select_n3A = arith.select %and3A, %sub3A_15, %div3A : i32
    %jit3A_16 = arith.constant 5 : i32
    %eq3A = arith.constant 0 : i32
    %eq3A_17 = arith.cmpi eq, %jit3A_16, %eq3A : i32
    %jit3A_18 = arith.constant 1 : i32
    %select_n3A_19 = arith.select %eq3A_17, %jit3A_18, %jit3A_16 : i32
    %rem3A_20 = arith.remsi %arg0, %select_n3A_19 : i32
    %ne3A_21 = arith.constant 0 : i32
    %ne3A_22 = arith.cmpi ne, %rem3A_20, %ne3A_21 : i32
    %lt3A = arith.constant 0 : i32
    %lt3A_23 = arith.cmpi slt, %rem3A_20, %lt3A : i32
    %lt3A_24 = arith.constant 0 : i32
    %lt3A_25 = arith.cmpi slt, %select_n3A_19, %lt3A_24 : i32
    %ne3A_26 = arith.xori %lt3A_23, %lt3A_25 : i1
    %and3A_27 = arith.andi %ne3A_26, %ne3A_22 : i1
    %add3A = arith.addi %rem3A_20, %select_n3A_19 : i32
    %select_n3A_28 = arith.select %and3A_27, %add3A, %rem3A_20 : i32
    %c0_i32 = arith.constant 0 : i32
    %c0_i32_29 = arith.constant 0 : i32
    return %select_n3A, %select_n3A_28, %c0_i32 : i32, i32, i32
  }
  func.func @transform_3(%arg0: i32) -> (i32, i32, i32) {
    %jit3A = arith.constant 5 : i32
    %div3A = arith.divsi %arg0, %jit3A : i32
    %sign3A = arith.constant 0 : i32
    %sign3A_0 = arith.cmpi sgt, %arg0, %sign3A : i32
    %sign3A_1 = arith.extui %sign3A_0 : i1 to i32
    %sign3A_2 = arith.constant 0 : i32
    %sign3A_3 = arith.cmpi slt, %arg0, %sign3A_2 : i32
    %sign3A_4 = arith.extui %sign3A_3 : i1 to i32
    %sign3A_5 = arith.subi %sign3A_1, %sign3A_4 : i32
    %sign3A_6 = arith.constant 0 : i32
    %sign3A_7 = arith.cmpi sgt, %jit3A, %sign3A_6 : i32
    %sign3A_8 = arith.extui %sign3A_7 : i1 to i32
    %sign3A_9 = arith.constant 0 : i32
    %sign3A_10 = arith.cmpi slt, %jit3A, %sign3A_9 : i32
    %sign3A_11 = arith.extui %sign3A_10 : i1 to i32
    %sign3A_12 = arith.subi %sign3A_8, %sign3A_11 : i32
    %ne3A = arith.cmpi ne, %sign3A_5, %sign3A_12 : i32
    %rem3A = arith.remsi %arg0, %jit3A : i32
    %ne3A_13 = arith.constant 0 : i32
    %ne3A_14 = arith.cmpi ne, %rem3A, %ne3A_13 : i32
    %and3A = arith.andi %ne3A, %ne3A_14 : i1
    %sub3A = arith.constant 1 : i32
    %sub3A_15 = arith.subi %div3A, %sub3A : i32
    %select_n3A = arith.select %and3A, %sub3A_15, %div3A : i32
    %jit3A_16 = arith.constant 5 : i32
    %eq3A = arith.constant 0 : i32
    %eq3A_17 = arith.cmpi eq, %jit3A_16, %eq3A : i32
    %jit3A_18 = arith.constant 1 : i32
    %select_n3A_19 = arith.select %eq3A_17, %jit3A_18, %jit3A_16 : i32
    %rem3A_20 = arith.remsi %arg0, %select_n3A_19 : i32
    %ne3A_21 = arith.constant 0 : i32
    %ne3A_22 = arith.cmpi ne, %rem3A_20, %ne3A_21 : i32
    %lt3A = arith.constant 0 : i32
    %lt3A_23 = arith.cmpi slt, %rem3A_20, %lt3A : i32
    %lt3A_24 = arith.constant 0 : i32
    %lt3A_25 = arith.cmpi slt, %select_n3A_19, %lt3A_24 : i32
    %ne3A_26 = arith.xori %lt3A_23, %lt3A_25 : i1
    %and3A_27 = arith.andi %ne3A_26, %ne3A_22 : i1
    %add3A = arith.addi %rem3A_20, %select_n3A_19 : i32
    %select_n3A_28 = arith.select %and3A_27, %add3A, %rem3A_20 : i32
    %c0_i32 = arith.constant 0 : i32
    %c0_i32_29 = arith.constant 0 : i32
    return %select_n3A, %select_n3A_28, %c0_i32 : i32, i32, i32
  }
  func.func @transform_4(%arg0: i32) -> (i32, i32) {
    %c0_i32 = arith.constant 0 : i32
    %c0_i32_0 = arith.constant 0 : i32
    %c0_i32_1 = arith.constant 0 : i32
    return %c0_i32, %c0_i32_0 : i32, i32
  }
  func.func @transform_5(%arg0: i32) -> (i32, i32) {
    %c0_i32 = arith.constant 0 : i32
    %c0_i32_0 = arith.constant 0 : i32
    %c0_i32_1 = arith.constant 0 : i32
    return %c0_i32, %c0_i32_0 : i32, i32
  }
  func.func @transform_6(%arg0: i32) -> (i32, i32) {
    %c0_i32 = arith.constant 0 : i32
    %c0_i32_0 = arith.constant 0 : i32
    %c0_i32_1 = arith.constant 0 : i32
    return %c0_i32, %c0_i32_0 : i32, i32
  }
  func.func @transform_7(%arg0: i32) -> (i32, i32) {
    %c0_i32 = arith.constant 0 : i32
    %c0_i32_0 = arith.constant 0 : i32
    %c0_i32_1 = arith.constant 0 : i32
    return %c0_i32, %c0_i32_0 : i32, i32
  }
  func.func @transform_8(%arg0: i32) -> (i32, i32) {
    %c0_i32 = arith.constant 0 : i32
    %c0_i32_0 = arith.constant 0 : i32
    %c0_i32_1 = arith.constant 0 : i32
    return %c0_i32, %c0_i32_0 : i32, i32
  }
  func.func @transform_9(%arg0: i32) -> (i32, i32) {
    %c0_i32 = arith.constant 0 : i32
    %c0_i32_0 = arith.constant 0 : i32
    return %arg0, %c0_i32 : i32, i32
  }
}

</mosaic_0001>

<sc_bundles>
// kernel: kernel.11.cloned.1.call-start
scs
__scs_entry_jumppad:
0x0: {  	(pc) =	sbr.rel $0x88, $3  }
0x1: {  	(tag) =	ssettag $0x0;
	lr =	simm.s32 $0x1  }
0x2: {  	[smem:$0x3F99] =	sst lr;
	_ =	strace $0xD0000000  }
0x3: {  	_ = 	snop  }
0x4: {  	_ = 	snop  }
0x5: {  	_ = 	snop  }
0x6: {  	_ = 	snop  }
0x7: {  	_ = 	snop  }
__scs_overlays_trampoline_lowered:
0x8: {  	[smem:$0x3FA8] =	sst s0  }
0x9: {  	[smem:$0x3FA9] =	sst s1  }
0xa: {  	[smem:$0x3FAA] =	sst s2  }
0xb: {  	[smem:$0x3FAB] =	sst s3  }
0xc: {  	[smem:$0x3FAC] =	sst s4  }
0xd: {  	[smem:$0x3FAD] =	sst s5  }
0xe: {  	[smem:$0x3FAE] =	sst s6  }
0xf: {  	[smem:$0x3FAF] =	sst s7  }
0x10: {  	[smem:$0x3FB0] =	sst s8  }
0x11: {  	[smem:$0x3FB1] =	sst s9;
	s0 =	simm.s32 @!p0 $0x0  }
0x12: {  	s1 =	sld [smem:$0x3F97];
	s0 =	simm.s32 @p0 $0x1  }
0x13: {  	[smem:$0x3FB2] =	sst s0;
	s0 =	simm.s32 @!p1 $0x0  }
0x14: {  	s2 =	sld [smem:$0x3F96];
	s0 =	simm.s32 @p1 $0x1  }
0x15: {  	[smem:$0x3FB3] =	sst s0;
	s0 =	simm.s32 @!p2 $0x0  }
0x16: {  	s3 =	sld [smem:$0x3FDB];
	s0 =	simm.s32 @p2 $0x1  }
0x17: {  	s4 =	simm.s32 $0x1BF5;
	[smem:$0x3FB5] =	sst s0  }
0x18: {  	s0 =	sld [smem:$0x3F98];
	_ =	swait.ge [sflag:s4], $0x0  }
0x19: {  	s7 =	sld [smem:$0x3F99]  }
0x1a: {  	s8 =	sadd.s32 $0xFFFFE003, lr  }
0x1b: {  	s9 =	sadd.s32 $0xFFFFFEF7, lr;
	s5 =	simm.s32 $0xFFFFFFFF;
	p2 =	slt.u32 s8, $0xFFFFF086  }
0x1c: {  	p1 =	slt.u32 s9, $0xF7A;
	s5 =	simm.s32 @!p2 $0x0  }
0x1d: {  	s5 =	simm.s32 @p1 $0x1;
	p0 =	seq.s32 s7, s2  }
0x1e: {  	s7 =	smul.u32 @!p0 $0xF7A, s2;
	p2 =	seq.s32 @!p0 s5, $0x0  }
0x1f: {  	s9 =	smul.u32 $0xF7A, s1;
	s8 =	simm.s32 @!p0 $0x1BF5;
	p2 =	por !p2, p0  }
0x20: {  	[sflag:s8] =	ssyncset.s32 @!p0 $0xFFFFF086;
	s6 =	sadd.s32 @!p0 s3, s7;
	s7 =	simm.s32 @!p0 $0x108  }
0x21: {  	s3 =	sadd.s32 s3, s9;
	s6 =	sadd.s32 @!p0 $0x88, s6;
	s7 =	simm.s32 @p2 $0x1082  }
0x22: {  	[simem:s7], [sflag:s8] =	dma.local @!p0 [hbm:s6], $0xF7A  }
0x23: {  	s9 =	sor.u32 $0xD0000000, s2;
	s6 =	simm.s32 $0x108;
	_ =	swait.ge @!p0 [sflag:s8], $0x0  }
0x24: {  	s3 =	sadd.s32 $0x88, s3;
	s6 =	simm.s32 @!p1 $0x1082;
	[sflag:s4] =	ssyncset.s32 $0xFFFFF086  }
0x25: {  	[simem:s6], [sflag:s4] =	dma.local [hbm:s3], $0xF7A  }
0x26: {  	[smem:$0x3F99] =	sst s1;
	(tag) =	ssettag s2;
	_ =	strace s9  }
0x27: {  	s1 =	sld [smem:$0x3FA9]  }
0x28: {  	s2 =	sld [smem:$0x3FAA]  }
0x29: {  	s4 =	sld [smem:$0x3FAC]  }
0x2a: {  	p0 =	seq.s32 s5, $0x0;
	s5 =	sld [smem:$0x3FAD]  }
0x2b: {  	s6 =	sld [smem:$0x3FAE]  }
0x2c: {  	s7 =	sld [smem:$0x3FAF]  }
0x2d: {  	s3 =	simm.s32 $0x108;
	s8 =	sld [smem:$0x3FB0]  }
0x2e: {  	s3 =	simm.s32 @!p0 $0x1082;
	s9 =	sld [smem:$0x3FB1]  }
0x2f: {  	lr =	sadd.s32 s0, s3;
	s0 =	sld [smem:$0x3FA8]  }
0x30: {  	s3 =	sld [smem:$0x3FAB]  }
0x31: {  	[smem:$0x3FB4] =	sst s10  }
0x32: {  	s10 =	sld [smem:$0x3FB2];
	_ =	sdelay $0x3  }
0x33: {  	p0 =	seq.s32 s10, $0x1;
	s10 =	sld [smem:$0x3FB4];
	_ =	sdelay $0x3  }
0x34: {  	[smem:$0x3FB4] =	sst s10  }
0x35: {  	s10 =	sld [smem:$0x3FB3];
	_ =	sdelay $0x3  }
0x36: {  	p1 =	seq.s32 s10, $0x1;
	s10 =	sld [smem:$0x3FB4];
	_ =	sdelay $0x3  }
0x37: {  	[smem:$0x3FB4] =	sst s10  }
0x38: {  	s10 =	sld [smem:$0x3FB5]  }
0x39: {  	_ = 	snop;
	(pc) =	sbr.ind lr, $3  }
0x3a: {  	_ = 	snop  }
0x3b: {  	_ = 	snop  }
0x3c: {  	p2 =	seq.s32 s10, $0x1;
	s10 =	sld [smem:$0x3FB4]  }
0x3d: {  	_ =	shalt  }
0x3e: {  	_ =	shalt  }
0x3f: {  	_ =	shalt  }
0x40: {  	_ =	shalt  }
0x41: {  	_ =	shalt  }
0x42: {  	_ =	shalt  }
0x43: {  	_ =	shalt  }
0x44: {  	_ =	shalt  }
0x45: {  	_ =	shalt  }
0x46: {  	_ =	shalt  }
0x47: {  	_ =	shalt  }
0x48: {  	_ =	shalt  }
0x49: {  	_ =	shalt  }
0x4a: {  	_ =	shalt  }
0x4b: {  	_ =	shalt  }
0x4c: {  	_ =	shalt  }
0x4d: {  	_ =	shalt  }
0x4e: {  	_ =	shalt  }
0x4f: {  	_ =	shalt  }
0x50: {  	_ =	shalt  }
0x51: {  	_ =	shalt  }
0x52: {  	_ =	shalt  }
0x53: {  	_ =	shalt  }
0x54: {  	_ =	shalt  }
0x55: {  	_ =	shalt  }
0x56: {  	_ =	shalt  }
0x57: {  	_ =	shalt  }
0x58: {  	_ =	shalt  }
0x59: {  	_ =	shalt  }
0x5a: {  	_ =	shalt  }
0x5b: {  	_ =	shalt  }
0x5c: {  	_ =	shalt  }
0x5d: {  	_ =	shalt  }
0x5e: {  	_ =	shalt  }
0x5f: {  	_ =	shalt  }
0x60: {  	_ =	shalt  }
0x61: {  	_ =	shalt  }
0x62: {  	_ =	shalt  }
0x63: {  	_ =	shalt  }
0x64: {  	_ =	shalt  }
0x65: {  	_ =	shalt  }
0x66: {  	_ =	shalt  }
0x67: {  	_ =	shalt  }
0x68: {  	_ =	shalt  }
0x69: {  	_ =	shalt  }
0x6a: {  	_ =	shalt  }
0x6b: {  	_ =	shalt  }
0x6c: {  	_ =	shalt  }
0x6d: {  	_ =	shalt  }
0x6e: {  	_ =	shalt  }
0x6f: {  	_ =	shalt  }
0x70: {  	_ =	shalt  }
0x71: {  	_ =	shalt  }
0x72: {  	_ =	shalt  }
0x73: {  	_ =	shalt  }
0x74: {  	_ =	shalt  }
0x75: {  	_ =	shalt  }
0x76: {  	_ =	shalt  }
0x77: {  	_ =	shalt  }
0x78: {  	_ =	shalt  }
0x79: {  	_ =	shalt  }
0x7a: {  	_ =	shalt  }
0x7b: {  	_ =	shalt  }
0x7c: {  	_ =	shalt  }
0x7d: {  	_ =	shalt  }
0x7e: {  	_ =	shalt  }
0x7f: {  	_ =	shalt  }
0x80: {  	_ =	shalt  }
0x81: {  	_ =	shalt  }
0x82: {  	_ =	shalt  }
0x83: {  	_ =	shalt  }
0x84: {  	_ =	shalt  }
0x85: {  	_ =	shalt  }
0x86: {  	_ =	shalt  }
0x87: {  	_ =	shalt  }
.Lfunc_end0:
.L_simem_size_0:
called_computation_lowered:
.L_overlay_start_0:
0x88: {  	s2 =	sld [smem:$0x3FD9]  }
0x89: {  	s3 =	sld [smem:$0x3FFE];
	_ =	sdelay $0x1  }
0x8a: {  	s1 =	srdreg.scid  }
0x8b: {  	s0 =	sand.u32 $0x1, s1  }
0x8c: {  	s17 =	sshll.u32 s0, $0xA;
	s2 =	sadd.s32 s3, s2  }
0x8d: {  	s2 =	sadd.s32 s2, s17  }
0x8e: {  	[smem:$0x3FC0] =	sst s2  }
0x8f: {  	_ = 	snop  }
0x90: {  	s2 =	sld [smem:$0x3FD0];
	(tm) =	ssettm $0x1  }
0x91: {  	s18 =	sld [smem:$0x3FFB];
	_ =	sdelay $0x3  }
0x92: {  	_ =	strace s18  }
0x93: {  	s3 =	sld [smem:$0x3FFC];
	_ =	sdelay $0x3  }
0x94: {  	_ =	strace s3  }
0x95: {  	s3 =	sld [smem:$0x3FFD];
	_ =	sdelay $0x3  }
0x96: {  	_ =	strace s3  }
0x97: {  	_ =	strace $0x8FFFFFFF  }
0x98: {  	s19 =	sld [smem:$0x3FDB];
	_ =	sdelay $0x1  }
0x99: {  	s4 =	simm.s32 $_scs_section_size  }
0x9a: {  	s5 =	simm.s32 $_size__tile_overlayer_lowered;
	s6 =	simm.s32 $_tile_overlayer_lowered  }
0x9b: {  	s22 =	simm.s32 $0x1BFF;
	s21 =	sshll.u32 s6, $0x1;
	s3 =	sadd.s32 s4, s19  }
0x9c: {  	s7 =	simm.s32 $0x0;
	s20 =	sshll.u32 s5, $0x1;
	s5 =	sadd.s32 s21, s3  }
0x9d: {  	[timem:s7], [sflag:s22] =	dma.local [hbm:s5], s20  }
0x9e: {  	_ =	swait.ge [sflag:s22], s20  }
0x9f: {  	s4 =	ssub.s32 $0x0, s20;
	[sflag:s22] =	ssyncset.done $0x0  }
0xa0: {  	[sflag:s22] =	ssyncadd.s32 s4;
	_ =	sdelay $0x1  }
0xa1: {  	s23 =	simm.s32 $0x1B8B  }
0xa2: {  	_ =	swait.ge [sflag:s23], $0x1  }
0xa3: {  	[sflag:s23] =	ssyncset.done $0x0  }
0xa4: {  	s25 =	simm.s32 $0x1B8E;
	s24 =	sld [smem:$0x3FFE];
	[sflag:s23] =	ssyncadd.s32 $0xFFFFFFFF  }
0xa5: {  	s26 =	simm.s32 $execute0_lowered;
	[smem:$0x3FD2] =	sst s25  }
0xa6: {  	s5 =	sshll.u32 s26, $0x1;
	_ =	strace $0x80000046;
	[dreg:$0x1] =	wrdreg $0xFFFFFFFF  }
0xa7: {  	s28 =	simm.s32 $_size_execute0_lowered;
	s3 =	sadd.s32 s3, s5;
	[dreg:$0x0] =	wrdreg $0x0  }
0xa8: {  	s5 =	sshll.u32 s28, $0x1;
	[dreg:$0x2] =	wrdreg s3  }
0xa9: {  	[dreg:$0x3] =	wrdreg s5  }
0xaa: {  	[dreg:$0x4] =	wrdreg $0xC0  }
0xab: {  	_ =	task [dreg:s7], $0x5FFFF  }
0xac: {  	[dreg:$0x1] =	wrdreg $0xFFFFFFFF  }
0xad: {  	[dreg:$0x0] =	wrdreg $0x60  }
0xae: {  	[dreg:$0x2] =	wrdreg s24  }
0xaf: {  	[dreg:$0x3] =	wrdreg s2  }
0xb0: {  	[dreg:$0x4] =	wrdreg $0x120800  }
0xb1: {  	[dreg:$0x5] =	wrdreg $0x9  }
0xb2: {  	_ =	task.clear_ibuf [dreg:s7], $0x6FFFF;
	_ =	strace $0x90000046  }
0xb3: {  	s29 =	simm.s32 $0x9;
	_ =	strace $0x80000048  }
0xb4: {  	_ =	swait.ge [sflag:s29], $0x1  }
0xb5: {  	[sflag:s29] =	ssyncadd.s32 $0xFFFFFFFF  }
0xb6: {  	_ =	strace $0x90000048  }
0xb7: {  	_ =	sfence  }
0xb8: {  	s30 =	sld [smem:$0x0];
	_ =	sdelay $0x2  }
0xb9: {  	s31 =	sshll.u32 s1, $0xD;
	s1 =	sshrl.u32 s1, $0x2  }
0xba: {  	s3 =	sand.u32 $0x4000, s31;
	s1 =	sadd.s32 s1, s30  }
0xbb: {  	s0 =	sor.u32 s3, s0;
	s1 =	sshll.u32 s1, $0x11  }
0xbc: {  	s0 =	sor.u32 s1, s0  }
0xbd: {  	s0 =	sadd.s32 $0x8F2B, s0  }
0xbe: {  	[sflag:s0] =	ssyncadd.remote.s32 $0x1  }
0xbf: {  	_ =	sfence.sel $0xFFFF  }
0xc0: {  	[dreg:$0x0] =	wrdreg $0xFFFFFFFF;
	(pc) =	sbr.abs _section_cstart, $3  }
0xc1: {  	[dreg:$0x1] =	wrdreg $0xFFFFFFFF  }
0xc2: {  	_ =	task.clear_ibuf [dreg:s7], $0x2FFFF;
	_ =	strace $0x9FFFFFFF  }
0xc3: {  	(tm) =	ssettm $0x7FFFFFFF  }
tec
execute0_lowered:
.L_overlay_start_1:
0x0: {  	(tag) =	ssettag $0x1  }
0x1: {  	s8 =	rddreg [dreg:$0x0]  }
0x2: {  	s1 =	rddreg [dreg:$0x1]  }
0x3: {  	s2 =	rddreg [dreg:$0x2];
	s3 =	srdreg.scid  }
0x4: {  	s4 =	simm.s32 $0x0;
	s0 =	stileid.u32;
	s16 =	simm.s32 $0x3  }
0x5: {  	s17 =	simm.s32 $0x5000;
	s18 =	simm.s32 $0xA080;
	s19 =	simm.s32 $0x1  }
0x6: {  	s20 =	simm.s32 $0x80;
	s21 =	simm.s32 $0x0;
	s10 =	sand.u32 $0x1, s3  }
0x7: {  	[smem:$0x7FF] =	sst s4;
	s9 =	smul.u32 $0xA800, s0;
	s5 =	sadd.s32 $0x4400, s8  }
0x8: {  	s11 =	sshll.u32 s0, $0x4;
	s6 =	sadd.s32 $0xE400, s8;
	s12 =	smul.u32 $0x2A000, s0  }
0x9: {  	s7 =	smul.u32 $0xA8000, s10;
	_ =	strace $0x80000047;
	s11 =	sadd.s32 s11, s8  }
0xa: {  	s29 =	ssub.s32 $0x2, s10;
	s30 =	sshll.u32 s10, $0x8;
	s10 =	smul.u32 $0x50000, s10  }
.Ltmp0:
0xb: {  	s14 =	sshrl.u32 s29, $0x1;
	s9 =	sadd.s32 s9, s7;
	(pc) =	sbr.rel .LBB2_1-.Ltmp0, $4  }
0xc: {  	s31 =	sshrl.u32 s12, $0x2;
	s7 =	sadd.s32 $0x22400, s8;
	s9 =	sshrl.u32 s9, $0x3  }
0xd: {  	s14 =	ssub.s32 s29, s14;
	s13 =	sadd.s32 s9, s8;
	s9 =	sadd.s32 s30, s11  }
0xe: {  	s14 =	smax.u32 s14, $0x1;
	s8 =	sadd.s32 $0x4200, s9;
	s9 =	sadd.s32 s31, s2  }
0xf: {  	s13 =	sadd.s32 $0x22C00, s13;
	s11 =	sadd.s32 $0x4000, s9;
	s12 =	sadd.s32 $0x8000, s9  }
.LBB2_4:
0x10: {  	[tilespmem:s31], [sflag:$0x2] =	stream.indirect.gather @!p0 [hbm4b:s1+s29], $0x80, s30, s29, $0xb8;
	[tilespmem:$0x1C880] =	vst v63  }
.LBB2_5:
0x11: {  	s0 =	stileid.u32;
	s21 =	sadd.s32 $0x1, s21  }
0x12: {  	[bflag:$0x0] =	sbarrier.arrive $0xFFFF;
	s0 =	sshll.u32 s0, $0x6;
	p0 =	sne.s32 s21, s14  }
.Ltmp1:
0x13: {  	s3 =	sshrl.u32 s9, $0x3;
	s0 =	sor.u32 $0x1C03, s0;
	(pc) =	sbr.rel @!p0 .LBB2_6-.Ltmp1, $4  }
0x14: {  	[hbm:s13], [sflag:s0] =	dma.local [spmem:s3], $0x1500  }
0x15: {  	_ =	swait.ge [sflag:s16], $0x1500  }
0x16: {  	[sflag:s16] =	ssyncset.done $0x0  }
0x17: {  	[sflag:s16] =	ssyncadd.s32 $0xFFFFEB00  }
.LBB2_1:
0x18: {  	s0 =	simm.s32 $0xA000  }
0x19: {  	[tilespmem:s0], [sflag:$0x3] =	stream.linear.gather [hbm4b:s8+s4], $0x80, $0x38;
	[tilespmem:$0x1C880] =	vst v63  }
0x1a: {  	_ =	swait.ge [sflag:s16], $0x80  }
0x1b: {  	[sflag:s16] =	ssyncset.done $0x0  }
0x1c: {  	[sflag:s16] =	ssyncadd.s32 $0xFFFFFF80  }
0x1d: {  	v0 =	vld [tilespmem:$0xA000];
	_ =	sdelay $0x4  }
0x1e: {  	(v2sf) =	vpush v0, $0x0;
	_ =	sdelay $0x5  }
0x1f: {  	(v2sf) =	vpush v0, $0x1;
	_ =	sdelay $0x8  }
0x20: {  	s23 =	spop (v2sf)  }
0x21: {  	p0 =	slt.s32 s23, $0x960;
	s24 =	smov.u32 s23  }
0x22: {  	s24 =	simm.s32 @!p0 $0x960  }
0x23: {  	s22 =	sshll.u32 s24, $0x7  }
0x24: {  	s22 =	sand.u32 $0x7FFFFC00, s22  }
0x25: {  	s25 =	sshrl.u32 s22, $0x3  }
0x26: {  	s26 =	spop (v2sf);
	s25 =	sadd.s32 s5, s25  }
0x27: {  	[tilespmem:s4], [sflag:$0x3] =	stream.linear.gather [hbm4b:s25+s4], $0x5000, $0x38;
	[tilespmem:$0x1C880] =	vst v63  }
0x28: {  	s22 =	sadd.s32 s10, s22;
	_ =	swait.ge [sflag:s16], $0x5000  }
0x29: {  	s22 =	sshrl.u32 s22, $0x3;
	[sflag:s16] =	ssyncset.done $0x0  }
0x2a: {  	s22 =	sadd.s32 s6, s22;
	[sflag:s16] =	ssyncadd.s32 $0xFFFFB000  }
0x2b: {  	[tilespmem:s17], [sflag:$0x3] =	stream.linear.gather [hbm4b:s22+s4], $0x5000, $0x38;
	[tilespmem:$0x1C880] =	vst v63  }
0x2c: {  	_ =	swait.ge [sflag:s16], $0x5000  }
0x2d: {  	[sflag:s16] =	ssyncset.done $0x0  }
0x2e: {  	[sflag:s16] =	ssyncadd.s32 $0xFFFFB000  }
0x2f: {  	[tilespmem:s18], [sflag:$0x3] =	stream.linear.gather [hbm4b:s7+s4], $0x4000, $0x38;
	[tilespmem:$0x1C880] =	vst v63  }
0x30: {  	_ =	swait.ge [sflag:s16], $0x4000  }
0x31: {  	[sflag:s16] =	ssyncset.done $0x0  }
0x32: {  	[sflag:s16] =	ssyncadd.s32 $0xFFFFC000  }
0x33: {  	[spmem:s9] =	stream.linear.scatter [tilespmem:s18], [sflag:$0x3], $0x4000, $0x38;
	[tilespmem:$0x1C880] =	vst v63  }
0x34: {  	_ =	swait.ge [sflag:s16], $0x4000  }
0x35: {  	[sflag:s16] =	ssyncset.done $0x0  }
0x36: {  	[sflag:s16] =	ssyncadd.s32 $0xFFFFC000  }
0x37: {  	[spmem:s11] =	stream.linear.scatter [tilespmem:s18], [sflag:$0x3], $0x4000, $0x38;
	[tilespmem:$0x1C880] =	vst v63  }
0x38: {  	_ =	swait.ge [sflag:s16], $0x4000  }
0x39: {  	[sflag:s16] =	ssyncset.done $0x0  }
0x3a: {  	[sflag:s16] =	ssyncadd.s32 $0xFFFFC000  }
0x3b: {  	[spmem:s12] =	stream.linear.scatter [tilespmem:s18], [sflag:$0x3], $0x2800, $0x38;
	[tilespmem:$0x1C880] =	vst v63  }
0x3c: {  	_ =	swait.ge [sflag:s16], $0x2800  }
0x3d: {  	p0 =	slt.s32 s26, $0x1;
	s22 =	ssub.s32 s23, s24;
	[sflag:s16] =	ssyncset.done $0x0  }
0x3e: {  	s28 =	simm.s32 @!p0 $0xA080;
	s22 =	sshll.u32 @!p0 s22, $0x9;
	[sflag:s16] =	ssyncadd.s32 $0xFFFFD800  }
0x3f: {  	s25 =	simm.s32 @!p0 $0x80;
	s22 =	sshra.s32 @!p0 s22, $0x2;
	[bflag:$0x0] =	sbarrier.arrive $0xFFFF  }
0x40: {  	[tilespmem:s28], [sflag:$0x1] =	stream.indirect.gather @!p0 [hbm4b:s1+s25], $0x80, s22, s25, $0xb8;
	[tilespmem:$0x1C880] =	vst v63  }
0x41: {  	s22 =	sadd.s32 @!p0 $0x80, s22;
	s28 =	simm.s32 @!p0 $0xE080  }
0x42: {  	[tilespmem:s28], [sflag:$0x2] =	stream.indirect.gather @!p0 [hbm4b:s1+s25], $0x80, s22, s25, $0xb8;
	[tilespmem:$0x1C880] =	vst v63  }
0x43: {  	p0 =	sgt.s32 s26, $0x0;
	s22 =	simm.s32 $0x1  }
0x44: {  	s29 =	sshra.s32 s26, $0x1F;
	s22 =	simm.s32 @!p0 $0x0  }
0x45: {  	s30 =	sand.u32 $0x1, s26;
	s22 =	sadd.s32 s22, s29  }
0x46: {  	p1 =	seq.s32 s30, $0x1;
	p6 =	sne.s32 s22, $0x1  }
0x47: {  	s31 =	sshrl.u32 s26, $0x1F;
	p0 =	por !p6, !p1  }
0x48: {  	s25 =	simm.s32 $0x1;
	s22 =	sadd.s32 s31, s26;
	p0 =	por !p0, !p0  }
0x49: {  	s22 =	sshra.s32 s22, $0x1;
	s25 =	simm.s32 @!p0 $0x0  }
0x4a: {  	s22 =	ssub.s32 s22, s25  }
0x4b: {  	p0 =	slt.s32 s22, $0x1  }
.Ltmp2:
0x4c: {  	_ = 	snop;
	(pc) =	sbr.rel @p0 .LBB2_5-.Ltmp2, $1  }
0x4d: {  	_ =	sdelay $0x3  }
0x4e: {  	s23 =	sshll.u32 s23, $0x9  }
0x4f: {  	s24 =	sshll.u32 s24, $0x9;
	s25 =	sshra.s32 s23, $0x2  }
0x50: {  	s24 =	ssub.s32 $0x0, s24;
	[dreg:$0x4] =	wrdreg s25  }
0x51: {  	s28 =	sshra.s32 s24, $0x2;
	_ =	swait.ge [sflag:s19], $0x4000  }
0x52: {  	s26 =	sadd.s32 $0x5000, s28;
	s15 =	rddreg [dreg:$0x4];
	[sflag:s19] =	ssyncset.done $0x0  }
0x53: {  	[sflag:s19] =	ssyncadd.s32 $0xFFFFC000;
	s25 =	sadd.s32 s15, s26  }
0x54: {  	[spmem:s2] =	stream.indirect.scatter.add.f32 [tilespmem:s18], [sflag:$0x3], $0x80, s25, s20, $0xb8;
	[tilespmem:$0x1C880] =	vst v63  }
0x55: {  	s24 =	sadd.s32 $0xFFFFFFFF, s22;
	_ =	swait.ge [sflag:s16], $0x4000  }
0x56: {  	p0 =	sle.s32 s24, $0x0;
	[sflag:s16] =	ssyncset.done $0x0  }
0x57: {  	s25 =	simm.s32 @p0 $0x2;
	[sflag:s16] =	ssyncadd.s32 $0xFFFFC000  }
0x58: {  	s29 =	sshra.s32 @p0 s23, $0x2;
	s31 =	simm.s32 @p0 $0x3;
	_ =	swait.ge @p0 [sflag:s25], $0x4000  }
0x59: {  	s0 =	simm.s32 @p0 $0xE080;
	s29 =	sadd.s32 @p0 s29, s26;
	[sflag:s25] =	ssyncset.done @p0 $0x0  }
0x5a: {  	s29 =	sadd.s32 @p0 $0x80, s29;
	[sflag:s25] =	ssyncadd.s32 @p0 $0xFFFFC000;
	s25 =	simm.s32 @p0 $0x80  }
0x5b: {  	[spmem:s2] =	stream.indirect.scatter.add.f32 @p0 [tilespmem:s0], [sflag:$0x3], $0x80, s29, s25, $0xb8;
	[tilespmem:$0x1C880] =	vst v63  }
0x5c: {  	s30 =	sshra.s32 @!p0 s23, $0x2;
	s15 =	simm.s32 @!p0 $0x2;
	_ =	swait.ge @p0 [sflag:s31], $0x4000  }
0x5d: {  	s0 =	sadd.s32 @!p0 s30, s28;
	s29 =	simm.s32 @!p0 $0x80;
	[sflag:s31] =	ssyncset.done @p0 $0x0  }
0x5e: {  	s25 =	sadd.s32 @!p0 $0x100, s0;
	[sflag:s31] =	ssyncadd.s32 @p0 $0xFFFFC000;
	s31 =	simm.s32 @!p0 $0xA080  }
0x5f: {  	[tilespmem:s31], [sflag:$0x1] =	stream.indirect.gather @!p0 [hbm4b:s1+s29], $0x80, s25, s29, $0xb8;
	[tilespmem:$0x1C880] =	vst v63  }
0x60: {  	p1 =	sne.s32 s22, $0x1;
	s3 =	simm.s32 @!p0 $0x3;
	_ =	swait.ge @!p0 [sflag:s15], $0x4000  }
0x61: {  	s25 =	sadd.s32 @!p0 s30, s26;
	s31 =	simm.s32 @!p0 $0xE080;
	[sflag:s15] =	ssyncset.done @!p0 $0x0  }
.Ltmp3:
0x62: {  	s25 =	sadd.s32 @!p0 $0x80, s25;
	[sflag:s15] =	ssyncadd.s32 @!p0 $0xFFFFC000;
	(pc) =	sbr.rel @!p1 .LBB2_4-.Ltmp3, $4  }
0x63: {  	[spmem:s2] =	stream.indirect.scatter.add.f32 @!p0 [tilespmem:s31], [sflag:$0x3], $0x80, s25, s29, $0xb8;
	[tilespmem:$0x1C880] =	vst v63  }
0x64: {  	_ =	swait.ge @!p0 [sflag:s3], $0x4000  }
0x65: {  	s28 =	sadd.s32 $0x100, s28;
	s30 =	sadd.s32 @!p0 $0x180, s0;
	[sflag:s3] =	ssyncset.done @!p0 $0x0  }
0x66: {  	s26 =	sadd.s32 $0x100, s26;
	s25 =	simm.s32 $0x1;
	[sflag:s3] =	ssyncadd.s32 @!p0 $0xFFFFC000  }
.LBB2_3:
0x67: {  	[tilespmem:s31], [sflag:$0x2] =	stream.indirect.gather @!p0 [hbm4b:s1+s29], $0x80, s30, s29, $0xb8;
	[tilespmem:$0x1C880] =	vst v63  }
0x68: {  	_ =	swait.ge [sflag:s19], $0x4000  }
0x69: {  	s3 =	rddreg [dreg:$0x4];
	[sflag:s19] =	ssyncset.done $0x0  }
0x6a: {  	[sflag:s19] =	ssyncadd.s32 $0xFFFFC000;
	s3 =	sadd.s32 s3, s26  }
0x6b: {  	[spmem:s2] =	stream.indirect.scatter.add.f32 [tilespmem:s18], [sflag:$0x3], $0x80, s3, s20, $0xb8;
	[tilespmem:$0x1C880] =	vst v63  }
0x6c: {  	s0 =	smov.u32 s25;
	_ =	swait.ge [sflag:s16], $0x4000  }
0x6d: {  	s25 =	sadd.s32 $0x1, s25;
	p0 =	sge.s32 s0, s24;
	[sflag:s16] =	ssyncset.done $0x0  }
0x6e: {  	s0 =	simm.s32 @p0 $0x2;
	s15 =	sshra.s32 @!p0 s23, $0x2;
	[sflag:s16] =	ssyncadd.s32 $0xFFFFC000  }
0x6f: {  	s29 =	simm.s32 @p0 $0x3;
	s3 =	sshra.s32 @p0 s23, $0x2;
	_ =	swait.ge @p0 [sflag:s0], $0x4000  }
0x70: {  	s30 =	simm.s32 @p0 $0xE080;
	s3 =	sadd.s32 @p0 s3, s26;
	[sflag:s0] =	ssyncset.done @p0 $0x0  }
0x71: {  	s3 =	sadd.s32 @p0 $0x80, s3;
	[sflag:s0] =	ssyncadd.s32 @p0 $0xFFFFC000;
	s0 =	simm.s32 @p0 $0x80  }
0x72: {  	[spmem:s2] =	stream.indirect.scatter.add.f32 @p0 [tilespmem:s30], [sflag:$0x3], $0x80, s3, s0, $0xb8;
	[tilespmem:$0x1C880] =	vst v63  }
0x73: {  	s31 =	simm.s32 @!p0 $0x2;
	s0 =	sadd.s32 @!p0 s15, s28;
	_ =	swait.ge @p0 [sflag:s29], $0x4000  }
0x74: {  	s3 =	sadd.s32 @!p0 s15, s26;
	s30 =	simm.s32 @!p0 $0xA080;
	[sflag:s29] =	ssyncset.done @p0 $0x0  }
0x75: {  	s15 =	sadd.s32 @!p0 $0x100, s0;
	[sflag:s29] =	ssyncadd.s32 @p0 $0xFFFFC000;
	s29 =	simm.s32 @!p0 $0x80  }
0x76: {  	[tilespmem:s30], [sflag:$0x1] =	stream.indirect.gather @!p0 [hbm4b:s1+s29], $0x80, s15, s29, $0xb8;
	[tilespmem:$0x1C880] =	vst v63  }
0x77: {  	p1 =	sne.s32 s22, s25;
	s3 =	sadd.s32 @!p0 $0x80, s3;
	_ =	swait.ge @!p0 [sflag:s31], $0x4000  }
0x78: {  	s30 =	sadd.s32 @!p0 $0x180, s0;
	s0 =	simm.s32 @!p0 $0x3;
	[sflag:s31] =	ssyncset.done @!p0 $0x0  }
.Ltmp4:
0x79: {  	[sflag:s31] =	ssyncadd.s32 @!p0 $0xFFFFC000;
	s31 =	simm.s32 @!p0 $0xE080;
	(pc) =	sbr.rel @p1 .LBB2_3-.Ltmp4, $4  }
0x7a: {  	[spmem:s2] =	stream.indirect.scatter.add.f32 @!p0 [tilespmem:s31], [sflag:$0x3], $0x80, s3, s29, $0xb8;
	[tilespmem:$0x1C880] =	vst v63  }
0x7b: {  	_ =	swait.ge @!p0 [sflag:s0], $0x4000  }
0x7c: {  	[sflag:s0] =	ssyncset.done @!p0 $0x0  }
0x7d: {  	s26 =	sadd.s32 $0x100, s26;
	s28 =	sadd.s32 $0x100, s28;
	[sflag:s0] =	ssyncadd.s32 @!p0 $0xFFFFC000  }
.Ltmp5:
0x7e: {  	_ = 	snop;
	(pc) =	sbr.rel .LBB2_4-.Ltmp5, $1  }
0x7f: {  	_ =	sdelay $0x3  }
.LBB2_6:
0x80: {  	_ =	sfence.sel $0x180000  }
0x81: {  	[bflag:$0x0] =	sbarrier.arrive $0xFFFF  }
0x82: {  	_ =	strace $0x90000047  }
0x83: {  	s0 =	stileid.u32;
	[bflag:$0x2] =	sbarrier.arrive $0xFFFF  }
0x84: {  	p0 =	sne.s32 s0, $0x0;
	s0 =	rddreg [dreg:$0x3]  }
0x85: {  	s0 =	sadd.s32 @!p0 $0x100000, s0  }
0x86: {  	[sflag:s0] =	ssyncadd.tile.s32 @!p0 $0x1;
	_ =	shalt  }
.Lfunc_end2:
_tile_overlayer_lowered:
.L_overlay_start_2:
0x87: {  	(tag) =	ssettag $0x2  }
0x88: {  	s0 =	rddreg [dreg:$0x0];
	s2 =	stileid.u32  }
0x89: {  	s1 =	rddreg [dreg:$0x1];
	p0 =	sne.s32 s2, $0x0  }
0x8a: {  	s3 =	rddreg [dreg:$0x2];
	[bflag:$0x3] =	sbarrier.arrive $0xFFFF;
	s2 =	simm.s32 @!p0 $0x1C03  }
0x8b: {  	[timem:s3], [sflag:s2] =	dma.local @!p0 [hbm:s0], s1  }
0x8c: {  	s0 =	simm.s32 @!p0 $0x3  }
0x8d: {  	_ =	swait.ge @!p0 [sflag:s0], s1  }
0x8e: {  	s1 =	ssub.s32 @!p0 $0x0, s1;
	[sflag:s0] =	ssyncset.done @!p0 $0x0  }
0x8f: {  	[sflag:s0] =	ssyncadd.s32 @!p0 s1  }
0x90: {  	[bflag:$0x3] =	sbarrier.arrive $0xFFFF  }
0x91: {  	_ =	shalt  }

// kernel: kernel.14.cloned.1.call-start
scs
__scs_entry_jumppad:
0x0: {  	(pc) =	sbr.rel $0x88, $3  }
0x1: {  	(tag) =	ssettag $0x0;
	lr =	simm.s32 $0x1  }
0x2: {  	[smem:$0x3F99] =	sst lr;
	_ =	strace $0xD0000000  }
0x3: {  	_ = 	snop  }
0x4: {  	_ = 	snop  }
0x5: {  	_ = 	snop  }
0x6: {  	_ = 	snop  }
0x7: {  	_ = 	snop  }
__scs_overlays_trampoline_lowered:
0x8: {  	[smem:$0x3FA8] =	sst s0  }
0x9: {  	[smem:$0x3FA9] =	sst s1  }
0xa: {  	[smem:$0x3FAA] =	sst s2  }
0xb: {  	[smem:$0x3FAB] =	sst s3  }
0xc: {  	[smem:$0x3FAC] =	sst s4  }
0xd: {  	[smem:$0x3FAD] =	sst s5  }
0xe: {  	[smem:$0x3FAE] =	sst s6  }
0xf: {  	[smem:$0x3FAF] =	sst s7  }
0x10: {  	[smem:$0x3FB0] =	sst s8  }
0x11: {  	[smem:$0x3FB1] =	sst s9;
	s0 =	simm.s32 @!p0 $0x0  }
0x12: {  	s1 =	sld [smem:$0x3F97];
	s0 =	simm.s32 @p0 $0x1  }
0x13: {  	[smem:$0x3FB2] =	sst s0;
	s0 =	simm.s32 @!p1 $0x0  }
0x14: {  	s2 =	sld [smem:$0x3F96];
	s0 =	simm.s32 @p1 $0x1  }
0x15: {  	[smem:$0x3FB3] =	sst s0;
	s0 =	simm.s32 @!p2 $0x0  }
0x16: {  	s3 =	sld [smem:$0x3FDB];
	s0 =	simm.s32 @p2 $0x1  }
0x17: {  	s4 =	simm.s32 $0x1BF5;
	[smem:$0x3FB5] =	sst s0  }
0x18: {  	s0 =	sld [smem:$0x3F98];
	_ =	swait.ge [sflag:s4], $0x0  }
0x19: {  	s7 =	sld [smem:$0x3F99]  }
0x1a: {  	s8 =	sadd.s32 $0xFFFFE003, lr  }
0x1b: {  	s9 =	sadd.s32 $0xFFFFFEF7, lr;
	s5 =	simm.s32 $0xFFFFFFFF;
	p2 =	slt.u32 s8, $0xFFFFF086  }
0x1c: {  	p1 =	slt.u32 s9, $0xF7A;
	s5 =	simm.s32 @!p2 $0x0  }
0x1d: {  	s5 =	simm.s32 @p1 $0x1;
	p0 =	seq.s32 s7, s2  }
0x1e: {  	s7 =	smul.u32 @!p0 $0xF7A, s2;
	p2 =	seq.s32 @!p0 s5, $0x0  }
0x1f: {  	s9 =	smul.u32 $0xF7A, s1;
	s8 =	simm.s32 @!p0 $0x1BF5;
	p2 =	por !p2, p0  }
0x20: {  	[sflag:s8] =	ssyncset.s32 @!p0 $0xFFFFF086;
	s6 =	sadd.s32 @!p0 s3, s7;
	s7 =	simm.s32 @!p0 $0x108  }
0x21: {  	s3 =	sadd.s32 s3, s9;
	s6 =	sadd.s32 @!p0 $0x88, s6;
	s7 =	simm.s32 @p2 $0x1082  }
0x22: {  	[simem:s7], [sflag:s8] =	dma.local @!p0 [hbm:s6], $0xF7A  }
0x23: {  	s9 =	sor.u32 $0xD0000000, s2;
	s6 =	simm.s32 $0x108;
	_ =	swait.ge @!p0 [sflag:s8], $0x0  }
0x24: {  	s3 =	sadd.s32 $0x88, s3;
	s6 =	simm.s32 @!p1 $0x1082;
	[sflag:s4] =	ssyncset.s32 $0xFFFFF086  }
0x25: {  	[simem:s6], [sflag:s4] =	dma.local [hbm:s3], $0xF7A  }
0x26: {  	[smem:$0x3F99] =	sst s1;
	(tag) =	ssettag s2;
	_ =	strace s9  }
0x27: {  	s1 =	sld [smem:$0x3FA9]  }
0x28: {  	s2 =	sld [smem:$0x3FAA]  }
0x29: {  	s4 =	sld [smem:$0x3FAC]  }
0x2a: {  	p0 =	seq.s32 s5, $0x0;
	s5 =	sld [smem:$0x3FAD]  }
0x2b: {  	s6 =	sld [smem:$0x3FAE]  }
0x2c: {  	s7 =	sld [smem:$0x3FAF]  }
0x2d: {  	s3 =	simm.s32 $0x108;
	s8 =	sld [smem:$0x3FB0]  }
0x2e: {  	s3 =	simm.s32 @!p0 $0x1082;
	s9 =	sld [smem:$0x3FB1]  }
0x2f: {  	lr =	sadd.s32 s0, s3;
	s0 =	sld [smem:$0x3FA8]  }
0x30: {  	s3 =	sld [smem:$0x3FAB]  }
0x31: {  	[smem:$0x3FB4] =	sst s10  }
0x32: {  	s10 =	sld [smem:$0x3FB2];
	_ =	sdelay $0x3  }
0x33: {  	p0 =	seq.s32 s10, $0x1;
	s10 =	sld [smem:$0x3FB4];
	_ =	sdelay $0x3  }
0x34: {  	[smem:$0x3FB4] =	sst s10  }
0x35: {  	s10 =	sld [smem:$0x3FB3];
	_ =	sdelay $0x3  }
0x36: {  	p1 =	seq.s32 s10, $0x1;
	s10 =	sld [smem:$0x3FB4];
	_ =	sdelay $0x3  }
0x37: {  	[smem:$0x3FB4] =	sst s10  }
0x38: {  	s10 =	sld [smem:$0x3FB5]  }
0x39: {  	_ = 	snop;
	(pc) =	sbr.ind lr, $3  }
0x3a: {  	_ = 	snop  }
0x3b: {  	_ = 	snop  }
0x3c: {  	p2 =	seq.s32 s10, $0x1;
	s10 =	sld [smem:$0x3FB4]  }
0x3d: {  	_ =	shalt  }
0x3e: {  	_ =	shalt  }
0x3f: {  	_ =	shalt  }
0x40: {  	_ =	shalt  }
0x41: {  	_ =	shalt  }
0x42: {  	_ =	shalt  }
0x43: {  	_ =	shalt  }
0x44: {  	_ =	shalt  }
0x45: {  	_ =	shalt  }
0x46: {  	_ =	shalt  }
0x47: {  	_ =	shalt  }
0x48: {  	_ =	shalt  }
0x49: {  	_ =	shalt  }
0x4a: {  	_ =	shalt  }
0x4b: {  	_ =	shalt  }
0x4c: {  	_ =	shalt  }
0x4d: {  	_ =	shalt  }
0x4e: {  	_ =	shalt  }
0x4f: {  	_ =	shalt  }
0x50: {  	_ =	shalt  }
0x51: {  	_ =	shalt  }
0x52: {  	_ =	shalt  }
0x53: {  	_ =	shalt  }
0x54: {  	_ =	shalt  }
0x55: {  	_ =	shalt  }
0x56: {  	_ =	shalt  }
0x57: {  	_ =	shalt  }
0x58: {  	_ =	shalt  }
0x59: {  	_ =	shalt  }
0x5a: {  	_ =	shalt  }
0x5b: {  	_ =	shalt  }
0x5c: {  	_ =	shalt  }
0x5d: {  	_ =	shalt  }
0x5e: {  	_ =	shalt  }
0x5f: {  	_ =	shalt  }
0x60: {  	_ =	shalt  }
0x61: {  	_ =	shalt  }
0x62: {  	_ =	shalt  }
0x63: {  	_ =	shalt  }
0x64: {  	_ =	shalt  }
0x65: {  	_ =	shalt  }
0x66: {  	_ =	shalt  }
0x67: {  	_ =	shalt  }
0x68: {  	_ =	shalt  }
0x69: {  	_ =	shalt  }
0x6a: {  	_ =	shalt  }
0x6b: {  	_ =	shalt  }
0x6c: {  	_ =	shalt  }
0x6d: {  	_ =	shalt  }
0x6e: {  	_ =	shalt  }
0x6f: {  	_ =	shalt  }
0x70: {  	_ =	shalt  }
0x71: {  	_ =	shalt  }
0x72: {  	_ =	shalt  }
0x73: {  	_ =	shalt  }
0x74: {  	_ =	shalt  }
0x75: {  	_ =	shalt  }
0x76: {  	_ =	shalt  }
0x77: {  	_ =	shalt  }
0x78: {  	_ =	shalt  }
0x79: {  	_ =	shalt  }
0x7a: {  	_ =	shalt  }
0x7b: {  	_ =	shalt  }
0x7c: {  	_ =	shalt  }
0x7d: {  	_ =	shalt  }
0x7e: {  	_ =	shalt  }
0x7f: {  	_ =	shalt  }
0x80: {  	_ =	shalt  }
0x81: {  	_ =	shalt  }
0x82: {  	_ =	shalt  }
0x83: {  	_ =	shalt  }
0x84: {  	_ =	shalt  }
0x85: {  	_ =	shalt  }
0x86: {  	_ =	shalt  }
0x87: {  	_ =	shalt  }
.Lfunc_end0:
.L_simem_size_0:
called_computation.1_lowered:
.L_overlay_start_0:
0x88: {  	s2 =	sld [smem:$0x3FD9]  }
0x89: {  	s3 =	sld [smem:$0x3FFE];
	_ =	sdelay $0x1  }
0x8a: {  	s1 =	srdreg.scid  }
0x8b: {  	s0 =	sand.u32 $0x1, s1  }
0x8c: {  	s17 =	sshll.u32 s0, $0xA;
	s2 =	sadd.s32 s3, s2  }
0x8d: {  	s2 =	sadd.s32 s2, s17  }
0x8e: {  	[smem:$0x3FC0] =	sst s2  }
0x8f: {  	_ = 	snop  }
0x90: {  	s2 =	sld [smem:$0x3FD0];
	(tm) =	ssettm $0x1  }
0x91: {  	s18 =	sld [smem:$0x3FFB];
	_ =	sdelay $0x3  }
0x92: {  	_ =	strace s18  }
0x93: {  	s3 =	sld [smem:$0x3FFC];
	_ =	sdelay $0x3  }
0x94: {  	_ =	strace s3  }
0x95: {  	s3 =	sld [smem:$0x3FFD];
	_ =	sdelay $0x3  }
0x96: {  	_ =	strace s3  }
0x97: {  	_ =	strace $0x8FFFFFFF  }
0x98: {  	s19 =	sld [smem:$0x3FDB];
	_ =	sdelay $0x1  }
0x99: {  	s4 =	simm.s32 $_scs_section_size  }
0x9a: {  	s5 =	simm.s32 $_size__tile_overlayer_lowered;
	s6 =	simm.s32 $_tile_overlayer_lowered  }
0x9b: {  	s22 =	simm.s32 $0x1BFF;
	s21 =	sshll.u32 s6, $0x1;
	s3 =	sadd.s32 s4, s19  }
0x9c: {  	s7 =	simm.s32 $0x0;
	s20 =	sshll.u32 s5, $0x1;
	s5 =	sadd.s32 s21, s3  }
0x9d: {  	[timem:s7], [sflag:s22] =	dma.local [hbm:s5], s20  }
0x9e: {  	_ =	swait.ge [sflag:s22], s20  }
0x9f: {  	s4 =	ssub.s32 $0x0, s20;
	[sflag:s22] =	ssyncset.done $0x0  }
0xa0: {  	[sflag:s22] =	ssyncadd.s32 s4;
	_ =	sdelay $0x1  }
0xa1: {  	s23 =	simm.s32 $0x1B8B  }
0xa2: {  	_ =	swait.ge [sflag:s23], $0x1  }
0xa3: {  	[sflag:s23] =	ssyncset.done $0x0  }
0xa4: {  	s25 =	simm.s32 $0x1B8E;
	s24 =	sld [smem:$0x3FFE];
	[sflag:s23] =	ssyncadd.s32 $0xFFFFFFFF  }
0xa5: {  	s26 =	simm.s32 $execute0_lowered;
	[smem:$0x3FD2] =	sst s25  }
0xa6: {  	s5 =	sshll.u32 s26, $0x1;
	_ =	strace $0x80000049;
	[dreg:$0x1] =	wrdreg $0xFFFFFFFF  }
0xa7: {  	s28 =	simm.s32 $_size_execute0_lowered;
	s3 =	sadd.s32 s3, s5;
	[dreg:$0x0] =	wrdreg $0x0  }
0xa8: {  	s5 =	sshll.u32 s28, $0x1;
	[dreg:$0x2] =	wrdreg s3  }
0xa9: {  	[dreg:$0x3] =	wrdreg s5  }
0xaa: {  	[dreg:$0x4] =	wrdreg $0xC0  }
0xab: {  	_ =	task [dreg:s7], $0x5FFFF  }
0xac: {  	[dreg:$0x1] =	wrdreg $0xFFFFFFFF  }
0xad: {  	[dreg:$0x0] =	wrdreg $0x60  }
0xae: {  	[dreg:$0x2] =	wrdreg s24  }
0xaf: {  	[dreg:$0x3] =	wrdreg s2  }
0xb0: {  	[dreg:$0x4] =	wrdreg $0x120800  }
0xb1: {  	[dreg:$0x5] =	wrdreg $0x9  }
0xb2: {  	_ =	task.clear_ibuf [dreg:s7], $0x6FFFF;
	_ =	strace $0x90000049  }
0xb3: {  	s29 =	simm.s32 $0x9;
	_ =	strace $0x8000004B  }
0xb4: {  	_ =	swait.ge [sflag:s29], $0x1  }
0xb5: {  	[sflag:s29] =	ssyncadd.s32 $0xFFFFFFFF  }
0xb6: {  	_ =	strace $0x9000004B  }
0xb7: {  	_ =	sfence  }
0xb8: {  	s30 =	sld [smem:$0x0];
	_ =	sdelay $0x2  }
0xb9: {  	s31 =	sshll.u32 s1, $0xD;
	s1 =	sshrl.u32 s1, $0x2  }
0xba: {  	s3 =	sand.u32 $0x4000, s31;
	s1 =	sadd.s32 s1, s30  }
0xbb: {  	s0 =	sor.u32 s3, s0;
	s1 =	sshll.u32 s1, $0x11  }
0xbc: {  	s0 =	sor.u32 s1, s0  }
0xbd: {  	s0 =	sadd.s32 $0x8F2B, s0  }
0xbe: {  	[sflag:s0] =	ssyncadd.remote.s32 $0x1  }
0xbf: {  	_ =	sfence.sel $0xFFFF  }
0xc0: {  	[dreg:$0x0] =	wrdreg $0xFFFFFFFF;
	(pc) =	sbr.abs _section_cstart, $3  }
0xc1: {  	[dreg:$0x1] =	wrdreg $0xFFFFFFFF  }
0xc2: {  	_ =	task.clear_ibuf [dreg:s7], $0x2FFFF;
	_ =	strace $0x9FFFFFFF  }
0xc3: {  	(tm) =	ssettm $0x7FFFFFFF  }
tec
execute0_lowered:
.L_overlay_start_1:
0x0: {  	(tag) =	ssettag $0x1  }
0x1: {  	s8 =	rddreg [dreg:$0x0]  }
0x2: {  	s1 =	rddreg [dreg:$0x1]  }
0x3: {  	s2 =	rddreg [dreg:$0x2];
	s3 =	srdreg.scid  }
0x4: {  	s4 =	simm.s32 $0x0;
	s0 =	stileid.u32;
	s16 =	simm.s32 $0x3  }
0x5: {  	s17 =	simm.s32 $0x5000;
	s18 =	simm.s32 $0xA080;
	s19 =	simm.s32 $0x1  }
0x6: {  	s20 =	simm.s32 $0x80;
	s21 =	simm.s32 $0x0;
	s10 =	sand.u32 $0x1, s3  }
0x7: {  	[smem:$0x7FF] =	sst s4;
	s9 =	smul.u32 $0xA800, s0;
	s5 =	sadd.s32 $0x4400, s8  }
0x8: {  	s11 =	sshll.u32 s0, $0x4;
	s6 =	sadd.s32 $0xE400, s8;
	s12 =	smul.u32 $0x2A000, s0  }
0x9: {  	s7 =	smul.u32 $0xA8000, s10;
	_ =	strace $0x8000004A;
	s11 =	sadd.s32 s11, s8  }
0xa: {  	s29 =	ssub.s32 $0x2, s10;
	s30 =	sshll.u32 s10, $0x8;
	s10 =	smul.u32 $0x50000, s10  }
.Ltmp0:
0xb: {  	s14 =	sshrl.u32 s29, $0x1;
	s9 =	sadd.s32 s9, s7;
	(pc) =	sbr.rel .LBB2_1-.Ltmp0, $4  }
0xc: {  	s31 =	sshrl.u32 s12, $0x2;
	s7 =	sadd.s32 $0x22400, s8;
	s9 =	sshrl.u32 s9, $0x3  }
0xd: {  	s14 =	ssub.s32 s29, s14;
	s13 =	sadd.s32 s9, s8;
	s9 =	sadd.s32 s30, s11  }
0xe: {  	s14 =	smax.u32 s14, $0x1;
	s8 =	sadd.s32 $0x4200, s9;
	s9 =	sadd.s32 s31, s2  }
0xf: {  	s13 =	sadd.s32 $0x4CC00, s13;
	s11 =	sadd.s32 $0x4000, s9;
	s12 =	sadd.s32 $0x8000, s9  }
.LBB2_4:
0x10: {  	[tilespmem:s31], [sflag:$0x2] =	stream.indirect.gather @!p0 [hbm4b:s1+s29], $0x80, s30, s29, $0xb8;
	[tilespmem:$0x1C880] =	vst v63  }
.LBB2_5:
0x11: {  	s0 =	stileid.u32;
	s21 =	sadd.s32 $0x1, s21  }
0x12: {  	[bflag:$0x0] =	sbarrier.arrive $0xFFFF;
	s0 =	sshll.u32 s0, $0x6;
	p0 =	sne.s32 s21, s14  }
.Ltmp1:
0x13: {  	s3 =	sshrl.u32 s9, $0x3;
	s0 =	sor.u32 $0x1C03, s0;
	(pc) =	sbr.rel @!p0 .LBB2_6-.Ltmp1, $4  }
0x14: {  	[hbm:s13], [sflag:s0] =	dma.local [spmem:s3], $0x1500  }
0x15: {  	_ =	swait.ge [sflag:s16], $0x1500  }
0x16: {  	[sflag:s16] =	ssyncset.done $0x0  }
0x17: {  	[sflag:s16] =	ssyncadd.s32 $0xFFFFEB00  }
.LBB2_1:
0x18: {  	s0 =	simm.s32 $0xA000  }
0x19: {  	[tilespmem:s0], [sflag:$0x3] =	stream.linear.gather [hbm4b:s8+s4], $0x80, $0x38;
	[tilespmem:$0x1C880] =	vst v63  }
0x1a: {  	_ =	swait.ge [sflag:s16], $0x80  }
0x1b: {  	[sflag:s16] =	ssyncset.done $0x0  }
0x1c: {  	[sflag:s16] =	ssyncadd.s32 $0xFFFFFF80  }
0x1d: {  	v0 =	vld [tilespmem:$0xA000];
	_ =	sdelay $0x4  }
0x1e: {  	(v2sf) =	vpush v0, $0x0;
	_ =	sdelay $0x5  }
0x1f: {  	(v2sf) =	vpush v0, $0x1;
	_ =	sdelay $0x8  }
0x20: {  	s23 =	spop (v2sf)  }
0x21: {  	p0 =	slt.s32 s23, $0x960;
	s24 =	smov.u32 s23  }
0x22: {  	s24 =	simm.s32 @!p0 $0x960  }
0x23: {  	s22 =	sshll.u32 s24, $0x7  }
0x24: {  	s22 =	sand.u32 $0x7FFFFC00, s22  }
0x25: {  	s25 =	sshrl.u32 s22, $0x3  }
0x26: {  	s26 =	spop (v2sf);
	s25 =	sadd.s32 s5, s25  }
0x27: {  	[tilespmem:s4], [sflag:$0x3] =	stream.linear.gather [hbm4b:s25+s4], $0x5000, $0x38;
	[tilespmem:$0x1C880] =	vst v63  }
0x28: {  	s22 =	sadd.s32 s10, s22;
	_ =	swait.ge [sflag:s16], $0x5000  }
0x29: {  	s22 =	sshrl.u32 s22, $0x3;
	[sflag:s16] =	ssyncset.done $0x0  }
0x2a: {  	s22 =	sadd.s32 s6, s22;
	[sflag:s16] =	ssyncadd.s32 $0xFFFFB000  }
0x2b: {  	[tilespmem:s17], [sflag:$0x3] =	stream.linear.gather [hbm4b:s22+s4], $0x5000, $0x38;
	[tilespmem:$0x1C880] =	vst v63  }
0x2c: {  	_ =	swait.ge [sflag:s16], $0x5000  }
0x2d: {  	[sflag:s16] =	ssyncset.done $0x0  }
0x2e: {  	[sflag:s16] =	ssyncadd.s32 $0xFFFFB000  }
0x2f: {  	[tilespmem:s18], [sflag:$0x3] =	stream.linear.gather [hbm4b:s7+s4], $0x4000, $0x38;
	[tilespmem:$0x1C880] =	vst v63  }
0x30: {  	_ =	swait.ge [sflag:s16], $0x4000  }
0x31: {  	[sflag:s16] =	ssyncset.done $0x0  }
0x32: {  	[sflag:s16] =	ssyncadd.s32 $0xFFFFC000  }
0x33: {  	[spmem:s9] =	stream.linear.scatter [tilespmem:s18], [sflag:$0x3], $0x4000, $0x38;
	[tilespmem:$0x1C880] =	vst v63  }
0x34: {  	_ =	swait.ge [sflag:s16], $0x4000  }
0x35: {  	[sflag:s16] =	ssyncset.done $0x0  }
0x36: {  	[sflag:s16] =	ssyncadd.s32 $0xFFFFC000  }
0x37: {  	[spmem:s11] =	stream.linear.scatter [tilespmem:s18], [sflag:$0x3], $0x4000, $0x38;
	[tilespmem:$0x1C880] =	vst v63  }
0x38: {  	_ =	swait.ge [sflag:s16], $0x4000  }
0x39: {  	[sflag:s16] =	ssyncset.done $0x0  }
0x3a: {  	[sflag:s16] =	ssyncadd.s32 $0xFFFFC000  }
0x3b: {  	[spmem:s12] =	stream.linear.scatter [tilespmem:s18], [sflag:$0x3], $0x2800, $0x38;
	[tilespmem:$0x1C880] =	vst v63  }
0x3c: {  	_ =	swait.ge [sflag:s16], $0x2800  }
0x3d: {  	p0 =	slt.s32 s26, $0x1;
	s22 =	ssub.s32 s23, s24;
	[sflag:s16] =	ssyncset.done $0x0  }
0x3e: {  	s28 =	simm.s32 @!p0 $0xA080;
	s22 =	sshll.u32 @!p0 s22, $0x9;
	[sflag:s16] =	ssyncadd.s32 $0xFFFFD800  }
0x3f: {  	s25 =	simm.s32 @!p0 $0x80;
	s22 =	sshra.s32 @!p0 s22, $0x2;
	[bflag:$0x0] =	sbarrier.arrive $0xFFFF  }
0x40: {  	[tilespmem:s28], [sflag:$0x1] =	stream.indirect.gather @!p0 [hbm4b:s1+s25], $0x80, s22, s25, $0xb8;
	[tilespmem:$0x1C880] =	vst v63  }
0x41: {  	s22 =	sadd.s32 @!p0 $0x80, s22;
	s28 =	simm.s32 @!p0 $0xE080  }
0x42: {  	[tilespmem:s28], [sflag:$0x2] =	stream.indirect.gather @!p0 [hbm4b:s1+s25], $0x80, s22, s25, $0xb8;
	[tilespmem:$0x1C880] =	vst v63  }
0x43: {  	p0 =	sgt.s32 s26, $0x0;
	s22 =	simm.s32 $0x1  }
0x44: {  	s29 =	sshra.s32 s26, $0x1F;
	s22 =	simm.s32 @!p0 $0x0  }
0x45: {  	s30 =	sand.u32 $0x1, s26;
	s22 =	sadd.s32 s22, s29  }
0x46: {  	p1 =	seq.s32 s30, $0x1;
	p6 =	sne.s32 s22, $0x1  }
0x47: {  	s31 =	sshrl.u32 s26, $0x1F;
	p0 =	por !p6, !p1  }
0x48: {  	s25 =	simm.s32 $0x1;
	s22 =	sadd.s32 s31, s26;
	p0 =	por !p0, !p0  }
0x49: {  	s22 =	sshra.s32 s22, $0x1;
	s25 =	simm.s32 @!p0 $0x0  }
0x4a: {  	s22 =	ssub.s32 s22, s25  }
0x4b: {  	p0 =	slt.s32 s22, $0x1  }
.Ltmp2:
0x4c: {  	_ = 	snop;
	(pc) =	sbr.rel @p0 .LBB2_5-.Ltmp2, $1  }
0x4d: {  	_ =	sdelay $0x3  }
0x4e: {  	s23 =	sshll.u32 s23, $0x9  }
0x4f: {  	s24 =	sshll.u32 s24, $0x9;
	s25 =	sshra.s32 s23, $0x2  }
0x50: {  	s24 =	ssub.s32 $0x0, s24;
	[dreg:$0x4] =	wrdreg s25  }
0x51: {  	s28 =	sshra.s32 s24, $0x2;
	_ =	swait.ge [sflag:s19], $0x4000  }
0x52: {  	s26 =	sadd.s32 $0x5000, s28;
	s15 =	rddreg [dreg:$0x4];
	[sflag:s19] =	ssyncset.done $0x0  }
0x53: {  	[sflag:s19] =	ssyncadd.s32 $0xFFFFC000;
	s25 =	sadd.s32 s15, s26  }
0x54: {  	[spmem:s2] =	stream.indirect.scatter.add.f32 [tilespmem:s18], [sflag:$0x3], $0x80, s25, s20, $0xb8;
	[tilespmem:$0x1C880] =	vst v63  }
0x55: {  	s24 =	sadd.s32 $0xFFFFFFFF, s22;
	_ =	swait.ge [sflag:s16], $0x4000  }
0x56: {  	p0 =	sle.s32 s24, $0x0;
	[sflag:s16] =	ssyncset.done $0x0  }
0x57: {  	s25 =	simm.s32 @p0 $0x2;
	[sflag:s16] =	ssyncadd.s32 $0xFFFFC000  }
0x58: {  	s29 =	sshra.s32 @p0 s23, $0x2;
	s31 =	simm.s32 @p0 $0x3;
	_ =	swait.ge @p0 [sflag:s25], $0x4000  }
0x59: {  	s0 =	simm.s32 @p0 $0xE080;
	s29 =	sadd.s32 @p0 s29, s26;
	[sflag:s25] =	ssyncset.done @p0 $0x0  }
0x5a: {  	s29 =	sadd.s32 @p0 $0x80, s29;
	[sflag:s25] =	ssyncadd.s32 @p0 $0xFFFFC000;
	s25 =	simm.s32 @p0 $0x80  }
0x5b: {  	[spmem:s2] =	stream.indirect.scatter.add.f32 @p0 [tilespmem:s0], [sflag:$0x3], $0x80, s29, s25, $0xb8;
	[tilespmem:$0x1C880] =	vst v63  }
0x5c: {  	s30 =	sshra.s32 @!p0 s23, $0x2;
	s15 =	simm.s32 @!p0 $0x2;
	_ =	swait.ge @p0 [sflag:s31], $0x4000  }
0x5d: {  	s0 =	sadd.s32 @!p0 s30, s28;
	s29 =	simm.s32 @!p0 $0x80;
	[sflag:s31] =	ssyncset.done @p0 $0x0  }
0x5e: {  	s25 =	sadd.s32 @!p0 $0x100, s0;
	[sflag:s31] =	ssyncadd.s32 @p0 $0xFFFFC000;
	s31 =	simm.s32 @!p0 $0xA080  }
0x5f: {  	[tilespmem:s31], [sflag:$0x1] =	stream.indirect.gather @!p0 [hbm4b:s1+s29], $0x80, s25, s29, $0xb8;
	[tilespmem:$0x1C880] =	vst v63  }
0x60: {  	p1 =	sne.s32 s22, $0x1;
	s3 =	simm.s32 @!p0 $0x3;
	_ =	swait.ge @!p0 [sflag:s15], $0x4000  }
0x61: {  	s25 =	sadd.s32 @!p0 s30, s26;
	s31 =	simm.s32 @!p0 $0xE080;
	[sflag:s15] =	ssyncset.done @!p0 $0x0  }
.Ltmp3:
0x62: {  	s25 =	sadd.s32 @!p0 $0x80, s25;
	[sflag:s15] =	ssyncadd.s32 @!p0 $0xFFFFC000;
	(pc) =	sbr.rel @!p1 .LBB2_4-.Ltmp3, $4  }
0x63: {  	[spmem:s2] =	stream.indirect.scatter.add.f32 @!p0 [tilespmem:s31], [sflag:$0x3], $0x80, s25, s29, $0xb8;
	[tilespmem:$0x1C880] =	vst v63  }
0x64: {  	_ =	swait.ge @!p0 [sflag:s3], $0x4000  }
0x65: {  	s28 =	sadd.s32 $0x100, s28;
	s30 =	sadd.s32 @!p0 $0x180, s0;
	[sflag:s3] =	ssyncset.done @!p0 $0x0  }
0x66: {  	s26 =	sadd.s32 $0x100, s26;
	s25 =	simm.s32 $0x1;
	[sflag:s3] =	ssyncadd.s32 @!p0 $0xFFFFC000  }
.LBB2_3:
0x67: {  	[tilespmem:s31], [sflag:$0x2] =	stream.indirect.gather @!p0 [hbm4b:s1+s29], $0x80, s30, s29, $0xb8;
	[tilespmem:$0x1C880] =	vst v63  }
0x68: {  	_ =	swait.ge [sflag:s19], $0x4000  }
0x69: {  	s3 =	rddreg [dreg:$0x4];
	[sflag:s19] =	ssyncset.done $0x0  }
0x6a: {  	[sflag:s19] =	ssyncadd.s32 $0xFFFFC000;
	s3 =	sadd.s32 s3, s26  }
0x6b: {  	[spmem:s2] =	stream.indirect.scatter.add.f32 [tilespmem:s18], [sflag:$0x3], $0x80, s3, s20, $0xb8;
	[tilespmem:$0x1C880] =	vst v63  }
0x6c: {  	s0 =	smov.u32 s25;
	_ =	swait.ge [sflag:s16], $0x4000  }
0x6d: {  	s25 =	sadd.s32 $0x1, s25;
	p0 =	sge.s32 s0, s24;
	[sflag:s16] =	ssyncset.done $0x0  }
0x6e: {  	s0 =	simm.s32 @p0 $0x2;
	s15 =	sshra.s32 @!p0 s23, $0x2;
	[sflag:s16] =	ssyncadd.s32 $0xFFFFC000  }
0x6f: {  	s29 =	simm.s32 @p0 $0x3;
	s3 =	sshra.s32 @p0 s23, $0x2;
	_ =	swait.ge @p0 [sflag:s0], $0x4000  }
0x70: {  	s30 =	simm.s32 @p0 $0xE080;
	s3 =	sadd.s32 @p0 s3, s26;
	[sflag:s0] =	ssyncset.done @p0 $0x0  }
0x71: {  	s3 =	sadd.s32 @p0 $0x80, s3;
	[sflag:s0] =	ssyncadd.s32 @p0 $0xFFFFC000;
	s0 =	simm.s32 @p0 $0x80  }
0x72: {  	[spmem:s2] =	stream.indirect.scatter.add.f32 @p0 [tilespmem:s30], [sflag:$0x3], $0x80, s3, s0, $0xb8;
	[tilespmem:$0x1C880] =	vst v63  }
0x73: {  	s31 =	simm.s32 @!p0 $0x2;
	s0 =	sadd.s32 @!p0 s15, s28;
	_ =	swait.ge @p0 [sflag:s29], $0x4000  }
0x74: {  	s3 =	sadd.s32 @!p0 s15, s26;
	s30 =	simm.s32 @!p0 $0xA080;
	[sflag:s29] =	ssyncset.done @p0 $0x0  }
0x75: {  	s15 =	sadd.s32 @!p0 $0x100, s0;
	[sflag:s29] =	ssyncadd.s32 @p0 $0xFFFFC000;
	s29 =	simm.s32 @!p0 $0x80  }
0x76: {  	[tilespmem:s30], [sflag:$0x1] =	stream.indirect.gather @!p0 [hbm4b:s1+s29], $0x80, s15, s29, $0xb8;
	[tilespmem:$0x1C880] =	vst v63  }
0x77: {  	p1 =	sne.s32 s22, s25;
	s3 =	sadd.s32 @!p0 $0x80, s3;
	_ =	swait.ge @!p0 [sflag:s31], $0x4000  }
0x78: {  	s30 =	sadd.s32 @!p0 $0x180, s0;
	s0 =	simm.s32 @!p0 $0x3;
	[sflag:s31] =	ssyncset.done @!p0 $0x0  }
.Ltmp4:
0x79: {  	[sflag:s31] =	ssyncadd.s32 @!p0 $0xFFFFC000;
	s31 =	simm.s32 @!p0 $0xE080;
	(pc) =	sbr.rel @p1 .LBB2_3-.Ltmp4, $4  }
0x7a: {  	[spmem:s2] =	stream.indirect.scatter.add.f32 @!p0 [tilespmem:s31], [sflag:$0x3], $0x80, s3, s29, $0xb8;
	[tilespmem:$0x1C880] =	vst v63  }
0x7b: {  	_ =	swait.ge @!p0 [sflag:s0], $0x4000  }
0x7c: {  	[sflag:s0] =	ssyncset.done @!p0 $0x0  }
0x7d: {  	s26 =	sadd.s32 $0x100, s26;
	s28 =	sadd.s32 $0x100, s28;
	[sflag:s0] =	ssyncadd.s32 @!p0 $0xFFFFC000  }
.Ltmp5:
0x7e: {  	_ = 	snop;
	(pc) =	sbr.rel .LBB2_4-.Ltmp5, $1  }
0x7f: {  	_ =	sdelay $0x3  }
.LBB2_6:
0x80: {  	_ =	sfence.sel $0x180000  }
0x81: {  	[bflag:$0x0] =	sbarrier.arrive $0xFFFF  }
0x82: {  	_ =	strace $0x9000004A  }
0x83: {  	s0 =	stileid.u32;
	[bflag:$0x2] =	sbarrier.arrive $0xFFFF  }
0x84: {  	p0 =	sne.s32 s0, $0x0;
	s0 =	rddreg [dreg:$0x3]  }
0x85: {  	s0 =	sadd.s32 @!p0 $0x100000, s0  }
0x86: {  	[sflag:s0] =	ssyncadd.tile.s32 @!p0 $0x1;
	_ =	shalt  }
.Lfunc_end2:
_tile_overlayer_lowered:
.L_overlay_start_2:
0x87: {  	(tag) =	ssettag $0x2  }
0x88: {  	s0 =	rddreg [dreg:$0x0];
	s2 =	stileid.u32  }
0x89: {  	s1 =	rddreg [dreg:$0x1];
	p0 =	sne.s32 s2, $0x0  }
0x8a: {  	s3 =	rddreg [dreg:$0x2];
	[bflag:$0x3] =	sbarrier.arrive $0xFFFF;
	s2 =	simm.s32 @!p0 $0x1C03  }
0x8b: {  	[timem:s3], [sflag:s2] =	dma.local @!p0 [hbm:s0], s1  }
0x8c: {  	s0 =	simm.s32 @!p0 $0x3  }
0x8d: {  	_ =	swait.ge @!p0 [sflag:s0], s1  }
0x8e: {  	s1 =	ssub.s32 @!p0 $0x0, s1;
	[sflag:s0] =	ssyncset.done @!p0 $0x0  }
0x8f: {  	[sflag:s0] =	ssyncadd.s32 @!p0 s1  }
0x90: {  	[bflag:$0x3] =	sbarrier.arrive $0xFFFF  }
0x91: {  	_ =	shalt  }

// kernel: kernel.17.cloned.1.call-start
scs
__scs_entry_jumppad:
0x0: {  	(pc) =	sbr.rel $0x88, $3  }
0x1: {  	(tag) =	ssettag $0x0;
	lr =	simm.s32 $0x1  }
0x2: {  	[smem:$0x3F99] =	sst lr;
	_ =	strace $0xD0000000  }
0x3: {  	_ = 	snop  }
0x4: {  	_ = 	snop  }
0x5: {  	_ = 	snop  }
0x6: {  	_ = 	snop  }
0x7: {  	_ = 	snop  }
__scs_overlays_trampoline_lowered:
0x8: {  	[smem:$0x3FA8] =	sst s0  }
0x9: {  	[smem:$0x3FA9] =	sst s1  }
0xa: {  	[smem:$0x3FAA] =	sst s2  }
0xb: {  	[smem:$0x3FAB] =	sst s3  }
0xc: {  	[smem:$0x3FAC] =	sst s4  }
0xd: {  	[smem:$0x3FAD] =	sst s5  }
0xe: {  	[smem:$0x3FAE] =	sst s6  }
0xf: {  	[smem:$0x3FAF] =	sst s7  }
0x10: {  	[smem:$0x3FB0] =	sst s8  }
0x11: {  	[smem:$0x3FB1] =	sst s9;
	s0 =	simm.s32 @!p0 $0x0  }
0x12: {  	s1 =	sld [smem:$0x3F97];
	s0 =	simm.s32 @p0 $0x1  }
0x13: {  	[smem:$0x3FB2] =	sst s0;
	s0 =	simm.s32 @!p1 $0x0  }
0x14: {  	s2 =	sld [smem:$0x3F96];
	s0 =	simm.s32 @p1 $0x1  }
0x15: {  	[smem:$0x3FB3] =	sst s0;
	s0 =	simm.s32 @!p2 $0x0  }
0x16: {  	s3 =	sld [smem:$0x3FDB];
	s0 =	simm.s32 @p2 $0x1  }
0x17: {  	s4 =	simm.s32 $0x1BF5;
	[smem:$0x3FB5] =	sst s0  }
0x18: {  	s0 =	sld [smem:$0x3F98];
	_ =	swait.ge [sflag:s4], $0x0  }
0x19: {  	s7 =	sld [smem:$0x3F99]  }
0x1a: {  	s8 =	sadd.s32 $0xFFFFE003, lr  }
0x1b: {  	s9 =	sadd.s32 $0xFFFFFEF7, lr;
	s5 =	simm.s32 $0xFFFFFFFF;
	p2 =	slt.u32 s8, $0xFFFFF086  }
0x1c: {  	p1 =	slt.u32 s9, $0xF7A;
	s5 =	simm.s32 @!p2 $0x0  }
0x1d: {  	s5 =	simm.s32 @p1 $0x1;
	p0 =	seq.s32 s7, s2  }
0x1e: {  	s7 =	smul.u32 @!p0 $0xF7A, s2;
	p2 =	seq.s32 @!p0 s5, $0x0  }
0x1f: {  	s9 =	smul.u32 $0xF7A, s1;
	s8 =	simm.s32 @!p0 $0x1BF5;
	p2 =	por !p2, p0  }
0x20: {  	[sflag:s8] =	ssyncset.s32 @!p0 $0xFFFFF086;
	s6 =	sadd.s32 @!p0 s3, s7;
	s7 =	simm.s32 @!p0 $0x108  }
0x21: {  	s3 =	sadd.s32 s3, s9;
	s6 =	sadd.s32 @!p0 $0x88, s6;
	s7 =	simm.s32 @p2 $0x1082  }
0x22: {  	[simem:s7], [sflag:s8] =	dma.local @!p0 [hbm:s6], $0xF7A  }
0x23: {  	s9 =	sor.u32 $0xD0000000, s2;
	s6 =	simm.s32 $0x108;
	_ =	swait.ge @!p0 [sflag:s8], $0x0  }
0x24: {  	s3 =	sadd.s32 $0x88, s3;
	s6 =	simm.s32 @!p1 $0x1082;
	[sflag:s4] =	ssyncset.s32 $0xFFFFF086  }
0x25: {  	[simem:s6], [sflag:s4] =	dma.local [hbm:s3], $0xF7A  }
0x26: {  	[smem:$0x3F99] =	sst s1;
	(tag) =	ssettag s2;
	_ =	strace s9  }
0x27: {  	s1 =	sld [smem:$0x3FA9]  }
0x28: {  	s2 =	sld [smem:$0x3FAA]  }
0x29: {  	s4 =	sld [smem:$0x3FAC]  }
0x2a: {  	p0 =	seq.s32 s5, $0x0;
	s5 =	sld [smem:$0x3FAD]  }
0x2b: {  	s6 =	sld [smem:$0x3FAE]  }
0x2c: {  	s7 =	sld [smem:$0x3FAF]  }
0x2d: {  	s3 =	simm.s32 $0x108;
	s8 =	sld [smem:$0x3FB0]  }
0x2e: {  	s3 =	simm.s32 @!p0 $0x1082;
	s9 =	sld [smem:$0x3FB1]  }
0x2f: {  	lr =	sadd.s32 s0, s3;
	s0 =	sld [smem:$0x3FA8]  }
0x30: {  	s3 =	sld [smem:$0x3FAB]  }
0x31: {  	[smem:$0x3FB4] =	sst s10  }
0x32: {  	s10 =	sld [smem:$0x3FB2];
	_ =	sdelay $0x3  }
0x33: {  	p0 =	seq.s32 s10, $0x1;
	s10 =	sld [smem:$0x3FB4];
	_ =	sdelay $0x3  }
0x34: {  	[smem:$0x3FB4] =	sst s10  }
0x35: {  	s10 =	sld [smem:$0x3FB3];
	_ =	sdelay $0x3  }
0x36: {  	p1 =	seq.s32 s10, $0x1;
	s10 =	sld [smem:$0x3FB4];
	_ =	sdelay $0x3  }
0x37: {  	[smem:$0x3FB4] =	sst s10  }
0x38: {  	s10 =	sld [smem:$0x3FB5]  }
0x39: {  	_ = 	snop;
	(pc) =	sbr.ind lr, $3  }
0x3a: {  	_ = 	snop  }
0x3b: {  	_ = 	snop  }
0x3c: {  	p2 =	seq.s32 s10, $0x1;
	s10 =	sld [smem:$0x3FB4]  }
0x3d: {  	_ =	shalt  }
0x3e: {  	_ =	shalt  }
0x3f: {  	_ =	shalt  }
0x40: {  	_ =	shalt  }
0x41: {  	_ =	shalt  }
0x42: {  	_ =	shalt  }
0x43: {  	_ =	shalt  }
0x44: {  	_ =	shalt  }
0x45: {  	_ =	shalt  }
0x46: {  	_ =	shalt  }
0x47: {  	_ =	shalt  }
0x48: {  	_ =	shalt  }
0x49: {  	_ =	shalt  }
0x4a: {  	_ =	shalt  }
0x4b: {  	_ =	shalt  }
0x4c: {  	_ =	shalt  }
0x4d: {  	_ =	shalt  }
0x4e: {  	_ =	shalt  }
0x4f: {  	_ =	shalt  }
0x50: {  	_ =	shalt  }
0x51: {  	_ =	shalt  }
0x52: {  	_ =	shalt  }
0x53: {  	_ =	shalt  }
0x54: {  	_ =	shalt  }
0x55: {  	_ =	shalt  }
0x56: {  	_ =	shalt  }
0x57: {  	_ =	shalt  }
0x58: {  	_ =	shalt  }
0x59: {  	_ =	shalt  }
0x5a: {  	_ =	shalt  }
0x5b: {  	_ =	shalt  }
0x5c: {  	_ =	shalt  }
0x5d: {  	_ =	shalt  }
0x5e: {  	_ =	shalt  }
0x5f: {  	_ =	shalt  }
0x60: {  	_ =	shalt  }
0x61: {  	_ =	shalt  }
0x62: {  	_ =	shalt  }
0x63: {  	_ =	shalt  }
0x64: {  	_ =	shalt  }
0x65: {  	_ =	shalt  }
0x66: {  	_ =	shalt  }
0x67: {  	_ =	shalt  }
0x68: {  	_ =	shalt  }
0x69: {  	_ =	shalt  }
0x6a: {  	_ =	shalt  }
0x6b: {  	_ =	shalt  }
0x6c: {  	_ =	shalt  }
0x6d: {  	_ =	shalt  }
0x6e: {  	_ =	shalt  }
0x6f: {  	_ =	shalt  }
0x70: {  	_ =	shalt  }
0x71: {  	_ =	shalt  }
0x72: {  	_ =	shalt  }
0x73: {  	_ =	shalt  }
0x74: {  	_ =	shalt  }
0x75: {  	_ =	shalt  }
0x76: {  	_ =	shalt  }
0x77: {  	_ =	shalt  }
0x78: {  	_ =	shalt  }
0x79: {  	_ =	shalt  }
0x7a: {  	_ =	shalt  }
0x7b: {  	_ =	shalt  }
0x7c: {  	_ =	shalt  }
0x7d: {  	_ =	shalt  }
0x7e: {  	_ =	shalt  }
0x7f: {  	_ =	shalt  }
0x80: {  	_ =	shalt  }
0x81: {  	_ =	shalt  }
0x82: {  	_ =	shalt  }
0x83: {  	_ =	shalt  }
0x84: {  	_ =	shalt  }
0x85: {  	_ =	shalt  }
0x86: {  	_ =	shalt  }
0x87: {  	_ =	shalt  }
.Lfunc_end0:
.L_simem_size_0:
called_computation.2_lowered:
.L_overlay_start_0:
0x88: {  	s2 =	sld [smem:$0x3FD9]  }
0x89: {  	s3 =	sld [smem:$0x3FFE];
	_ =	sdelay $0x1  }
0x8a: {  	s1 =	srdreg.scid  }
0x8b: {  	s0 =	sand.u32 $0x1, s1  }
0x8c: {  	s17 =	sshll.u32 s0, $0xA;
	s2 =	sadd.s32 s3, s2  }
0x8d: {  	s2 =	sadd.s32 s2, s17  }
0x8e: {  	[smem:$0x3FC0] =	sst s2  }
0x8f: {  	_ = 	snop  }
0x90: {  	s2 =	sld [smem:$0x3FD0];
	(tm) =	ssettm $0x1  }
0x91: {  	s18 =	sld [smem:$0x3FFB];
	_ =	sdelay $0x3  }
0x92: {  	_ =	strace s18  }
0x93: {  	s3 =	sld [smem:$0x3FFC];
	_ =	sdelay $0x3  }
0x94: {  	_ =	strace s3  }
0x95: {  	s3 =	sld [smem:$0x3FFD];
	_ =	sdelay $0x3  }
0x96: {  	_ =	strace s3  }
0x97: {  	_ =	strace $0x8FFFFFFF  }
0x98: {  	s19 =	sld [smem:$0x3FDB];
	_ =	sdelay $0x1  }
0x99: {  	s4 =	simm.s32 $_scs_section_size  }
0x9a: {  	s5 =	simm.s32 $_size__tile_overlayer_lowered;
	s6 =	simm.s32 $_tile_overlayer_lowered  }
0x9b: {  	s22 =	simm.s32 $0x1BFF;
	s21 =	sshll.u32 s6, $0x1;
	s3 =	sadd.s32 s4, s19  }
0x9c: {  	s7 =	simm.s32 $0x0;
	s20 =	sshll.u32 s5, $0x1;
	s5 =	sadd.s32 s21, s3  }
0x9d: {  	[timem:s7], [sflag:s22] =	dma.local [hbm:s5], s20  }
0x9e: {  	_ =	swait.ge [sflag:s22], s20  }
0x9f: {  	s4 =	ssub.s32 $0x0, s20;
	[sflag:s22] =	ssyncset.done $0x0  }
0xa0: {  	[sflag:s22] =	ssyncadd.s32 s4;
	_ =	sdelay $0x1  }
0xa1: {  	s23 =	simm.s32 $0x1B8B  }
0xa2: {  	_ =	swait.ge [sflag:s23], $0x1  }
0xa3: {  	[sflag:s23] =	ssyncset.done $0x0  }
0xa4: {  	s25 =	simm.s32 $0x1B8E;
	s24 =	sld [smem:$0x3FFE];
	[sflag:s23] =	ssyncadd.s32 $0xFFFFFFFF  }
0xa5: {  	s26 =	simm.s32 $execute0_lowered;
	[smem:$0x3FD2] =	sst s25  }
0xa6: {  	s5 =	sshll.u32 s26, $0x1;
	_ =	strace $0x8000004C;
	[dreg:$0x1] =	wrdreg $0xFFFFFFFF  }
0xa7: {  	s28 =	simm.s32 $_size_execute0_lowered;
	s3 =	sadd.s32 s3, s5;
	[dreg:$0x0] =	wrdreg $0x0  }
0xa8: {  	s5 =	sshll.u32 s28, $0x1;
	[dreg:$0x2] =	wrdreg s3  }
0xa9: {  	[dreg:$0x3] =	wrdreg s5  }
0xaa: {  	[dreg:$0x4] =	wrdreg $0xC0  }
0xab: {  	_ =	task [dreg:s7], $0x5FFFF  }
0xac: {  	[dreg:$0x1] =	wrdreg $0xFFFFFFFF  }
0xad: {  	[dreg:$0x0] =	wrdreg $0x60  }
0xae: {  	[dreg:$0x2] =	wrdreg s24  }
0xaf: {  	[dreg:$0x3] =	wrdreg s2  }
0xb0: {  	[dreg:$0x4] =	wrdreg $0x120800  }
0xb1: {  	[dreg:$0x5] =	wrdreg $0x9  }
0xb2: {  	_ =	task.clear_ibuf [dreg:s7], $0x6FFFF;
	_ =	strace $0x9000004C  }
0xb3: {  	s29 =	simm.s32 $0x9;
	_ =	strace $0x8000004E  }
0xb4: {  	_ =	swait.ge [sflag:s29], $0x1  }
0xb5: {  	[sflag:s29] =	ssyncadd.s32 $0xFFFFFFFF  }
0xb6: {  	_ =	strace $0x9000004E  }
0xb7: {  	_ =	sfence  }
0xb8: {  	s30 =	sld [smem:$0x0];
	_ =	sdelay $0x2  }
0xb9: {  	s31 =	sshll.u32 s1, $0xD;
	s1 =	sshrl.u32 s1, $0x2  }
0xba: {  	s3 =	sand.u32 $0x4000, s31;
	s1 =	sadd.s32 s1, s30  }
0xbb: {  	s0 =	sor.u32 s3, s0;
	s1 =	sshll.u32 s1, $0x11  }
0xbc: {  	s0 =	sor.u32 s1, s0  }
0xbd: {  	s0 =	sadd.s32 $0x8F2B, s0  }
0xbe: {  	[sflag:s0] =	ssyncadd.remote.s32 $0x1  }
0xbf: {  	_ =	sfence.sel $0xFFFF  }
0xc0: {  	[dreg:$0x0] =	wrdreg $0xFFFFFFFF;
	(pc) =	sbr.abs _section_cstart, $3  }
0xc1: {  	[dreg:$0x1] =	wrdreg $0xFFFFFFFF  }
0xc2: {  	_ =	task.clear_ibuf [dreg:s7], $0x2FFFF;
	_ =	strace $0x9FFFFFFF  }
0xc3: {  	(tm) =	ssettm $0x7FFFFFFF  }
tec
execute0_lowered:
.L_overlay_start_1:
0x0: {  	(tag) =	ssettag $0x1  }
0x1: {  	s8 =	rddreg [dreg:$0x0]  }
0x2: {  	s1 =	rddreg [dreg:$0x1]  }
0x3: {  	s2 =	rddreg [dreg:$0x2];
	s3 =	srdreg.scid  }
0x4: {  	s4 =	simm.s32 $0x0;
	s0 =	stileid.u32;
	s16 =	simm.s32 $0x3  }
0x5: {  	s17 =	simm.s32 $0x5000;
	s18 =	simm.s32 $0xA080;
	s19 =	simm.s32 $0x1  }
0x6: {  	s20 =	simm.s32 $0x80;
	s21 =	simm.s32 $0x0;
	s10 =	sand.u32 $0x1, s3  }
0x7: {  	[smem:$0x7FF] =	sst s4;
	s9 =	smul.u32 $0xA800, s0;
	s5 =	sadd.s32 $0x4400, s8  }
0x8: {  	s11 =	sshll.u32 s0, $0x4;
	s6 =	sadd.s32 $0xE400, s8;
	s12 =	smul.u32 $0x2A000, s0  }
0x9: {  	s7 =	smul.u32 $0xA8000, s10;
	_ =	strace $0x8000004D;
	s11 =	sadd.s32 s11, s8  }
0xa: {  	s29 =	ssub.s32 $0x2, s10;
	s30 =	sshll.u32 s10, $0x8;
	s10 =	smul.u32 $0x50000, s10  }
.Ltmp0:
0xb: {  	s14 =	sshrl.u32 s29, $0x1;
	s9 =	sadd.s32 s9, s7;
	(pc) =	sbr.rel .LBB2_1-.Ltmp0, $4  }
0xc: {  	s31 =	sshrl.u32 s12, $0x2;
	s7 =	sadd.s32 $0x22400, s8;
	s9 =	sshrl.u32 s9, $0x3  }
0xd: {  	s14 =	ssub.s32 s29, s14;
	s13 =	sadd.s32 s9, s8;
	s9 =	sadd.s32 s30, s11  }
0xe: {  	s14 =	smax.u32 s14, $0x1;
	s8 =	sadd.s32 $0x4200, s9;
	s9 =	sadd.s32 s31, s2  }
0xf: {  	s13 =	sadd.s32 $0x4CC00, s13;
	s11 =	sadd.s32 $0x4000, s9;
	s12 =	sadd.s32 $0x8000, s9  }
.LBB2_4:
0x10: {  	[tilespmem:s31], [sflag:$0x2] =	stream.indirect.gather @!p0 [hbm4b:s1+s29], $0x80, s30, s29, $0xb8;
	[tilespmem:$0x1C880] =	vst v63  }
.LBB2_5:
0x11: {  	s0 =	stileid.u32;
	s21 =	sadd.s32 $0x1, s21  }
0x12: {  	[bflag:$0x0] =	sbarrier.arrive $0xFFFF;
	s0 =	sshll.u32 s0, $0x6;
	p0 =	sne.s32 s21, s14  }
.Ltmp1:
0x13: {  	s3 =	sshrl.u32 s9, $0x3;
	s0 =	sor.u32 $0x1C03, s0;
	(pc) =	sbr.rel @!p0 .LBB2_6-.Ltmp1, $4  }
0x14: {  	[hbm:s13], [sflag:s0] =	dma.local [spmem:s3], $0x1500  }
0x15: {  	_ =	swait.ge [sflag:s16], $0x1500  }
0x16: {  	[sflag:s16] =	ssyncset.done $0x0  }
0x17: {  	[sflag:s16] =	ssyncadd.s32 $0xFFFFEB00  }
.LBB2_1:
0x18: {  	s0 =	simm.s32 $0xA000  }
0x19: {  	[tilespmem:s0], [sflag:$0x3] =	stream.linear.gather [hbm4b:s8+s4], $0x80, $0x38;
	[tilespmem:$0x1C880] =	vst v63  }
0x1a: {  	_ =	swait.ge [sflag:s16], $0x80  }
0x1b: {  	[sflag:s16] =	ssyncset.done $0x0  }
0x1c: {  	[sflag:s16] =	ssyncadd.s32 $0xFFFFFF80  }
0x1d: {  	v0 =	vld [tilespmem:$0xA000];
	_ =	sdelay $0x4  }
0x1e: {  	(v2sf) =	vpush v0, $0x0;
	_ =	sdelay $0x5  }
0x1f: {  	(v2sf) =	vpush v0, $0x1;
	_ =	sdelay $0x8  }
0x20: {  	s23 =	spop (v2sf)  }
0x21: {  	p0 =	slt.s32 s23, $0x960;
	s24 =	smov.u32 s23  }
0x22: {  	s24 =	simm.s32 @!p0 $0x960  }
0x23: {  	s22 =	sshll.u32 s24, $0x7  }
0x24: {  	s22 =	sand.u32 $0x7FFFFC00, s22  }
0x25: {  	s25 =	sshrl.u32 s22, $0x3  }
0x26: {  	s26 =	spop (v2sf);
	s25 =	sadd.s32 s5, s25  }
0x27: {  	[tilespmem:s4], [sflag:$0x3] =	stream.linear.gather [hbm4b:s25+s4], $0x5000, $0x38;
	[tilespmem:$0x1C880] =	vst v63  }
0x28: {  	s22 =	sadd.s32 s10, s22;
	_ =	swait.ge [sflag:s16], $0x5000  }
0x29: {  	s22 =	sshrl.u32 s22, $0x3;
	[sflag:s16] =	ssyncset.done $0x0  }
0x2a: {  	s22 =	sadd.s32 s6, s22;
	[sflag:s16] =	ssyncadd.s32 $0xFFFFB000  }
0x2b: {  	[tilespmem:s17], [sflag:$0x3] =	stream.linear.gather [hbm4b:s22+s4], $0x5000, $0x38;
	[tilespmem:$0x1C880] =	vst v63  }
0x2c: {  	_ =	swait.ge [sflag:s16], $0x5000  }
0x2d: {  	[sflag:s16] =	ssyncset.done $0x0  }
0x2e: {  	[sflag:s16] =	ssyncadd.s32 $0xFFFFB000  }
0x2f: {  	[tilespmem:s18], [sflag:$0x3] =	stream.linear.gather [hbm4b:s7+s4], $0x4000, $0x38;
	[tilespmem:$0x1C880] =	vst v63  }
0x30: {  	_ =	swait.ge [sflag:s16], $0x4000  }
0x31: {  	[sflag:s16] =	ssyncset.done $0x0  }
0x32: {  	[sflag:s16] =	ssyncadd.s32 $0xFFFFC000  }
0x33: {  	[spmem:s9] =	stream.linear.scatter [tilespmem:s18], [sflag:$0x3], $0x4000, $0x38;
	[tilespmem:$0x1C880] =	vst v63  }
0x34: {  	_ =	swait.ge [sflag:s16], $0x4000  }
0x35: {  	[sflag:s16] =	ssyncset.done $0x0  }
0x36: {  	[sflag:s16] =	ssyncadd.s32 $0xFFFFC000  }
0x37: {  	[spmem:s11] =	stream.linear.scatter [tilespmem:s18], [sflag:$0x3], $0x4000, $0x38;
	[tilespmem:$0x1C880] =	vst v63  }
0x38: {  	_ =	swait.ge [sflag:s16], $0x4000  }
0x39: {  	[sflag:s16] =	ssyncset.done $0x0  }
0x3a: {  	[sflag:s16] =	ssyncadd.s32 $0xFFFFC000  }
0x3b: {  	[spmem:s12] =	stream.linear.scatter [tilespmem:s18], [sflag:$0x3], $0x2800, $0x38;
	[tilespmem:$0x1C880] =	vst v63  }
0x3c: {  	_ =	swait.ge [sflag:s16], $0x2800  }
0x3d: {  	p0 =	slt.s32 s26, $0x1;
	s22 =	ssub.s32 s23, s24;
	[sflag:s16] =	ssyncset.done $0x0  }
0x3e: {  	s28 =	simm.s32 @!p0 $0xA080;
	s22 =	sshll.u32 @!p0 s22, $0x9;
	[sflag:s16] =	ssyncadd.s32 $0xFFFFD800  }
0x3f: {  	s25 =	simm.s32 @!p0 $0x80;
	s22 =	sshra.s32 @!p0 s22, $0x2;
	[bflag:$0x0] =	sbarrier.arrive $0xFFFF  }
0x40: {  	[tilespmem:s28], [sflag:$0x1] =	stream.indirect.gather @!p0 [hbm4b:s1+s25], $0x80, s22, s25, $0xb8;
	[tilespmem:$0x1C880] =	vst v63  }
0x41: {  	s22 =	sadd.s32 @!p0 $0x80, s22;
	s28 =	simm.s32 @!p0 $0xE080  }
0x42: {  	[tilespmem:s28], [sflag:$0x2] =	stream.indirect.gather @!p0 [hbm4b:s1+s25], $0x80, s22, s25, $0xb8;
	[tilespmem:$0x1C880] =	vst v63  }
0x43: {  	p0 =	sgt.s32 s26, $0x0;
	s22 =	simm.s32 $0x1  }
0x44: {  	s29 =	sshra.s32 s26, $0x1F;
	s22 =	simm.s32 @!p0 $0x0  }
0x45: {  	s30 =	sand.u32 $0x1, s26;
	s22 =	sadd.s32 s22, s29  }
0x46: {  	p1 =	seq.s32 s30, $0x1;
	p6 =	sne.s32 s22, $0x1  }
0x47: {  	s31 =	sshrl.u32 s26, $0x1F;
	p0 =	por !p6, !p1  }
0x48: {  	s25 =	simm.s32 $0x1;
	s22 =	sadd.s32 s31, s26;
	p0 =	por !p0, !p0  }
0x49: {  	s22 =	sshra.s32 s22, $0x1;
	s25 =	simm.s32 @!p0 $0x0  }
0x4a: {  	s22 =	ssub.s32 s22, s25  }
0x4b: {  	p0 =	slt.s32 s22, $0x1  }
.Ltmp2:
0x4c: {  	_ = 	snop;
	(pc) =	sbr.rel @p0 .LBB2_5-.Ltmp2, $1  }
0x4d: {  	_ =	sdelay $0x3  }
0x4e: {  	s23 =	sshll.u32 s23, $0x9  }
0x4f: {  	s24 =	sshll.u32 s24, $0x9;
	s25 =	sshra.s32 s23, $0x2  }
0x50: {  	s24 =	ssub.s32 $0x0, s24;
	[dreg:$0x4] =	wrdreg s25  }
0x51: {  	s28 =	sshra.s32 s24, $0x2;
	_ =	swait.ge [sflag:s19], $0x4000  }
0x52: {  	s26 =	sadd.s32 $0x5000, s28;
	s15 =	rddreg [dreg:$0x4];
	[sflag:s19] =	ssyncset.done $0x0  }
0x53: {  	[sflag:s19] =	ssyncadd.s32 $0xFFFFC000;
	s25 =	sadd.s32 s15, s26  }
0x54: {  	[spmem:s2] =	stream.indirect.scatter.add.f32 [tilespmem:s18], [sflag:$0x3], $0x80, s25, s20, $0xb8;
	[tilespmem:$0x1C880] =	vst v63  }
0x55: {  	s24 =	sadd.s32 $0xFFFFFFFF, s22;
	_ =	swait.ge [sflag:s16], $0x4000  }
0x56: {  	p0 =	sle.s32 s24, $0x0;
	[sflag:s16] =	ssyncset.done $0x0  }
0x57: {  	s25 =	simm.s32 @p0 $0x2;
	[sflag:s16] =	ssyncadd.s32 $0xFFFFC000  }
0x58: {  	s29 =	sshra.s32 @p0 s23, $0x2;
	s31 =	simm.s32 @p0 $0x3;
	_ =	swait.ge @p0 [sflag:s25], $0x4000  }
0x59: {  	s0 =	simm.s32 @p0 $0xE080;
	s29 =	sadd.s32 @p0 s29, s26;
	[sflag:s25] =	ssyncset.done @p0 $0x0  }
0x5a: {  	s29 =	sadd.s32 @p0 $0x80, s29;
	[sflag:s25] =	ssyncadd.s32 @p0 $0xFFFFC000;
	s25 =	simm.s32 @p0 $0x80  }
0x5b: {  	[spmem:s2] =	stream.indirect.scatter.add.f32 @p0 [tilespmem:s0], [sflag:$0x3], $0x80, s29, s25, $0xb8;
	[tilespmem:$0x1C880] =	vst v63  }
0x5c: {  	s30 =	sshra.s32 @!p0 s23, $0x2;
	s15 =	simm.s32 @!p0 $0x2;
	_ =	swait.ge @p0 [sflag:s31], $0x4000  }
0x5d: {  	s0 =	sadd.s32 @!p0 s30, s28;
	s29 =	simm.s32 @!p0 $0x80;
	[sflag:s31] =	ssyncset.done @p0 $0x0  }
0x5e: {  	s25 =	sadd.s32 @!p0 $0x100, s0;
	[sflag:s31] =	ssyncadd.s32 @p0 $0xFFFFC000;
	s31 =	simm.s32 @!p0 $0xA080  }
0x5f: {  	[tilespmem:s31], [sflag:$0x1] =	stream.indirect.gather @!p0 [hbm4b:s1+s29], $0x80, s25, s29, $0xb8;
	[tilespmem:$0x1C880] =	vst v63  }
0x60: {  	p1 =	sne.s32 s22, $0x1;
	s3 =	simm.s32 @!p0 $0x3;
	_ =	swait.ge @!p0 [sflag:s15], $0x4000  }
0x61: {  	s25 =	sadd.s32 @!p0 s30, s26;
	s31 =	simm.s32 @!p0 $0xE080;
	[sflag:s15] =	ssyncset.done @!p0 $0x0  }
.Ltmp3:
0x62: {  	s25 =	sadd.s32 @!p0 $0x80, s25;
	[sflag:s15] =	ssyncadd.s32 @!p0 $0xFFFFC000;
	(pc) =	sbr.rel @!p1 .LBB2_4-.Ltmp3, $4  }
0x63: {  	[spmem:s2] =	stream.indirect.scatter.add.f32 @!p0 [tilespmem:s31], [sflag:$0x3], $0x80, s25, s29, $0xb8;
	[tilespmem:$0x1C880] =	vst v63  }
0x64: {  	_ =	swait.ge @!p0 [sflag:s3], $0x4000  }
0x65: {  	s28 =	sadd.s32 $0x100, s28;
	s30 =	sadd.s32 @!p0 $0x180, s0;
	[sflag:s3] =	ssyncset.done @!p0 $0x0  }
0x66: {  	s26 =	sadd.s32 $0x100, s26;
	s25 =	simm.s32 $0x1;
	[sflag:s3] =	ssyncadd.s32 @!p0 $0xFFFFC000  }
.LBB2_3:
0x67: {  	[tilespmem:s31], [sflag:$0x2] =	stream.indirect.gather @!p0 [hbm4b:s1+s29], $0x80, s30, s29, $0xb8;
	[tilespmem:$0x1C880] =	vst v63  }
0x68: {  	_ =	swait.ge [sflag:s19], $0x4000  }
0x69: {  	s3 =	rddreg [dreg:$0x4];
	[sflag:s19] =	ssyncset.done $0x0  }
0x6a: {  	[sflag:s19] =	ssyncadd.s32 $0xFFFFC000;
	s3 =	sadd.s32 s3, s26  }
0x6b: {  	[spmem:s2] =	stream.indirect.scatter.add.f32 [tilespmem:s18], [sflag:$0x3], $0x80, s3, s20, $0xb8;
	[tilespmem:$0x1C880] =	vst v63  }
0x6c: {  	s0 =	smov.u32 s25;
	_ =	swait.ge [sflag:s16], $0x4000  }
0x6d: {  	s25 =	sadd.s32 $0x1, s25;
	p0 =	sge.s32 s0, s24;
	[sflag:s16] =	ssyncset.done $0x0  }
0x6e: {  	s0 =	simm.s32 @p0 $0x2;
	s15 =	sshra.s32 @!p0 s23, $0x2;
	[sflag:s16] =	ssyncadd.s32 $0xFFFFC000  }
0x6f: {  	s29 =	simm.s32 @p0 $0x3;
	s3 =	sshra.s32 @p0 s23, $0x2;
	_ =	swait.ge @p0 [sflag:s0], $0x4000  }
0x70: {  	s30 =	simm.s32 @p0 $0xE080;
	s3 =	sadd.s32 @p0 s3, s26;
	[sflag:s0] =	ssyncset.done @p0 $0x0  }
0x71: {  	s3 =	sadd.s32 @p0 $0x80, s3;
	[sflag:s0] =	ssyncadd.s32 @p0 $0xFFFFC000;
	s0 =	simm.s32 @p0 $0x80  }
0x72: {  	[spmem:s2] =	stream.indirect.scatter.add.f32 @p0 [tilespmem:s30], [sflag:$0x3], $0x80, s3, s0, $0xb8;
	[tilespmem:$0x1C880] =	vst v63  }
0x73: {  	s31 =	simm.s32 @!p0 $0x2;
	s0 =	sadd.s32 @!p0 s15, s28;
	_ =	swait.ge @p0 [sflag:s29], $0x4000  }
0x74: {  	s3 =	sadd.s32 @!p0 s15, s26;
	s30 =	simm.s32 @!p0 $0xA080;
	[sflag:s29] =	ssyncset.done @p0 $0x0  }
0x75: {  	s15 =	sadd.s32 @!p0 $0x100, s0;
	[sflag:s29] =	ssyncadd.s32 @p0 $0xFFFFC000;
	s29 =	simm.s32 @!p0 $0x80  }
0x76: {  	[tilespmem:s30], [sflag:$0x1] =	stream.indirect.gather @!p0 [hbm4b:s1+s29], $0x80, s15, s29, $0xb8;
	[tilespmem:$0x1C880] =	vst v63  }
0x77: {  	p1 =	sne.s32 s22, s25;
	s3 =	sadd.s32 @!p0 $0x80, s3;
	_ =	swait.ge @!p0 [sflag:s31], $0x4000  }
0x78: {  	s30 =	sadd.s32 @!p0 $0x180, s0;
	s0 =	simm.s32 @!p0 $0x3;
	[sflag:s31] =	ssyncset.done @!p0 $0x0  }
.Ltmp4:
0x79: {  	[sflag:s31] =	ssyncadd.s32 @!p0 $0xFFFFC000;
	s31 =	simm.s32 @!p0 $0xE080;
	(pc) =	sbr.rel @p1 .LBB2_3-.Ltmp4, $4  }
0x7a: {  	[spmem:s2] =	stream.indirect.scatter.add.f32 @!p0 [tilespmem:s31], [sflag:$0x3], $0x80, s3, s29, $0xb8;
	[tilespmem:$0x1C880] =	vst v63  }
0x7b: {  	_ =	swait.ge @!p0 [sflag:s0], $0x4000  }
0x7c: {  	[sflag:s0] =	ssyncset.done @!p0 $0x0  }
0x7d: {  	s26 =	sadd.s32 $0x100, s26;
	s28 =	sadd.s32 $0x100, s28;
	[sflag:s0] =	ssyncadd.s32 @!p0 $0xFFFFC000  }
.Ltmp5:
0x7e: {  	_ = 	snop;
	(pc) =	sbr.rel .LBB2_4-.Ltmp5, $1  }
0x7f: {  	_ =	sdelay $0x3  }
.LBB2_6:
0x80: {  	_ =	sfence.sel $0x180000  }
0x81: {  	[bflag:$0x0] =	sbarrier.arrive $0xFFFF  }
0x82: {  	_ =	strace $0x9000004D  }
0x83: {  	s0 =	stileid.u32;
	[bflag:$0x2] =	sbarrier.arrive $0xFFFF  }
0x84: {  	p0 =	sne.s32 s0, $0x0;
	s0 =	rddreg [dreg:$0x3]  }
0x85: {  	s0 =	sadd.s32 @!p0 $0x100000, s0  }
0x86: {  	[sflag:s0] =	ssyncadd.tile.s32 @!p0 $0x1;
	_ =	shalt  }
.Lfunc_end2:
_tile_overlayer_lowered:
.L_overlay_start_2:
0x87: {  	(tag) =	ssettag $0x2  }
0x88: {  	s0 =	rddreg [dreg:$0x0];
	s2 =	stileid.u32  }
0x89: {  	s1 =	rddreg [dreg:$0x1];
	p0 =	sne.s32 s2, $0x0  }
0x8a: {  	s3 =	rddreg [dreg:$0x2];
	[bflag:$0x3] =	sbarrier.arrive $0xFFFF;
	s2 =	simm.s32 @!p0 $0x1C03  }
0x8b: {  	[timem:s3], [sflag:s2] =	dma.local @!p0 [hbm:s0], s1  }
0x8c: {  	s0 =	simm.s32 @!p0 $0x3  }
0x8d: {  	_ =	swait.ge @!p0 [sflag:s0], s1  }
0x8e: {  	s1 =	ssub.s32 @!p0 $0x0, s1;
	[sflag:s0] =	ssyncset.done @!p0 $0x0  }
0x8f: {  	[sflag:s0] =	ssyncadd.s32 @!p0 s1  }
0x90: {  	[bflag:$0x3] =	sbarrier.arrive $0xFFFF  }
0x91: {  	_ =	shalt  }

// kernel: kernel.20.cloned.1.call-start
scs
__scs_entry_jumppad:
0x0: {  	(pc) =	sbr.rel $0x88, $3  }
0x1: {  	(tag) =	ssettag $0x0;
	lr =	simm.s32 $0x1  }
0x2: {  	[smem:$0x3F99] =	sst lr;
	_ =	strace $0xD0000000  }
0x3: {  	_ = 	snop  }
0x4: {  	_ = 	snop  }
0x5: {  	_ = 	snop  }
0x6: {  	_ = 	snop  }
0x7: {  	_ = 	snop  }
__scs_overlays_trampoline_lowered:
0x8: {  	[smem:$0x3FA8] =	sst s0  }
0x9: {  	[smem:$0x3FA9] =	sst s1  }
0xa: {  	[smem:$0x3FAA] =	sst s2  }
0xb: {  	[smem:$0x3FAB] =	sst s3  }
0xc: {  	[smem:$0x3FAC] =	sst s4  }
0xd: {  	[smem:$0x3FAD] =	sst s5  }
0xe: {  	[smem:$0x3FAE] =	sst s6  }
0xf: {  	[smem:$0x3FAF] =	sst s7  }
0x10: {  	[smem:$0x3FB0] =	sst s8  }
0x11: {  	[smem:$0x3FB1] =	sst s9;
	s0 =	simm.s32 @!p0 $0x0  }
0x12: {  	s1 =	sld [smem:$0x3F97];
	s0 =	simm.s32 @p0 $0x1  }
0x13: {  	[smem:$0x3FB2] =	sst s0;
	s0 =	simm.s32 @!p1 $0x0  }
0x14: {  	s2 =	sld [smem:$0x3F96];
	s0 =	simm.s32 @p1 $0x1  }
0x15: {  	[smem:$0x3FB3] =	sst s0;
	s0 =	simm.s32 @!p2 $0x0  }
0x16: {  	s3 =	sld [smem:$0x3FDB];
	s0 =	simm.s32 @p2 $0x1  }
0x17: {  	s4 =	simm.s32 $0x1BF5;
	[smem:$0x3FB5] =	sst s0  }
0x18: {  	s0 =	sld [smem:$0x3F98];
	_ =	swait.ge [sflag:s4], $0x0  }
0x19: {  	s7 =	sld [smem:$0x3F99]  }
0x1a: {  	s8 =	sadd.s32 $0xFFFFE003, lr  }
0x1b: {  	s9 =	sadd.s32 $0xFFFFFEF7, lr;
	s5 =	simm.s32 $0xFFFFFFFF;
	p2 =	slt.u32 s8, $0xFFFFF086  }
0x1c: {  	p1 =	slt.u32 s9, $0xF7A;
	s5 =	simm.s32 @!p2 $0x0  }
0x1d: {  	s5 =	simm.s32 @p1 $0x1;
	p0 =	seq.s32 s7, s2  }
0x1e: {  	s7 =	smul.u32 @!p0 $0xF7A, s2;
	p2 =	seq.s32 @!p0 s5, $0x0  }
0x1f: {  	s9 =	smul.u32 $0xF7A, s1;
	s8 =	simm.s32 @!p0 $0x1BF5;
	p2 =	por !p2, p0  }
0x20: {  	[sflag:s8] =	ssyncset.s32 @!p0 $0xFFFFF086;
	s6 =	sadd.s32 @!p0 s3, s7;
	s7 =	simm.s32 @!p0 $0x108  }
0x21: {  	s3 =	sadd.s32 s3, s9;
	s6 =	sadd.s32 @!p0 $0x88, s6;
	s7 =	simm.s32 @p2 $0x1082  }
0x22: {  	[simem:s7], [sflag:s8] =	dma.local @!p0 [hbm:s6], $0xF7A  }
0x23: {  	s9 =	sor.u32 $0xD0000000, s2;
	s6 =	simm.s32 $0x108;
	_ =	swait.ge @!p0 [sflag:s8], $0x0  }
0x24: {  	s3 =	sadd.s32 $0x88, s3;
	s6 =	simm.s32 @!p1 $0x1082;
	[sflag:s4] =	ssyncset.s32 $0xFFFFF086  }
0x25: {  	[simem:s6], [sflag:s4] =	dma.local [hbm:s3], $0xF7A  }
0x26: {  	[smem:$0x3F99] =	sst s1;
	(tag) =	ssettag s2;
	_ =	strace s9  }
0x27: {  	s1 =	sld [smem:$0x3FA9]  }
0x28: {  	s2 =	sld [smem:$0x3FAA]  }
0x29: {  	s4 =	sld [smem:$0x3FAC]  }
0x2a: {  	p0 =	seq.s32 s5, $0x0;
	s5 =	sld [smem:$0x3FAD]  }
0x2b: {  	s6 =	sld [smem:$0x3FAE]  }
0x2c: {  	s7 =	sld [smem:$0x3FAF]  }
0x2d: {  	s3 =	simm.s32 $0x108;
	s8 =	sld [smem:$0x3FB0]  }
0x2e: {  	s3 =	simm.s32 @!p0 $0x1082;
	s9 =	sld [smem:$0x3FB1]  }
0x2f: {  	lr =	sadd.s32 s0, s3;
	s0 =	sld [smem:$0x3FA8]  }
0x30: {  	s3 =	sld [smem:$0x3FAB]  }
0x31: {  	[smem:$0x3FB4] =	sst s10  }
0x32: {  	s10 =	sld [smem:$0x3FB2];
	_ =	sdelay $0x3  }
0x33: {  	p0 =	seq.s32 s10, $0x1;
	s10 =	sld [smem:$0x3FB4];
	_ =	sdelay $0x3  }
0x34: {  	[smem:$0x3FB4] =	sst s10  }
0x35: {  	s10 =	sld [smem:$0x3FB3];
	_ =	sdelay $0x3  }
0x36: {  	p1 =	seq.s32 s10, $0x1;
	s10 =	sld [smem:$0x3FB4];
	_ =	sdelay $0x3  }
0x37: {  	[smem:$0x3FB4] =	sst s10  }
0x38: {  	s10 =	sld [smem:$0x3FB5]  }
0x39: {  	_ = 	snop;
	(pc) =	sbr.ind lr, $3  }
0x3a: {  	_ = 	snop  }
0x3b: {  	_ = 	snop  }
0x3c: {  	p2 =	seq.s32 s10, $0x1;
	s10 =	sld [smem:$0x3FB4]  }
0x3d: {  	_ =	shalt  }
0x3e: {  	_ =	shalt  }
0x3f: {  	_ =	shalt  }
0x40: {  	_ =	shalt  }
0x41: {  	_ =	shalt  }
0x42: {  	_ =	shalt  }
0x43: {  	_ =	shalt  }
0x44: {  	_ =	shalt  }
0x45: {  	_ =	shalt  }
0x46: {  	_ =	shalt  }
0x47: {  	_ =	shalt  }
0x48: {  	_ =	shalt  }
0x49: {  	_ =	shalt  }
0x4a: {  	_ =	shalt  }
0x4b: {  	_ =	shalt  }
0x4c: {  	_ =	shalt  }
0x4d: {  	_ =	shalt  }
0x4e: {  	_ =	shalt  }
0x4f: {  	_ =	shalt  }
0x50: {  	_ =	shalt  }
0x51: {  	_ =	shalt  }
0x52: {  	_ =	shalt  }
0x53: {  	_ =	shalt  }
0x54: {  	_ =	shalt  }
0x55: {  	_ =	shalt  }
0x56: {  	_ =	shalt  }
0x57: {  	_ =	shalt  }
0x58: {  	_ =	shalt  }
0x59: {  	_ =	shalt  }
0x5a: {  	_ =	shalt  }
0x5b: {  	_ =	shalt  }
0x5c: {  	_ =	shalt  }
0x5d: {  	_ =	shalt  }
0x5e: {  	_ =	shalt  }
0x5f: {  	_ =	shalt  }
0x60: {  	_ =	shalt  }
0x61: {  	_ =	shalt  }
0x62: {  	_ =	shalt  }
0x63: {  	_ =	shalt  }
0x64: {  	_ =	shalt  }
0x65: {  	_ =	shalt  }
0x66: {  	_ =	shalt  }
0x67: {  	_ =	shalt  }
0x68: {  	_ =	shalt  }
0x69: {  	_ =	shalt  }
0x6a: {  	_ =	shalt  }
0x6b: {  	_ =	shalt  }
0x6c: {  	_ =	shalt  }
0x6d: {  	_ =	shalt  }
0x6e: {  	_ =	shalt  }
0x6f: {  	_ =	shalt  }
0x70: {  	_ =	shalt  }
0x71: {  	_ =	shalt  }
0x72: {  	_ =	shalt  }
0x73: {  	_ =	shalt  }
0x74: {  	_ =	shalt  }
0x75: {  	_ =	shalt  }
0x76: {  	_ =	shalt  }
0x77: {  	_ =	shalt  }
0x78: {  	_ =	shalt  }
0x79: {  	_ =	shalt  }
0x7a: {  	_ =	shalt  }
0x7b: {  	_ =	shalt  }
0x7c: {  	_ =	shalt  }
0x7d: {  	_ =	shalt  }
0x7e: {  	_ =	shalt  }
0x7f: {  	_ =	shalt  }
0x80: {  	_ =	shalt  }
0x81: {  	_ =	shalt  }
0x82: {  	_ =	shalt  }
0x83: {  	_ =	shalt  }
0x84: {  	_ =	shalt  }
0x85: {  	_ =	shalt  }
0x86: {  	_ =	shalt  }
0x87: {  	_ =	shalt  }
.Lfunc_end0:
.L_simem_size_0:
called_computation.3_lowered:
.L_overlay_start_0:
0x88: {  	s2 =	sld [smem:$0x3FD9]  }
0x89: {  	s3 =	sld [smem:$0x3FFE];
	_ =	sdelay $0x1  }
0x8a: {  	s1 =	srdreg.scid  }
0x8b: {  	s0 =	sand.u32 $0x1, s1  }
0x8c: {  	s17 =	sshll.u32 s0, $0xA;
	s2 =	sadd.s32 s3, s2  }
0x8d: {  	s2 =	sadd.s32 s2, s17  }
0x8e: {  	[smem:$0x3FC0] =	sst s2  }
0x8f: {  	_ = 	snop  }
0x90: {  	s2 =	sld [smem:$0x3FD0];
	(tm) =	ssettm $0x1  }
0x91: {  	s18 =	sld [smem:$0x3FFB];
	_ =	sdelay $0x3  }
0x92: {  	_ =	strace s18  }
0x93: {  	s3 =	sld [smem:$0x3FFC];
	_ =	sdelay $0x3  }
0x94: {  	_ =	strace s3  }
0x95: {  	s3 =	sld [smem:$0x3FFD];
	_ =	sdelay $0x3  }
0x96: {  	_ =	strace s3  }
0x97: {  	_ =	strace $0x8FFFFFFF  }
0x98: {  	s19 =	sld [smem:$0x3FDB];
	_ =	sdelay $0x1  }
0x99: {  	s4 =	simm.s32 $_scs_section_size  }
0x9a: {  	s5 =	simm.s32 $_size__tile_overlayer_lowered;
	s6 =	simm.s32 $_tile_overlayer_lowered  }
0x9b: {  	s22 =	simm.s32 $0x1BFF;
	s21 =	sshll.u32 s6, $0x1;
	s3 =	sadd.s32 s4, s19  }
0x9c: {  	s7 =	simm.s32 $0x0;
	s20 =	sshll.u32 s5, $0x1;
	s5 =	sadd.s32 s21, s3  }
0x9d: {  	[timem:s7], [sflag:s22] =	dma.local [hbm:s5], s20  }
0x9e: {  	_ =	swait.ge [sflag:s22], s20  }
0x9f: {  	s4 =	ssub.s32 $0x0, s20;
	[sflag:s22] =	ssyncset.done $0x0  }
0xa0: {  	[sflag:s22] =	ssyncadd.s32 s4;
	_ =	sdelay $0x1  }
0xa1: {  	s23 =	simm.s32 $0x1B8B  }
0xa2: {  	_ =	swait.ge [sflag:s23], $0x1  }
0xa3: {  	[sflag:s23] =	ssyncset.done $0x0  }
0xa4: {  	s25 =	simm.s32 $0x1B8E;
	s24 =	sld [smem:$0x3FFE];
	[sflag:s23] =	ssyncadd.s32 $0xFFFFFFFF  }
0xa5: {  	s26 =	simm.s32 $execute0_lowered;
	[smem:$0x3FD2] =	sst s25  }
0xa6: {  	s5 =	sshll.u32 s26, $0x1;
	_ =	strace $0x8000004F;
	[dreg:$0x1] =	wrdreg $0xFFFFFFFF  }
0xa7: {  	s28 =	simm.s32 $_size_execute0_lowered;
	s3 =	sadd.s32 s3, s5;
	[dreg:$0x0] =	wrdreg $0x0  }
0xa8: {  	s5 =	sshll.u32 s28, $0x1;
	[dreg:$0x2] =	wrdreg s3  }
0xa9: {  	[dreg:$0x3] =	wrdreg s5  }
0xaa: {  	[dreg:$0x4] =	wrdreg $0xC0  }
0xab: {  	_ =	task [dreg:s7], $0x5FFFF  }
0xac: {  	[dreg:$0x1] =	wrdreg $0xFFFFFFFF  }
0xad: {  	[dreg:$0x0] =	wrdreg $0x60  }
0xae: {  	[dreg:$0x2] =	wrdreg s24  }
0xaf: {  	[dreg:$0x3] =	wrdreg s2  }
0xb0: {  	[dreg:$0x4] =	wrdreg $0x120800  }
0xb1: {  	[dreg:$0x5] =	wrdreg $0x9  }
0xb2: {  	_ =	task.clear_ibuf [dreg:s7], $0x6FFFF;
	_ =	strace $0x9000004F  }
0xb3: {  	s29 =	simm.s32 $0x9;
	_ =	strace $0x80000051  }
0xb4: {  	_ =	swait.ge [sflag:s29], $0x1  }
0xb5: {  	[sflag:s29] =	ssyncadd.s32 $0xFFFFFFFF  }
0xb6: {  	_ =	strace $0x90000051  }
0xb7: {  	_ =	sfence  }
0xb8: {  	s30 =	sld [smem:$0x0];
	_ =	sdelay $0x2  }
0xb9: {  	s31 =	sshll.u32 s1, $0xD;
	s1 =	sshrl.u32 s1, $0x2  }
0xba: {  	s3 =	sand.u32 $0x4000, s31;
	s1 =	sadd.s32 s1, s30  }
0xbb: {  	s0 =	sor.u32 s3, s0;
	s1 =	sshll.u32 s1, $0x11  }
0xbc: {  	s0 =	sor.u32 s1, s0  }
0xbd: {  	s0 =	sadd.s32 $0x8F2B, s0  }
0xbe: {  	[sflag:s0] =	ssyncadd.remote.s32 $0x1  }
0xbf: {  	_ =	sfence.sel $0xFFFF  }
0xc0: {  	[dreg:$0x0] =	wrdreg $0xFFFFFFFF;
	(pc) =	sbr.abs _section_cstart, $3  }
0xc1: {  	[dreg:$0x1] =	wrdreg $0xFFFFFFFF  }
0xc2: {  	_ =	task.clear_ibuf [dreg:s7], $0x2FFFF;
	_ =	strace $0x9FFFFFFF  }
0xc3: {  	(tm) =	ssettm $0x7FFFFFFF  }
tec
execute0_lowered:
.L_overlay_start_1:
0x0: {  	(tag) =	ssettag $0x1  }
0x1: {  	s8 =	rddreg [dreg:$0x0]  }
0x2: {  	s1 =	rddreg [dreg:$0x1]  }
0x3: {  	s2 =	rddreg [dreg:$0x2];
	s3 =	srdreg.scid  }
0x4: {  	s4 =	simm.s32 $0x0;
	s0 =	stileid.u32;
	s16 =	simm.s32 $0x3  }
0x5: {  	s17 =	simm.s32 $0x5000;
	s18 =	simm.s32 $0xA080;
	s19 =	simm.s32 $0x1  }
0x6: {  	s20 =	simm.s32 $0x80;
	s21 =	simm.s32 $0x0;
	s10 =	sand.u32 $0x1, s3  }
0x7: {  	[smem:$0x7FF] =	sst s4;
	s9 =	smul.u32 $0xA800, s0;
	s5 =	sadd.s32 $0x4400, s8  }
0x8: {  	s11 =	sshll.u32 s0, $0x4;
	s6 =	sadd.s32 $0xE400, s8;
	s12 =	smul.u32 $0x2A000, s0  }
0x9: {  	s7 =	smul.u32 $0xA8000, s10;
	_ =	strace $0x80000050;
	s11 =	sadd.s32 s11, s8  }
0xa: {  	s29 =	ssub.s32 $0x2, s10;
	s30 =	sshll.u32 s10, $0x8;
	s10 =	smul.u32 $0x50000, s10  }
.Ltmp0:
0xb: {  	s14 =	sshrl.u32 s29, $0x1;
	s9 =	sadd.s32 s9, s7;
	(pc) =	sbr.rel .LBB2_1-.Ltmp0, $4  }
0xc: {  	s31 =	sshrl.u32 s12, $0x2;
	s7 =	sadd.s32 $0x22400, s8;
	s9 =	sshrl.u32 s9, $0x3  }
0xd: {  	s14 =	ssub.s32 s29, s14;
	s13 =	sadd.s32 s9, s8;
	s9 =	sadd.s32 s30, s11  }
0xe: {  	s14 =	smax.u32 s14, $0x1;
	s8 =	sadd.s32 $0x4200, s9;
	s9 =	sadd.s32 s31, s2  }
0xf: {  	s13 =	sadd.s32 $0x4CC00, s13;
	s11 =	sadd.s32 $0x4000, s9;
	s12 =	sadd.s32 $0x8000, s9  }
.LBB2_4:
0x10: {  	[tilespmem:s31], [sflag:$0x2] =	stream.indirect.gather @!p0 [hbm4b:s1+s29], $0x80, s30, s29, $0xb8;
	[tilespmem:$0x1C880] =	vst v63  }
.LBB2_5:
0x11: {  	s0 =	stileid.u32;
	s21 =	sadd.s32 $0x1, s21  }
0x12: {  	[bflag:$0x0] =	sbarrier.arrive $0xFFFF;
	s0 =	sshll.u32 s0, $0x6;
	p0 =	sne.s32 s21, s14  }
.Ltmp1:
0x13: {  	s3 =	sshrl.u32 s9, $0x3;
	s0 =	sor.u32 $0x1C03, s0;
	(pc) =	sbr.rel @!p0 .LBB2_6-.Ltmp1, $4  }
0x14: {  	[hbm:s13], [sflag:s0] =	dma.local [spmem:s3], $0x1500  }
0x15: {  	_ =	swait.ge [sflag:s16], $0x1500  }
0x16: {  	[sflag:s16] =	ssyncset.done $0x0  }
0x17: {  	[sflag:s16] =	ssyncadd.s32 $0xFFFFEB00  }
.LBB2_1:
0x18: {  	s0 =	simm.s32 $0xA000  }
0x19: {  	[tilespmem:s0], [sflag:$0x3] =	stream.linear.gather [hbm4b:s8+s4], $0x80, $0x38;
	[tilespmem:$0x1C880] =	vst v63  }
0x1a: {  	_ =	swait.ge [sflag:s16], $0x80  }
0x1b: {  	[sflag:s16] =	ssyncset.done $0x0  }
0x1c: {  	[sflag:s16] =	ssyncadd.s32 $0xFFFFFF80  }
0x1d: {  	v0 =	vld [tilespmem:$0xA000];
	_ =	sdelay $0x4  }
0x1e: {  	(v2sf) =	vpush v0, $0x0;
	_ =	sdelay $0x5  }
0x1f: {  	(v2sf) =	vpush v0, $0x1;
	_ =	sdelay $0x8  }
0x20: {  	s23 =	spop (v2sf)  }
0x21: {  	p0 =	slt.s32 s23, $0x960;
	s24 =	smov.u32 s23  }
0x22: {  	s24 =	simm.s32 @!p0 $0x960  }
0x23: {  	s22 =	sshll.u32 s24, $0x7  }
0x24: {  	s22 =	sand.u32 $0x7FFFFC00, s22  }
0x25: {  	s25 =	sshrl.u32 s22, $0x3  }
0x26: {  	s26 =	spop (v2sf);
	s25 =	sadd.s32 s5, s25  }
0x27: {  	[tilespmem:s4], [sflag:$0x3] =	stream.linear.gather [hbm4b:s25+s4], $0x5000, $0x38;
	[tilespmem:$0x1C880] =	vst v63  }
0x28: {  	s22 =	sadd.s32 s10, s22;
	_ =	swait.ge [sflag:s16], $0x5000  }
0x29: {  	s22 =	sshrl.u32 s22, $0x3;
	[sflag:s16] =	ssyncset.done $0x0  }
0x2a: {  	s22 =	sadd.s32 s6, s22;
	[sflag:s16] =	ssyncadd.s32 $0xFFFFB000  }
0x2b: {  	[tilespmem:s17], [sflag:$0x3] =	stream.linear.gather [hbm4b:s22+s4], $0x5000, $0x38;
	[tilespmem:$0x1C880] =	vst v63  }
0x2c: {  	_ =	swait.ge [sflag:s16], $0x5000  }
0x2d: {  	[sflag:s16] =	ssyncset.done $0x0  }
0x2e: {  	[sflag:s16] =	ssyncadd.s32 $0xFFFFB000  }
0x2f: {  	[tilespmem:s18], [sflag:$0x3] =	stream.linear.gather [hbm4b:s7+s4], $0x4000, $0x38;
	[tilespmem:$0x1C880] =	vst v63  }
0x30: {  	_ =	swait.ge [sflag:s16], $0x4000  }
0x31: {  	[sflag:s16] =	ssyncset.done $0x0  }
0x32: {  	[sflag:s16] =	ssyncadd.s32 $0xFFFFC000  }
0x33: {  	[spmem:s9] =	stream.linear.scatter [tilespmem:s18], [sflag:$0x3], $0x4000, $0x38;
	[tilespmem:$0x1C880] =	vst v63  }
0x34: {  	_ =	swait.ge [sflag:s16], $0x4000  }
0x35: {  	[sflag:s16] =	ssyncset.done $0x0  }
0x36: {  	[sflag:s16] =	ssyncadd.s32 $0xFFFFC000  }
0x37: {  	[spmem:s11] =	stream.linear.scatter [tilespmem:s18], [sflag:$0x3], $0x4000, $0x38;
	[tilespmem:$0x1C880] =	vst v63  }
0x38: {  	_ =	swait.ge [sflag:s16], $0x4000  }
0x39: {  	[sflag:s16] =	ssyncset.done $0x0  }
0x3a: {  	[sflag:s16] =	ssyncadd.s32 $0xFFFFC000  }
0x3b: {  	[spmem:s12] =	stream.linear.scatter [tilespmem:s18], [sflag:$0x3], $0x2800, $0x38;
	[tilespmem:$0x1C880] =	vst v63  }
0x3c: {  	_ =	swait.ge [sflag:s16], $0x2800  }
0x3d: {  	p0 =	slt.s32 s26, $0x1;
	s22 =	ssub.s32 s23, s24;
	[sflag:s16] =	ssyncset.done $0x0  }
0x3e: {  	s28 =	simm.s32 @!p0 $0xA080;
	s22 =	sshll.u32 @!p0 s22, $0x9;
	[sflag:s16] =	ssyncadd.s32 $0xFFFFD800  }
0x3f: {  	s25 =	simm.s32 @!p0 $0x80;
	s22 =	sshra.s32 @!p0 s22, $0x2;
	[bflag:$0x0] =	sbarrier.arrive $0xFFFF  }
0x40: {  	[tilespmem:s28], [sflag:$0x1] =	stream.indirect.gather @!p0 [hbm4b:s1+s25], $0x80, s22, s25, $0xb8;
	[tilespmem:$0x1C880] =	vst v63  }
0x41: {  	s22 =	sadd.s32 @!p0 $0x80, s22;
	s28 =	simm.s32 @!p0 $0xE080  }
0x42: {  	[tilespmem:s28], [sflag:$0x2] =	stream.indirect.gather @!p0 [hbm4b:s1+s25], $0x80, s22, s25, $0xb8;
	[tilespmem:$0x1C880] =	vst v63  }
0x43: {  	p0 =	sgt.s32 s26, $0x0;
	s22 =	simm.s32 $0x1  }
0x44: {  	s29 =	sshra.s32 s26, $0x1F;
	s22 =	simm.s32 @!p0 $0x0  }
0x45: {  	s30 =	sand.u32 $0x1, s26;
	s22 =	sadd.s32 s22, s29  }
0x46: {  	p1 =	seq.s32 s30, $0x1;
	p6 =	sne.s32 s22, $0x1  }
0x47: {  	s31 =	sshrl.u32 s26, $0x1F;
	p0 =	por !p6, !p1  }
0x48: {  	s25 =	simm.s32 $0x1;
	s22 =	sadd.s32 s31, s26;
	p0 =	por !p0, !p0  }
0x49: {  	s22 =	sshra.s32 s22, $0x1;
	s25 =	simm.s32 @!p0 $0x0  }
0x4a: {  	s22 =	ssub.s32 s22, s25  }
0x4b: {  	p0 =	slt.s32 s22, $0x1  }
.Ltmp2:
0x4c: {  	_ = 	snop;
	(pc) =	sbr.rel @p0 .LBB2_5-.Ltmp2, $1  }
0x4d: {  	_ =	sdelay $0x3  }
0x4e: {  	s23 =	sshll.u32 s23, $0x9  }
0x4f: {  	s24 =	sshll.u32 s24, $0x9;
	s25 =	sshra.s32 s23, $0x2  }
0x50: {  	s24 =	ssub.s32 $0x0, s24;
	[dreg:$0x4] =	wrdreg s25  }
0x51: {  	s28 =	sshra.s32 s24, $0x2;
	_ =	swait.ge [sflag:s19], $0x4000  }
0x52: {  	s26 =	sadd.s32 $0x5000, s28;
	s15 =	rddreg [dreg:$0x4];
	[sflag:s19] =	ssyncset.done $0x0  }
0x53: {  	[sflag:s19] =	ssyncadd.s32 $0xFFFFC000;
	s25 =	sadd.s32 s15, s26  }
0x54: {  	[spmem:s2] =	stream.indirect.scatter.add.f32 [tilespmem:s18], [sflag:$0x3], $0x80, s25, s20, $0xb8;
	[tilespmem:$0x1C880] =	vst v63  }
0x55: {  	s24 =	sadd.s32 $0xFFFFFFFF, s22;
	_ =	swait.ge [sflag:s16], $0x4000  }
0x56: {  	p0 =	sle.s32 s24, $0x0;
	[sflag:s16] =	ssyncset.done $0x0  }
0x57: {  	s25 =	simm.s32 @p0 $0x2;
	[sflag:s16] =	ssyncadd.s32 $0xFFFFC000  }
0x58: {  	s29 =	sshra.s32 @p0 s23, $0x2;
	s31 =	simm.s32 @p0 $0x3;
	_ =	swait.ge @p0 [sflag:s25], $0x4000  }
0x59: {  	s0 =	simm.s32 @p0 $0xE080;
	s29 =	sadd.s32 @p0 s29, s26;
	[sflag:s25] =	ssyncset.done @p0 $0x0  }
0x5a: {  	s29 =	sadd.s32 @p0 $0x80, s29;
	[sflag:s25] =	ssyncadd.s32 @p0 $0xFFFFC000;
	s25 =	simm.s32 @p0 $0x80  }
0x5b: {  	[spmem:s2] =	stream.indirect.scatter.add.f32 @p0 [tilespmem:s0], [sflag:$0x3], $0x80, s29, s25, $0xb8;
	[tilespmem:$0x1C880] =	vst v63  }
0x5c: {  	s30 =	sshra.s32 @!p0 s23, $0x2;
	s15 =	simm.s32 @!p0 $0x2;
	_ =	swait.ge @p0 [sflag:s31], $0x4000  }
0x5d: {  	s0 =	sadd.s32 @!p0 s30, s28;
	s29 =	simm.s32 @!p0 $0x80;
	[sflag:s31] =	ssyncset.done @p0 $0x0  }
0x5e: {  	s25 =	sadd.s32 @!p0 $0x100, s0;
	[sflag:s31] =	ssyncadd.s32 @p0 $0xFFFFC000;
	s31 =	simm.s32 @!p0 $0xA080  }
0x5f: {  	[tilespmem:s31], [sflag:$0x1] =	stream.indirect.gather @!p0 [hbm4b:s1+s29], $0x80, s25, s29, $0xb8;
	[tilespmem:$0x1C880] =	vst v63  }
0x60: {  	p1 =	sne.s32 s22, $0x1;
	s3 =	simm.s32 @!p0 $0x3;
	_ =	swait.ge @!p0 [sflag:s15], $0x4000  }
0x61: {  	s25 =	sadd.s32 @!p0 s30, s26;
	s31 =	simm.s32 @!p0 $0xE080;
	[sflag:s15] =	ssyncset.done @!p0 $0x0  }
.Ltmp3:
0x62: {  	s25 =	sadd.s32 @!p0 $0x80, s25;
	[sflag:s15] =	ssyncadd.s32 @!p0 $0xFFFFC000;
	(pc) =	sbr.rel @!p1 .LBB2_4-.Ltmp3, $4  }
0x63: {  	[spmem:s2] =	stream.indirect.scatter.add.f32 @!p0 [tilespmem:s31], [sflag:$0x3], $0x80, s25, s29, $0xb8;
	[tilespmem:$0x1C880] =	vst v63  }
0x64: {  	_ =	swait.ge @!p0 [sflag:s3], $0x4000  }
0x65: {  	s28 =	sadd.s32 $0x100, s28;
	s30 =	sadd.s32 @!p0 $0x180, s0;
	[sflag:s3] =	ssyncset.done @!p0 $0x0  }
0x66: {  	s26 =	sadd.s32 $0x100, s26;
	s25 =	simm.s32 $0x1;
	[sflag:s3] =	ssyncadd.s32 @!p0 $0xFFFFC000  }
.LBB2_3:
0x67: {  	[tilespmem:s31], [sflag:$0x2] =	stream.indirect.gather @!p0 [hbm4b:s1+s29], $0x80, s30, s29, $0xb8;
	[tilespmem:$0x1C880] =	vst v63  }
0x68: {  	_ =	swait.ge [sflag:s19], $0x4000  }
0x69: {  	s3 =	rddreg [dreg:$0x4];
	[sflag:s19] =	ssyncset.done $0x0  }
0x6a: {  	[sflag:s19] =	ssyncadd.s32 $0xFFFFC000;
	s3 =	sadd.s32 s3, s26  }
0x6b: {  	[spmem:s2] =	stream.indirect.scatter.add.f32 [tilespmem:s18], [sflag:$0x3], $0x80, s3, s20, $0xb8;
	[tilespmem:$0x1C880] =	vst v63  }
0x6c: {  	s0 =	smov.u32 s25;
	_ =	swait.ge [sflag:s16], $0x4000  }
0x6d: {  	s25 =	sadd.s32 $0x1, s25;
	p0 =	sge.s32 s0, s24;
	[sflag:s16] =	ssyncset.done $0x0  }
0x6e: {  	s0 =	simm.s32 @p0 $0x2;
	s15 =	sshra.s32 @!p0 s23, $0x2;
	[sflag:s16] =	ssyncadd.s32 $0xFFFFC000  }
0x6f: {  	s29 =	simm.s32 @p0 $0x3;
	s3 =	sshra.s32 @p0 s23, $0x2;
	_ =	swait.ge @p0 [sflag:s0], $0x4000  }
0x70: {  	s30 =	simm.s32 @p0 $0xE080;
	s3 =	sadd.s32 @p0 s3, s26;
	[sflag:s0] =	ssyncset.done @p0 $0x0  }
0x71: {  	s3 =	sadd.s32 @p0 $0x80, s3;
	[sflag:s0] =	ssyncadd.s32 @p0 $0xFFFFC000;
	s0 =	simm.s32 @p0 $0x80  }
0x72: {  	[spmem:s2] =	stream.indirect.scatter.add.f32 @p0 [tilespmem:s30], [sflag:$0x3], $0x80, s3, s0, $0xb8;
	[tilespmem:$0x1C880] =	vst v63  }
0x73: {  	s31 =	simm.s32 @!p0 $0x2;
	s0 =	sadd.s32 @!p0 s15, s28;
	_ =	swait.ge @p0 [sflag:s29], $0x4000  }
0x74: {  	s3 =	sadd.s32 @!p0 s15, s26;
	s30 =	simm.s32 @!p0 $0xA080;
	[sflag:s29] =	ssyncset.done @p0 $0x0  }
0x75: {  	s15 =	sadd.s32 @!p0 $0x100, s0;
	[sflag:s29] =	ssyncadd.s32 @p0 $0xFFFFC000;
	s29 =	simm.s32 @!p0 $0x80  }
0x76: {  	[tilespmem:s30], [sflag:$0x1] =	stream.indirect.gather @!p0 [hbm4b:s1+s29], $0x80, s15, s29, $0xb8;
	[tilespmem:$0x1C880] =	vst v63  }
0x77: {  	p1 =	sne.s32 s22, s25;
	s3 =	sadd.s32 @!p0 $0x80, s3;
	_ =	swait.ge @!p0 [sflag:s31], $0x4000  }
0x78: {  	s30 =	sadd.s32 @!p0 $0x180, s0;
	s0 =	simm.s32 @!p0 $0x3;
	[sflag:s31] =	ssyncset.done @!p0 $0x0  }
.Ltmp4:
0x79: {  	[sflag:s31] =	ssyncadd.s32 @!p0 $0xFFFFC000;
	s31 =	simm.s32 @!p0 $0xE080;
	(pc) =	sbr.rel @p1 .LBB2_3-.Ltmp4, $4  }
0x7a: {  	[spmem:s2] =	stream.indirect.scatter.add.f32 @!p0 [tilespmem:s31], [sflag:$0x3], $0x80, s3, s29, $0xb8;
	[tilespmem:$0x1C880] =	vst v63  }
0x7b: {  	_ =	swait.ge @!p0 [sflag:s0], $0x4000  }
0x7c: {  	[sflag:s0] =	ssyncset.done @!p0 $0x0  }
0x7d: {  	s26 =	sadd.s32 $0x100, s26;
	s28 =	sadd.s32 $0x100, s28;
	[sflag:s0] =	ssyncadd.s32 @!p0 $0xFFFFC000  }
.Ltmp5:
0x7e: {  	_ = 	snop;
	(pc) =	sbr.rel .LBB2_4-.Ltmp5, $1  }
0x7f: {  	_ =	sdelay $0x3  }
.LBB2_6:
0x80: {  	_ =	sfence.sel $0x180000  }
0x81: {  	[bflag:$0x0] =	sbarrier.arrive $0xFFFF  }
0x82: {  	_ =	strace $0x90000050  }
0x83: {  	s0 =	stileid.u32;
	[bflag:$0x2] =	sbarrier.arrive $0xFFFF  }
0x84: {  	p0 =	sne.s32 s0, $0x0;
	s0 =	rddreg [dreg:$0x3]  }
0x85: {  	s0 =	sadd.s32 @!p0 $0x100000, s0  }
0x86: {  	[sflag:s0] =	ssyncadd.tile.s32 @!p0 $0x1;
	_ =	shalt  }
.Lfunc_end2:
_tile_overlayer_lowered:
.L_overlay_start_2:
0x87: {  	(tag) =	ssettag $0x2  }
0x88: {  	s0 =	rddreg [dreg:$0x0];
	s2 =	stileid.u32  }
0x89: {  	s1 =	rddreg [dreg:$0x1];
	p0 =	sne.s32 s2, $0x0  }
0x8a: {  	s3 =	rddreg [dreg:$0x2];
	[bflag:$0x3] =	sbarrier.arrive $0xFFFF;
	s2 =	simm.s32 @!p0 $0x1C03  }
0x8b: {  	[timem:s3], [sflag:s2] =	dma.local @!p0 [hbm:s0], s1  }
0x8c: {  	s0 =	simm.s32 @!p0 $0x3  }
0x8d: {  	_ =	swait.ge @!p0 [sflag:s0], s1  }
0x8e: {  	s1 =	ssub.s32 @!p0 $0x0, s1;
	[sflag:s0] =	ssyncset.done @!p0 $0x0  }
0x8f: {  	[sflag:s0] =	ssyncadd.s32 @!p0 s1  }
0x90: {  	[bflag:$0x3] =	sbarrier.arrive $0xFFFF  }
0x91: {  	_ =	shalt  }

</sc_bundles>
